<compile_context>
chip_gen: v7x
topology: tpu7x:2x2x1
jax: 0.10.2.dev20260603
libtpu: 0.0.44.dev20260713+nightly
codegen_flags: <defaults>
</compile_context>

<pallas_src>
import functools

import numpy as np

import jax
import jax.numpy as jnp
from jax import lax
from jax.experimental import pallas as pl
from jax.experimental.pallas import tpu as pltpu
from jax.experimental.pallas import tpu_sc as plsc

_i0 = np.int32(0)
NC = 2
NS = 16
L = 16
NW = NC * NS

SUB = 80
NSUB = 4
CPT = SUB * NSUB
EP = CPT * NW
NP = 2048


def _phase_a(g0_h, g1_h, s1_h, x_h,
             lgx_h, ps0_h, ps1_h, pc0_h, pc1_h,
             ig0, ig1, sm, is1,
             a0, b0, a1, b1, a2, b2, ones, zbuf,
             msum, mcnt,
             ga0, ga1, ga2, gb0, gb1, gb2, om, oc, ol):
    c = lax.axis_index("c")
    s = lax.axis_index("s")
    wid = c * NS + s
    D = x_h.shape[1]
    z16 = jnp.zeros((L,), jnp.float32)
    one16 = jnp.ones((L,), jnp.float32)

    rb = wid * NSUB
    pltpu.sync_copy(g0_h.at[pl.ds(rb, NSUB)], ig0)
    pltpu.sync_copy(g1_h.at[pl.ds(rb, NSUB)], ig1)
    pltpu.sync_copy(s1_h.at[pl.ds(rb, NSUB)], is1)

    ab = (a0, a1, a2)
    bb = (b0, b1, b2)
    gsa = (ga0, ga1, ga2)
    gsb = (gb0, gb1, gb2)
    gh = {}
    for j in range(3):
        ha = pltpu.async_copy(x_h.at[ig0.at[jnp.int32(j)]], ab[j], gsa[j])
        hb = pltpu.async_copy(x_h.at[ig1.at[jnp.int32(j)]], bb[j], gsb[j])
        gh[j] = (ha, hb)

    def zrow(i, carry):
        for k in range(D // L):
            zbuf[i, pl.ds(k * L, L)] = z16
        return carry
    lax.fori_loop(0, zbuf.shape[0], zrow, jnp.int32(0))

    def orow(i, carry):
        for k in range(D // L):
            ones[i, pl.ds(k * L, L)] = one16
        return carry
    lax.fori_loop(0, SUB, orow, jnp.int32(0))

    base_r = s * (NP // NS)
    pltpu.sync_copy(zbuf, msum.at[pl.ds(base_r, 64)])
    pltpu.sync_copy(zbuf, msum.at[pl.ds(base_r + 64, 64)])
    pltpu.sync_copy(zbuf, mcnt.at[pl.ds(base_r, 64)])
    pltpu.sync_copy(zbuf, mcnt.at[pl.ds(base_r + 64, 64)])

    for j in range(NSUB):
        for k in range(SUB // L):
            i0 = ig0[j, pl.ds(k * L, L)]
            i1 = ig1[j, pl.ds(k * L, L)]
            sm[j, pl.ds(k * L, L)] = jnp.where(i0 == i1, NP - 8, i1)
    plsc.subcore_barrier()

    pend = {}
    for j in range(NSUB):
        eb = wid * CPT + j * SUB
        if j >= 1 and (j + 2) < NSUB:
            for hh in pend.pop(j - 1):
                hh.wait()
            jj = j + 2
            ha2 = pltpu.async_copy(x_h.at[ig0.at[jnp.int32(jj)]], ab[jj % 3], gsa[jj % 3])
            hb2 = pltpu.async_copy(x_h.at[ig1.at[jnp.int32(jj)]], bb[jj % 3], gsb[jj % 3])
            gh[jj] = (ha2, hb2)
        ha, hb = gh.pop(j)
        ha.wait()
        hb.wait()
        a = ab[j % 3]
        b = bb[j % 3]

        def row_fn(r, carry):
            for k in range(D // L):
                va = a[r, pl.ds(k * L, L)]
                vb = b[r, pl.ds(k * L, L)]
                a[r, pl.ds(k * L, L)] = jnp.maximum(0.5 * va + 1.5 * vb, 0.0)
                b[r, pl.ds(k * L, L)] = 0.5 * va + 0.5 * vb
            return carry
        lax.fori_loop(0, SUB, row_fn, jnp.int32(0))

        pend[j] = (pltpu.async_copy(a, msum.at[sm.at[jnp.int32(j)]], om, add=True),
                   pltpu.async_copy(ones, mcnt.at[is1.at[jnp.int32(j)]], oc, add=True),
                   pltpu.async_copy(b, lgx_h.at[pl.ds(eb, SUB)], ol))

    for j in sorted(pend):
        for hh in pend[j]:
            hh.wait()
    plsc.subcore_barrier()

    @pl.when(c == 0)
    def _():
        pltpu.sync_copy(msum.at[pl.ds(base_r, 128)], ps0_h.at[pl.ds(base_r, 128)])
        pltpu.sync_copy(mcnt.at[pl.ds(base_r, 128)], pc0_h.at[pl.ds(base_r, 128)])

    @pl.when(c == 1)
    def _():
        pltpu.sync_copy(msum.at[pl.ds(base_r, 128)], ps1_h.at[pl.ds(base_r, 128)])
        pltpu.sync_copy(mcnt.at[pl.ds(base_r, 128)], pc1_h.at[pl.ds(base_r, 128)])


def _phase_b(ps0_h, ps1_h, g0_h, agg_h,
             ig0, p00, p10, p01, p11, p02, p12, p03, p13,
             g00, g10, g01, g11, g02, g12, g03, g13, oh):
    c = lax.axis_index("c")
    s = lax.axis_index("s")
    wid = c * NS + s
    D = p00.shape[1]
    rb = wid * NSUB
    pltpu.sync_copy(g0_h.at[pl.ds(rb, NSUB)], ig0)

    p0b = (p00, p01, p02, p03)
    p1b = (p10, p11, p12, p13)
    g0s = (g00, g01, g02, g03)
    g1s = (g10, g11, g12, g13)

    gh = []
    for j in range(NSUB):
        h0 = pltpu.async_copy(ps0_h.at[ig0.at[jnp.int32(j)]], p0b[j], g0s[j])
        h1 = pltpu.async_copy(ps1_h.at[ig0.at[jnp.int32(j)]], p1b[j], g1s[j])
        gh.append((h0, h1))

    pend = []
    for j in range(NSUB):
        eb = wid * CPT + j * SUB
        h0, h1 = gh[j]
        h0.wait()
        h1.wait()
        p0 = p0b[j]
        p1 = p1b[j]

        def row_fn(r, carry):
            for k in range(D // L):
                p0[r, pl.ds(k * L, L)] = (p0[r, pl.ds(k * L, L)]
                                          + p1[r, pl.ds(k * L, L)])
            return carry
        lax.fori_loop(0, SUB, row_fn, jnp.int32(0))
        pend.append(pltpu.async_copy(p0, agg_h.at[pl.ds(eb, SUB)], oh))

    for hh in pend:
        hh.wait()


def _phase_d(lgx2_h, s1_h, pb0_h, pb1_h,
             is1, v0, v1, v2, v3, zbuf, shared,
             gv0, gv1, gv2, gv3, os0, os1):
    c = lax.axis_index("c")
    s = lax.axis_index("s")
    wid = c * NS + s
    D = v0.shape[1]
    z16 = jnp.zeros((L,), jnp.float32)

    def zrow(i, carry):
        for k in range(D // L):
            zbuf[i, pl.ds(k * L, L)] = z16
        return carry
    lax.fori_loop(0, zbuf.shape[0], zrow, jnp.int32(0))

    base_r = s * (NP // NS)
    pltpu.sync_copy(zbuf, shared.at[pl.ds(base_r, 64)])
    pltpu.sync_copy(zbuf, shared.at[pl.ds(base_r + 64, 64)])

    rb = wid * NSUB
    pltpu.sync_copy(s1_h.at[pl.ds(rb, NSUB)], is1)
    vb = (v0, v1, v2, v3)
    gvs = (gv0, gv1, gv2, gv3)
    oss = (os0, os1)
    reads = []
    for j in range(NSUB):
        eb = wid * CPT + j * SUB
        reads.append(pltpu.async_copy(lgx2_h.at[pl.ds(eb, SUB)], vb[j], gvs[j]))
    plsc.subcore_barrier()
    pend = []
    for j in range(NSUB):
        reads[j].wait()
        pend.append(pltpu.async_copy(vb[j], shared.at[is1.at[jnp.int32(j)]],
                                     oss[j & 1], add=True))
    for hh in pend:
        hh.wait()
    plsc.subcore_barrier()

    @pl.when(c == 0)
    def _():
        pltpu.sync_copy(shared.at[pl.ds(base_r, 128)], pb0_h.at[pl.ds(base_r, 128)])

    @pl.when(c == 1)
    def _():
        pltpu.sync_copy(shared.at[pl.ds(base_r, 128)], pb1_h.at[pl.ds(base_r, 128)])


def _mlp_body(lgx_ref, agg_ref, w1_ref, b1_ref, w2_ref, b2_ref, o_ref):
    h = lgx_ref[...] + agg_ref[...]
    t = jnp.dot(h, w1_ref[...],
                preferred_element_type=jnp.float32) + b1_ref[...]
    t = jnp.maximum(t, 0.0)
    o_ref[...] = jnp.dot(t, w2_ref[...],
                         preferred_element_type=jnp.float32) + b2_ref[...]


def _fin_body(x_ref, s0_ref, s1_ref, c0_ref, c1_ref, o_ref):
    cnt = c0_ref[...][:, 0:1] + c1_ref[...][:, 0:1]
    ssum = s0_ref[...] + s1_ref[...]
    g = ssum / jnp.maximum(cnt, 1.0)
    o_ref[...] = x_ref[...] + jnp.maximum(g, 0.0)


def kernel(x, edge_index, W1, b1, W2, b2):
    N, D = x.shape
    E = edge_index.shape[1]
    pad = EP - E
    trash = NP - 8

    ei = edge_index.astype(jnp.int32)
    col0, col1 = ei[0], ei[1]
    g0 = jnp.concatenate([col0, jnp.zeros((pad,), jnp.int32)]).reshape(EP // SUB, SUB)
    g1 = jnp.concatenate([col1, jnp.zeros((pad,), jnp.int32)]).reshape(EP // SUB, SUB)
    s1 = jnp.concatenate([col1, jnp.full((pad,), trash, jnp.int32)]).reshape(EP // SUB, SUB)
    b1r = b1.reshape(1, D)
    b2r = b2.reshape(1, D)

    mesh = plsc.VectorSubcoreMesh(core_axis_name="c", subcore_axis_name="s")
    f32 = jnp.float32
    DMA = pltpu.SemaphoreType.DMA

    phase_a = functools.partial(
        pl.kernel, mesh=mesh,
        out_type=(jax.ShapeDtypeStruct((EP, D), f32),
                  jax.ShapeDtypeStruct((NP, D), f32),
                  jax.ShapeDtypeStruct((NP, D), f32),
                  jax.ShapeDtypeStruct((NP, D), f32),
                  jax.ShapeDtypeStruct((NP, D), f32)),
        scratch_types=[pltpu.VMEM((NSUB, SUB), jnp.int32),
                       pltpu.VMEM((NSUB, SUB), jnp.int32),
                       pltpu.VMEM((NSUB, SUB), jnp.int32),
                       pltpu.VMEM((NSUB, SUB), jnp.int32)]
                      + [pltpu.VMEM((SUB, D), f32)] * 7
                      + [pltpu.VMEM((64, D), f32),
                         pltpu.VMEM_SHARED((NP, D), f32),
                         pltpu.VMEM_SHARED((NP, D), f32)]
                      + [DMA] * 9,
    )(_phase_a)
    lgx, ps0, ps1, pc0, pc1 = phase_a(g0, g1, s1, x)

    phase_b = functools.partial(
        pl.kernel, mesh=mesh,
        out_type=jax.ShapeDtypeStruct((EP, D), f32),
        scratch_types=[pltpu.VMEM((NSUB, SUB), jnp.int32)]
                      + [pltpu.VMEM((SUB, D), f32)] * 8
                      + [DMA] * 9,
    )(_phase_b)
    agg = phase_b(ps0, ps1, g0)

    BLK = 512
    lgx2 = pl.pallas_call(
        _mlp_body,
        grid=(EP // BLK,),
        in_specs=[pl.BlockSpec((BLK, D), lambda i: (i, _i0)),
                  pl.BlockSpec((BLK, D), lambda i: (i, _i0)),
                  pl.BlockSpec((D, D), lambda i: (_i0, _i0)),
                  pl.BlockSpec((1, D), lambda i: (_i0, _i0)),
                  pl.BlockSpec((D, D), lambda i: (_i0, _i0)),
                  pl.BlockSpec((1, D), lambda i: (_i0, _i0))],
        out_specs=pl.BlockSpec((BLK, D), lambda i: (i, _i0)),
        out_shape=jax.ShapeDtypeStruct((EP, D), f32),
    )(lgx, agg, W1, b1r, W2, b2r)

    phase_d = functools.partial(
        pl.kernel, mesh=mesh,
        out_type=(jax.ShapeDtypeStruct((NP, D), f32),
                  jax.ShapeDtypeStruct((NP, D), f32)),
        scratch_types=[pltpu.VMEM((NSUB, SUB), jnp.int32),
                       pltpu.VMEM((SUB, D), f32),
                       pltpu.VMEM((SUB, D), f32),
                       pltpu.VMEM((SUB, D), f32),
                       pltpu.VMEM((SUB, D), f32),
                       pltpu.VMEM((64, D), f32),
                       pltpu.VMEM_SHARED((NP, D), f32),
                       DMA, DMA, DMA, DMA, DMA, DMA],
    )(_phase_d)
    pb0, pb1 = phase_d(lgx2, s1)

    RB = 400
    out = pl.pallas_call(
        _fin_body,
        grid=(N // RB,),
        in_specs=[pl.BlockSpec((RB, D), lambda i: (i, _i0)),
                  pl.BlockSpec((RB, D), lambda i: (i, _i0)),
                  pl.BlockSpec((RB, D), lambda i: (i, _i0)),
                  pl.BlockSpec((RB, D), lambda i: (i, _i0)),
                  pl.BlockSpec((RB, D), lambda i: (i, _i0))],
        out_specs=pl.BlockSpec((RB, D), lambda i: (i, _i0)),
        out_shape=jax.ShapeDtypeStruct((N, D), f32),
    )(x, pb0, pb1, pc0, pc1)
    return out

# --- scband reference (transcript-rebuilt; emitter-appended) ---
"""Pipeline reference for scband-lgnnginelayer-12463995093126 (READ-ONLY COPY).

The authoritative reference and input builder live on the scoring server;
editing this copy changes nothing except your own understanding.
"""

import jax, jax.numpy as jnp
import numpy as np
jax.config.update("jax_enable_x64", True)

N, E, D = 2000, 10000, 128
LINEGRAPH_ITERS = 1

def setup_inputs(seed: int = 0):
    key = jax.random.key(seed)
    ks = jax.random.split(key, 6)
    x = jax.random.normal(ks[0], (N, D), dtype=jnp.float32)
    edge_index = jax.random.randint(ks[1], (2, E), 0, N, dtype=jnp.int64)
    s1 = 1.0 / np.sqrt(D)
    W1 = jax.random.uniform(ks[2], (D, D), dtype=jnp.float32, minval=-s1, maxval=s1)
    b1 = jax.random.uniform(ks[3], (D,), dtype=jnp.float32, minval=-s1, maxval=s1)
    W2 = jax.random.uniform(ks[4], (D, D), dtype=jnp.float32, minval=-s1, maxval=s1)
    b2 = jax.random.uniform(ks[5], (D,), dtype=jnp.float32, minval=-s1, maxval=s1)
    return {"x": x, "edge_index": edge_index, "W1": W1, "b1": b1, "W2": W2, "b2": b2}

def reference(x, edge_index, W1, b1, W2, b2):
    # graph2linegraph
    lg_node_idx = edge_index.T  # [E, 2]
    col0 = lg_node_idx[:, 0]
    col1 = lg_node_idx[:, 1]
    # line-graph edge (src -> dst) exists when col1[src] == col0[dst] and col0[src] != col1[src]
    valid_src = col0 != col1
    # line-graph node features: mean of the two endpoint features of each original edge
    lgX = x[lg_node_idx].mean(axis=1)  # [E, D]
    lgE = x[col1]                      # per-source edge attribute x[col1[src]], [E, D]
    # GINEConv (eps=0): out_i = nn(x_i + sum_{(s->i)} relu(x_s + e_{si}))
    for _ in range(LINEGRAPH_ITERS):
        msg = jax.nn.relu(lgX + lgE)                      # message depends only on source edge
        msg = jnp.where(valid_src[:, None], msg, 0.0)     # drop self-loop source edges
        node_sums = jnp.zeros((x.shape[0], lgX.shape[1]), dtype=lgX.dtype).at[col1].add(msg)
        aggr = node_sums[col0]                            # aggr[j] = sum_{i: col1[i]==col0[j], valid} msg[i]
        h = lgX + aggr
        lgX = jnp.dot(jax.nn.relu(jnp.dot(h, W1) + b1), W2) + b2
    # linegraph2graph: scatter_mean over destination node of each original edge, zero-padded
    idx = col1
    sums = jnp.zeros((x.shape[0], lgX.shape[1]), dtype=lgX.dtype).at[idx].add(lgX)
    counts = jnp.zeros((x.shape[0],), dtype=lgX.dtype).at[idx].add(1.0)
    graphX = jnp.where(counts[:, None] > 0, sums / jnp.maximum(counts, 1.0)[:, None], 0.0)
    out = jax.nn.relu(graphX)
    # dropout is identity in eval mode
    out = x + out  # residual
    return out

if __name__ == "__main__":
    import jax
    _d = setup_inputs()
    print(jax.jit(kernel)(*tuple(_d.values())))

</pallas_src>

<mosaic_0001>
#map = affine_map<(d0, d1) -> (0, 0)>
module attributes {stable_mosaic.version = 14 : i64} {
  func.func @_phase_a(%arg0: i32, %arg1: i32, %arg2: memref<128x80xi32, #tpu.memory_space<hbm>>, %arg3: memref<128x80xi32, #tpu.memory_space<hbm>>, %arg4: memref<128x80xi32, #tpu.memory_space<hbm>>, %arg5: memref<2000x128xf32, #tpu.memory_space<hbm>>, %arg6: memref<10240x128xf32, #tpu.memory_space<hbm>>, %arg7: memref<2048x128xf32, #tpu.memory_space<hbm>>, %arg8: memref<2048x128xf32, #tpu.memory_space<hbm>>, %arg9: memref<2048x128xf32, #tpu.memory_space<hbm>>, %arg10: memref<2048x128xf32, #tpu.memory_space<hbm>>, %arg11: memref<4x80xi32, #tpu.memory_space<vmem>>, %arg12: memref<4x80xi32, #tpu.memory_space<vmem>>, %arg13: memref<4x80xi32, #tpu.memory_space<vmem>>, %arg14: memref<4x80xi32, #tpu.memory_space<vmem>>, %arg15: memref<80x128xf32, #tpu.memory_space<vmem>>, %arg16: memref<80x128xf32, #tpu.memory_space<vmem>>, %arg17: memref<80x128xf32, #tpu.memory_space<vmem>>, %arg18: memref<80x128xf32, #tpu.memory_space<vmem>>, %arg19: memref<80x128xf32, #tpu.memory_space<vmem>>, %arg20: memref<80x128xf32, #tpu.memory_space<vmem>>, %arg21: memref<80x128xf32, #tpu.memory_space<vmem>>, %arg22: memref<64x128xf32, #tpu.memory_space<vmem>>, %arg23: memref<2048x128xf32, #tpu.memory_space<vmem_shared>>, %arg24: memref<2048x128xf32, #tpu.memory_space<vmem_shared>>, %arg25: memref<!tpu.dma_semaphore, #tpu.memory_space<semaphore_mem>>, %arg26: memref<!tpu.dma_semaphore, #tpu.memory_space<semaphore_mem>>, %arg27: memref<!tpu.dma_semaphore, #tpu.memory_space<semaphore_mem>>, %arg28: memref<!tpu.dma_semaphore, #tpu.memory_space<semaphore_mem>>, %arg29: memref<!tpu.dma_semaphore, #tpu.memory_space<semaphore_mem>>, %arg30: memref<!tpu.dma_semaphore, #tpu.memory_space<semaphore_mem>>, %arg31: memref<!tpu.dma_semaphore, #tpu.memory_space<semaphore_mem>>, %arg32: memref<!tpu.dma_semaphore, #tpu.memory_space<semaphore_mem>>, %arg33: memref<!tpu.dma_semaphore, #tpu.memory_space<semaphore_mem>>) attributes {dimension_semantics = [#tpu.dimension_semantics<core_parallel>, #tpu.dimension_semantics<subcore_parallel>], iteration_bounds = array<i64: 2, 16>, scalar_prefetch = 0 : i64, scratch_operands = 23 : i64, tpu.core_type = #tpu.core_type<sc_vector_subcore>, window_params = [{transform_indices = #map}, {transform_indices = #map}, {transform_indices = #map}, {transform_indices = #map}, {transform_indices = #map}, {transform_indices = #map}, {transform_indices = #map}, {transform_indices = #map}, {transform_indices = #map}]} {
    %mul3A = arith.constant 16 : i32
    %mul3A_0 = arith.muli %arg0, %mul3A : i32
    %add3A = arith.addi %mul3A_0, %arg1 : i32
    %broadcast_in_dim3A = arith.constant 0.000000e+00 : f32
    %broadcast_in_dim3A_1 = vector.broadcast %broadcast_in_dim3A : f32 to vector<16xf32>
    %broadcast_in_dim3A_2 = arith.constant 1.000000e+00 : f32
    %broadcast_in_dim3A_3 = vector.broadcast %broadcast_in_dim3A_2 : f32 to vector<16xf32>
    %mul3A_4 = arith.constant 4 : i32
    %mul3A_5 = arith.muli %add3A, %mul3A_4 : i32
    "tpu.region"() ({
      %run_scoped3A = tpu.sem_alloc : memref<!tpu.dma_semaphore, #tpu.memory_space<semaphore_mem>>
      %dma_start3A_741 = arith.constant 0 : i32
      %dma_start3A_742 = tpu.memref_slice %arg2[%mul3A_5, %dma_start3A_741] : memref<128x80xi32, #tpu.memory_space<hbm>> -> memref<4x80xi32, #tpu.memory_space<hbm>>
      %dma_start3A_743 = arith.constant 0 : i32
      %dma_start3A_744 = tpu.memref_slice %arg2[%mul3A_5, %dma_start3A_743] : memref<128x80xi32, #tpu.memory_space<hbm>> -> memref<4x80xi32, #tpu.memory_space<hbm>>
      tpu.enqueue_dma source(%dma_start3A_744 : memref<4x80xi32, #tpu.memory_space<hbm>>) target(%arg11 : memref<4x80xi32, #tpu.memory_space<vmem>>) target_semaphore(%run_scoped3A : memref<!tpu.dma_semaphore, #tpu.memory_space<semaphore_mem>>)
      %dma_wait3A_745 = arith.constant 0 : i32
      %dma_wait3A_746 = tpu.memref_slice %arg2[%mul3A_5, %dma_wait3A_745] : memref<128x80xi32, #tpu.memory_space<hbm>> -> memref<4x80xi32, #tpu.memory_space<hbm>>
      %dma_wait3A_747 = arith.constant 0 : i32
      %dma_wait3A_748 = tpu.memref_slice %arg2[%mul3A_5, %dma_wait3A_747] : memref<128x80xi32, #tpu.memory_space<hbm>> -> memref<4x80xi32, #tpu.memory_space<hbm>>
      tpu.wait_dma2 semaphore(%run_scoped3A : memref<!tpu.dma_semaphore, #tpu.memory_space<semaphore_mem>>) src(%dma_wait3A_748 : memref<4x80xi32, #tpu.memory_space<hbm>>) dst(%arg11 : memref<4x80xi32, #tpu.memory_space<vmem>>)
      tpu.yield
    }) : () -> ()
    "tpu.region"() ({
      %run_scoped3A = tpu.sem_alloc : memref<!tpu.dma_semaphore, #tpu.memory_space<semaphore_mem>>
      %dma_start3A_741 = arith.constant 0 : i32
      %dma_start3A_742 = tpu.memref_slice %arg3[%mul3A_5, %dma_start3A_741] : memref<128x80xi32, #tpu.memory_space<hbm>> -> memref<4x80xi32, #tpu.memory_space<hbm>>
      %dma_start3A_743 = arith.constant 0 : i32
      %dma_start3A_744 = tpu.memref_slice %arg3[%mul3A_5, %dma_start3A_743] : memref<128x80xi32, #tpu.memory_space<hbm>> -> memref<4x80xi32, #tpu.memory_space<hbm>>
      tpu.enqueue_dma source(%dma_start3A_744 : memref<4x80xi32, #tpu.memory_space<hbm>>) target(%arg12 : memref<4x80xi32, #tpu.memory_space<vmem>>) target_semaphore(%run_scoped3A : memref<!tpu.dma_semaphore, #tpu.memory_space<semaphore_mem>>)
      %dma_wait3A_745 = arith.constant 0 : i32
      %dma_wait3A_746 = tpu.memref_slice %arg3[%mul3A_5, %dma_wait3A_745] : memref<128x80xi32, #tpu.memory_space<hbm>> -> memref<4x80xi32, #tpu.memory_space<hbm>>
      %dma_wait3A_747 = arith.constant 0 : i32
      %dma_wait3A_748 = tpu.memref_slice %arg3[%mul3A_5, %dma_wait3A_747] : memref<128x80xi32, #tpu.memory_space<hbm>> -> memref<4x80xi32, #tpu.memory_space<hbm>>
      tpu.wait_dma2 semaphore(%run_scoped3A : memref<!tpu.dma_semaphore, #tpu.memory_space<semaphore_mem>>) src(%dma_wait3A_748 : memref<4x80xi32, #tpu.memory_space<hbm>>) dst(%arg12 : memref<4x80xi32, #tpu.memory_space<vmem>>)
      tpu.yield
    }) : () -> ()
    "tpu.region"() ({
      %run_scoped3A = tpu.sem_alloc : memref<!tpu.dma_semaphore, #tpu.memory_space<semaphore_mem>>
      %dma_start3A_741 = arith.constant 0 : i32
      %dma_start3A_742 = tpu.memref_slice %arg4[%mul3A_5, %dma_start3A_741] : memref<128x80xi32, #tpu.memory_space<hbm>> -> memref<4x80xi32, #tpu.memory_space<hbm>>
      %dma_start3A_743 = arith.constant 0 : i32
      %dma_start3A_744 = tpu.memref_slice %arg4[%mul3A_5, %dma_start3A_743] : memref<128x80xi32, #tpu.memory_space<hbm>> -> memref<4x80xi32, #tpu.memory_space<hbm>>
      tpu.enqueue_dma source(%dma_start3A_744 : memref<4x80xi32, #tpu.memory_space<hbm>>) target(%arg14 : memref<4x80xi32, #tpu.memory_space<vmem>>) target_semaphore(%run_scoped3A : memref<!tpu.dma_semaphore, #tpu.memory_space<semaphore_mem>>)
      %dma_wait3A_745 = arith.constant 0 : i32
      %dma_wait3A_746 = tpu.memref_slice %arg4[%mul3A_5, %dma_wait3A_745] : memref<128x80xi32, #tpu.memory_space<hbm>> -> memref<4x80xi32, #tpu.memory_space<hbm>>
      %dma_wait3A_747 = arith.constant 0 : i32
      %dma_wait3A_748 = tpu.memref_slice %arg4[%mul3A_5, %dma_wait3A_747] : memref<128x80xi32, #tpu.memory_space<hbm>> -> memref<4x80xi32, #tpu.memory_space<hbm>>
      tpu.wait_dma2 semaphore(%run_scoped3A : memref<!tpu.dma_semaphore, #tpu.memory_space<semaphore_mem>>) src(%dma_wait3A_748 : memref<4x80xi32, #tpu.memory_space<hbm>>) dst(%arg14 : memref<4x80xi32, #tpu.memory_space<vmem>>)
      tpu.yield
    }) : () -> ()
    %dma_start3A = arith.constant 0 : i32
    %dma_start3A_6 = arith.constant 0 : i32
    %dma_start3A_7 = tpu.memref_slice %arg11[%dma_start3A, %dma_start3A_6] : memref<4x80xi32, #tpu.memory_space<vmem>> -> memref<1x80xi32, #tpu.memory_space<vmem>>
    %dma_start3A_8 = tpu.memref_squeeze %dma_start3A_7 : memref<1x80xi32, #tpu.memory_space<vmem>> -> memref<80xi32, #tpu.memory_space<vmem>>
    %dma_start3A_9 = arith.constant 0 : i32
    %dma_start3A_10 = arith.constant 0 : i32
    %dma_start3A_11 = tpu.memref_slice %arg5[%dma_start3A_9, %dma_start3A_10] : memref<2000x128xf32, #tpu.memory_space<hbm>> -> memref<2000x128xf32, #tpu.memory_space<hbm>>
    tpu.enqueue_indirect_dma source(%dma_start3A_11 : memref<2000x128xf32, #tpu.memory_space<hbm>>) target(%arg15 : memref<80x128xf32, #tpu.memory_space<vmem>>) offsets(%dma_start3A_8 : memref<80xi32, #tpu.memory_space<vmem>>) semaphore(%arg25 : memref<!tpu.dma_semaphore, #tpu.memory_space<semaphore_mem>>)
    %dma_start3A_12 = arith.constant 0 : i32
    %dma_start3A_13 = arith.constant 0 : i32
    %dma_start3A_14 = tpu.memref_slice %arg12[%dma_start3A_12, %dma_start3A_13] : memref<4x80xi32, #tpu.memory_space<vmem>> -> memref<1x80xi32, #tpu.memory_space<vmem>>
    %dma_start3A_15 = tpu.memref_squeeze %dma_start3A_14 : memref<1x80xi32, #tpu.memory_space<vmem>> -> memref<80xi32, #tpu.memory_space<vmem>>
    %dma_start3A_16 = arith.constant 0 : i32
    %dma_start3A_17 = arith.constant 0 : i32
    %dma_start3A_18 = tpu.memref_slice %arg5[%dma_start3A_16, %dma_start3A_17] : memref<2000x128xf32, #tpu.memory_space<hbm>> -> memref<2000x128xf32, #tpu.memory_space<hbm>>
    tpu.enqueue_indirect_dma source(%dma_start3A_18 : memref<2000x128xf32, #tpu.memory_space<hbm>>) target(%arg16 : memref<80x128xf32, #tpu.memory_space<vmem>>) offsets(%dma_start3A_15 : memref<80xi32, #tpu.memory_space<vmem>>) semaphore(%arg28 : memref<!tpu.dma_semaphore, #tpu.memory_space<semaphore_mem>>)
    %dma_start3A_19 = arith.constant 1 : i32
    %dma_start3A_20 = arith.constant 0 : i32
    %dma_start3A_21 = tpu.memref_slice %arg11[%dma_start3A_19, %dma_start3A_20] : memref<4x80xi32, #tpu.memory_space<vmem>> -> memref<1x80xi32, #tpu.memory_space<vmem>>
    %dma_start3A_22 = tpu.memref_squeeze %dma_start3A_21 : memref<1x80xi32, #tpu.memory_space<vmem>> -> memref<80xi32, #tpu.memory_space<vmem>>
    %dma_start3A_23 = arith.constant 0 : i32
    %dma_start3A_24 = arith.constant 0 : i32
    %dma_start3A_25 = tpu.memref_slice %arg5[%dma_start3A_23, %dma_start3A_24] : memref<2000x128xf32, #tpu.memory_space<hbm>> -> memref<2000x128xf32, #tpu.memory_space<hbm>>
    tpu.enqueue_indirect_dma source(%dma_start3A_25 : memref<2000x128xf32, #tpu.memory_space<hbm>>) target(%arg17 : memref<80x128xf32, #tpu.memory_space<vmem>>) offsets(%dma_start3A_22 : memref<80xi32, #tpu.memory_space<vmem>>) semaphore(%arg26 : memref<!tpu.dma_semaphore, #tpu.memory_space<semaphore_mem>>)
    %dma_start3A_26 = arith.constant 1 : i32
    %dma_start3A_27 = arith.constant 0 : i32
    %dma_start3A_28 = tpu.memref_slice %arg12[%dma_start3A_26, %dma_start3A_27] : memref<4x80xi32, #tpu.memory_space<vmem>> -> memref<1x80xi32, #tpu.memory_space<vmem>>
    %dma_start3A_29 = tpu.memref_squeeze %dma_start3A_28 : memref<1x80xi32, #tpu.memory_space<vmem>> -> memref<80xi32, #tpu.memory_space<vmem>>
    %dma_start3A_30 = arith.constant 0 : i32
    %dma_start3A_31 = arith.constant 0 : i32
    %dma_start3A_32 = tpu.memref_slice %arg5[%dma_start3A_30, %dma_start3A_31] : memref<2000x128xf32, #tpu.memory_space<hbm>> -> memref<2000x128xf32, #tpu.memory_space<hbm>>
    tpu.enqueue_indirect_dma source(%dma_start3A_32 : memref<2000x128xf32, #tpu.memory_space<hbm>>) target(%arg18 : memref<80x128xf32, #tpu.memory_space<vmem>>) offsets(%dma_start3A_29 : memref<80xi32, #tpu.memory_space<vmem>>) semaphore(%arg29 : memref<!tpu.dma_semaphore, #tpu.memory_space<semaphore_mem>>)
    %dma_start3A_33 = arith.constant 2 : i32
    %dma_start3A_34 = arith.constant 0 : i32
    %dma_start3A_35 = tpu.memref_slice %arg11[%dma_start3A_33, %dma_start3A_34] : memref<4x80xi32, #tpu.memory_space<vmem>> -> memref<1x80xi32, #tpu.memory_space<vmem>>
    %dma_start3A_36 = tpu.memref_squeeze %dma_start3A_35 : memref<1x80xi32, #tpu.memory_space<vmem>> -> memref<80xi32, #tpu.memory_space<vmem>>
    %dma_start3A_37 = arith.constant 0 : i32
    %dma_start3A_38 = arith.constant 0 : i32
    %dma_start3A_39 = tpu.memref_slice %arg5[%dma_start3A_37, %dma_start3A_38] : memref<2000x128xf32, #tpu.memory_space<hbm>> -> memref<2000x128xf32, #tpu.memory_space<hbm>>
    tpu.enqueue_indirect_dma source(%dma_start3A_39 : memref<2000x128xf32, #tpu.memory_space<hbm>>) target(%arg19 : memref<80x128xf32, #tpu.memory_space<vmem>>) offsets(%dma_start3A_36 : memref<80xi32, #tpu.memory_space<vmem>>) semaphore(%arg27 : memref<!tpu.dma_semaphore, #tpu.memory_space<semaphore_mem>>)
    %dma_start3A_40 = arith.constant 2 : i32
    %dma_start3A_41 = arith.constant 0 : i32
    %dma_start3A_42 = tpu.memref_slice %arg12[%dma_start3A_40, %dma_start3A_41] : memref<4x80xi32, #tpu.memory_space<vmem>> -> memref<1x80xi32, #tpu.memory_space<vmem>>
    %dma_start3A_43 = tpu.memref_squeeze %dma_start3A_42 : memref<1x80xi32, #tpu.memory_space<vmem>> -> memref<80xi32, #tpu.memory_space<vmem>>
    %dma_start3A_44 = arith.constant 0 : i32
    %dma_start3A_45 = arith.constant 0 : i32
    %dma_start3A_46 = tpu.memref_slice %arg5[%dma_start3A_44, %dma_start3A_45] : memref<2000x128xf32, #tpu.memory_space<hbm>> -> memref<2000x128xf32, #tpu.memory_space<hbm>>
    tpu.enqueue_indirect_dma source(%dma_start3A_46 : memref<2000x128xf32, #tpu.memory_space<hbm>>) target(%arg20 : memref<80x128xf32, #tpu.memory_space<vmem>>) offsets(%dma_start3A_43 : memref<80xi32, #tpu.memory_space<vmem>>) semaphore(%arg30 : memref<!tpu.dma_semaphore, #tpu.memory_space<semaphore_mem>>)
    %scan3A = arith.constant 0 : i32
    %scan3A_47 = arith.constant 0 : i32
    %scan3A_48 = arith.constant 64 : i32
    %scan3A_49 = arith.addi %scan3A_47, %scan3A_48 : i32
    %scan3A_50 = arith.constant 1 : i32
    scf.for %scan3A_741 = %scan3A_47 to %scan3A_49 step %scan3A_50  : i32 {
      %swap3A_742 = arith.index_cast %scan3A_741 : i32 to index
      %swap3A_743 = arith.constant 0 : index
      %swap3A_744 = tpu.vector_load %arg22[%swap3A_742, %swap3A_743] {strides = array<i32>} : memref<64x128xf32, #tpu.memory_space<vmem>>, vector<1x16xf32>,
      %swap3A_745 = vector.shape_cast %swap3A_744 : vector<1x16xf32> to vector<16xf32>
      %swap3A_746 = vector.shape_cast %broadcast_in_dim3A_1 : vector<16xf32> to vector<1x16xf32>
      tpu.vector_store %arg22[%swap3A_742, %swap3A_743], %swap3A_746 {strides = array<i32>} : memref<64x128xf32, #tpu.memory_space<vmem>>, vector<1x16xf32>,
      %swap3A_747 = arith.index_cast %scan3A_741 : i32 to index
      %swap3A_748 = arith.constant 16 : index
      %swap3A_749 = tpu.vector_load %arg22[%swap3A_747, %swap3A_748] {strides = array<i32>} : memref<64x128xf32, #tpu.memory_space<vmem>>, vector<1x16xf32>,
      %swap3A_750 = vector.shape_cast %swap3A_749 : vector<1x16xf32> to vector<16xf32>
      %swap3A_751 = vector.shape_cast %broadcast_in_dim3A_1 : vector<16xf32> to vector<1x16xf32>
      tpu.vector_store %arg22[%swap3A_747, %swap3A_748], %swap3A_751 {strides = array<i32>} : memref<64x128xf32, #tpu.memory_space<vmem>>, vector<1x16xf32>,
      %swap3A_752 = arith.index_cast %scan3A_741 : i32 to index
      %swap3A_753 = arith.constant 32 : index
      %swap3A_754 = tpu.vector_load %arg22[%swap3A_752, %swap3A_753] {strides = array<i32>} : memref<64x128xf32, #tpu.memory_space<vmem>>, vector<1x16xf32>,
      %swap3A_755 = vector.shape_cast %swap3A_754 : vector<1x16xf32> to vector<16xf32>
      %swap3A_756 = vector.shape_cast %broadcast_in_dim3A_1 : vector<16xf32> to vector<1x16xf32>
      tpu.vector_store %arg22[%swap3A_752, %swap3A_753], %swap3A_756 {strides = array<i32>} : memref<64x128xf32, #tpu.memory_space<vmem>>, vector<1x16xf32>,
      %swap3A_757 = arith.index_cast %scan3A_741 : i32 to index
      %swap3A_758 = arith.constant 48 : index
      %swap3A_759 = tpu.vector_load %arg22[%swap3A_757, %swap3A_758] {strides = array<i32>} : memref<64x128xf32, #tpu.memory_space<vmem>>, vector<1x16xf32>,
      %swap3A_760 = vector.shape_cast %swap3A_759 : vector<1x16xf32> to vector<16xf32>
      %swap3A_761 = vector.shape_cast %broadcast_in_dim3A_1 : vector<16xf32> to vector<1x16xf32>
      tpu.vector_store %arg22[%swap3A_757, %swap3A_758], %swap3A_761 {strides = array<i32>} : memref<64x128xf32, #tpu.memory_space<vmem>>, vector<1x16xf32>,
      %swap3A_762 = arith.index_cast %scan3A_741 : i32 to index
      %swap3A_763 = arith.constant 64 : index
      %swap3A_764 = tpu.vector_load %arg22[%swap3A_762, %swap3A_763] {strides = array<i32>} : memref<64x128xf32, #tpu.memory_space<vmem>>, vector<1x16xf32>,
      %swap3A_765 = vector.shape_cast %swap3A_764 : vector<1x16xf32> to vector<16xf32>
      %swap3A_766 = vector.shape_cast %broadcast_in_dim3A_1 : vector<16xf32> to vector<1x16xf32>
      tpu.vector_store %arg22[%swap3A_762, %swap3A_763], %swap3A_766 {strides = array<i32>} : memref<64x128xf32, #tpu.memory_space<vmem>>, vector<1x16xf32>,
      %swap3A_767 = arith.index_cast %scan3A_741 : i32 to index
      %swap3A_768 = arith.constant 80 : index
      %swap3A_769 = tpu.vector_load %arg22[%swap3A_767, %swap3A_768] {strides = array<i32>} : memref<64x128xf32, #tpu.memory_space<vmem>>, vector<1x16xf32>,
      %swap3A_770 = vector.shape_cast %swap3A_769 : vector<1x16xf32> to vector<16xf32>
      %swap3A_771 = vector.shape_cast %broadcast_in_dim3A_1 : vector<16xf32> to vector<1x16xf32>
      tpu.vector_store %arg22[%swap3A_767, %swap3A_768], %swap3A_771 {strides = array<i32>} : memref<64x128xf32, #tpu.memory_space<vmem>>, vector<1x16xf32>,
      %swap3A_772 = arith.index_cast %scan3A_741 : i32 to index
      %swap3A_773 = arith.constant 96 : index
      %swap3A_774 = tpu.vector_load %arg22[%swap3A_772, %swap3A_773] {strides = array<i32>} : memref<64x128xf32, #tpu.memory_space<vmem>>, vector<1x16xf32>,
      %swap3A_775 = vector.shape_cast %swap3A_774 : vector<1x16xf32> to vector<16xf32>
      %swap3A_776 = vector.shape_cast %broadcast_in_dim3A_1 : vector<16xf32> to vector<1x16xf32>
      tpu.vector_store %arg22[%swap3A_772, %swap3A_773], %swap3A_776 {strides = array<i32>} : memref<64x128xf32, #tpu.memory_space<vmem>>, vector<1x16xf32>,
      %swap3A_777 = arith.index_cast %scan3A_741 : i32 to index
      %swap3A_778 = arith.constant 112 : index
      %swap3A_779 = tpu.vector_load %arg22[%swap3A_777, %swap3A_778] {strides = array<i32>} : memref<64x128xf32, #tpu.memory_space<vmem>>, vector<1x16xf32>,
      %swap3A_780 = vector.shape_cast %swap3A_779 : vector<1x16xf32> to vector<16xf32>
      %swap3A_781 = vector.shape_cast %broadcast_in_dim3A_1 : vector<16xf32> to vector<1x16xf32>
      tpu.vector_store %arg22[%swap3A_777, %swap3A_778], %swap3A_781 {strides = array<i32>} : memref<64x128xf32, #tpu.memory_space<vmem>>, vector<1x16xf32>,
    }
    %scan3A_51 = arith.constant 64 : i32
    %scan3A_52 = arith.constant 0 : i32
    %scan3A_53 = arith.constant 0 : i32
    %scan3A_54 = arith.constant 80 : i32
    %scan3A_55 = arith.addi %scan3A_53, %scan3A_54 : i32
    %scan3A_56 = arith.constant 1 : i32
    scf.for %scan3A_741 = %scan3A_53 to %scan3A_55 step %scan3A_56  : i32 {
      %swap3A_742 = arith.index_cast %scan3A_741 : i32 to index
      %swap3A_743 = arith.constant 0 : index
      %swap3A_744 = tpu.vector_load %arg21[%swap3A_742, %swap3A_743] {strides = array<i32>} : memref<80x128xf32, #tpu.memory_space<vmem>>, vector<1x16xf32>,
      %swap3A_745 = vector.shape_cast %swap3A_744 : vector<1x16xf32> to vector<16xf32>
      %swap3A_746 = vector.shape_cast %broadcast_in_dim3A_3 : vector<16xf32> to vector<1x16xf32>
      tpu.vector_store %arg21[%swap3A_742, %swap3A_743], %swap3A_746 {strides = array<i32>} : memref<80x128xf32, #tpu.memory_space<vmem>>, vector<1x16xf32>,
      %swap3A_747 = arith.index_cast %scan3A_741 : i32 to index
      %swap3A_748 = arith.constant 16 : index
      %swap3A_749 = tpu.vector_load %arg21[%swap3A_747, %swap3A_748] {strides = array<i32>} : memref<80x128xf32, #tpu.memory_space<vmem>>, vector<1x16xf32>,
      %swap3A_750 = vector.shape_cast %swap3A_749 : vector<1x16xf32> to vector<16xf32>
      %swap3A_751 = vector.shape_cast %broadcast_in_dim3A_3 : vector<16xf32> to vector<1x16xf32>
      tpu.vector_store %arg21[%swap3A_747, %swap3A_748], %swap3A_751 {strides = array<i32>} : memref<80x128xf32, #tpu.memory_space<vmem>>, vector<1x16xf32>,
      %swap3A_752 = arith.index_cast %scan3A_741 : i32 to index
      %swap3A_753 = arith.constant 32 : index
      %swap3A_754 = tpu.vector_load %arg21[%swap3A_752, %swap3A_753] {strides = array<i32>} : memref<80x128xf32, #tpu.memory_space<vmem>>, vector<1x16xf32>,
      %swap3A_755 = vector.shape_cast %swap3A_754 : vector<1x16xf32> to vector<16xf32>
      %swap3A_756 = vector.shape_cast %broadcast_in_dim3A_3 : vector<16xf32> to vector<1x16xf32>
      tpu.vector_store %arg21[%swap3A_752, %swap3A_753], %swap3A_756 {strides = array<i32>} : memref<80x128xf32, #tpu.memory_space<vmem>>, vector<1x16xf32>,
      %swap3A_757 = arith.index_cast %scan3A_741 : i32 to index
      %swap3A_758 = arith.constant 48 : index
      %swap3A_759 = tpu.vector_load %arg21[%swap3A_757, %swap3A_758] {strides = array<i32>} : memref<80x128xf32, #tpu.memory_space<vmem>>, vector<1x16xf32>,
      %swap3A_760 = vector.shape_cast %swap3A_759 : vector<1x16xf32> to vector<16xf32>
      %swap3A_761 = vector.shape_cast %broadcast_in_dim3A_3 : vector<16xf32> to vector<1x16xf32>
      tpu.vector_store %arg21[%swap3A_757, %swap3A_758], %swap3A_761 {strides = array<i32>} : memref<80x128xf32, #tpu.memory_space<vmem>>, vector<1x16xf32>,
      %swap3A_762 = arith.index_cast %scan3A_741 : i32 to index
      %swap3A_763 = arith.constant 64 : index
      %swap3A_764 = tpu.vector_load %arg21[%swap3A_762, %swap3A_763] {strides = array<i32>} : memref<80x128xf32, #tpu.memory_space<vmem>>, vector<1x16xf32>,
      %swap3A_765 = vector.shape_cast %swap3A_764 : vector<1x16xf32> to vector<16xf32>
      %swap3A_766 = vector.shape_cast %broadcast_in_dim3A_3 : vector<16xf32> to vector<1x16xf32>
      tpu.vector_store %arg21[%swap3A_762, %swap3A_763], %swap3A_766 {strides = array<i32>} : memref<80x128xf32, #tpu.memory_space<vmem>>, vector<1x16xf32>,
      %swap3A_767 = arith.index_cast %scan3A_741 : i32 to index
      %swap3A_768 = arith.constant 80 : index
      %swap3A_769 = tpu.vector_load %arg21[%swap3A_767, %swap3A_768] {strides = array<i32>} : memref<80x128xf32, #tpu.memory_space<vmem>>, vector<1x16xf32>,
      %swap3A_770 = vector.shape_cast %swap3A_769 : vector<1x16xf32> to vector<16xf32>
      %swap3A_771 = vector.shape_cast %broadcast_in_dim3A_3 : vector<16xf32> to vector<1x16xf32>
      tpu.vector_store %arg21[%swap3A_767, %swap3A_768], %swap3A_771 {strides = array<i32>} : memref<80x128xf32, #tpu.memory_space<vmem>>, vector<1x16xf32>,
      %swap3A_772 = arith.index_cast %scan3A_741 : i32 to index
      %swap3A_773 = arith.constant 96 : index
      %swap3A_774 = tpu.vector_load %arg21[%swap3A_772, %swap3A_773] {strides = array<i32>} : memref<80x128xf32, #tpu.memory_space<vmem>>, vector<1x16xf32>,
      %swap3A_775 = vector.shape_cast %swap3A_774 : vector<1x16xf32> to vector<16xf32>
      %swap3A_776 = vector.shape_cast %broadcast_in_dim3A_3 : vector<16xf32> to vector<1x16xf32>
      tpu.vector_store %arg21[%swap3A_772, %swap3A_773], %swap3A_776 {strides = array<i32>} : memref<80x128xf32, #tpu.memory_space<vmem>>, vector<1x16xf32>,
      %swap3A_777 = arith.index_cast %scan3A_741 : i32 to index
      %swap3A_778 = arith.constant 112 : index
      %swap3A_779 = tpu.vector_load %arg21[%swap3A_777, %swap3A_778] {strides = array<i32>} : memref<80x128xf32, #tpu.memory_space<vmem>>, vector<1x16xf32>,
      %swap3A_780 = vector.shape_cast %swap3A_779 : vector<1x16xf32> to vector<16xf32>
      %swap3A_781 = vector.shape_cast %broadcast_in_dim3A_3 : vector<16xf32> to vector<1x16xf32>
      tpu.vector_store %arg21[%swap3A_777, %swap3A_778], %swap3A_781 {strides = array<i32>} : memref<80x128xf32, #tpu.memory_space<vmem>>, vector<1x16xf32>,
    }
    %scan3A_57 = arith.constant 80 : i32
    %mul3A_58 = arith.constant 128 : i32
    %mul3A_59 = arith.muli %arg1, %mul3A_58 : i32
    "tpu.region"() ({
      %run_scoped3A = tpu.sem_alloc : memref<!tpu.dma_semaphore, #tpu.memory_space<semaphore_mem>>
      %dma_start3A_741 = arith.constant 0 : i32
      %dma_start3A_742 = tpu.memref_slice %arg23[%mul3A_59, %dma_start3A_741] : memref<2048x128xf32, #tpu.memory_space<vmem_shared>> -> memref<64x128xf32, #tpu.memory_space<vmem_shared>>
      %dma_start3A_743 = arith.constant 0 : i32
      %dma_start3A_744 = tpu.memref_slice %arg23[%mul3A_59, %dma_start3A_743] : memref<2048x128xf32, #tpu.memory_space<vmem_shared>> -> memref<64x128xf32, #tpu.memory_space<vmem_shared>>
      tpu.enqueue_dma source(%arg22 : memref<64x128xf32, #tpu.memory_space<vmem>>) target(%dma_start3A_744 : memref<64x128xf32, #tpu.memory_space<vmem_shared>>) target_semaphore(%run_scoped3A : memref<!tpu.dma_semaphore, #tpu.memory_space<semaphore_mem>>)
      %dma_wait3A_745 = arith.constant 0 : i32
      %dma_wait3A_746 = tpu.memref_slice %arg23[%mul3A_59, %dma_wait3A_745] : memref<2048x128xf32, #tpu.memory_space<vmem_shared>> -> memref<64x128xf32, #tpu.memory_space<vmem_shared>>
      %dma_wait3A_747 = arith.constant 0 : i32
      %dma_wait3A_748 = tpu.memref_slice %arg23[%mul3A_59, %dma_wait3A_747] : memref<2048x128xf32, #tpu.memory_space<vmem_shared>> -> memref<64x128xf32, #tpu.memory_space<vmem_shared>>
      tpu.wait_dma2 semaphore(%run_scoped3A : memref<!tpu.dma_semaphore, #tpu.memory_space<semaphore_mem>>) src(%arg22 : memref<64x128xf32, #tpu.memory_space<vmem>>) dst(%dma_wait3A_748 : memref<64x128xf32, #tpu.memory_space<vmem_shared>>)
      tpu.yield
    }) : () -> ()
    %add3A_60 = arith.constant 64 : i32
    %add3A_61 = arith.addi %mul3A_59, %add3A_60 : i32
    "tpu.region"() ({
      %run_scoped3A = tpu.sem_alloc : memref<!tpu.dma_semaphore, #tpu.memory_space<semaphore_mem>>
      %dma_start3A_741 = arith.constant 0 : i32
      %dma_start3A_742 = tpu.memref_slice %arg23[%add3A_61, %dma_start3A_741] : memref<2048x128xf32, #tpu.memory_space<vmem_shared>> -> memref<64x128xf32, #tpu.memory_space<vmem_shared>>
      %dma_start3A_743 = arith.constant 0 : i32
      %dma_start3A_744 = tpu.memref_slice %arg23[%add3A_61, %dma_start3A_743] : memref<2048x128xf32, #tpu.memory_space<vmem_shared>> -> memref<64x128xf32, #tpu.memory_space<vmem_shared>>
      tpu.enqueue_dma source(%arg22 : memref<64x128xf32, #tpu.memory_space<vmem>>) target(%dma_start3A_744 : memref<64x128xf32, #tpu.memory_space<vmem_shared>>) target_semaphore(%run_scoped3A : memref<!tpu.dma_semaphore, #tpu.memory_space<semaphore_mem>>)
      %dma_wait3A_745 = arith.constant 0 : i32
      %dma_wait3A_746 = tpu.memref_slice %arg23[%add3A_61, %dma_wait3A_745] : memref<2048x128xf32, #tpu.memory_space<vmem_shared>> -> memref<64x128xf32, #tpu.memory_space<vmem_shared>>
      %dma_wait3A_747 = arith.constant 0 : i32
      %dma_wait3A_748 = tpu.memref_slice %arg23[%add3A_61, %dma_wait3A_747] : memref<2048x128xf32, #tpu.memory_space<vmem_shared>> -> memref<64x128xf32, #tpu.memory_space<vmem_shared>>
      tpu.wait_dma2 semaphore(%run_scoped3A : memref<!tpu.dma_semaphore, #tpu.memory_space<semaphore_mem>>) src(%arg22 : memref<64x128xf32, #tpu.memory_space<vmem>>) dst(%dma_wait3A_748 : memref<64x128xf32, #tpu.memory_space<vmem_shared>>)
      tpu.yield
    }) : () -> ()
    "tpu.region"() ({
      %run_scoped3A = tpu.sem_alloc : memref<!tpu.dma_semaphore, #tpu.memory_space<semaphore_mem>>
      %dma_start3A_741 = arith.constant 0 : i32
      %dma_start3A_742 = tpu.memref_slice %arg24[%mul3A_59, %dma_start3A_741] : memref<2048x128xf32, #tpu.memory_space<vmem_shared>> -> memref<64x128xf32, #tpu.memory_space<vmem_shared>>
      %dma_start3A_743 = arith.constant 0 : i32
      %dma_start3A_744 = tpu.memref_slice %arg24[%mul3A_59, %dma_start3A_743] : memref<2048x128xf32, #tpu.memory_space<vmem_shared>> -> memref<64x128xf32, #tpu.memory_space<vmem_shared>>
      tpu.enqueue_dma source(%arg22 : memref<64x128xf32, #tpu.memory_space<vmem>>) target(%dma_start3A_744 : memref<64x128xf32, #tpu.memory_space<vmem_shared>>) target_semaphore(%run_scoped3A : memref<!tpu.dma_semaphore, #tpu.memory_space<semaphore_mem>>)
      %dma_wait3A_745 = arith.constant 0 : i32
      %dma_wait3A_746 = tpu.memref_slice %arg24[%mul3A_59, %dma_wait3A_745] : memref<2048x128xf32, #tpu.memory_space<vmem_shared>> -> memref<64x128xf32, #tpu.memory_space<vmem_shared>>
      %dma_wait3A_747 = arith.constant 0 : i32
      %dma_wait3A_748 = tpu.memref_slice %arg24[%mul3A_59, %dma_wait3A_747] : memref<2048x128xf32, #tpu.memory_space<vmem_shared>> -> memref<64x128xf32, #tpu.memory_space<vmem_shared>>
      tpu.wait_dma2 semaphore(%run_scoped3A : memref<!tpu.dma_semaphore, #tpu.memory_space<semaphore_mem>>) src(%arg22 : memref<64x128xf32, #tpu.memory_space<vmem>>) dst(%dma_wait3A_748 : memref<64x128xf32, #tpu.memory_space<vmem_shared>>)
      tpu.yield
    }) : () -> ()
    %add3A_62 = arith.constant 64 : i32
    %add3A_63 = arith.addi %mul3A_59, %add3A_62 : i32
    "tpu.region"() ({
      %run_scoped3A = tpu.sem_alloc : memref<!tpu.dma_semaphore, #tpu.memory_space<semaphore_mem>>
      %dma_start3A_741 = arith.constant 0 : i32
      %dma_start3A_742 = tpu.memref_slice %arg24[%add3A_63, %dma_start3A_741] : memref<2048x128xf32, #tpu.memory_space<vmem_shared>> -> memref<64x128xf32, #tpu.memory_space<vmem_shared>>
      %dma_start3A_743 = arith.constant 0 : i32
      %dma_start3A_744 = tpu.memref_slice %arg24[%add3A_63, %dma_start3A_743] : memref<2048x128xf32, #tpu.memory_space<vmem_shared>> -> memref<64x128xf32, #tpu.memory_space<vmem_shared>>
      tpu.enqueue_dma source(%arg22 : memref<64x128xf32, #tpu.memory_space<vmem>>) target(%dma_start3A_744 : memref<64x128xf32, #tpu.memory_space<vmem_shared>>) target_semaphore(%run_scoped3A : memref<!tpu.dma_semaphore, #tpu.memory_space<semaphore_mem>>)
      %dma_wait3A_745 = arith.constant 0 : i32
      %dma_wait3A_746 = tpu.memref_slice %arg24[%add3A_63, %dma_wait3A_745] : memref<2048x128xf32, #tpu.memory_space<vmem_shared>> -> memref<64x128xf32, #tpu.memory_space<vmem_shared>>
      %dma_wait3A_747 = arith.constant 0 : i32
      %dma_wait3A_748 = tpu.memref_slice %arg24[%add3A_63, %dma_wait3A_747] : memref<2048x128xf32, #tpu.memory_space<vmem_shared>> -> memref<64x128xf32, #tpu.memory_space<vmem_shared>>
      tpu.wait_dma2 semaphore(%run_scoped3A : memref<!tpu.dma_semaphore, #tpu.memory_space<semaphore_mem>>) src(%arg22 : memref<64x128xf32, #tpu.memory_space<vmem>>) dst(%dma_wait3A_748 : memref<64x128xf32, #tpu.memory_space<vmem_shared>>)
      tpu.yield
    }) : () -> ()
    %get3A = arith.constant 0 : i64
    %get3A_64 = arith.index_cast %get3A : i64 to index
    %get3A_65 = arith.constant 0 : index
    %get3A_66 = tpu.vector_load %arg11[%get3A_64, %get3A_65] {strides = array<i32>} : memref<4x80xi32, #tpu.memory_space<vmem>>, vector<1x16xi32>,
    %get3A_67 = vector.shape_cast %get3A_66 : vector<1x16xi32> to vector<16xi32>
    %get3A_68 = arith.constant 0 : i64
    %get3A_69 = arith.index_cast %get3A_68 : i64 to index
    %get3A_70 = arith.constant 0 : index
    %get3A_71 = tpu.vector_load %arg12[%get3A_69, %get3A_70] {strides = array<i32>} : memref<4x80xi32, #tpu.memory_space<vmem>>, vector<1x16xi32>,
    %get3A_72 = vector.shape_cast %get3A_71 : vector<1x16xi32> to vector<16xi32>
    %eq3A = arith.cmpi eq, %get3A_67, %get3A_72 : vector<16xi32>
    %jit3A = arith.constant 2040 : i64
    %convert_element_type3A = arith.trunci %jit3A : i64 to i32
    %broadcast_in_dim3A_73 = vector.broadcast %convert_element_type3A : i32 to vector<16xi32>
    %select_n3A = arith.select %eq3A, %broadcast_in_dim3A_73, %get3A_72 : vector<16xi1>, vector<16xi32>
    %swap3A = arith.constant 0 : i64
    %swap3A_74 = arith.index_cast %swap3A : i64 to index
    %swap3A_75 = arith.constant 0 : index
    %swap3A_76 = tpu.vector_load %arg13[%swap3A_74, %swap3A_75] {strides = array<i32>} : memref<4x80xi32, #tpu.memory_space<vmem>>, vector<1x16xi32>,
    %swap3A_77 = vector.shape_cast %swap3A_76 : vector<1x16xi32> to vector<16xi32>
    %swap3A_78 = vector.shape_cast %select_n3A : vector<16xi32> to vector<1x16xi32>
    tpu.vector_store %arg13[%swap3A_74, %swap3A_75], %swap3A_78 {strides = array<i32>} : memref<4x80xi32, #tpu.memory_space<vmem>>, vector<1x16xi32>,
    %get3A_79 = arith.constant 0 : i64
    %get3A_80 = arith.index_cast %get3A_79 : i64 to index
    %get3A_81 = arith.constant 16 : index
    %get3A_82 = tpu.vector_load %arg11[%get3A_80, %get3A_81] {strides = array<i32>} : memref<4x80xi32, #tpu.memory_space<vmem>>, vector<1x16xi32>,
    %get3A_83 = vector.shape_cast %get3A_82 : vector<1x16xi32> to vector<16xi32>
    %get3A_84 = arith.constant 0 : i64
    %get3A_85 = arith.index_cast %get3A_84 : i64 to index
    %get3A_86 = arith.constant 16 : index
    %get3A_87 = tpu.vector_load %arg12[%get3A_85, %get3A_86] {strides = array<i32>} : memref<4x80xi32, #tpu.memory_space<vmem>>, vector<1x16xi32>,
    %get3A_88 = vector.shape_cast %get3A_87 : vector<1x16xi32> to vector<16xi32>
    %eq3A_89 = arith.cmpi eq, %get3A_83, %get3A_88 : vector<16xi32>
    %jit3A_90 = arith.constant 2040 : i64
    %convert_element_type3A_91 = arith.trunci %jit3A_90 : i64 to i32
    %broadcast_in_dim3A_92 = vector.broadcast %convert_element_type3A_91 : i32 to vector<16xi32>
    %select_n3A_93 = arith.select %eq3A_89, %broadcast_in_dim3A_92, %get3A_88 : vector<16xi1>, vector<16xi32>
    %swap3A_94 = arith.constant 0 : i64
    %swap3A_95 = arith.index_cast %swap3A_94 : i64 to index
    %swap3A_96 = arith.constant 16 : index
    %swap3A_97 = tpu.vector_load %arg13[%swap3A_95, %swap3A_96] {strides = array<i32>} : memref<4x80xi32, #tpu.memory_space<vmem>>, vector<1x16xi32>,
    %swap3A_98 = vector.shape_cast %swap3A_97 : vector<1x16xi32> to vector<16xi32>
    %swap3A_99 = vector.shape_cast %select_n3A_93 : vector<16xi32> to vector<1x16xi32>
    tpu.vector_store %arg13[%swap3A_95, %swap3A_96], %swap3A_99 {strides = array<i32>} : memref<4x80xi32, #tpu.memory_space<vmem>>, vector<1x16xi32>,
    %get3A_100 = arith.constant 0 : i64
    %get3A_101 = arith.index_cast %get3A_100 : i64 to index
    %get3A_102 = arith.constant 32 : index
    %get3A_103 = tpu.vector_load %arg11[%get3A_101, %get3A_102] {strides = array<i32>} : memref<4x80xi32, #tpu.memory_space<vmem>>, vector<1x16xi32>,
    %get3A_104 = vector.shape_cast %get3A_103 : vector<1x16xi32> to vector<16xi32>
    %get3A_105 = arith.constant 0 : i64
    %get3A_106 = arith.index_cast %get3A_105 : i64 to index
    %get3A_107 = arith.constant 32 : index
    %get3A_108 = tpu.vector_load %arg12[%get3A_106, %get3A_107] {strides = array<i32>} : memref<4x80xi32, #tpu.memory_space<vmem>>, vector<1x16xi32>,
    %get3A_109 = vector.shape_cast %get3A_108 : vector<1x16xi32> to vector<16xi32>
    %eq3A_110 = arith.cmpi eq, %get3A_104, %get3A_109 : vector<16xi32>
    %jit3A_111 = arith.constant 2040 : i64
    %convert_element_type3A_112 = arith.trunci %jit3A_111 : i64 to i32
    %broadcast_in_dim3A_113 = vector.broadcast %convert_element_type3A_112 : i32 to vector<16xi32>
    %select_n3A_114 = arith.select %eq3A_110, %broadcast_in_dim3A_113, %get3A_109 : vector<16xi1>, vector<16xi32>
    %swap3A_115 = arith.constant 0 : i64
    %swap3A_116 = arith.index_cast %swap3A_115 : i64 to index
    %swap3A_117 = arith.constant 32 : index
    %swap3A_118 = tpu.vector_load %arg13[%swap3A_116, %swap3A_117] {strides = array<i32>} : memref<4x80xi32, #tpu.memory_space<vmem>>, vector<1x16xi32>,
    %swap3A_119 = vector.shape_cast %swap3A_118 : vector<1x16xi32> to vector<16xi32>
    %swap3A_120 = vector.shape_cast %select_n3A_114 : vector<16xi32> to vector<1x16xi32>
    tpu.vector_store %arg13[%swap3A_116, %swap3A_117], %swap3A_120 {strides = array<i32>} : memref<4x80xi32, #tpu.memory_space<vmem>>, vector<1x16xi32>,
    %get3A_121 = arith.constant 0 : i64
    %get3A_122 = arith.index_cast %get3A_121 : i64 to index
    %get3A_123 = arith.constant 48 : index
    %get3A_124 = tpu.vector_load %arg11[%get3A_122, %get3A_123] {strides = array<i32>} : memref<4x80xi32, #tpu.memory_space<vmem>>, vector<1x16xi32>,
    %get3A_125 = vector.shape_cast %get3A_124 : vector<1x16xi32> to vector<16xi32>
    %get3A_126 = arith.constant 0 : i64
    %get3A_127 = arith.index_cast %get3A_126 : i64 to index
    %get3A_128 = arith.constant 48 : index
    %get3A_129 = tpu.vector_load %arg12[%get3A_127, %get3A_128] {strides = array<i32>} : memref<4x80xi32, #tpu.memory_space<vmem>>, vector<1x16xi32>,
    %get3A_130 = vector.shape_cast %get3A_129 : vector<1x16xi32> to vector<16xi32>
    %eq3A_131 = arith.cmpi eq, %get3A_125, %get3A_130 : vector<16xi32>
    %jit3A_132 = arith.constant 2040 : i64
    %convert_element_type3A_133 = arith.trunci %jit3A_132 : i64 to i32
    %broadcast_in_dim3A_134 = vector.broadcast %convert_element_type3A_133 : i32 to vector<16xi32>
    %select_n3A_135 = arith.select %eq3A_131, %broadcast_in_dim3A_134, %get3A_130 : vector<16xi1>, vector<16xi32>
    %swap3A_136 = arith.constant 0 : i64
    %swap3A_137 = arith.index_cast %swap3A_136 : i64 to index
    %swap3A_138 = arith.constant 48 : index
    %swap3A_139 = tpu.vector_load %arg13[%swap3A_137, %swap3A_138] {strides = array<i32>} : memref<4x80xi32, #tpu.memory_space<vmem>>, vector<1x16xi32>,
    %swap3A_140 = vector.shape_cast %swap3A_139 : vector<1x16xi32> to vector<16xi32>
    %swap3A_141 = vector.shape_cast %select_n3A_135 : vector<16xi32> to vector<1x16xi32>
    tpu.vector_store %arg13[%swap3A_137, %swap3A_138], %swap3A_141 {strides = array<i32>} : memref<4x80xi32, #tpu.memory_space<vmem>>, vector<1x16xi32>,
    %get3A_142 = arith.constant 0 : i64
    %get3A_143 = arith.index_cast %get3A_142 : i64 to index
    %get3A_144 = arith.constant 64 : index
    %get3A_145 = tpu.vector_load %arg11[%get3A_143, %get3A_144] {strides = array<i32>} : memref<4x80xi32, #tpu.memory_space<vmem>>, vector<1x16xi32>,
    %get3A_146 = vector.shape_cast %get3A_145 : vector<1x16xi32> to vector<16xi32>
    %get3A_147 = arith.constant 0 : i64
    %get3A_148 = arith.index_cast %get3A_147 : i64 to index
    %get3A_149 = arith.constant 64 : index
    %get3A_150 = tpu.vector_load %arg12[%get3A_148, %get3A_149] {strides = array<i32>} : memref<4x80xi32, #tpu.memory_space<vmem>>, vector<1x16xi32>,
    %get3A_151 = vector.shape_cast %get3A_150 : vector<1x16xi32> to vector<16xi32>
    %eq3A_152 = arith.cmpi eq, %get3A_146, %get3A_151 : vector<16xi32>
    %jit3A_153 = arith.constant 2040 : i64
    %convert_element_type3A_154 = arith.trunci %jit3A_153 : i64 to i32
    %broadcast_in_dim3A_155 = vector.broadcast %convert_element_type3A_154 : i32 to vector<16xi32>
    %select_n3A_156 = arith.select %eq3A_152, %broadcast_in_dim3A_155, %get3A_151 : vector<16xi1>, vector<16xi32>
    %swap3A_157 = arith.constant 0 : i64
    %swap3A_158 = arith.index_cast %swap3A_157 : i64 to index
    %swap3A_159 = arith.constant 64 : index
    %swap3A_160 = tpu.vector_load %arg13[%swap3A_158, %swap3A_159] {strides = array<i32>} : memref<4x80xi32, #tpu.memory_space<vmem>>, vector<1x16xi32>,
    %swap3A_161 = vector.shape_cast %swap3A_160 : vector<1x16xi32> to vector<16xi32>
    %swap3A_162 = vector.shape_cast %select_n3A_156 : vector<16xi32> to vector<1x16xi32>
    tpu.vector_store %arg13[%swap3A_158, %swap3A_159], %swap3A_162 {strides = array<i32>} : memref<4x80xi32, #tpu.memory_space<vmem>>, vector<1x16xi32>,
    %get3A_163 = arith.constant 1 : i64
    %get3A_164 = arith.index_cast %get3A_163 : i64 to index
    %get3A_165 = arith.constant 0 : index
    %get3A_166 = tpu.vector_load %arg11[%get3A_164, %get3A_165] {strides = array<i32>} : memref<4x80xi32, #tpu.memory_space<vmem>>, vector<1x16xi32>,
    %get3A_167 = vector.shape_cast %get3A_166 : vector<1x16xi32> to vector<16xi32>
    %get3A_168 = arith.constant 1 : i64
    %get3A_169 = arith.index_cast %get3A_168 : i64 to index
    %get3A_170 = arith.constant 0 : index
    %get3A_171 = tpu.vector_load %arg12[%get3A_169, %get3A_170] {strides = array<i32>} : memref<4x80xi32, #tpu.memory_space<vmem>>, vector<1x16xi32>,
    %get3A_172 = vector.shape_cast %get3A_171 : vector<1x16xi32> to vector<16xi32>
    %eq3A_173 = arith.cmpi eq, %get3A_167, %get3A_172 : vector<16xi32>
    %jit3A_174 = arith.constant 2040 : i64
    %convert_element_type3A_175 = arith.trunci %jit3A_174 : i64 to i32
    %broadcast_in_dim3A_176 = vector.broadcast %convert_element_type3A_175 : i32 to vector<16xi32>
    %select_n3A_177 = arith.select %eq3A_173, %broadcast_in_dim3A_176, %get3A_172 : vector<16xi1>, vector<16xi32>
    %swap3A_178 = arith.constant 1 : i64
    %swap3A_179 = arith.index_cast %swap3A_178 : i64 to index
    %swap3A_180 = arith.constant 0 : index
    %swap3A_181 = tpu.vector_load %arg13[%swap3A_179, %swap3A_180] {strides = array<i32>} : memref<4x80xi32, #tpu.memory_space<vmem>>, vector<1x16xi32>,
    %swap3A_182 = vector.shape_cast %swap3A_181 : vector<1x16xi32> to vector<16xi32>
    %swap3A_183 = vector.shape_cast %select_n3A_177 : vector<16xi32> to vector<1x16xi32>
    tpu.vector_store %arg13[%swap3A_179, %swap3A_180], %swap3A_183 {strides = array<i32>} : memref<4x80xi32, #tpu.memory_space<vmem>>, vector<1x16xi32>,
    %get3A_184 = arith.constant 1 : i64
    %get3A_185 = arith.index_cast %get3A_184 : i64 to index
    %get3A_186 = arith.constant 16 : index
    %get3A_187 = tpu.vector_load %arg11[%get3A_185, %get3A_186] {strides = array<i32>} : memref<4x80xi32, #tpu.memory_space<vmem>>, vector<1x16xi32>,
    %get3A_188 = vector.shape_cast %get3A_187 : vector<1x16xi32> to vector<16xi32>
    %get3A_189 = arith.constant 1 : i64
    %get3A_190 = arith.index_cast %get3A_189 : i64 to index
    %get3A_191 = arith.constant 16 : index
    %get3A_192 = tpu.vector_load %arg12[%get3A_190, %get3A_191] {strides = array<i32>} : memref<4x80xi32, #tpu.memory_space<vmem>>, vector<1x16xi32>,
    %get3A_193 = vector.shape_cast %get3A_192 : vector<1x16xi32> to vector<16xi32>
    %eq3A_194 = arith.cmpi eq, %get3A_188, %get3A_193 : vector<16xi32>
    %jit3A_195 = arith.constant 2040 : i64
    %convert_element_type3A_196 = arith.trunci %jit3A_195 : i64 to i32
    %broadcast_in_dim3A_197 = vector.broadcast %convert_element_type3A_196 : i32 to vector<16xi32>
    %select_n3A_198 = arith.select %eq3A_194, %broadcast_in_dim3A_197, %get3A_193 : vector<16xi1>, vector<16xi32>
    %swap3A_199 = arith.constant 1 : i64
    %swap3A_200 = arith.index_cast %swap3A_199 : i64 to index
    %swap3A_201 = arith.constant 16 : index
    %swap3A_202 = tpu.vector_load %arg13[%swap3A_200, %swap3A_201] {strides = array<i32>} : memref<4x80xi32, #tpu.memory_space<vmem>>, vector<1x16xi32>,
    %swap3A_203 = vector.shape_cast %swap3A_202 : vector<1x16xi32> to vector<16xi32>
    %swap3A_204 = vector.shape_cast %select_n3A_198 : vector<16xi32> to vector<1x16xi32>
    tpu.vector_store %arg13[%swap3A_200, %swap3A_201], %swap3A_204 {strides = array<i32>} : memref<4x80xi32, #tpu.memory_space<vmem>>, vector<1x16xi32>,
    %get3A_205 = arith.constant 1 : i64
    %get3A_206 = arith.index_cast %get3A_205 : i64 to index
    %get3A_207 = arith.constant 32 : index
    %get3A_208 = tpu.vector_load %arg11[%get3A_206, %get3A_207] {strides = array<i32>} : memref<4x80xi32, #tpu.memory_space<vmem>>, vector<1x16xi32>,
    %get3A_209 = vector.shape_cast %get3A_208 : vector<1x16xi32> to vector<16xi32>
    %get3A_210 = arith.constant 1 : i64
    %get3A_211 = arith.index_cast %get3A_210 : i64 to index
    %get3A_212 = arith.constant 32 : index
    %get3A_213 = tpu.vector_load %arg12[%get3A_211, %get3A_212] {strides = array<i32>} : memref<4x80xi32, #tpu.memory_space<vmem>>, vector<1x16xi32>,
    %get3A_214 = vector.shape_cast %get3A_213 : vector<1x16xi32> to vector<16xi32>
    %eq3A_215 = arith.cmpi eq, %get3A_209, %get3A_214 : vector<16xi32>
    %jit3A_216 = arith.constant 2040 : i64
    %convert_element_type3A_217 = arith.trunci %jit3A_216 : i64 to i32
    %broadcast_in_dim3A_218 = vector.broadcast %convert_element_type3A_217 : i32 to vector<16xi32>
    %select_n3A_219 = arith.select %eq3A_215, %broadcast_in_dim3A_218, %get3A_214 : vector<16xi1>, vector<16xi32>
    %swap3A_220 = arith.constant 1 : i64
    %swap3A_221 = arith.index_cast %swap3A_220 : i64 to index
    %swap3A_222 = arith.constant 32 : index
    %swap3A_223 = tpu.vector_load %arg13[%swap3A_221, %swap3A_222] {strides = array<i32>} : memref<4x80xi32, #tpu.memory_space<vmem>>, vector<1x16xi32>,
    %swap3A_224 = vector.shape_cast %swap3A_223 : vector<1x16xi32> to vector<16xi32>
    %swap3A_225 = vector.shape_cast %select_n3A_219 : vector<16xi32> to vector<1x16xi32>
    tpu.vector_store %arg13[%swap3A_221, %swap3A_222], %swap3A_225 {strides = array<i32>} : memref<4x80xi32, #tpu.memory_space<vmem>>, vector<1x16xi32>,
    %get3A_226 = arith.constant 1 : i64
    %get3A_227 = arith.index_cast %get3A_226 : i64 to index
    %get3A_228 = arith.constant 48 : index
    %get3A_229 = tpu.vector_load %arg11[%get3A_227, %get3A_228] {strides = array<i32>} : memref<4x80xi32, #tpu.memory_space<vmem>>, vector<1x16xi32>,
    %get3A_230 = vector.shape_cast %get3A_229 : vector<1x16xi32> to vector<16xi32>
    %get3A_231 = arith.constant 1 : i64
    %get3A_232 = arith.index_cast %get3A_231 : i64 to index
    %get3A_233 = arith.constant 48 : index
    %get3A_234 = tpu.vector_load %arg12[%get3A_232, %get3A_233] {strides = array<i32>} : memref<4x80xi32, #tpu.memory_space<vmem>>, vector<1x16xi32>,
    %get3A_235 = vector.shape_cast %get3A_234 : vector<1x16xi32> to vector<16xi32>
    %eq3A_236 = arith.cmpi eq, %get3A_230, %get3A_235 : vector<16xi32>
    %jit3A_237 = arith.constant 2040 : i64
    %convert_element_type3A_238 = arith.trunci %jit3A_237 : i64 to i32
    %broadcast_in_dim3A_239 = vector.broadcast %convert_element_type3A_238 : i32 to vector<16xi32>
    %select_n3A_240 = arith.select %eq3A_236, %broadcast_in_dim3A_239, %get3A_235 : vector<16xi1>, vector<16xi32>
    %swap3A_241 = arith.constant 1 : i64
    %swap3A_242 = arith.index_cast %swap3A_241 : i64 to index
    %swap3A_243 = arith.constant 48 : index
    %swap3A_244 = tpu.vector_load %arg13[%swap3A_242, %swap3A_243] {strides = array<i32>} : memref<4x80xi32, #tpu.memory_space<vmem>>, vector<1x16xi32>,
    %swap3A_245 = vector.shape_cast %swap3A_244 : vector<1x16xi32> to vector<16xi32>
    %swap3A_246 = vector.shape_cast %select_n3A_240 : vector<16xi32> to vector<1x16xi32>
    tpu.vector_store %arg13[%swap3A_242, %swap3A_243], %swap3A_246 {strides = array<i32>} : memref<4x80xi32, #tpu.memory_space<vmem>>, vector<1x16xi32>,
    %get3A_247 = arith.constant 1 : i64
    %get3A_248 = arith.index_cast %get3A_247 : i64 to index
    %get3A_249 = arith.constant 64 : index
    %get3A_250 = tpu.vector_load %arg11[%get3A_248, %get3A_249] {strides = array<i32>} : memref<4x80xi32, #tpu.memory_space<vmem>>, vector<1x16xi32>,
    %get3A_251 = vector.shape_cast %get3A_250 : vector<1x16xi32> to vector<16xi32>
    %get3A_252 = arith.constant 1 : i64
    %get3A_253 = arith.index_cast %get3A_252 : i64 to index
    %get3A_254 = arith.constant 64 : index
    %get3A_255 = tpu.vector_load %arg12[%get3A_253, %get3A_254] {strides = array<i32>} : memref<4x80xi32, #tpu.memory_space<vmem>>, vector<1x16xi32>,
    %get3A_256 = vector.shape_cast %get3A_255 : vector<1x16xi32> to vector<16xi32>
    %eq3A_257 = arith.cmpi eq, %get3A_251, %get3A_256 : vector<16xi32>
    %jit3A_258 = arith.constant 2040 : i64
    %convert_element_type3A_259 = arith.trunci %jit3A_258 : i64 to i32
    %broadcast_in_dim3A_260 = vector.broadcast %convert_element_type3A_259 : i32 to vector<16xi32>
    %select_n3A_261 = arith.select %eq3A_257, %broadcast_in_dim3A_260, %get3A_256 : vector<16xi1>, vector<16xi32>
    %swap3A_262 = arith.constant 1 : i64
    %swap3A_263 = arith.index_cast %swap3A_262 : i64 to index
    %swap3A_264 = arith.constant 64 : index
    %swap3A_265 = tpu.vector_load %arg13[%swap3A_263, %swap3A_264] {strides = array<i32>} : memref<4x80xi32, #tpu.memory_space<vmem>>, vector<1x16xi32>,
    %swap3A_266 = vector.shape_cast %swap3A_265 : vector<1x16xi32> to vector<16xi32>
    %swap3A_267 = vector.shape_cast %select_n3A_261 : vector<16xi32> to vector<1x16xi32>
    tpu.vector_store %arg13[%swap3A_263, %swap3A_264], %swap3A_267 {strides = array<i32>} : memref<4x80xi32, #tpu.memory_space<vmem>>, vector<1x16xi32>,
    %get3A_268 = arith.constant 2 : i64
    %get3A_269 = arith.index_cast %get3A_268 : i64 to index
    %get3A_270 = arith.constant 0 : index
    %get3A_271 = tpu.vector_load %arg11[%get3A_269, %get3A_270] {strides = array<i32>} : memref<4x80xi32, #tpu.memory_space<vmem>>, vector<1x16xi32>,
    %get3A_272 = vector.shape_cast %get3A_271 : vector<1x16xi32> to vector<16xi32>
    %get3A_273 = arith.constant 2 : i64
    %get3A_274 = arith.index_cast %get3A_273 : i64 to index
    %get3A_275 = arith.constant 0 : index
    %get3A_276 = tpu.vector_load %arg12[%get3A_274, %get3A_275] {strides = array<i32>} : memref<4x80xi32, #tpu.memory_space<vmem>>, vector<1x16xi32>,
    %get3A_277 = vector.shape_cast %get3A_276 : vector<1x16xi32> to vector<16xi32>
    %eq3A_278 = arith.cmpi eq, %get3A_272, %get3A_277 : vector<16xi32>
    %jit3A_279 = arith.constant 2040 : i64
    %convert_element_type3A_280 = arith.trunci %jit3A_279 : i64 to i32
    %broadcast_in_dim3A_281 = vector.broadcast %convert_element_type3A_280 : i32 to vector<16xi32>
    %select_n3A_282 = arith.select %eq3A_278, %broadcast_in_dim3A_281, %get3A_277 : vector<16xi1>, vector<16xi32>
    %swap3A_283 = arith.constant 2 : i64
    %swap3A_284 = arith.index_cast %swap3A_283 : i64 to index
    %swap3A_285 = arith.constant 0 : index
    %swap3A_286 = tpu.vector_load %arg13[%swap3A_284, %swap3A_285] {strides = array<i32>} : memref<4x80xi32, #tpu.memory_space<vmem>>, vector<1x16xi32>,
    %swap3A_287 = vector.shape_cast %swap3A_286 : vector<1x16xi32> to vector<16xi32>
    %swap3A_288 = vector.shape_cast %select_n3A_282 : vector<16xi32> to vector<1x16xi32>
    tpu.vector_store %arg13[%swap3A_284, %swap3A_285], %swap3A_288 {strides = array<i32>} : memref<4x80xi32, #tpu.memory_space<vmem>>, vector<1x16xi32>,
    %get3A_289 = arith.constant 2 : i64
    %get3A_290 = arith.index_cast %get3A_289 : i64 to index
    %get3A_291 = arith.constant 16 : index
    %get3A_292 = tpu.vector_load %arg11[%get3A_290, %get3A_291] {strides = array<i32>} : memref<4x80xi32, #tpu.memory_space<vmem>>, vector<1x16xi32>,
    %get3A_293 = vector.shape_cast %get3A_292 : vector<1x16xi32> to vector<16xi32>
    %get3A_294 = arith.constant 2 : i64
    %get3A_295 = arith.index_cast %get3A_294 : i64 to index
    %get3A_296 = arith.constant 16 : index
    %get3A_297 = tpu.vector_load %arg12[%get3A_295, %get3A_296] {strides = array<i32>} : memref<4x80xi32, #tpu.memory_space<vmem>>, vector<1x16xi32>,
    %get3A_298 = vector.shape_cast %get3A_297 : vector<1x16xi32> to vector<16xi32>
    %eq3A_299 = arith.cmpi eq, %get3A_293, %get3A_298 : vector<16xi32>
    %jit3A_300 = arith.constant 2040 : i64
    %convert_element_type3A_301 = arith.trunci %jit3A_300 : i64 to i32
    %broadcast_in_dim3A_302 = vector.broadcast %convert_element_type3A_301 : i32 to vector<16xi32>
    %select_n3A_303 = arith.select %eq3A_299, %broadcast_in_dim3A_302, %get3A_298 : vector<16xi1>, vector<16xi32>
    %swap3A_304 = arith.constant 2 : i64
    %swap3A_305 = arith.index_cast %swap3A_304 : i64 to index
    %swap3A_306 = arith.constant 16 : index
    %swap3A_307 = tpu.vector_load %arg13[%swap3A_305, %swap3A_306] {strides = array<i32>} : memref<4x80xi32, #tpu.memory_space<vmem>>, vector<1x16xi32>,
    %swap3A_308 = vector.shape_cast %swap3A_307 : vector<1x16xi32> to vector<16xi32>
    %swap3A_309 = vector.shape_cast %select_n3A_303 : vector<16xi32> to vector<1x16xi32>
    tpu.vector_store %arg13[%swap3A_305, %swap3A_306], %swap3A_309 {strides = array<i32>} : memref<4x80xi32, #tpu.memory_space<vmem>>, vector<1x16xi32>,
    %get3A_310 = arith.constant 2 : i64
    %get3A_311 = arith.index_cast %get3A_310 : i64 to index
    %get3A_312 = arith.constant 32 : index
    %get3A_313 = tpu.vector_load %arg11[%get3A_311, %get3A_312] {strides = array<i32>} : memref<4x80xi32, #tpu.memory_space<vmem>>, vector<1x16xi32>,
    %get3A_314 = vector.shape_cast %get3A_313 : vector<1x16xi32> to vector<16xi32>
    %get3A_315 = arith.constant 2 : i64
    %get3A_316 = arith.index_cast %get3A_315 : i64 to index
    %get3A_317 = arith.constant 32 : index
    %get3A_318 = tpu.vector_load %arg12[%get3A_316, %get3A_317] {strides = array<i32>} : memref<4x80xi32, #tpu.memory_space<vmem>>, vector<1x16xi32>,
    %get3A_319 = vector.shape_cast %get3A_318 : vector<1x16xi32> to vector<16xi32>
    %eq3A_320 = arith.cmpi eq, %get3A_314, %get3A_319 : vector<16xi32>
    %jit3A_321 = arith.constant 2040 : i64
    %convert_element_type3A_322 = arith.trunci %jit3A_321 : i64 to i32
    %broadcast_in_dim3A_323 = vector.broadcast %convert_element_type3A_322 : i32 to vector<16xi32>
    %select_n3A_324 = arith.select %eq3A_320, %broadcast_in_dim3A_323, %get3A_319 : vector<16xi1>, vector<16xi32>
    %swap3A_325 = arith.constant 2 : i64
    %swap3A_326 = arith.index_cast %swap3A_325 : i64 to index
    %swap3A_327 = arith.constant 32 : index
    %swap3A_328 = tpu.vector_load %arg13[%swap3A_326, %swap3A_327] {strides = array<i32>} : memref<4x80xi32, #tpu.memory_space<vmem>>, vector<1x16xi32>,
    %swap3A_329 = vector.shape_cast %swap3A_328 : vector<1x16xi32> to vector<16xi32>
    %swap3A_330 = vector.shape_cast %select_n3A_324 : vector<16xi32> to vector<1x16xi32>
    tpu.vector_store %arg13[%swap3A_326, %swap3A_327], %swap3A_330 {strides = array<i32>} : memref<4x80xi32, #tpu.memory_space<vmem>>, vector<1x16xi32>,
    %get3A_331 = arith.constant 2 : i64
    %get3A_332 = arith.index_cast %get3A_331 : i64 to index
    %get3A_333 = arith.constant 48 : index
    %get3A_334 = tpu.vector_load %arg11[%get3A_332, %get3A_333] {strides = array<i32>} : memref<4x80xi32, #tpu.memory_space<vmem>>, vector<1x16xi32>,
    %get3A_335 = vector.shape_cast %get3A_334 : vector<1x16xi32> to vector<16xi32>
    %get3A_336 = arith.constant 2 : i64
    %get3A_337 = arith.index_cast %get3A_336 : i64 to index
    %get3A_338 = arith.constant 48 : index
    %get3A_339 = tpu.vector_load %arg12[%get3A_337, %get3A_338] {strides = array<i32>} : memref<4x80xi32, #tpu.memory_space<vmem>>, vector<1x16xi32>,
    %get3A_340 = vector.shape_cast %get3A_339 : vector<1x16xi32> to vector<16xi32>
    %eq3A_341 = arith.cmpi eq, %get3A_335, %get3A_340 : vector<16xi32>
    %jit3A_342 = arith.constant 2040 : i64
    %convert_element_type3A_343 = arith.trunci %jit3A_342 : i64 to i32
    %broadcast_in_dim3A_344 = vector.broadcast %convert_element_type3A_343 : i32 to vector<16xi32>
    %select_n3A_345 = arith.select %eq3A_341, %broadcast_in_dim3A_344, %get3A_340 : vector<16xi1>, vector<16xi32>
    %swap3A_346 = arith.constant 2 : i64
    %swap3A_347 = arith.index_cast %swap3A_346 : i64 to index
    %swap3A_348 = arith.constant 48 : index
    %swap3A_349 = tpu.vector_load %arg13[%swap3A_347, %swap3A_348] {strides = array<i32>} : memref<4x80xi32, #tpu.memory_space<vmem>>, vector<1x16xi32>,
    %swap3A_350 = vector.shape_cast %swap3A_349 : vector<1x16xi32> to vector<16xi32>
    %swap3A_351 = vector.shape_cast %select_n3A_345 : vector<16xi32> to vector<1x16xi32>
    tpu.vector_store %arg13[%swap3A_347, %swap3A_348], %swap3A_351 {strides = array<i32>} : memref<4x80xi32, #tpu.memory_space<vmem>>, vector<1x16xi32>,
    %get3A_352 = arith.constant 2 : i64
    %get3A_353 = arith.index_cast %get3A_352 : i64 to index
    %get3A_354 = arith.constant 64 : index
    %get3A_355 = tpu.vector_load %arg11[%get3A_353, %get3A_354] {strides = array<i32>} : memref<4x80xi32, #tpu.memory_space<vmem>>, vector<1x16xi32>,
    %get3A_356 = vector.shape_cast %get3A_355 : vector<1x16xi32> to vector<16xi32>
    %get3A_357 = arith.constant 2 : i64
    %get3A_358 = arith.index_cast %get3A_357 : i64 to index
    %get3A_359 = arith.constant 64 : index
    %get3A_360 = tpu.vector_load %arg12[%get3A_358, %get3A_359] {strides = array<i32>} : memref<4x80xi32, #tpu.memory_space<vmem>>, vector<1x16xi32>,
    %get3A_361 = vector.shape_cast %get3A_360 : vector<1x16xi32> to vector<16xi32>
    %eq3A_362 = arith.cmpi eq, %get3A_356, %get3A_361 : vector<16xi32>
    %jit3A_363 = arith.constant 2040 : i64
    %convert_element_type3A_364 = arith.trunci %jit3A_363 : i64 to i32
    %broadcast_in_dim3A_365 = vector.broadcast %convert_element_type3A_364 : i32 to vector<16xi32>
    %select_n3A_366 = arith.select %eq3A_362, %broadcast_in_dim3A_365, %get3A_361 : vector<16xi1>, vector<16xi32>
    %swap3A_367 = arith.constant 2 : i64
    %swap3A_368 = arith.index_cast %swap3A_367 : i64 to index
    %swap3A_369 = arith.constant 64 : index
    %swap3A_370 = tpu.vector_load %arg13[%swap3A_368, %swap3A_369] {strides = array<i32>} : memref<4x80xi32, #tpu.memory_space<vmem>>, vector<1x16xi32>,
    %swap3A_371 = vector.shape_cast %swap3A_370 : vector<1x16xi32> to vector<16xi32>
    %swap3A_372 = vector.shape_cast %select_n3A_366 : vector<16xi32> to vector<1x16xi32>
    tpu.vector_store %arg13[%swap3A_368, %swap3A_369], %swap3A_372 {strides = array<i32>} : memref<4x80xi32, #tpu.memory_space<vmem>>, vector<1x16xi32>,
    %get3A_373 = arith.constant 3 : i64
    %get3A_374 = arith.index_cast %get3A_373 : i64 to index
    %get3A_375 = arith.constant 0 : index
    %get3A_376 = tpu.vector_load %arg11[%get3A_374, %get3A_375] {strides = array<i32>} : memref<4x80xi32, #tpu.memory_space<vmem>>, vector<1x16xi32>,
    %get3A_377 = vector.shape_cast %get3A_376 : vector<1x16xi32> to vector<16xi32>
    %get3A_378 = arith.constant 3 : i64
    %get3A_379 = arith.index_cast %get3A_378 : i64 to index
    %get3A_380 = arith.constant 0 : index
    %get3A_381 = tpu.vector_load %arg12[%get3A_379, %get3A_380] {strides = array<i32>} : memref<4x80xi32, #tpu.memory_space<vmem>>, vector<1x16xi32>,
    %get3A_382 = vector.shape_cast %get3A_381 : vector<1x16xi32> to vector<16xi32>
    %eq3A_383 = arith.cmpi eq, %get3A_377, %get3A_382 : vector<16xi32>
    %jit3A_384 = arith.constant 2040 : i64
    %convert_element_type3A_385 = arith.trunci %jit3A_384 : i64 to i32
    %broadcast_in_dim3A_386 = vector.broadcast %convert_element_type3A_385 : i32 to vector<16xi32>
    %select_n3A_387 = arith.select %eq3A_383, %broadcast_in_dim3A_386, %get3A_382 : vector<16xi1>, vector<16xi32>
    %swap3A_388 = arith.constant 3 : i64
    %swap3A_389 = arith.index_cast %swap3A_388 : i64 to index
    %swap3A_390 = arith.constant 0 : index
    %swap3A_391 = tpu.vector_load %arg13[%swap3A_389, %swap3A_390] {strides = array<i32>} : memref<4x80xi32, #tpu.memory_space<vmem>>, vector<1x16xi32>,
    %swap3A_392 = vector.shape_cast %swap3A_391 : vector<1x16xi32> to vector<16xi32>
    %swap3A_393 = vector.shape_cast %select_n3A_387 : vector<16xi32> to vector<1x16xi32>
    tpu.vector_store %arg13[%swap3A_389, %swap3A_390], %swap3A_393 {strides = array<i32>} : memref<4x80xi32, #tpu.memory_space<vmem>>, vector<1x16xi32>,
    %get3A_394 = arith.constant 3 : i64
    %get3A_395 = arith.index_cast %get3A_394 : i64 to index
    %get3A_396 = arith.constant 16 : index
    %get3A_397 = tpu.vector_load %arg11[%get3A_395, %get3A_396] {strides = array<i32>} : memref<4x80xi32, #tpu.memory_space<vmem>>, vector<1x16xi32>,
    %get3A_398 = vector.shape_cast %get3A_397 : vector<1x16xi32> to vector<16xi32>
    %get3A_399 = arith.constant 3 : i64
    %get3A_400 = arith.index_cast %get3A_399 : i64 to index
    %get3A_401 = arith.constant 16 : index
    %get3A_402 = tpu.vector_load %arg12[%get3A_400, %get3A_401] {strides = array<i32>} : memref<4x80xi32, #tpu.memory_space<vmem>>, vector<1x16xi32>,
    %get3A_403 = vector.shape_cast %get3A_402 : vector<1x16xi32> to vector<16xi32>
    %eq3A_404 = arith.cmpi eq, %get3A_398, %get3A_403 : vector<16xi32>
    %jit3A_405 = arith.constant 2040 : i64
    %convert_element_type3A_406 = arith.trunci %jit3A_405 : i64 to i32
    %broadcast_in_dim3A_407 = vector.broadcast %convert_element_type3A_406 : i32 to vector<16xi32>
    %select_n3A_408 = arith.select %eq3A_404, %broadcast_in_dim3A_407, %get3A_403 : vector<16xi1>, vector<16xi32>
    %swap3A_409 = arith.constant 3 : i64
    %swap3A_410 = arith.index_cast %swap3A_409 : i64 to index
    %swap3A_411 = arith.constant 16 : index
    %swap3A_412 = tpu.vector_load %arg13[%swap3A_410, %swap3A_411] {strides = array<i32>} : memref<4x80xi32, #tpu.memory_space<vmem>>, vector<1x16xi32>,
    %swap3A_413 = vector.shape_cast %swap3A_412 : vector<1x16xi32> to vector<16xi32>
    %swap3A_414 = vector.shape_cast %select_n3A_408 : vector<16xi32> to vector<1x16xi32>
    tpu.vector_store %arg13[%swap3A_410, %swap3A_411], %swap3A_414 {strides = array<i32>} : memref<4x80xi32, #tpu.memory_space<vmem>>, vector<1x16xi32>,
    %get3A_415 = arith.constant 3 : i64
    %get3A_416 = arith.index_cast %get3A_415 : i64 to index
    %get3A_417 = arith.constant 32 : index
    %get3A_418 = tpu.vector_load %arg11[%get3A_416, %get3A_417] {strides = array<i32>} : memref<4x80xi32, #tpu.memory_space<vmem>>, vector<1x16xi32>,
    %get3A_419 = vector.shape_cast %get3A_418 : vector<1x16xi32> to vector<16xi32>
    %get3A_420 = arith.constant 3 : i64
    %get3A_421 = arith.index_cast %get3A_420 : i64 to index
    %get3A_422 = arith.constant 32 : index
    %get3A_423 = tpu.vector_load %arg12[%get3A_421, %get3A_422] {strides = array<i32>} : memref<4x80xi32, #tpu.memory_space<vmem>>, vector<1x16xi32>,
    %get3A_424 = vector.shape_cast %get3A_423 : vector<1x16xi32> to vector<16xi32>
    %eq3A_425 = arith.cmpi eq, %get3A_419, %get3A_424 : vector<16xi32>
    %jit3A_426 = arith.constant 2040 : i64
    %convert_element_type3A_427 = arith.trunci %jit3A_426 : i64 to i32
    %broadcast_in_dim3A_428 = vector.broadcast %convert_element_type3A_427 : i32 to vector<16xi32>
    %select_n3A_429 = arith.select %eq3A_425, %broadcast_in_dim3A_428, %get3A_424 : vector<16xi1>, vector<16xi32>
    %swap3A_430 = arith.constant 3 : i64
    %swap3A_431 = arith.index_cast %swap3A_430 : i64 to index
    %swap3A_432 = arith.constant 32 : index
    %swap3A_433 = tpu.vector_load %arg13[%swap3A_431, %swap3A_432] {strides = array<i32>} : memref<4x80xi32, #tpu.memory_space<vmem>>, vector<1x16xi32>,
    %swap3A_434 = vector.shape_cast %swap3A_433 : vector<1x16xi32> to vector<16xi32>
    %swap3A_435 = vector.shape_cast %select_n3A_429 : vector<16xi32> to vector<1x16xi32>
    tpu.vector_store %arg13[%swap3A_431, %swap3A_432], %swap3A_435 {strides = array<i32>} : memref<4x80xi32, #tpu.memory_space<vmem>>, vector<1x16xi32>,
    %get3A_436 = arith.constant 3 : i64
    %get3A_437 = arith.index_cast %get3A_436 : i64 to index
    %get3A_438 = arith.constant 48 : index
    %get3A_439 = tpu.vector_load %arg11[%get3A_437, %get3A_438] {strides = array<i32>} : memref<4x80xi32, #tpu.memory_space<vmem>>, vector<1x16xi32>,
    %get3A_440 = vector.shape_cast %get3A_439 : vector<1x16xi32> to vector<16xi32>
    %get3A_441 = arith.constant 3 : i64
    %get3A_442 = arith.index_cast %get3A_441 : i64 to index
    %get3A_443 = arith.constant 48 : index
    %get3A_444 = tpu.vector_load %arg12[%get3A_442, %get3A_443] {strides = array<i32>} : memref<4x80xi32, #tpu.memory_space<vmem>>, vector<1x16xi32>,
    %get3A_445 = vector.shape_cast %get3A_444 : vector<1x16xi32> to vector<16xi32>
    %eq3A_446 = arith.cmpi eq, %get3A_440, %get3A_445 : vector<16xi32>
    %jit3A_447 = arith.constant 2040 : i64
    %convert_element_type3A_448 = arith.trunci %jit3A_447 : i64 to i32
    %broadcast_in_dim3A_449 = vector.broadcast %convert_element_type3A_448 : i32 to vector<16xi32>
    %select_n3A_450 = arith.select %eq3A_446, %broadcast_in_dim3A_449, %get3A_445 : vector<16xi1>, vector<16xi32>
    %swap3A_451 = arith.constant 3 : i64
    %swap3A_452 = arith.index_cast %swap3A_451 : i64 to index
    %swap3A_453 = arith.constant 48 : index
    %swap3A_454 = tpu.vector_load %arg13[%swap3A_452, %swap3A_453] {strides = array<i32>} : memref<4x80xi32, #tpu.memory_space<vmem>>, vector<1x16xi32>,
    %swap3A_455 = vector.shape_cast %swap3A_454 : vector<1x16xi32> to vector<16xi32>
    %swap3A_456 = vector.shape_cast %select_n3A_450 : vector<16xi32> to vector<1x16xi32>
    tpu.vector_store %arg13[%swap3A_452, %swap3A_453], %swap3A_456 {strides = array<i32>} : memref<4x80xi32, #tpu.memory_space<vmem>>, vector<1x16xi32>,
    %get3A_457 = arith.constant 3 : i64
    %get3A_458 = arith.index_cast %get3A_457 : i64 to index
    %get3A_459 = arith.constant 64 : index
    %get3A_460 = tpu.vector_load %arg11[%get3A_458, %get3A_459] {strides = array<i32>} : memref<4x80xi32, #tpu.memory_space<vmem>>, vector<1x16xi32>,
    %get3A_461 = vector.shape_cast %get3A_460 : vector<1x16xi32> to vector<16xi32>
    %get3A_462 = arith.constant 3 : i64
    %get3A_463 = arith.index_cast %get3A_462 : i64 to index
    %get3A_464 = arith.constant 64 : index
    %get3A_465 = tpu.vector_load %arg12[%get3A_463, %get3A_464] {strides = array<i32>} : memref<4x80xi32, #tpu.memory_space<vmem>>, vector<1x16xi32>,
    %get3A_466 = vector.shape_cast %get3A_465 : vector<1x16xi32> to vector<16xi32>
    %eq3A_467 = arith.cmpi eq, %get3A_461, %get3A_466 : vector<16xi32>
    %jit3A_468 = arith.constant 2040 : i64
    %convert_element_type3A_469 = arith.trunci %jit3A_468 : i64 to i32
    %broadcast_in_dim3A_470 = vector.broadcast %convert_element_type3A_469 : i32 to vector<16xi32>
    %select_n3A_471 = arith.select %eq3A_467, %broadcast_in_dim3A_470, %get3A_466 : vector<16xi1>, vector<16xi32>
    %swap3A_472 = arith.constant 3 : i64
    %swap3A_473 = arith.index_cast %swap3A_472 : i64 to index
    %swap3A_474 = arith.constant 64 : index
    %swap3A_475 = tpu.vector_load %arg13[%swap3A_473, %swap3A_474] {strides = array<i32>} : memref<4x80xi32, #tpu.memory_space<vmem>>, vector<1x16xi32>,
    %swap3A_476 = vector.shape_cast %swap3A_475 : vector<1x16xi32> to vector<16xi32>
    %swap3A_477 = vector.shape_cast %select_n3A_471 : vector<16xi32> to vector<1x16xi32>
    tpu.vector_store %arg13[%swap3A_473, %swap3A_474], %swap3A_477 {strides = array<i32>} : memref<4x80xi32, #tpu.memory_space<vmem>>, vector<1x16xi32>,
    %barrier3A = arith.constant 0 : index
    tpu.barrier barrier_id(%barrier3A)
    %mul3A_478 = arith.constant 320 : i32
    %mul3A_479 = arith.muli %add3A, %mul3A_478 : i32
    %add3A_480 = arith.constant 0 : i32
    %add3A_481 = arith.addi %mul3A_479, %add3A_480 : i32
    %dma_wait3A = arith.constant 0 : i32
    %dma_wait3A_482 = arith.constant 0 : i32
    %dma_wait3A_483 = tpu.memref_slice %arg11[%dma_wait3A, %dma_wait3A_482] : memref<4x80xi32, #tpu.memory_space<vmem>> -> memref<1x80xi32, #tpu.memory_space<vmem>>
    %dma_wait3A_484 = tpu.memref_squeeze %dma_wait3A_483 : memref<1x80xi32, #tpu.memory_space<vmem>> -> memref<80xi32, #tpu.memory_space<vmem>>
    %dma_wait3A_485 = arith.constant 0 : i32
    %dma_wait3A_486 = arith.constant 0 : i32
    %dma_wait3A_487 = tpu.memref_slice %arg5[%dma_wait3A_485, %dma_wait3A_486] : memref<2000x128xf32, #tpu.memory_space<hbm>> -> memref<2000x128xf32, #tpu.memory_space<hbm>>
    tpu.wait_indirect_dma semaphore(%arg25 : memref<!tpu.dma_semaphore, #tpu.memory_space<semaphore_mem>>) src(%dma_wait3A_487 : memref<2000x128xf32, #tpu.memory_space<hbm>>) dst(%arg15 : memref<80x128xf32, #tpu.memory_space<vmem>>)
    %dma_wait3A_488 = arith.constant 0 : i32
    %dma_wait3A_489 = arith.constant 0 : i32
    %dma_wait3A_490 = tpu.memref_slice %arg12[%dma_wait3A_488, %dma_wait3A_489] : memref<4x80xi32, #tpu.memory_space<vmem>> -> memref<1x80xi32, #tpu.memory_space<vmem>>
    %dma_wait3A_491 = tpu.memref_squeeze %dma_wait3A_490 : memref<1x80xi32, #tpu.memory_space<vmem>> -> memref<80xi32, #tpu.memory_space<vmem>>
    %dma_wait3A_492 = arith.constant 0 : i32
    %dma_wait3A_493 = arith.constant 0 : i32
    %dma_wait3A_494 = tpu.memref_slice %arg5[%dma_wait3A_492, %dma_wait3A_493] : memref<2000x128xf32, #tpu.memory_space<hbm>> -> memref<2000x128xf32, #tpu.memory_space<hbm>>
    tpu.wait_indirect_dma semaphore(%arg28 : memref<!tpu.dma_semaphore, #tpu.memory_space<semaphore_mem>>) src(%dma_wait3A_494 : memref<2000x128xf32, #tpu.memory_space<hbm>>) dst(%arg16 : memref<80x128xf32, #tpu.memory_space<vmem>>)
    %scan3A_495 = arith.constant 0 : i32
    %scan3A_496 = arith.constant 0 : i32
    %scan3A_497 = arith.constant 80 : i32
    %scan3A_498 = arith.addi %scan3A_496, %scan3A_497 : i32
    %scan3A_499 = arith.constant 1 : i32
    scf.for %scan3A_741 = %scan3A_496 to %scan3A_498 step %scan3A_499  : i32 {
      %get3A_742 = arith.index_cast %scan3A_741 : i32 to index
      %get3A_743 = arith.constant 0 : index
      %get3A_744 = tpu.vector_load %arg15[%get3A_742, %get3A_743] {strides = array<i32>} : memref<80x128xf32, #tpu.memory_space<vmem>>, vector<1x16xf32>,
      %get3A_745 = vector.shape_cast %get3A_744 : vector<1x16xf32> to vector<16xf32>
      %get3A_746 = arith.index_cast %scan3A_741 : i32 to index
      %get3A_747 = arith.constant 0 : index
      %get3A_748 = tpu.vector_load %arg16[%get3A_746, %get3A_747] {strides = array<i32>} : memref<80x128xf32, #tpu.memory_space<vmem>>, vector<1x16xf32>,
      %get3A_749 = vector.shape_cast %get3A_748 : vector<1x16xf32> to vector<16xf32>
      %mul3A_750 = arith.constant 5.000000e-01 : f32
      %mul3A_751 = vector.broadcast %mul3A_750 : f32 to vector<16xf32>
      %mul3A_752 = arith.mulf %mul3A_751, %get3A_745 : vector<16xf32>
      %mul3A_753 = arith.constant 1.500000e+00 : f32
      %mul3A_754 = vector.broadcast %mul3A_753 : f32 to vector<16xf32>
      %mul3A_755 = arith.mulf %mul3A_754, %get3A_749 : vector<16xf32>
      %add3A_756 = arith.addf %mul3A_752, %mul3A_755 : vector<16xf32>
      %max3A = arith.constant 0.000000e+00 : f32
      %max3A_757 = vector.broadcast %max3A : f32 to vector<16xf32>
      %max3A_758 = arith.maximumf %add3A_756, %max3A_757 : vector<16xf32>
      %swap3A_759 = arith.index_cast %scan3A_741 : i32 to index
      %swap3A_760 = arith.constant 0 : index
      %swap3A_761 = tpu.vector_load %arg15[%swap3A_759, %swap3A_760] {strides = array<i32>} : memref<80x128xf32, #tpu.memory_space<vmem>>, vector<1x16xf32>,
      %swap3A_762 = vector.shape_cast %swap3A_761 : vector<1x16xf32> to vector<16xf32>
      %swap3A_763 = vector.shape_cast %max3A_758 : vector<16xf32> to vector<1x16xf32>
      tpu.vector_store %arg15[%swap3A_759, %swap3A_760], %swap3A_763 {strides = array<i32>} : memref<80x128xf32, #tpu.memory_space<vmem>>, vector<1x16xf32>,
      %mul3A_764 = arith.constant 5.000000e-01 : f32
      %mul3A_765 = vector.broadcast %mul3A_764 : f32 to vector<16xf32>
      %mul3A_766 = arith.mulf %mul3A_765, %get3A_745 : vector<16xf32>
      %mul3A_767 = arith.constant 5.000000e-01 : f32
      %mul3A_768 = vector.broadcast %mul3A_767 : f32 to vector<16xf32>
      %mul3A_769 = arith.mulf %mul3A_768, %get3A_749 : vector<16xf32>
      %add3A_770 = arith.addf %mul3A_766, %mul3A_769 : vector<16xf32>
      %swap3A_771 = arith.index_cast %scan3A_741 : i32 to index
      %swap3A_772 = arith.constant 0 : index
      %swap3A_773 = tpu.vector_load %arg16[%swap3A_771, %swap3A_772] {strides = array<i32>} : memref<80x128xf32, #tpu.memory_space<vmem>>, vector<1x16xf32>,
      %swap3A_774 = vector.shape_cast %swap3A_773 : vector<1x16xf32> to vector<16xf32>
      %swap3A_775 = vector.shape_cast %add3A_770 : vector<16xf32> to vector<1x16xf32>
      tpu.vector_store %arg16[%swap3A_771, %swap3A_772], %swap3A_775 {strides = array<i32>} : memref<80x128xf32, #tpu.memory_space<vmem>>, vector<1x16xf32>,
      %get3A_776 = arith.index_cast %scan3A_741 : i32 to index
      %get3A_777 = arith.constant 16 : index
      %get3A_778 = tpu.vector_load %arg15[%get3A_776, %get3A_777] {strides = array<i32>} : memref<80x128xf32, #tpu.memory_space<vmem>>, vector<1x16xf32>,
      %get3A_779 = vector.shape_cast %get3A_778 : vector<1x16xf32> to vector<16xf32>
      %get3A_780 = arith.index_cast %scan3A_741 : i32 to index
      %get3A_781 = arith.constant 16 : index
      %get3A_782 = tpu.vector_load %arg16[%get3A_780, %get3A_781] {strides = array<i32>} : memref<80x128xf32, #tpu.memory_space<vmem>>, vector<1x16xf32>,
      %get3A_783 = vector.shape_cast %get3A_782 : vector<1x16xf32> to vector<16xf32>
      %mul3A_784 = arith.constant 5.000000e-01 : f32
      %mul3A_785 = vector.broadcast %mul3A_784 : f32 to vector<16xf32>
      %mul3A_786 = arith.mulf %mul3A_785, %get3A_779 : vector<16xf32>
      %mul3A_787 = arith.constant 1.500000e+00 : f32
      %mul3A_788 = vector.broadcast %mul3A_787 : f32 to vector<16xf32>
      %mul3A_789 = arith.mulf %mul3A_788, %get3A_783 : vector<16xf32>
      %add3A_790 = arith.addf %mul3A_786, %mul3A_789 : vector<16xf32>
      %max3A_791 = arith.constant 0.000000e+00 : f32
      %max3A_792 = vector.broadcast %max3A_791 : f32 to vector<16xf32>
      %max3A_793 = arith.maximumf %add3A_790, %max3A_792 : vector<16xf32>
      %swap3A_794 = arith.index_cast %scan3A_741 : i32 to index
      %swap3A_795 = arith.constant 16 : index
      %swap3A_796 = tpu.vector_load %arg15[%swap3A_794, %swap3A_795] {strides = array<i32>} : memref<80x128xf32, #tpu.memory_space<vmem>>, vector<1x16xf32>,
      %swap3A_797 = vector.shape_cast %swap3A_796 : vector<1x16xf32> to vector<16xf32>
      %swap3A_798 = vector.shape_cast %max3A_793 : vector<16xf32> to vector<1x16xf32>
      tpu.vector_store %arg15[%swap3A_794, %swap3A_795], %swap3A_798 {strides = array<i32>} : memref<80x128xf32, #tpu.memory_space<vmem>>, vector<1x16xf32>,
      %mul3A_799 = arith.constant 5.000000e-01 : f32
      %mul3A_800 = vector.broadcast %mul3A_799 : f32 to vector<16xf32>
      %mul3A_801 = arith.mulf %mul3A_800, %get3A_779 : vector<16xf32>
      %mul3A_802 = arith.constant 5.000000e-01 : f32
      %mul3A_803 = vector.broadcast %mul3A_802 : f32 to vector<16xf32>
      %mul3A_804 = arith.mulf %mul3A_803, %get3A_783 : vector<16xf32>
      %add3A_805 = arith.addf %mul3A_801, %mul3A_804 : vector<16xf32>
      %swap3A_806 = arith.index_cast %scan3A_741 : i32 to index
      %swap3A_807 = arith.constant 16 : index
      %swap3A_808 = tpu.vector_load %arg16[%swap3A_806, %swap3A_807] {strides = array<i32>} : memref<80x128xf32, #tpu.memory_space<vmem>>, vector<1x16xf32>,
      %swap3A_809 = vector.shape_cast %swap3A_808 : vector<1x16xf32> to vector<16xf32>
      %swap3A_810 = vector.shape_cast %add3A_805 : vector<16xf32> to vector<1x16xf32>
      tpu.vector_store %arg16[%swap3A_806, %swap3A_807], %swap3A_810 {strides = array<i32>} : memref<80x128xf32, #tpu.memory_space<vmem>>, vector<1x16xf32>,
      %get3A_811 = arith.index_cast %scan3A_741 : i32 to index
      %get3A_812 = arith.constant 32 : index
      %get3A_813 = tpu.vector_load %arg15[%get3A_811, %get3A_812] {strides = array<i32>} : memref<80x128xf32, #tpu.memory_space<vmem>>, vector<1x16xf32>,
      %get3A_814 = vector.shape_cast %get3A_813 : vector<1x16xf32> to vector<16xf32>
      %get3A_815 = arith.index_cast %scan3A_741 : i32 to index
      %get3A_816 = arith.constant 32 : index
      %get3A_817 = tpu.vector_load %arg16[%get3A_815, %get3A_816] {strides = array<i32>} : memref<80x128xf32, #tpu.memory_space<vmem>>, vector<1x16xf32>,
      %get3A_818 = vector.shape_cast %get3A_817 : vector<1x16xf32> to vector<16xf32>
      %mul3A_819 = arith.constant 5.000000e-01 : f32
      %mul3A_820 = vector.broadcast %mul3A_819 : f32 to vector<16xf32>
      %mul3A_821 = arith.mulf %mul3A_820, %get3A_814 : vector<16xf32>
      %mul3A_822 = arith.constant 1.500000e+00 : f32
      %mul3A_823 = vector.broadcast %mul3A_822 : f32 to vector<16xf32>
      %mul3A_824 = arith.mulf %mul3A_823, %get3A_818 : vector<16xf32>
      %add3A_825 = arith.addf %mul3A_821, %mul3A_824 : vector<16xf32>
      %max3A_826 = arith.constant 0.000000e+00 : f32
      %max3A_827 = vector.broadcast %max3A_826 : f32 to vector<16xf32>
      %max3A_828 = arith.maximumf %add3A_825, %max3A_827 : vector<16xf32>
      %swap3A_829 = arith.index_cast %scan3A_741 : i32 to index
      %swap3A_830 = arith.constant 32 : index
      %swap3A_831 = tpu.vector_load %arg15[%swap3A_829, %swap3A_830] {strides = array<i32>} : memref<80x128xf32, #tpu.memory_space<vmem>>, vector<1x16xf32>,
      %swap3A_832 = vector.shape_cast %swap3A_831 : vector<1x16xf32> to vector<16xf32>
      %swap3A_833 = vector.shape_cast %max3A_828 : vector<16xf32> to vector<1x16xf32>
      tpu.vector_store %arg15[%swap3A_829, %swap3A_830], %swap3A_833 {strides = array<i32>} : memref<80x128xf32, #tpu.memory_space<vmem>>, vector<1x16xf32>,
      %mul3A_834 = arith.constant 5.000000e-01 : f32
      %mul3A_835 = vector.broadcast %mul3A_834 : f32 to vector<16xf32>
      %mul3A_836 = arith.mulf %mul3A_835, %get3A_814 : vector<16xf32>
      %mul3A_837 = arith.constant 5.000000e-01 : f32
      %mul3A_838 = vector.broadcast %mul3A_837 : f32 to vector<16xf32>
      %mul3A_839 = arith.mulf %mul3A_838, %get3A_818 : vector<16xf32>
      %add3A_840 = arith.addf %mul3A_836, %mul3A_839 : vector<16xf32>
      %swap3A_841 = arith.index_cast %scan3A_741 : i32 to index
      %swap3A_842 = arith.constant 32 : index
      %swap3A_843 = tpu.vector_load %arg16[%swap3A_841, %swap3A_842] {strides = array<i32>} : memref<80x128xf32, #tpu.memory_space<vmem>>, vector<1x16xf32>,
      %swap3A_844 = vector.shape_cast %swap3A_843 : vector<1x16xf32> to vector<16xf32>
      %swap3A_845 = vector.shape_cast %add3A_840 : vector<16xf32> to vector<1x16xf32>
      tpu.vector_store %arg16[%swap3A_841, %swap3A_842], %swap3A_845 {strides = array<i32>} : memref<80x128xf32, #tpu.memory_space<vmem>>, vector<1x16xf32>,
      %get3A_846 = arith.index_cast %scan3A_741 : i32 to index
      %get3A_847 = arith.constant 48 : index
      %get3A_848 = tpu.vector_load %arg15[%get3A_846, %get3A_847] {strides = array<i32>} : memref<80x128xf32, #tpu.memory_space<vmem>>, vector<1x16xf32>,
      %get3A_849 = vector.shape_cast %get3A_848 : vector<1x16xf32> to vector<16xf32>
      %get3A_850 = arith.index_cast %scan3A_741 : i32 to index
      %get3A_851 = arith.constant 48 : index
      %get3A_852 = tpu.vector_load %arg16[%get3A_850, %get3A_851] {strides = array<i32>} : memref<80x128xf32, #tpu.memory_space<vmem>>, vector<1x16xf32>,
      %get3A_853 = vector.shape_cast %get3A_852 : vector<1x16xf32> to vector<16xf32>
      %mul3A_854 = arith.constant 5.000000e-01 : f32
      %mul3A_855 = vector.broadcast %mul3A_854 : f32 to vector<16xf32>
      %mul3A_856 = arith.mulf %mul3A_855, %get3A_849 : vector<16xf32>
      %mul3A_857 = arith.constant 1.500000e+00 : f32
      %mul3A_858 = vector.broadcast %mul3A_857 : f32 to vector<16xf32>
      %mul3A_859 = arith.mulf %mul3A_858, %get3A_853 : vector<16xf32>
      %add3A_860 = arith.addf %mul3A_856, %mul3A_859 : vector<16xf32>
      %max3A_861 = arith.constant 0.000000e+00 : f32
      %max3A_862 = vector.broadcast %max3A_861 : f32 to vector<16xf32>
      %max3A_863 = arith.maximumf %add3A_860, %max3A_862 : vector<16xf32>
      %swap3A_864 = arith.index_cast %scan3A_741 : i32 to index
      %swap3A_865 = arith.constant 48 : index
      %swap3A_866 = tpu.vector_load %arg15[%swap3A_864, %swap3A_865] {strides = array<i32>} : memref<80x128xf32, #tpu.memory_space<vmem>>, vector<1x16xf32>,
      %swap3A_867 = vector.shape_cast %swap3A_866 : vector<1x16xf32> to vector<16xf32>
      %swap3A_868 = vector.shape_cast %max3A_863 : vector<16xf32> to vector<1x16xf32>
      tpu.vector_store %arg15[%swap3A_864, %swap3A_865], %swap3A_868 {strides = array<i32>} : memref<80x128xf32, #tpu.memory_space<vmem>>, vector<1x16xf32>,
      %mul3A_869 = arith.constant 5.000000e-01 : f32
      %mul3A_870 = vector.broadcast %mul3A_869 : f32 to vector<16xf32>
      %mul3A_871 = arith.mulf %mul3A_870, %get3A_849 : vector<16xf32>
      %mul3A_872 = arith.constant 5.000000e-01 : f32
      %mul3A_873 = vector.broadcast %mul3A_872 : f32 to vector<16xf32>
      %mul3A_874 = arith.mulf %mul3A_873, %get3A_853 : vector<16xf32>
      %add3A_875 = arith.addf %mul3A_871, %mul3A_874 : vector<16xf32>
      %swap3A_876 = arith.index_cast %scan3A_741 : i32 to index
      %swap3A_877 = arith.constant 48 : index
      %swap3A_878 = tpu.vector_load %arg16[%swap3A_876, %swap3A_877] {strides = array<i32>} : memref<80x128xf32, #tpu.memory_space<vmem>>, vector<1x16xf32>,
      %swap3A_879 = vector.shape_cast %swap3A_878 : vector<1x16xf32> to vector<16xf32>
      %swap3A_880 = vector.shape_cast %add3A_875 : vector<16xf32> to vector<1x16xf32>
      tpu.vector_store %arg16[%swap3A_876, %swap3A_877], %swap3A_880 {strides = array<i32>} : memref<80x128xf32, #tpu.memory_space<vmem>>, vector<1x16xf32>,
      %get3A_881 = arith.index_cast %scan3A_741 : i32 to index
      %get3A_882 = arith.constant 64 : index
      %get3A_883 = tpu.vector_load %arg15[%get3A_881, %get3A_882] {strides = array<i32>} : memref<80x128xf32, #tpu.memory_space<vmem>>, vector<1x16xf32>,
      %get3A_884 = vector.shape_cast %get3A_883 : vector<1x16xf32> to vector<16xf32>
      %get3A_885 = arith.index_cast %scan3A_741 : i32 to index
      %get3A_886 = arith.constant 64 : index
      %get3A_887 = tpu.vector_load %arg16[%get3A_885, %get3A_886] {strides = array<i32>} : memref<80x128xf32, #tpu.memory_space<vmem>>, vector<1x16xf32>,
      %get3A_888 = vector.shape_cast %get3A_887 : vector<1x16xf32> to vector<16xf32>
      %mul3A_889 = arith.constant 5.000000e-01 : f32
      %mul3A_890 = vector.broadcast %mul3A_889 : f32 to vector<16xf32>
      %mul3A_891 = arith.mulf %mul3A_890, %get3A_884 : vector<16xf32>
      %mul3A_892 = arith.constant 1.500000e+00 : f32
      %mul3A_893 = vector.broadcast %mul3A_892 : f32 to vector<16xf32>
      %mul3A_894 = arith.mulf %mul3A_893, %get3A_888 : vector<16xf32>
      %add3A_895 = arith.addf %mul3A_891, %mul3A_894 : vector<16xf32>
      %max3A_896 = arith.constant 0.000000e+00 : f32
      %max3A_897 = vector.broadcast %max3A_896 : f32 to vector<16xf32>
      %max3A_898 = arith.maximumf %add3A_895, %max3A_897 : vector<16xf32>
      %swap3A_899 = arith.index_cast %scan3A_741 : i32 to index
      %swap3A_900 = arith.constant 64 : index
      %swap3A_901 = tpu.vector_load %arg15[%swap3A_899, %swap3A_900] {strides = array<i32>} : memref<80x128xf32, #tpu.memory_space<vmem>>, vector<1x16xf32>,
      %swap3A_902 = vector.shape_cast %swap3A_901 : vector<1x16xf32> to vector<16xf32>
      %swap3A_903 = vector.shape_cast %max3A_898 : vector<16xf32> to vector<1x16xf32>
      tpu.vector_store %arg15[%swap3A_899, %swap3A_900], %swap3A_903 {strides = array<i32>} : memref<80x128xf32, #tpu.memory_space<vmem>>, vector<1x16xf32>,
      %mul3A_904 = arith.constant 5.000000e-01 : f32
      %mul3A_905 = vector.broadcast %mul3A_904 : f32 to vector<16xf32>
      %mul3A_906 = arith.mulf %mul3A_905, %get3A_884 : vector<16xf32>
      %mul3A_907 = arith.constant 5.000000e-01 : f32
      %mul3A_908 = vector.broadcast %mul3A_907 : f32 to vector<16xf32>
      %mul3A_909 = arith.mulf %mul3A_908, %get3A_888 : vector<16xf32>
      %add3A_910 = arith.addf %mul3A_906, %mul3A_909 : vector<16xf32>
      %swap3A_911 = arith.index_cast %scan3A_741 : i32 to index
      %swap3A_912 = arith.constant 64 : index
      %swap3A_913 = tpu.vector_load %arg16[%swap3A_911, %swap3A_912] {strides = array<i32>} : memref<80x128xf32, #tpu.memory_space<vmem>>, vector<1x16xf32>,
      %swap3A_914 = vector.shape_cast %swap3A_913 : vector<1x16xf32> to vector<16xf32>
      %swap3A_915 = vector.shape_cast %add3A_910 : vector<16xf32> to vector<1x16xf32>
      tpu.vector_store %arg16[%swap3A_911, %swap3A_912], %swap3A_915 {strides = array<i32>} : memref<80x128xf32, #tpu.memory_space<vmem>>, vector<1x16xf32>,
      %get3A_916 = arith.index_cast %scan3A_741 : i32 to index
      %get3A_917 = arith.constant 80 : index
      %get3A_918 = tpu.vector_load %arg15[%get3A_916, %get3A_917] {strides = array<i32>} : memref<80x128xf32, #tpu.memory_space<vmem>>, vector<1x16xf32>,
      %get3A_919 = vector.shape_cast %get3A_918 : vector<1x16xf32> to vector<16xf32>
      %get3A_920 = arith.index_cast %scan3A_741 : i32 to index
      %get3A_921 = arith.constant 80 : index
      %get3A_922 = tpu.vector_load %arg16[%get3A_920, %get3A_921] {strides = array<i32>} : memref<80x128xf32, #tpu.memory_space<vmem>>, vector<1x16xf32>,
      %get3A_923 = vector.shape_cast %get3A_922 : vector<1x16xf32> to vector<16xf32>
      %mul3A_924 = arith.constant 5.000000e-01 : f32
      %mul3A_925 = vector.broadcast %mul3A_924 : f32 to vector<16xf32>
      %mul3A_926 = arith.mulf %mul3A_925, %get3A_919 : vector<16xf32>
      %mul3A_927 = arith.constant 1.500000e+00 : f32
      %mul3A_928 = vector.broadcast %mul3A_927 : f32 to vector<16xf32>
      %mul3A_929 = arith.mulf %mul3A_928, %get3A_923 : vector<16xf32>
      %add3A_930 = arith.addf %mul3A_926, %mul3A_929 : vector<16xf32>
      %max3A_931 = arith.constant 0.000000e+00 : f32
      %max3A_932 = vector.broadcast %max3A_931 : f32 to vector<16xf32>
      %max3A_933 = arith.maximumf %add3A_930, %max3A_932 : vector<16xf32>
      %swap3A_934 = arith.index_cast %scan3A_741 : i32 to index
      %swap3A_935 = arith.constant 80 : index
      %swap3A_936 = tpu.vector_load %arg15[%swap3A_934, %swap3A_935] {strides = array<i32>} : memref<80x128xf32, #tpu.memory_space<vmem>>, vector<1x16xf32>,
      %swap3A_937 = vector.shape_cast %swap3A_936 : vector<1x16xf32> to vector<16xf32>
      %swap3A_938 = vector.shape_cast %max3A_933 : vector<16xf32> to vector<1x16xf32>
      tpu.vector_store %arg15[%swap3A_934, %swap3A_935], %swap3A_938 {strides = array<i32>} : memref<80x128xf32, #tpu.memory_space<vmem>>, vector<1x16xf32>,
      %mul3A_939 = arith.constant 5.000000e-01 : f32
      %mul3A_940 = vector.broadcast %mul3A_939 : f32 to vector<16xf32>
      %mul3A_941 = arith.mulf %mul3A_940, %get3A_919 : vector<16xf32>
      %mul3A_942 = arith.constant 5.000000e-01 : f32
      %mul3A_943 = vector.broadcast %mul3A_942 : f32 to vector<16xf32>
      %mul3A_944 = arith.mulf %mul3A_943, %get3A_923 : vector<16xf32>
      %add3A_945 = arith.addf %mul3A_941, %mul3A_944 : vector<16xf32>
      %swap3A_946 = arith.index_cast %scan3A_741 : i32 to index
      %swap3A_947 = arith.constant 80 : index
      %swap3A_948 = tpu.vector_load %arg16[%swap3A_946, %swap3A_947] {strides = array<i32>} : memref<80x128xf32, #tpu.memory_space<vmem>>, vector<1x16xf32>,
      %swap3A_949 = vector.shape_cast %swap3A_948 : vector<1x16xf32> to vector<16xf32>
      %swap3A_950 = vector.shape_cast %add3A_945 : vector<16xf32> to vector<1x16xf32>
      tpu.vector_store %arg16[%swap3A_946, %swap3A_947], %swap3A_950 {strides = array<i32>} : memref<80x128xf32, #tpu.memory_space<vmem>>, vector<1x16xf32>,
      %get3A_951 = arith.index_cast %scan3A_741 : i32 to index
      %get3A_952 = arith.constant 96 : index
      %get3A_953 = tpu.vector_load %arg15[%get3A_951, %get3A_952] {strides = array<i32>} : memref<80x128xf32, #tpu.memory_space<vmem>>, vector<1x16xf32>,
      %get3A_954 = vector.shape_cast %get3A_953 : vector<1x16xf32> to vector<16xf32>
      %get3A_955 = arith.index_cast %scan3A_741 : i32 to index
      %get3A_956 = arith.constant 96 : index
      %get3A_957 = tpu.vector_load %arg16[%get3A_955, %get3A_956] {strides = array<i32>} : memref<80x128xf32, #tpu.memory_space<vmem>>, vector<1x16xf32>,
      %get3A_958 = vector.shape_cast %get3A_957 : vector<1x16xf32> to vector<16xf32>
      %mul3A_959 = arith.constant 5.000000e-01 : f32
      %mul3A_960 = vector.broadcast %mul3A_959 : f32 to vector<16xf32>
      %mul3A_961 = arith.mulf %mul3A_960, %get3A_954 : vector<16xf32>
      %mul3A_962 = arith.constant 1.500000e+00 : f32
      %mul3A_963 = vector.broadcast %mul3A_962 : f32 to vector<16xf32>
      %mul3A_964 = arith.mulf %mul3A_963, %get3A_958 : vector<16xf32>
      %add3A_965 = arith.addf %mul3A_961, %mul3A_964 : vector<16xf32>
      %max3A_966 = arith.constant 0.000000e+00 : f32
      %max3A_967 = vector.broadcast %max3A_966 : f32 to vector<16xf32>
      %max3A_968 = arith.maximumf %add3A_965, %max3A_967 : vector<16xf32>
      %swap3A_969 = arith.index_cast %scan3A_741 : i32 to index
      %swap3A_970 = arith.constant 96 : index
      %swap3A_971 = tpu.vector_load %arg15[%swap3A_969, %swap3A_970] {strides = array<i32>} : memref<80x128xf32, #tpu.memory_space<vmem>>, vector<1x16xf32>,
      %swap3A_972 = vector.shape_cast %swap3A_971 : vector<1x16xf32> to vector<16xf32>
      %swap3A_973 = vector.shape_cast %max3A_968 : vector<16xf32> to vector<1x16xf32>
      tpu.vector_store %arg15[%swap3A_969, %swap3A_970], %swap3A_973 {strides = array<i32>} : memref<80x128xf32, #tpu.memory_space<vmem>>, vector<1x16xf32>,
      %mul3A_974 = arith.constant 5.000000e-01 : f32
      %mul3A_975 = vector.broadcast %mul3A_974 : f32 to vector<16xf32>
      %mul3A_976 = arith.mulf %mul3A_975, %get3A_954 : vector<16xf32>
      %mul3A_977 = arith.constant 5.000000e-01 : f32
      %mul3A_978 = vector.broadcast %mul3A_977 : f32 to vector<16xf32>
      %mul3A_979 = arith.mulf %mul3A_978, %get3A_958 : vector<16xf32>
      %add3A_980 = arith.addf %mul3A_976, %mul3A_979 : vector<16xf32>
      %swap3A_981 = arith.index_cast %scan3A_741 : i32 to index
      %swap3A_982 = arith.constant 96 : index
      %swap3A_983 = tpu.vector_load %arg16[%swap3A_981, %swap3A_982] {strides = array<i32>} : memref<80x128xf32, #tpu.memory_space<vmem>>, vector<1x16xf32>,
      %swap3A_984 = vector.shape_cast %swap3A_983 : vector<1x16xf32> to vector<16xf32>
      %swap3A_985 = vector.shape_cast %add3A_980 : vector<16xf32> to vector<1x16xf32>
      tpu.vector_store %arg16[%swap3A_981, %swap3A_982], %swap3A_985 {strides = array<i32>} : memref<80x128xf32, #tpu.memory_space<vmem>>, vector<1x16xf32>,
      %get3A_986 = arith.index_cast %scan3A_741 : i32 to index
      %get3A_987 = arith.constant 112 : index
      %get3A_988 = tpu.vector_load %arg15[%get3A_986, %get3A_987] {strides = array<i32>} : memref<80x128xf32, #tpu.memory_space<vmem>>, vector<1x16xf32>,
      %get3A_989 = vector.shape_cast %get3A_988 : vector<1x16xf32> to vector<16xf32>
      %get3A_990 = arith.index_cast %scan3A_741 : i32 to index
      %get3A_991 = arith.constant 112 : index
      %get3A_992 = tpu.vector_load %arg16[%get3A_990, %get3A_991] {strides = array<i32>} : memref<80x128xf32, #tpu.memory_space<vmem>>, vector<1x16xf32>,
      %get3A_993 = vector.shape_cast %get3A_992 : vector<1x16xf32> to vector<16xf32>
      %mul3A_994 = arith.constant 5.000000e-01 : f32
      %mul3A_995 = vector.broadcast %mul3A_994 : f32 to vector<16xf32>
      %mul3A_996 = arith.mulf %mul3A_995, %get3A_989 : vector<16xf32>
      %mul3A_997 = arith.constant 1.500000e+00 : f32
      %mul3A_998 = vector.broadcast %mul3A_997 : f32 to vector<16xf32>
      %mul3A_999 = arith.mulf %mul3A_998, %get3A_993 : vector<16xf32>
      %add3A_1000 = arith.addf %mul3A_996, %mul3A_999 : vector<16xf32>
      %max3A_1001 = arith.constant 0.000000e+00 : f32
      %max3A_1002 = vector.broadcast %max3A_1001 : f32 to vector<16xf32>
      %max3A_1003 = arith.maximumf %add3A_1000, %max3A_1002 : vector<16xf32>
      %swap3A_1004 = arith.index_cast %scan3A_741 : i32 to index
      %swap3A_1005 = arith.constant 112 : index
      %swap3A_1006 = tpu.vector_load %arg15[%swap3A_1004, %swap3A_1005] {strides = array<i32>} : memref<80x128xf32, #tpu.memory_space<vmem>>, vector<1x16xf32>,
      %swap3A_1007 = vector.shape_cast %swap3A_1006 : vector<1x16xf32> to vector<16xf32>
      %swap3A_1008 = vector.shape_cast %max3A_1003 : vector<16xf32> to vector<1x16xf32>
      tpu.vector_store %arg15[%swap3A_1004, %swap3A_1005], %swap3A_1008 {strides = array<i32>} : memref<80x128xf32, #tpu.memory_space<vmem>>, vector<1x16xf32>,
      %mul3A_1009 = arith.constant 5.000000e-01 : f32
      %mul3A_1010 = vector.broadcast %mul3A_1009 : f32 to vector<16xf32>
      %mul3A_1011 = arith.mulf %mul3A_1010, %get3A_989 : vector<16xf32>
      %mul3A_1012 = arith.constant 5.000000e-01 : f32
      %mul3A_1013 = vector.broadcast %mul3A_1012 : f32 to vector<16xf32>
      %mul3A_1014 = arith.mulf %mul3A_1013, %get3A_993 : vector<16xf32>
      %add3A_1015 = arith.addf %mul3A_1011, %mul3A_1014 : vector<16xf32>
      %swap3A_1016 = arith.index_cast %scan3A_741 : i32 to index
      %swap3A_1017 = arith.constant 112 : index
      %swap3A_1018 = tpu.vector_load %arg16[%swap3A_1016, %swap3A_1017] {strides = array<i32>} : memref<80x128xf32, #tpu.memory_space<vmem>>, vector<1x16xf32>,
      %swap3A_1019 = vector.shape_cast %swap3A_1018 : vector<1x16xf32> to vector<16xf32>
      %swap3A_1020 = vector.shape_cast %add3A_1015 : vector<16xf32> to vector<1x16xf32>
      tpu.vector_store %arg16[%swap3A_1016, %swap3A_1017], %swap3A_1020 {strides = array<i32>} : memref<80x128xf32, #tpu.memory_space<vmem>>, vector<1x16xf32>,
    }
    %scan3A_500 = arith.constant 80 : i32
    %dma_start3A_501 = arith.constant 0 : i32
    %dma_start3A_502 = arith.constant 0 : i32
    %dma_start3A_503 = tpu.memref_slice %arg13[%dma_start3A_501, %dma_start3A_502] : memref<4x80xi32, #tpu.memory_space<vmem>> -> memref<1x80xi32, #tpu.memory_space<vmem>>
    %dma_start3A_504 = tpu.memref_squeeze %dma_start3A_503 : memref<1x80xi32, #tpu.memory_space<vmem>> -> memref<80xi32, #tpu.memory_space<vmem>>
    %dma_start3A_505 = arith.constant 0 : i32
    %dma_start3A_506 = arith.constant 0 : i32
    %dma_start3A_507 = tpu.memref_slice %arg23[%dma_start3A_505, %dma_start3A_506] : memref<2048x128xf32, #tpu.memory_space<vmem_shared>> -> memref<2048x128xf32, #tpu.memory_space<vmem_shared>>
    tpu.enqueue_indirect_dma source(%arg15 : memref<80x128xf32, #tpu.memory_space<vmem>>) target(%dma_start3A_507 : memref<2048x128xf32, #tpu.memory_space<vmem_shared>>) offsets(%dma_start3A_504 : memref<80xi32, #tpu.memory_space<vmem>>) semaphore(%arg31 : memref<!tpu.dma_semaphore, #tpu.memory_space<semaphore_mem>>) {add = true}
    %dma_start3A_508 = arith.constant 0 : i32
    %dma_start3A_509 = arith.constant 0 : i32
    %dma_start3A_510 = tpu.memref_slice %arg14[%dma_start3A_508, %dma_start3A_509] : memref<4x80xi32, #tpu.memory_space<vmem>> -> memref<1x80xi32, #tpu.memory_space<vmem>>
    %dma_start3A_511 = tpu.memref_squeeze %dma_start3A_510 : memref<1x80xi32, #tpu.memory_space<vmem>> -> memref<80xi32, #tpu.memory_space<vmem>>
    %dma_start3A_512 = arith.constant 0 : i32
    %dma_start3A_513 = arith.constant 0 : i32
    %dma_start3A_514 = tpu.memref_slice %arg24[%dma_start3A_512, %dma_start3A_513] : memref<2048x128xf32, #tpu.memory_space<vmem_shared>> -> memref<2048x128xf32, #tpu.memory_space<vmem_shared>>
    tpu.enqueue_indirect_dma source(%arg21 : memref<80x128xf32, #tpu.memory_space<vmem>>) target(%dma_start3A_514 : memref<2048x128xf32, #tpu.memory_space<vmem_shared>>) offsets(%dma_start3A_511 : memref<80xi32, #tpu.memory_space<vmem>>) semaphore(%arg32 : memref<!tpu.dma_semaphore, #tpu.memory_space<semaphore_mem>>) {add = true}
    %dma_start3A_515 = arith.constant 0 : i32
    %dma_start3A_516 = tpu.memref_slice %arg6[%add3A_481, %dma_start3A_515] : memref<10240x128xf32, #tpu.memory_space<hbm>> -> memref<80x128xf32, #tpu.memory_space<hbm>>
    %dma_start3A_517 = arith.constant 0 : i32
    %dma_start3A_518 = tpu.memref_slice %arg6[%add3A_481, %dma_start3A_517] : memref<10240x128xf32, #tpu.memory_space<hbm>> -> memref<80x128xf32, #tpu.memory_space<hbm>>
    tpu.enqueue_dma source(%arg16 : memref<80x128xf32, #tpu.memory_space<vmem>>) target(%dma_start3A_518 : memref<80x128xf32, #tpu.memory_space<hbm>>) target_semaphore(%arg33 : memref<!tpu.dma_semaphore, #tpu.memory_space<semaphore_mem>>)
    %mul3A_519 = arith.constant 320 : i32
    %mul3A_520 = arith.muli %add3A, %mul3A_519 : i32
    %add3A_521 = arith.constant 80 : i32
    %add3A_522 = arith.addi %mul3A_520, %add3A_521 : i32
    %dma_wait3A_523 = arith.constant 0 : i32
    %dma_wait3A_524 = arith.constant 0 : i32
    %dma_wait3A_525 = tpu.memref_slice %arg13[%dma_wait3A_523, %dma_wait3A_524] : memref<4x80xi32, #tpu.memory_space<vmem>> -> memref<1x80xi32, #tpu.memory_space<vmem>>
    %dma_wait3A_526 = tpu.memref_squeeze %dma_wait3A_525 : memref<1x80xi32, #tpu.memory_space<vmem>> -> memref<80xi32, #tpu.memory_space<vmem>>
    %dma_wait3A_527 = arith.constant 0 : i32
    %dma_wait3A_528 = arith.constant 0 : i32
    %dma_wait3A_529 = tpu.memref_slice %arg23[%dma_wait3A_527, %dma_wait3A_528] : memref<2048x128xf32, #tpu.memory_space<vmem_shared>> -> memref<2048x128xf32, #tpu.memory_space<vmem_shared>>
    tpu.wait_indirect_dma semaphore(%arg31 : memref<!tpu.dma_semaphore, #tpu.memory_space<semaphore_mem>>) src(%arg15 : memref<80x128xf32, #tpu.memory_space<vmem>>) dst(%dma_wait3A_529 : memref<2048x128xf32, #tpu.memory_space<vmem_shared>>)
    %dma_wait3A_530 = arith.constant 0 : i32
    %dma_wait3A_531 = arith.constant 0 : i32
    %dma_wait3A_532 = tpu.memref_slice %arg14[%dma_wait3A_530, %dma_wait3A_531] : memref<4x80xi32, #tpu.memory_space<vmem>> -> memref<1x80xi32, #tpu.memory_space<vmem>>
    %dma_wait3A_533 = tpu.memref_squeeze %dma_wait3A_532 : memref<1x80xi32, #tpu.memory_space<vmem>> -> memref<80xi32, #tpu.memory_space<vmem>>
    %dma_wait3A_534 = arith.constant 0 : i32
    %dma_wait3A_535 = arith.constant 0 : i32
    %dma_wait3A_536 = tpu.memref_slice %arg24[%dma_wait3A_534, %dma_wait3A_535] : memref<2048x128xf32, #tpu.memory_space<vmem_shared>> -> memref<2048x128xf32, #tpu.memory_space<vmem_shared>>
    tpu.wait_indirect_dma semaphore(%arg32 : memref<!tpu.dma_semaphore, #tpu.memory_space<semaphore_mem>>) src(%arg21 : memref<80x128xf32, #tpu.memory_space<vmem>>) dst(%dma_wait3A_536 : memref<2048x128xf32, #tpu.memory_space<vmem_shared>>)
    %dma_wait3A_537 = arith.constant 0 : i32
    %dma_wait3A_538 = tpu.memref_slice %arg6[%add3A_481, %dma_wait3A_537] : memref<10240x128xf32, #tpu.memory_space<hbm>> -> memref<80x128xf32, #tpu.memory_space<hbm>>
    %dma_wait3A_539 = arith.constant 0 : i32
    %dma_wait3A_540 = tpu.memref_slice %arg6[%add3A_481, %dma_wait3A_539] : memref<10240x128xf32, #tpu.memory_space<hbm>> -> memref<80x128xf32, #tpu.memory_space<hbm>>
    tpu.wait_dma2 semaphore(%arg33 : memref<!tpu.dma_semaphore, #tpu.memory_space<semaphore_mem>>) src(%arg16 : memref<80x128xf32, #tpu.memory_space<vmem>>) dst(%dma_wait3A_540 : memref<80x128xf32, #tpu.memory_space<hbm>>)
    %dma_start3A_541 = arith.constant 3 : i32
    %dma_start3A_542 = arith.constant 0 : i32
    %dma_start3A_543 = tpu.memref_slice %arg11[%dma_start3A_541, %dma_start3A_542] : memref<4x80xi32, #tpu.memory_space<vmem>> -> memref<1x80xi32, #tpu.memory_space<vmem>>
    %dma_start3A_544 = tpu.memref_squeeze %dma_start3A_543 : memref<1x80xi32, #tpu.memory_space<vmem>> -> memref<80xi32, #tpu.memory_space<vmem>>
    %dma_start3A_545 = arith.constant 0 : i32
    %dma_start3A_546 = arith.constant 0 : i32
    %dma_start3A_547 = tpu.memref_slice %arg5[%dma_start3A_545, %dma_start3A_546] : memref<2000x128xf32, #tpu.memory_space<hbm>> -> memref<2000x128xf32, #tpu.memory_space<hbm>>
    tpu.enqueue_indirect_dma source(%dma_start3A_547 : memref<2000x128xf32, #tpu.memory_space<hbm>>) target(%arg15 : memref<80x128xf32, #tpu.memory_space<vmem>>) offsets(%dma_start3A_544 : memref<80xi32, #tpu.memory_space<vmem>>) semaphore(%arg25 : memref<!tpu.dma_semaphore, #tpu.memory_space<semaphore_mem>>)
    %dma_start3A_548 = arith.constant 3 : i32
    %dma_start3A_549 = arith.constant 0 : i32
    %dma_start3A_550 = tpu.memref_slice %arg12[%dma_start3A_548, %dma_start3A_549] : memref<4x80xi32, #tpu.memory_space<vmem>> -> memref<1x80xi32, #tpu.memory_space<vmem>>
    %dma_start3A_551 = tpu.memref_squeeze %dma_start3A_550 : memref<1x80xi32, #tpu.memory_space<vmem>> -> memref<80xi32, #tpu.memory_space<vmem>>
    %dma_start3A_552 = arith.constant 0 : i32
    %dma_start3A_553 = arith.constant 0 : i32
    %dma_start3A_554 = tpu.memref_slice %arg5[%dma_start3A_552, %dma_start3A_553] : memref<2000x128xf32, #tpu.memory_space<hbm>> -> memref<2000x128xf32, #tpu.memory_space<hbm>>
    tpu.enqueue_indirect_dma source(%dma_start3A_554 : memref<2000x128xf32, #tpu.memory_space<hbm>>) target(%arg16 : memref<80x128xf32, #tpu.memory_space<vmem>>) offsets(%dma_start3A_551 : memref<80xi32, #tpu.memory_space<vmem>>) semaphore(%arg28 : memref<!tpu.dma_semaphore, #tpu.memory_space<semaphore_mem>>)
    %dma_wait3A_555 = arith.constant 1 : i32
    %dma_wait3A_556 = arith.constant 0 : i32
    %dma_wait3A_557 = tpu.memref_slice %arg11[%dma_wait3A_555, %dma_wait3A_556] : memref<4x80xi32, #tpu.memory_space<vmem>> -> memref<1x80xi32, #tpu.memory_space<vmem>>
    %dma_wait3A_558 = tpu.memref_squeeze %dma_wait3A_557 : memref<1x80xi32, #tpu.memory_space<vmem>> -> memref<80xi32, #tpu.memory_space<vmem>>
    %dma_wait3A_559 = arith.constant 0 : i32
    %dma_wait3A_560 = arith.constant 0 : i32
    %dma_wait3A_561 = tpu.memref_slice %arg5[%dma_wait3A_559, %dma_wait3A_560] : memref<2000x128xf32, #tpu.memory_space<hbm>> -> memref<2000x128xf32, #tpu.memory_space<hbm>>
    tpu.wait_indirect_dma semaphore(%arg26 : memref<!tpu.dma_semaphore, #tpu.memory_space<semaphore_mem>>) src(%dma_wait3A_561 : memref<2000x128xf32, #tpu.memory_space<hbm>>) dst(%arg17 : memref<80x128xf32, #tpu.memory_space<vmem>>)
    %dma_wait3A_562 = arith.constant 1 : i32
    %dma_wait3A_563 = arith.constant 0 : i32
    %dma_wait3A_564 = tpu.memref_slice %arg12[%dma_wait3A_562, %dma_wait3A_563] : memref<4x80xi32, #tpu.memory_space<vmem>> -> memref<1x80xi32, #tpu.memory_space<vmem>>
    %dma_wait3A_565 = tpu.memref_squeeze %dma_wait3A_564 : memref<1x80xi32, #tpu.memory_space<vmem>> -> memref<80xi32, #tpu.memory_space<vmem>>
    %dma_wait3A_566 = arith.constant 0 : i32
    %dma_wait3A_567 = arith.constant 0 : i32
    %dma_wait3A_568 = tpu.memref_slice %arg5[%dma_wait3A_566, %dma_wait3A_567] : memref<2000x128xf32, #tpu.memory_space<hbm>> -> memref<2000x128xf32, #tpu.memory_space<hbm>>
    tpu.wait_indirect_dma semaphore(%arg29 : memref<!tpu.dma_semaphore, #tpu.memory_space<semaphore_mem>>) src(%dma_wait3A_568 : memref<2000x128xf32, #tpu.memory_space<hbm>>) dst(%arg18 : memref<80x128xf32, #tpu.memory_space<vmem>>)
    %scan3A_569 = arith.constant 0 : i32
    %scan3A_570 = arith.constant 0 : i32
    %scan3A_571 = arith.constant 80 : i32
    %scan3A_572 = arith.addi %scan3A_570, %scan3A_571 : i32
    %scan3A_573 = arith.constant 1 : i32
    scf.for %scan3A_741 = %scan3A_570 to %scan3A_572 step %scan3A_573  : i32 {
      %get3A_742 = arith.index_cast %scan3A_741 : i32 to index
      %get3A_743 = arith.constant 0 : index
      %get3A_744 = tpu.vector_load %arg17[%get3A_742, %get3A_743] {strides = array<i32>} : memref<80x128xf32, #tpu.memory_space<vmem>>, vector<1x16xf32>,
      %get3A_745 = vector.shape_cast %get3A_744 : vector<1x16xf32> to vector<16xf32>
      %get3A_746 = arith.index_cast %scan3A_741 : i32 to index
      %get3A_747 = arith.constant 0 : index
      %get3A_748 = tpu.vector_load %arg18[%get3A_746, %get3A_747] {strides = array<i32>} : memref<80x128xf32, #tpu.memory_space<vmem>>, vector<1x16xf32>,
      %get3A_749 = vector.shape_cast %get3A_748 : vector<1x16xf32> to vector<16xf32>
      %mul3A_750 = arith.constant 5.000000e-01 : f32
      %mul3A_751 = vector.broadcast %mul3A_750 : f32 to vector<16xf32>
      %mul3A_752 = arith.mulf %mul3A_751, %get3A_745 : vector<16xf32>
      %mul3A_753 = arith.constant 1.500000e+00 : f32
      %mul3A_754 = vector.broadcast %mul3A_753 : f32 to vector<16xf32>
      %mul3A_755 = arith.mulf %mul3A_754, %get3A_749 : vector<16xf32>
      %add3A_756 = arith.addf %mul3A_752, %mul3A_755 : vector<16xf32>
      %max3A = arith.constant 0.000000e+00 : f32
      %max3A_757 = vector.broadcast %max3A : f32 to vector<16xf32>
      %max3A_758 = arith.maximumf %add3A_756, %max3A_757 : vector<16xf32>
      %swap3A_759 = arith.index_cast %scan3A_741 : i32 to index
      %swap3A_760 = arith.constant 0 : index
      %swap3A_761 = tpu.vector_load %arg17[%swap3A_759, %swap3A_760] {strides = array<i32>} : memref<80x128xf32, #tpu.memory_space<vmem>>, vector<1x16xf32>,
      %swap3A_762 = vector.shape_cast %swap3A_761 : vector<1x16xf32> to vector<16xf32>
      %swap3A_763 = vector.shape_cast %max3A_758 : vector<16xf32> to vector<1x16xf32>
      tpu.vector_store %arg17[%swap3A_759, %swap3A_760], %swap3A_763 {strides = array<i32>} : memref<80x128xf32, #tpu.memory_space<vmem>>, vector<1x16xf32>,
      %mul3A_764 = arith.constant 5.000000e-01 : f32
      %mul3A_765 = vector.broadcast %mul3A_764 : f32 to vector<16xf32>
      %mul3A_766 = arith.mulf %mul3A_765, %get3A_745 : vector<16xf32>
      %mul3A_767 = arith.constant 5.000000e-01 : f32
      %mul3A_768 = vector.broadcast %mul3A_767 : f32 to vector<16xf32>
      %mul3A_769 = arith.mulf %mul3A_768, %get3A_749 : vector<16xf32>
      %add3A_770 = arith.addf %mul3A_766, %mul3A_769 : vector<16xf32>
      %swap3A_771 = arith.index_cast %scan3A_741 : i32 to index
      %swap3A_772 = arith.constant 0 : index
      %swap3A_773 = tpu.vector_load %arg18[%swap3A_771, %swap3A_772] {strides = array<i32>} : memref<80x128xf32, #tpu.memory_space<vmem>>, vector<1x16xf32>,
      %swap3A_774 = vector.shape_cast %swap3A_773 : vector<1x16xf32> to vector<16xf32>
      %swap3A_775 = vector.shape_cast %add3A_770 : vector<16xf32> to vector<1x16xf32>
      tpu.vector_store %arg18[%swap3A_771, %swap3A_772], %swap3A_775 {strides = array<i32>} : memref<80x128xf32, #tpu.memory_space<vmem>>, vector<1x16xf32>,
      %get3A_776 = arith.index_cast %scan3A_741 : i32 to index
      %get3A_777 = arith.constant 16 : index
      %get3A_778 = tpu.vector_load %arg17[%get3A_776, %get3A_777] {strides = array<i32>} : memref<80x128xf32, #tpu.memory_space<vmem>>, vector<1x16xf32>,
      %get3A_779 = vector.shape_cast %get3A_778 : vector<1x16xf32> to vector<16xf32>
      %get3A_780 = arith.index_cast %scan3A_741 : i32 to index
      %get3A_781 = arith.constant 16 : index
      %get3A_782 = tpu.vector_load %arg18[%get3A_780, %get3A_781] {strides = array<i32>} : memref<80x128xf32, #tpu.memory_space<vmem>>, vector<1x16xf32>,
      %get3A_783 = vector.shape_cast %get3A_782 : vector<1x16xf32> to vector<16xf32>
      %mul3A_784 = arith.constant 5.000000e-01 : f32
      %mul3A_785 = vector.broadcast %mul3A_784 : f32 to vector<16xf32>
      %mul3A_786 = arith.mulf %mul3A_785, %get3A_779 : vector<16xf32>
      %mul3A_787 = arith.constant 1.500000e+00 : f32
      %mul3A_788 = vector.broadcast %mul3A_787 : f32 to vector<16xf32>
      %mul3A_789 = arith.mulf %mul3A_788, %get3A_783 : vector<16xf32>
      %add3A_790 = arith.addf %mul3A_786, %mul3A_789 : vector<16xf32>
      %max3A_791 = arith.constant 0.000000e+00 : f32
      %max3A_792 = vector.broadcast %max3A_791 : f32 to vector<16xf32>
      %max3A_793 = arith.maximumf %add3A_790, %max3A_792 : vector<16xf32>
      %swap3A_794 = arith.index_cast %scan3A_741 : i32 to index
      %swap3A_795 = arith.constant 16 : index
      %swap3A_796 = tpu.vector_load %arg17[%swap3A_794, %swap3A_795] {strides = array<i32>} : memref<80x128xf32, #tpu.memory_space<vmem>>, vector<1x16xf32>,
      %swap3A_797 = vector.shape_cast %swap3A_796 : vector<1x16xf32> to vector<16xf32>
      %swap3A_798 = vector.shape_cast %max3A_793 : vector<16xf32> to vector<1x16xf32>
      tpu.vector_store %arg17[%swap3A_794, %swap3A_795], %swap3A_798 {strides = array<i32>} : memref<80x128xf32, #tpu.memory_space<vmem>>, vector<1x16xf32>,
      %mul3A_799 = arith.constant 5.000000e-01 : f32
      %mul3A_800 = vector.broadcast %mul3A_799 : f32 to vector<16xf32>
      %mul3A_801 = arith.mulf %mul3A_800, %get3A_779 : vector<16xf32>
      %mul3A_802 = arith.constant 5.000000e-01 : f32
      %mul3A_803 = vector.broadcast %mul3A_802 : f32 to vector<16xf32>
      %mul3A_804 = arith.mulf %mul3A_803, %get3A_783 : vector<16xf32>
      %add3A_805 = arith.addf %mul3A_801, %mul3A_804 : vector<16xf32>
      %swap3A_806 = arith.index_cast %scan3A_741 : i32 to index
      %swap3A_807 = arith.constant 16 : index
      %swap3A_808 = tpu.vector_load %arg18[%swap3A_806, %swap3A_807] {strides = array<i32>} : memref<80x128xf32, #tpu.memory_space<vmem>>, vector<1x16xf32>,
      %swap3A_809 = vector.shape_cast %swap3A_808 : vector<1x16xf32> to vector<16xf32>
      %swap3A_810 = vector.shape_cast %add3A_805 : vector<16xf32> to vector<1x16xf32>
      tpu.vector_store %arg18[%swap3A_806, %swap3A_807], %swap3A_810 {strides = array<i32>} : memref<80x128xf32, #tpu.memory_space<vmem>>, vector<1x16xf32>,
      %get3A_811 = arith.index_cast %scan3A_741 : i32 to index
      %get3A_812 = arith.constant 32 : index
      %get3A_813 = tpu.vector_load %arg17[%get3A_811, %get3A_812] {strides = array<i32>} : memref<80x128xf32, #tpu.memory_space<vmem>>, vector<1x16xf32>,
      %get3A_814 = vector.shape_cast %get3A_813 : vector<1x16xf32> to vector<16xf32>
      %get3A_815 = arith.index_cast %scan3A_741 : i32 to index
      %get3A_816 = arith.constant 32 : index
      %get3A_817 = tpu.vector_load %arg18[%get3A_815, %get3A_816] {strides = array<i32>} : memref<80x128xf32, #tpu.memory_space<vmem>>, vector<1x16xf32>,
      %get3A_818 = vector.shape_cast %get3A_817 : vector<1x16xf32> to vector<16xf32>
      %mul3A_819 = arith.constant 5.000000e-01 : f32
      %mul3A_820 = vector.broadcast %mul3A_819 : f32 to vector<16xf32>
      %mul3A_821 = arith.mulf %mul3A_820, %get3A_814 : vector<16xf32>
      %mul3A_822 = arith.constant 1.500000e+00 : f32
      %mul3A_823 = vector.broadcast %mul3A_822 : f32 to vector<16xf32>
      %mul3A_824 = arith.mulf %mul3A_823, %get3A_818 : vector<16xf32>
      %add3A_825 = arith.addf %mul3A_821, %mul3A_824 : vector<16xf32>
      %max3A_826 = arith.constant 0.000000e+00 : f32
      %max3A_827 = vector.broadcast %max3A_826 : f32 to vector<16xf32>
      %max3A_828 = arith.maximumf %add3A_825, %max3A_827 : vector<16xf32>
      %swap3A_829 = arith.index_cast %scan3A_741 : i32 to index
      %swap3A_830 = arith.constant 32 : index
      %swap3A_831 = tpu.vector_load %arg17[%swap3A_829, %swap3A_830] {strides = array<i32>} : memref<80x128xf32, #tpu.memory_space<vmem>>, vector<1x16xf32>,
      %swap3A_832 = vector.shape_cast %swap3A_831 : vector<1x16xf32> to vector<16xf32>
      %swap3A_833 = vector.shape_cast %max3A_828 : vector<16xf32> to vector<1x16xf32>
      tpu.vector_store %arg17[%swap3A_829, %swap3A_830], %swap3A_833 {strides = array<i32>} : memref<80x128xf32, #tpu.memory_space<vmem>>, vector<1x16xf32>,
      %mul3A_834 = arith.constant 5.000000e-01 : f32
      %mul3A_835 = vector.broadcast %mul3A_834 : f32 to vector<16xf32>
      %mul3A_836 = arith.mulf %mul3A_835, %get3A_814 : vector<16xf32>
      %mul3A_837 = arith.constant 5.000000e-01 : f32
      %mul3A_838 = vector.broadcast %mul3A_837 : f32 to vector<16xf32>
      %mul3A_839 = arith.mulf %mul3A_838, %get3A_818 : vector<16xf32>
      %add3A_840 = arith.addf %mul3A_836, %mul3A_839 : vector<16xf32>
      %swap3A_841 = arith.index_cast %scan3A_741 : i32 to index
      %swap3A_842 = arith.constant 32 : index
      %swap3A_843 = tpu.vector_load %arg18[%swap3A_841, %swap3A_842] {strides = array<i32>} : memref<80x128xf32, #tpu.memory_space<vmem>>, vector<1x16xf32>,
      %swap3A_844 = vector.shape_cast %swap3A_843 : vector<1x16xf32> to vector<16xf32>
      %swap3A_845 = vector.shape_cast %add3A_840 : vector<16xf32> to vector<1x16xf32>
      tpu.vector_store %arg18[%swap3A_841, %swap3A_842], %swap3A_845 {strides = array<i32>} : memref<80x128xf32, #tpu.memory_space<vmem>>, vector<1x16xf32>,
      %get3A_846 = arith.index_cast %scan3A_741 : i32 to index
      %get3A_847 = arith.constant 48 : index
      %get3A_848 = tpu.vector_load %arg17[%get3A_846, %get3A_847] {strides = array<i32>} : memref<80x128xf32, #tpu.memory_space<vmem>>, vector<1x16xf32>,
      %get3A_849 = vector.shape_cast %get3A_848 : vector<1x16xf32> to vector<16xf32>
      %get3A_850 = arith.index_cast %scan3A_741 : i32 to index
      %get3A_851 = arith.constant 48 : index
      %get3A_852 = tpu.vector_load %arg18[%get3A_850, %get3A_851] {strides = array<i32>} : memref<80x128xf32, #tpu.memory_space<vmem>>, vector<1x16xf32>,
      %get3A_853 = vector.shape_cast %get3A_852 : vector<1x16xf32> to vector<16xf32>
      %mul3A_854 = arith.constant 5.000000e-01 : f32
      %mul3A_855 = vector.broadcast %mul3A_854 : f32 to vector<16xf32>
      %mul3A_856 = arith.mulf %mul3A_855, %get3A_849 : vector<16xf32>
      %mul3A_857 = arith.constant 1.500000e+00 : f32
      %mul3A_858 = vector.broadcast %mul3A_857 : f32 to vector<16xf32>
      %mul3A_859 = arith.mulf %mul3A_858, %get3A_853 : vector<16xf32>
      %add3A_860 = arith.addf %mul3A_856, %mul3A_859 : vector<16xf32>
      %max3A_861 = arith.constant 0.000000e+00 : f32
      %max3A_862 = vector.broadcast %max3A_861 : f32 to vector<16xf32>
      %max3A_863 = arith.maximumf %add3A_860, %max3A_862 : vector<16xf32>
      %swap3A_864 = arith.index_cast %scan3A_741 : i32 to index
      %swap3A_865 = arith.constant 48 : index
      %swap3A_866 = tpu.vector_load %arg17[%swap3A_864, %swap3A_865] {strides = array<i32>} : memref<80x128xf32, #tpu.memory_space<vmem>>, vector<1x16xf32>,
      %swap3A_867 = vector.shape_cast %swap3A_866 : vector<1x16xf32> to vector<16xf32>
      %swap3A_868 = vector.shape_cast %max3A_863 : vector<16xf32> to vector<1x16xf32>
      tpu.vector_store %arg17[%swap3A_864, %swap3A_865], %swap3A_868 {strides = array<i32>} : memref<80x128xf32, #tpu.memory_space<vmem>>, vector<1x16xf32>,
      %mul3A_869 = arith.constant 5.000000e-01 : f32
      %mul3A_870 = vector.broadcast %mul3A_869 : f32 to vector<16xf32>
      %mul3A_871 = arith.mulf %mul3A_870, %get3A_849 : vector<16xf32>
      %mul3A_872 = arith.constant 5.000000e-01 : f32
      %mul3A_873 = vector.broadcast %mul3A_872 : f32 to vector<16xf32>
      %mul3A_874 = arith.mulf %mul3A_873, %get3A_853 : vector<16xf32>
      %add3A_875 = arith.addf %mul3A_871, %mul3A_874 : vector<16xf32>
      %swap3A_876 = arith.index_cast %scan3A_741 : i32 to index
      %swap3A_877 = arith.constant 48 : index
      %swap3A_878 = tpu.vector_load %arg18[%swap3A_876, %swap3A_877] {strides = array<i32>} : memref<80x128xf32, #tpu.memory_space<vmem>>, vector<1x16xf32>,
      %swap3A_879 = vector.shape_cast %swap3A_878 : vector<1x16xf32> to vector<16xf32>
      %swap3A_880 = vector.shape_cast %add3A_875 : vector<16xf32> to vector<1x16xf32>
      tpu.vector_store %arg18[%swap3A_876, %swap3A_877], %swap3A_880 {strides = array<i32>} : memref<80x128xf32, #tpu.memory_space<vmem>>, vector<1x16xf32>,
      %get3A_881 = arith.index_cast %scan3A_741 : i32 to index
      %get3A_882 = arith.constant 64 : index
      %get3A_883 = tpu.vector_load %arg17[%get3A_881, %get3A_882] {strides = array<i32>} : memref<80x128xf32, #tpu.memory_space<vmem>>, vector<1x16xf32>,
      %get3A_884 = vector.shape_cast %get3A_883 : vector<1x16xf32> to vector<16xf32>
      %get3A_885 = arith.index_cast %scan3A_741 : i32 to index
      %get3A_886 = arith.constant 64 : index
      %get3A_887 = tpu.vector_load %arg18[%get3A_885, %get3A_886] {strides = array<i32>} : memref<80x128xf32, #tpu.memory_space<vmem>>, vector<1x16xf32>,
      %get3A_888 = vector.shape_cast %get3A_887 : vector<1x16xf32> to vector<16xf32>
      %mul3A_889 = arith.constant 5.000000e-01 : f32
      %mul3A_890 = vector.broadcast %mul3A_889 : f32 to vector<16xf32>
      %mul3A_891 = arith.mulf %mul3A_890, %get3A_884 : vector<16xf32>
      %mul3A_892 = arith.constant 1.500000e+00 : f32
      %mul3A_893 = vector.broadcast %mul3A_892 : f32 to vector<16xf32>
      %mul3A_894 = arith.mulf %mul3A_893, %get3A_888 : vector<16xf32>
      %add3A_895 = arith.addf %mul3A_891, %mul3A_894 : vector<16xf32>
      %max3A_896 = arith.constant 0.000000e+00 : f32
      %max3A_897 = vector.broadcast %max3A_896 : f32 to vector<16xf32>
      %max3A_898 = arith.maximumf %add3A_895, %max3A_897 : vector<16xf32>
      %swap3A_899 = arith.index_cast %scan3A_741 : i32 to index
      %swap3A_900 = arith.constant 64 : index
      %swap3A_901 = tpu.vector_load %arg17[%swap3A_899, %swap3A_900] {strides = array<i32>} : memref<80x128xf32, #tpu.memory_space<vmem>>, vector<1x16xf32>,
      %swap3A_902 = vector.shape_cast %swap3A_901 : vector<1x16xf32> to vector<16xf32>
      %swap3A_903 = vector.shape_cast %max3A_898 : vector<16xf32> to vector<1x16xf32>
      tpu.vector_store %arg17[%swap3A_899, %swap3A_900], %swap3A_903 {strides = array<i32>} : memref<80x128xf32, #tpu.memory_space<vmem>>, vector<1x16xf32>,
      %mul3A_904 = arith.constant 5.000000e-01 : f32
      %mul3A_905 = vector.broadcast %mul3A_904 : f32 to vector<16xf32>
      %mul3A_906 = arith.mulf %mul3A_905, %get3A_884 : vector<16xf32>
      %mul3A_907 = arith.constant 5.000000e-01 : f32
      %mul3A_908 = vector.broadcast %mul3A_907 : f32 to vector<16xf32>
      %mul3A_909 = arith.mulf %mul3A_908, %get3A_888 : vector<16xf32>
      %add3A_910 = arith.addf %mul3A_906, %mul3A_909 : vector<16xf32>
      %swap3A_911 = arith.index_cast %scan3A_741 : i32 to index
      %swap3A_912 = arith.constant 64 : index
      %swap3A_913 = tpu.vector_load %arg18[%swap3A_911, %swap3A_912] {strides = array<i32>} : memref<80x128xf32, #tpu.memory_space<vmem>>, vector<1x16xf32>,
      %swap3A_914 = vector.shape_cast %swap3A_913 : vector<1x16xf32> to vector<16xf32>
      %swap3A_915 = vector.shape_cast %add3A_910 : vector<16xf32> to vector<1x16xf32>
      tpu.vector_store %arg18[%swap3A_911, %swap3A_912], %swap3A_915 {strides = array<i32>} : memref<80x128xf32, #tpu.memory_space<vmem>>, vector<1x16xf32>,
      %get3A_916 = arith.index_cast %scan3A_741 : i32 to index
      %get3A_917 = arith.constant 80 : index
      %get3A_918 = tpu.vector_load %arg17[%get3A_916, %get3A_917] {strides = array<i32>} : memref<80x128xf32, #tpu.memory_space<vmem>>, vector<1x16xf32>,
      %get3A_919 = vector.shape_cast %get3A_918 : vector<1x16xf32> to vector<16xf32>
      %get3A_920 = arith.index_cast %scan3A_741 : i32 to index
      %get3A_921 = arith.constant 80 : index
      %get3A_922 = tpu.vector_load %arg18[%get3A_920, %get3A_921] {strides = array<i32>} : memref<80x128xf32, #tpu.memory_space<vmem>>, vector<1x16xf32>,
      %get3A_923 = vector.shape_cast %get3A_922 : vector<1x16xf32> to vector<16xf32>
      %mul3A_924 = arith.constant 5.000000e-01 : f32
      %mul3A_925 = vector.broadcast %mul3A_924 : f32 to vector<16xf32>
      %mul3A_926 = arith.mulf %mul3A_925, %get3A_919 : vector<16xf32>
      %mul3A_927 = arith.constant 1.500000e+00 : f32
      %mul3A_928 = vector.broadcast %mul3A_927 : f32 to vector<16xf32>
      %mul3A_929 = arith.mulf %mul3A_928, %get3A_923 : vector<16xf32>
      %add3A_930 = arith.addf %mul3A_926, %mul3A_929 : vector<16xf32>
      %max3A_931 = arith.constant 0.000000e+00 : f32
      %max3A_932 = vector.broadcast %max3A_931 : f32 to vector<16xf32>
      %max3A_933 = arith.maximumf %add3A_930, %max3A_932 : vector<16xf32>
      %swap3A_934 = arith.index_cast %scan3A_741 : i32 to index
      %swap3A_935 = arith.constant 80 : index
      %swap3A_936 = tpu.vector_load %arg17[%swap3A_934, %swap3A_935] {strides = array<i32>} : memref<80x128xf32, #tpu.memory_space<vmem>>, vector<1x16xf32>,
      %swap3A_937 = vector.shape_cast %swap3A_936 : vector<1x16xf32> to vector<16xf32>
      %swap3A_938 = vector.shape_cast %max3A_933 : vector<16xf32> to vector<1x16xf32>
      tpu.vector_store %arg17[%swap3A_934, %swap3A_935], %swap3A_938 {strides = array<i32>} : memref<80x128xf32, #tpu.memory_space<vmem>>, vector<1x16xf32>,
      %mul3A_939 = arith.constant 5.000000e-01 : f32
      %mul3A_940 = vector.broadcast %mul3A_939 : f32 to vector<16xf32>
      %mul3A_941 = arith.mulf %mul3A_940, %get3A_919 : vector<16xf32>
      %mul3A_942 = arith.constant 5.000000e-01 : f32
      %mul3A_943 = vector.broadcast %mul3A_942 : f32 to vector<16xf32>
      %mul3A_944 = arith.mulf %mul3A_943, %get3A_923 : vector<16xf32>
      %add3A_945 = arith.addf %mul3A_941, %mul3A_944 : vector<16xf32>
      %swap3A_946 = arith.index_cast %scan3A_741 : i32 to index
      %swap3A_947 = arith.constant 80 : index
      %swap3A_948 = tpu.vector_load %arg18[%swap3A_946, %swap3A_947] {strides = array<i32>} : memref<80x128xf32, #tpu.memory_space<vmem>>, vector<1x16xf32>,
      %swap3A_949 = vector.shape_cast %swap3A_948 : vector<1x16xf32> to vector<16xf32>
      %swap3A_950 = vector.shape_cast %add3A_945 : vector<16xf32> to vector<1x16xf32>
      tpu.vector_store %arg18[%swap3A_946, %swap3A_947], %swap3A_950 {strides = array<i32>} : memref<80x128xf32, #tpu.memory_space<vmem>>, vector<1x16xf32>,
      %get3A_951 = arith.index_cast %scan3A_741 : i32 to index
      %get3A_952 = arith.constant 96 : index
      %get3A_953 = tpu.vector_load %arg17[%get3A_951, %get3A_952] {strides = array<i32>} : memref<80x128xf32, #tpu.memory_space<vmem>>, vector<1x16xf32>,
      %get3A_954 = vector.shape_cast %get3A_953 : vector<1x16xf32> to vector<16xf32>
      %get3A_955 = arith.index_cast %scan3A_741 : i32 to index
      %get3A_956 = arith.constant 96 : index
      %get3A_957 = tpu.vector_load %arg18[%get3A_955, %get3A_956] {strides = array<i32>} : memref<80x128xf32, #tpu.memory_space<vmem>>, vector<1x16xf32>,
      %get3A_958 = vector.shape_cast %get3A_957 : vector<1x16xf32> to vector<16xf32>
      %mul3A_959 = arith.constant 5.000000e-01 : f32
      %mul3A_960 = vector.broadcast %mul3A_959 : f32 to vector<16xf32>
      %mul3A_961 = arith.mulf %mul3A_960, %get3A_954 : vector<16xf32>
      %mul3A_962 = arith.constant 1.500000e+00 : f32
      %mul3A_963 = vector.broadcast %mul3A_962 : f32 to vector<16xf32>
      %mul3A_964 = arith.mulf %mul3A_963, %get3A_958 : vector<16xf32>
      %add3A_965 = arith.addf %mul3A_961, %mul3A_964 : vector<16xf32>
      %max3A_966 = arith.constant 0.000000e+00 : f32
      %max3A_967 = vector.broadcast %max3A_966 : f32 to vector<16xf32>
      %max3A_968 = arith.maximumf %add3A_965, %max3A_967 : vector<16xf32>
      %swap3A_969 = arith.index_cast %scan3A_741 : i32 to index
      %swap3A_970 = arith.constant 96 : index
      %swap3A_971 = tpu.vector_load %arg17[%swap3A_969, %swap3A_970] {strides = array<i32>} : memref<80x128xf32, #tpu.memory_space<vmem>>, vector<1x16xf32>,
      %swap3A_972 = vector.shape_cast %swap3A_971 : vector<1x16xf32> to vector<16xf32>
      %swap3A_973 = vector.shape_cast %max3A_968 : vector<16xf32> to vector<1x16xf32>
      tpu.vector_store %arg17[%swap3A_969, %swap3A_970], %swap3A_973 {strides = array<i32>} : memref<80x128xf32, #tpu.memory_space<vmem>>, vector<1x16xf32>,
      %mul3A_974 = arith.constant 5.000000e-01 : f32
      %mul3A_975 = vector.broadcast %mul3A_974 : f32 to vector<16xf32>
      %mul3A_976 = arith.mulf %mul3A_975, %get3A_954 : vector<16xf32>
      %mul3A_977 = arith.constant 5.000000e-01 : f32
      %mul3A_978 = vector.broadcast %mul3A_977 : f32 to vector<16xf32>
      %mul3A_979 = arith.mulf %mul3A_978, %get3A_958 : vector<16xf32>
      %add3A_980 = arith.addf %mul3A_976, %mul3A_979 : vector<16xf32>
      %swap3A_981 = arith.index_cast %scan3A_741 : i32 to index
      %swap3A_982 = arith.constant 96 : index
      %swap3A_983 = tpu.vector_load %arg18[%swap3A_981, %swap3A_982] {strides = array<i32>} : memref<80x128xf32, #tpu.memory_space<vmem>>, vector<1x16xf32>,
      %swap3A_984 = vector.shape_cast %swap3A_983 : vector<1x16xf32> to vector<16xf32>
      %swap3A_985 = vector.shape_cast %add3A_980 : vector<16xf32> to vector<1x16xf32>
      tpu.vector_store %arg18[%swap3A_981, %swap3A_982], %swap3A_985 {strides = array<i32>} : memref<80x128xf32, #tpu.memory_space<vmem>>, vector<1x16xf32>,
      %get3A_986 = arith.index_cast %scan3A_741 : i32 to index
      %get3A_987 = arith.constant 112 : index
      %get3A_988 = tpu.vector_load %arg17[%get3A_986, %get3A_987] {strides = array<i32>} : memref<80x128xf32, #tpu.memory_space<vmem>>, vector<1x16xf32>,
      %get3A_989 = vector.shape_cast %get3A_988 : vector<1x16xf32> to vector<16xf32>
      %get3A_990 = arith.index_cast %scan3A_741 : i32 to index
      %get3A_991 = arith.constant 112 : index
      %get3A_992 = tpu.vector_load %arg18[%get3A_990, %get3A_991] {strides = array<i32>} : memref<80x128xf32, #tpu.memory_space<vmem>>, vector<1x16xf32>,
      %get3A_993 = vector.shape_cast %get3A_992 : vector<1x16xf32> to vector<16xf32>
      %mul3A_994 = arith.constant 5.000000e-01 : f32
      %mul3A_995 = vector.broadcast %mul3A_994 : f32 to vector<16xf32>
      %mul3A_996 = arith.mulf %mul3A_995, %get3A_989 : vector<16xf32>
      %mul3A_997 = arith.constant 1.500000e+00 : f32
      %mul3A_998 = vector.broadcast %mul3A_997 : f32 to vector<16xf32>
      %mul3A_999 = arith.mulf %mul3A_998, %get3A_993 : vector<16xf32>
      %add3A_1000 = arith.addf %mul3A_996, %mul3A_999 : vector<16xf32>
      %max3A_1001 = arith.constant 0.000000e+00 : f32
      %max3A_1002 = vector.broadcast %max3A_1001 : f32 to vector<16xf32>
      %max3A_1003 = arith.maximumf %add3A_1000, %max3A_1002 : vector<16xf32>
      %swap3A_1004 = arith.index_cast %scan3A_741 : i32 to index
      %swap3A_1005 = arith.constant 112 : index
      %swap3A_1006 = tpu.vector_load %arg17[%swap3A_1004, %swap3A_1005] {strides = array<i32>} : memref<80x128xf32, #tpu.memory_space<vmem>>, vector<1x16xf32>,
      %swap3A_1007 = vector.shape_cast %swap3A_1006 : vector<1x16xf32> to vector<16xf32>
      %swap3A_1008 = vector.shape_cast %max3A_1003 : vector<16xf32> to vector<1x16xf32>
      tpu.vector_store %arg17[%swap3A_1004, %swap3A_1005], %swap3A_1008 {strides = array<i32>} : memref<80x128xf32, #tpu.memory_space<vmem>>, vector<1x16xf32>,
      %mul3A_1009 = arith.constant 5.000000e-01 : f32
      %mul3A_1010 = vector.broadcast %mul3A_1009 : f32 to vector<16xf32>
      %mul3A_1011 = arith.mulf %mul3A_1010, %get3A_989 : vector<16xf32>
      %mul3A_1012 = arith.constant 5.000000e-01 : f32
      %mul3A_1013 = vector.broadcast %mul3A_1012 : f32 to vector<16xf32>
      %mul3A_1014 = arith.mulf %mul3A_1013, %get3A_993 : vector<16xf32>
      %add3A_1015 = arith.addf %mul3A_1011, %mul3A_1014 : vector<16xf32>
      %swap3A_1016 = arith.index_cast %scan3A_741 : i32 to index
      %swap3A_1017 = arith.constant 112 : index
      %swap3A_1018 = tpu.vector_load %arg18[%swap3A_1016, %swap3A_1017] {strides = array<i32>} : memref<80x128xf32, #tpu.memory_space<vmem>>, vector<1x16xf32>,
      %swap3A_1019 = vector.shape_cast %swap3A_1018 : vector<1x16xf32> to vector<16xf32>
      %swap3A_1020 = vector.shape_cast %add3A_1015 : vector<16xf32> to vector<1x16xf32>
      tpu.vector_store %arg18[%swap3A_1016, %swap3A_1017], %swap3A_1020 {strides = array<i32>} : memref<80x128xf32, #tpu.memory_space<vmem>>, vector<1x16xf32>,
    }
    %scan3A_574 = arith.constant 80 : i32
    %dma_start3A_575 = arith.constant 1 : i32
    %dma_start3A_576 = arith.constant 0 : i32
    %dma_start3A_577 = tpu.memref_slice %arg13[%dma_start3A_575, %dma_start3A_576] : memref<4x80xi32, #tpu.memory_space<vmem>> -> memref<1x80xi32, #tpu.memory_space<vmem>>
    %dma_start3A_578 = tpu.memref_squeeze %dma_start3A_577 : memref<1x80xi32, #tpu.memory_space<vmem>> -> memref<80xi32, #tpu.memory_space<vmem>>
    %dma_start3A_579 = arith.constant 0 : i32
    %dma_start3A_580 = arith.constant 0 : i32
    %dma_start3A_581 = tpu.memref_slice %arg23[%dma_start3A_579, %dma_start3A_580] : memref<2048x128xf32, #tpu.memory_space<vmem_shared>> -> memref<2048x128xf32, #tpu.memory_space<vmem_shared>>
    tpu.enqueue_indirect_dma source(%arg17 : memref<80x128xf32, #tpu.memory_space<vmem>>) target(%dma_start3A_581 : memref<2048x128xf32, #tpu.memory_space<vmem_shared>>) offsets(%dma_start3A_578 : memref<80xi32, #tpu.memory_space<vmem>>) semaphore(%arg31 : memref<!tpu.dma_semaphore, #tpu.memory_space<semaphore_mem>>) {add = true}
    %dma_start3A_582 = arith.constant 1 : i32
    %dma_start3A_583 = arith.constant 0 : i32
    %dma_start3A_584 = tpu.memref_slice %arg14[%dma_start3A_582, %dma_start3A_583] : memref<4x80xi32, #tpu.memory_space<vmem>> -> memref<1x80xi32, #tpu.memory_space<vmem>>
    %dma_start3A_585 = tpu.memref_squeeze %dma_start3A_584 : memref<1x80xi32, #tpu.memory_space<vmem>> -> memref<80xi32, #tpu.memory_space<vmem>>
    %dma_start3A_586 = arith.constant 0 : i32
    %dma_start3A_587 = arith.constant 0 : i32
    %dma_start3A_588 = tpu.memref_slice %arg24[%dma_start3A_586, %dma_start3A_587] : memref<2048x128xf32, #tpu.memory_space<vmem_shared>> -> memref<2048x128xf32, #tpu.memory_space<vmem_shared>>
    tpu.enqueue_indirect_dma source(%arg21 : memref<80x128xf32, #tpu.memory_space<vmem>>) target(%dma_start3A_588 : memref<2048x128xf32, #tpu.memory_space<vmem_shared>>) offsets(%dma_start3A_585 : memref<80xi32, #tpu.memory_space<vmem>>) semaphore(%arg32 : memref<!tpu.dma_semaphore, #tpu.memory_space<semaphore_mem>>) {add = true}
    %dma_start3A_589 = arith.constant 0 : i32
    %dma_start3A_590 = tpu.memref_slice %arg6[%add3A_522, %dma_start3A_589] : memref<10240x128xf32, #tpu.memory_space<hbm>> -> memref<80x128xf32, #tpu.memory_space<hbm>>
    %dma_start3A_591 = arith.constant 0 : i32
    %dma_start3A_592 = tpu.memref_slice %arg6[%add3A_522, %dma_start3A_591] : memref<10240x128xf32, #tpu.memory_space<hbm>> -> memref<80x128xf32, #tpu.memory_space<hbm>>
    tpu.enqueue_dma source(%arg18 : memref<80x128xf32, #tpu.memory_space<vmem>>) target(%dma_start3A_592 : memref<80x128xf32, #tpu.memory_space<hbm>>) target_semaphore(%arg33 : memref<!tpu.dma_semaphore, #tpu.memory_space<semaphore_mem>>)
    %mul3A_593 = arith.constant 320 : i32
    %mul3A_594 = arith.muli %add3A, %mul3A_593 : i32
    %add3A_595 = arith.constant 160 : i32
    %add3A_596 = arith.addi %mul3A_594, %add3A_595 : i32
    %dma_wait3A_597 = arith.constant 2 : i32
    %dma_wait3A_598 = arith.constant 0 : i32
    %dma_wait3A_599 = tpu.memref_slice %arg11[%dma_wait3A_597, %dma_wait3A_598] : memref<4x80xi32, #tpu.memory_space<vmem>> -> memref<1x80xi32, #tpu.memory_space<vmem>>
    %dma_wait3A_600 = tpu.memref_squeeze %dma_wait3A_599 : memref<1x80xi32, #tpu.memory_space<vmem>> -> memref<80xi32, #tpu.memory_space<vmem>>
    %dma_wait3A_601 = arith.constant 0 : i32
    %dma_wait3A_602 = arith.constant 0 : i32
    %dma_wait3A_603 = tpu.memref_slice %arg5[%dma_wait3A_601, %dma_wait3A_602] : memref<2000x128xf32, #tpu.memory_space<hbm>> -> memref<2000x128xf32, #tpu.memory_space<hbm>>
    tpu.wait_indirect_dma semaphore(%arg27 : memref<!tpu.dma_semaphore, #tpu.memory_space<semaphore_mem>>) src(%dma_wait3A_603 : memref<2000x128xf32, #tpu.memory_space<hbm>>) dst(%arg19 : memref<80x128xf32, #tpu.memory_space<vmem>>)
    %dma_wait3A_604 = arith.constant 2 : i32
    %dma_wait3A_605 = arith.constant 0 : i32
    %dma_wait3A_606 = tpu.memref_slice %arg12[%dma_wait3A_604, %dma_wait3A_605] : memref<4x80xi32, #tpu.memory_space<vmem>> -> memref<1x80xi32, #tpu.memory_space<vmem>>
    %dma_wait3A_607 = tpu.memref_squeeze %dma_wait3A_606 : memref<1x80xi32, #tpu.memory_space<vmem>> -> memref<80xi32, #tpu.memory_space<vmem>>
    %dma_wait3A_608 = arith.constant 0 : i32
    %dma_wait3A_609 = arith.constant 0 : i32
    %dma_wait3A_610 = tpu.memref_slice %arg5[%dma_wait3A_608, %dma_wait3A_609] : memref<2000x128xf32, #tpu.memory_space<hbm>> -> memref<2000x128xf32, #tpu.memory_space<hbm>>
    tpu.wait_indirect_dma semaphore(%arg30 : memref<!tpu.dma_semaphore, #tpu.memory_space<semaphore_mem>>) src(%dma_wait3A_610 : memref<2000x128xf32, #tpu.memory_space<hbm>>) dst(%arg20 : memref<80x128xf32, #tpu.memory_space<vmem>>)
    %scan3A_611 = arith.constant 0 : i32
    %scan3A_612 = arith.constant 0 : i32
    %scan3A_613 = arith.constant 80 : i32
    %scan3A_614 = arith.addi %scan3A_612, %scan3A_613 : i32
    %scan3A_615 = arith.constant 1 : i32
    scf.for %scan3A_741 = %scan3A_612 to %scan3A_614 step %scan3A_615  : i32 {
      %get3A_742 = arith.index_cast %scan3A_741 : i32 to index
      %get3A_743 = arith.constant 0 : index
      %get3A_744 = tpu.vector_load %arg19[%get3A_742, %get3A_743] {strides = array<i32>} : memref<80x128xf32, #tpu.memory_space<vmem>>, vector<1x16xf32>,
      %get3A_745 = vector.shape_cast %get3A_744 : vector<1x16xf32> to vector<16xf32>
      %get3A_746 = arith.index_cast %scan3A_741 : i32 to index
      %get3A_747 = arith.constant 0 : index
      %get3A_748 = tpu.vector_load %arg20[%get3A_746, %get3A_747] {strides = array<i32>} : memref<80x128xf32, #tpu.memory_space<vmem>>, vector<1x16xf32>,
      %get3A_749 = vector.shape_cast %get3A_748 : vector<1x16xf32> to vector<16xf32>
      %mul3A_750 = arith.constant 5.000000e-01 : f32
      %mul3A_751 = vector.broadcast %mul3A_750 : f32 to vector<16xf32>
      %mul3A_752 = arith.mulf %mul3A_751, %get3A_745 : vector<16xf32>
      %mul3A_753 = arith.constant 1.500000e+00 : f32
      %mul3A_754 = vector.broadcast %mul3A_753 : f32 to vector<16xf32>
      %mul3A_755 = arith.mulf %mul3A_754, %get3A_749 : vector<16xf32>
      %add3A_756 = arith.addf %mul3A_752, %mul3A_755 : vector<16xf32>
      %max3A = arith.constant 0.000000e+00 : f32
      %max3A_757 = vector.broadcast %max3A : f32 to vector<16xf32>
      %max3A_758 = arith.maximumf %add3A_756, %max3A_757 : vector<16xf32>
      %swap3A_759 = arith.index_cast %scan3A_741 : i32 to index
      %swap3A_760 = arith.constant 0 : index
      %swap3A_761 = tpu.vector_load %arg19[%swap3A_759, %swap3A_760] {strides = array<i32>} : memref<80x128xf32, #tpu.memory_space<vmem>>, vector<1x16xf32>,
      %swap3A_762 = vector.shape_cast %swap3A_761 : vector<1x16xf32> to vector<16xf32>
      %swap3A_763 = vector.shape_cast %max3A_758 : vector<16xf32> to vector<1x16xf32>
      tpu.vector_store %arg19[%swap3A_759, %swap3A_760], %swap3A_763 {strides = array<i32>} : memref<80x128xf32, #tpu.memory_space<vmem>>, vector<1x16xf32>,
      %mul3A_764 = arith.constant 5.000000e-01 : f32
      %mul3A_765 = vector.broadcast %mul3A_764 : f32 to vector<16xf32>
      %mul3A_766 = arith.mulf %mul3A_765, %get3A_745 : vector<16xf32>
      %mul3A_767 = arith.constant 5.000000e-01 : f32
      %mul3A_768 = vector.broadcast %mul3A_767 : f32 to vector<16xf32>
      %mul3A_769 = arith.mulf %mul3A_768, %get3A_749 : vector<16xf32>
      %add3A_770 = arith.addf %mul3A_766, %mul3A_769 : vector<16xf32>
      %swap3A_771 = arith.index_cast %scan3A_741 : i32 to index
      %swap3A_772 = arith.constant 0 : index
      %swap3A_773 = tpu.vector_load %arg20[%swap3A_771, %swap3A_772] {strides = array<i32>} : memref<80x128xf32, #tpu.memory_space<vmem>>, vector<1x16xf32>,
      %swap3A_774 = vector.shape_cast %swap3A_773 : vector<1x16xf32> to vector<16xf32>
      %swap3A_775 = vector.shape_cast %add3A_770 : vector<16xf32> to vector<1x16xf32>
      tpu.vector_store %arg20[%swap3A_771, %swap3A_772], %swap3A_775 {strides = array<i32>} : memref<80x128xf32, #tpu.memory_space<vmem>>, vector<1x16xf32>,
      %get3A_776 = arith.index_cast %scan3A_741 : i32 to index
      %get3A_777 = arith.constant 16 : index
      %get3A_778 = tpu.vector_load %arg19[%get3A_776, %get3A_777] {strides = array<i32>} : memref<80x128xf32, #tpu.memory_space<vmem>>, vector<1x16xf32>,
      %get3A_779 = vector.shape_cast %get3A_778 : vector<1x16xf32> to vector<16xf32>
      %get3A_780 = arith.index_cast %scan3A_741 : i32 to index
      %get3A_781 = arith.constant 16 : index
      %get3A_782 = tpu.vector_load %arg20[%get3A_780, %get3A_781] {strides = array<i32>} : memref<80x128xf32, #tpu.memory_space<vmem>>, vector<1x16xf32>,
      %get3A_783 = vector.shape_cast %get3A_782 : vector<1x16xf32> to vector<16xf32>
      %mul3A_784 = arith.constant 5.000000e-01 : f32
      %mul3A_785 = vector.broadcast %mul3A_784 : f32 to vector<16xf32>
      %mul3A_786 = arith.mulf %mul3A_785, %get3A_779 : vector<16xf32>
      %mul3A_787 = arith.constant 1.500000e+00 : f32
      %mul3A_788 = vector.broadcast %mul3A_787 : f32 to vector<16xf32>
      %mul3A_789 = arith.mulf %mul3A_788, %get3A_783 : vector<16xf32>
      %add3A_790 = arith.addf %mul3A_786, %mul3A_789 : vector<16xf32>
      %max3A_791 = arith.constant 0.000000e+00 : f32
      %max3A_792 = vector.broadcast %max3A_791 : f32 to vector<16xf32>
      %max3A_793 = arith.maximumf %add3A_790, %max3A_792 : vector<16xf32>
      %swap3A_794 = arith.index_cast %scan3A_741 : i32 to index
      %swap3A_795 = arith.constant 16 : index
      %swap3A_796 = tpu.vector_load %arg19[%swap3A_794, %swap3A_795] {strides = array<i32>} : memref<80x128xf32, #tpu.memory_space<vmem>>, vector<1x16xf32>,
      %swap3A_797 = vector.shape_cast %swap3A_796 : vector<1x16xf32> to vector<16xf32>
      %swap3A_798 = vector.shape_cast %max3A_793 : vector<16xf32> to vector<1x16xf32>
      tpu.vector_store %arg19[%swap3A_794, %swap3A_795], %swap3A_798 {strides = array<i32>} : memref<80x128xf32, #tpu.memory_space<vmem>>, vector<1x16xf32>,
      %mul3A_799 = arith.constant 5.000000e-01 : f32
      %mul3A_800 = vector.broadcast %mul3A_799 : f32 to vector<16xf32>
      %mul3A_801 = arith.mulf %mul3A_800, %get3A_779 : vector<16xf32>
      %mul3A_802 = arith.constant 5.000000e-01 : f32
      %mul3A_803 = vector.broadcast %mul3A_802 : f32 to vector<16xf32>
      %mul3A_804 = arith.mulf %mul3A_803, %get3A_783 : vector<16xf32>
      %add3A_805 = arith.addf %mul3A_801, %mul3A_804 : vector<16xf32>
      %swap3A_806 = arith.index_cast %scan3A_741 : i32 to index
      %swap3A_807 = arith.constant 16 : index
      %swap3A_808 = tpu.vector_load %arg20[%swap3A_806, %swap3A_807] {strides = array<i32>} : memref<80x128xf32, #tpu.memory_space<vmem>>, vector<1x16xf32>,
      %swap3A_809 = vector.shape_cast %swap3A_808 : vector<1x16xf32> to vector<16xf32>
      %swap3A_810 = vector.shape_cast %add3A_805 : vector<16xf32> to vector<1x16xf32>
      tpu.vector_store %arg20[%swap3A_806, %swap3A_807], %swap3A_810 {strides = array<i32>} : memref<80x128xf32, #tpu.memory_space<vmem>>, vector<1x16xf32>,
      %get3A_811 = arith.index_cast %scan3A_741 : i32 to index
      %get3A_812 = arith.constant 32 : index
      %get3A_813 = tpu.vector_load %arg19[%get3A_811, %get3A_812] {strides = array<i32>} : memref<80x128xf32, #tpu.memory_space<vmem>>, vector<1x16xf32>,
      %get3A_814 = vector.shape_cast %get3A_813 : vector<1x16xf32> to vector<16xf32>
      %get3A_815 = arith.index_cast %scan3A_741 : i32 to index
      %get3A_816 = arith.constant 32 : index
      %get3A_817 = tpu.vector_load %arg20[%get3A_815, %get3A_816] {strides = array<i32>} : memref<80x128xf32, #tpu.memory_space<vmem>>, vector<1x16xf32>,
      %get3A_818 = vector.shape_cast %get3A_817 : vector<1x16xf32> to vector<16xf32>
      %mul3A_819 = arith.constant 5.000000e-01 : f32
      %mul3A_820 = vector.broadcast %mul3A_819 : f32 to vector<16xf32>
      %mul3A_821 = arith.mulf %mul3A_820, %get3A_814 : vector<16xf32>
      %mul3A_822 = arith.constant 1.500000e+00 : f32
      %mul3A_823 = vector.broadcast %mul3A_822 : f32 to vector<16xf32>
      %mul3A_824 = arith.mulf %mul3A_823, %get3A_818 : vector<16xf32>
      %add3A_825 = arith.addf %mul3A_821, %mul3A_824 : vector<16xf32>
      %max3A_826 = arith.constant 0.000000e+00 : f32
      %max3A_827 = vector.broadcast %max3A_826 : f32 to vector<16xf32>
      %max3A_828 = arith.maximumf %add3A_825, %max3A_827 : vector<16xf32>
      %swap3A_829 = arith.index_cast %scan3A_741 : i32 to index
      %swap3A_830 = arith.constant 32 : index
      %swap3A_831 = tpu.vector_load %arg19[%swap3A_829, %swap3A_830] {strides = array<i32>} : memref<80x128xf32, #tpu.memory_space<vmem>>, vector<1x16xf32>,
      %swap3A_832 = vector.shape_cast %swap3A_831 : vector<1x16xf32> to vector<16xf32>
      %swap3A_833 = vector.shape_cast %max3A_828 : vector<16xf32> to vector<1x16xf32>
      tpu.vector_store %arg19[%swap3A_829, %swap3A_830], %swap3A_833 {strides = array<i32>} : memref<80x128xf32, #tpu.memory_space<vmem>>, vector<1x16xf32>,
      %mul3A_834 = arith.constant 5.000000e-01 : f32
      %mul3A_835 = vector.broadcast %mul3A_834 : f32 to vector<16xf32>
      %mul3A_836 = arith.mulf %mul3A_835, %get3A_814 : vector<16xf32>
      %mul3A_837 = arith.constant 5.000000e-01 : f32
      %mul3A_838 = vector.broadcast %mul3A_837 : f32 to vector<16xf32>
      %mul3A_839 = arith.mulf %mul3A_838, %get3A_818 : vector<16xf32>
      %add3A_840 = arith.addf %mul3A_836, %mul3A_839 : vector<16xf32>
      %swap3A_841 = arith.index_cast %scan3A_741 : i32 to index
      %swap3A_842 = arith.constant 32 : index
      %swap3A_843 = tpu.vector_load %arg20[%swap3A_841, %swap3A_842] {strides = array<i32>} : memref<80x128xf32, #tpu.memory_space<vmem>>, vector<1x16xf32>,
      %swap3A_844 = vector.shape_cast %swap3A_843 : vector<1x16xf32> to vector<16xf32>
      %swap3A_845 = vector.shape_cast %add3A_840 : vector<16xf32> to vector<1x16xf32>
      tpu.vector_store %arg20[%swap3A_841, %swap3A_842], %swap3A_845 {strides = array<i32>} : memref<80x128xf32, #tpu.memory_space<vmem>>, vector<1x16xf32>,
      %get3A_846 = arith.index_cast %scan3A_741 : i32 to index
      %get3A_847 = arith.constant 48 : index
      %get3A_848 = tpu.vector_load %arg19[%get3A_846, %get3A_847] {strides = array<i32>} : memref<80x128xf32, #tpu.memory_space<vmem>>, vector<1x16xf32>,
      %get3A_849 = vector.shape_cast %get3A_848 : vector<1x16xf32> to vector<16xf32>
      %get3A_850 = arith.index_cast %scan3A_741 : i32 to index
      %get3A_851 = arith.constant 48 : index
      %get3A_852 = tpu.vector_load %arg20[%get3A_850, %get3A_851] {strides = array<i32>} : memref<80x128xf32, #tpu.memory_space<vmem>>, vector<1x16xf32>,
      %get3A_853 = vector.shape_cast %get3A_852 : vector<1x16xf32> to vector<16xf32>
      %mul3A_854 = arith.constant 5.000000e-01 : f32
      %mul3A_855 = vector.broadcast %mul3A_854 : f32 to vector<16xf32>
      %mul3A_856 = arith.mulf %mul3A_855, %get3A_849 : vector<16xf32>
      %mul3A_857 = arith.constant 1.500000e+00 : f32
      %mul3A_858 = vector.broadcast %mul3A_857 : f32 to vector<16xf32>
      %mul3A_859 = arith.mulf %mul3A_858, %get3A_853 : vector<16xf32>
      %add3A_860 = arith.addf %mul3A_856, %mul3A_859 : vector<16xf32>
      %max3A_861 = arith.constant 0.000000e+00 : f32
      %max3A_862 = vector.broadcast %max3A_861 : f32 to vector<16xf32>
      %max3A_863 = arith.maximumf %add3A_860, %max3A_862 : vector<16xf32>
      %swap3A_864 = arith.index_cast %scan3A_741 : i32 to index
      %swap3A_865 = arith.constant 48 : index
      %swap3A_866 = tpu.vector_load %arg19[%swap3A_864, %swap3A_865] {strides = array<i32>} : memref<80x128xf32, #tpu.memory_space<vmem>>, vector<1x16xf32>,
      %swap3A_867 = vector.shape_cast %swap3A_866 : vector<1x16xf32> to vector<16xf32>
      %swap3A_868 = vector.shape_cast %max3A_863 : vector<16xf32> to vector<1x16xf32>
      tpu.vector_store %arg19[%swap3A_864, %swap3A_865], %swap3A_868 {strides = array<i32>} : memref<80x128xf32, #tpu.memory_space<vmem>>, vector<1x16xf32>,
      %mul3A_869 = arith.constant 5.000000e-01 : f32
      %mul3A_870 = vector.broadcast %mul3A_869 : f32 to vector<16xf32>
      %mul3A_871 = arith.mulf %mul3A_870, %get3A_849 : vector<16xf32>
      %mul3A_872 = arith.constant 5.000000e-01 : f32
      %mul3A_873 = vector.broadcast %mul3A_872 : f32 to vector<16xf32>
      %mul3A_874 = arith.mulf %mul3A_873, %get3A_853 : vector<16xf32>
      %add3A_875 = arith.addf %mul3A_871, %mul3A_874 : vector<16xf32>
      %swap3A_876 = arith.index_cast %scan3A_741 : i32 to index
      %swap3A_877 = arith.constant 48 : index
      %swap3A_878 = tpu.vector_load %arg20[%swap3A_876, %swap3A_877] {strides = array<i32>} : memref<80x128xf32, #tpu.memory_space<vmem>>, vector<1x16xf32>,
      %swap3A_879 = vector.shape_cast %swap3A_878 : vector<1x16xf32> to vector<16xf32>
      %swap3A_880 = vector.shape_cast %add3A_875 : vector<16xf32> to vector<1x16xf32>
      tpu.vector_store %arg20[%swap3A_876, %swap3A_877], %swap3A_880 {strides = array<i32>} : memref<80x128xf32, #tpu.memory_space<vmem>>, vector<1x16xf32>,
      %get3A_881 = arith.index_cast %scan3A_741 : i32 to index
      %get3A_882 = arith.constant 64 : index
      %get3A_883 = tpu.vector_load %arg19[%get3A_881, %get3A_882] {strides = array<i32>} : memref<80x128xf32, #tpu.memory_space<vmem>>, vector<1x16xf32>,
      %get3A_884 = vector.shape_cast %get3A_883 : vector<1x16xf32> to vector<16xf32>
      %get3A_885 = arith.index_cast %scan3A_741 : i32 to index
      %get3A_886 = arith.constant 64 : index
      %get3A_887 = tpu.vector_load %arg20[%get3A_885, %get3A_886] {strides = array<i32>} : memref<80x128xf32, #tpu.memory_space<vmem>>, vector<1x16xf32>,
      %get3A_888 = vector.shape_cast %get3A_887 : vector<1x16xf32> to vector<16xf32>
      %mul3A_889 = arith.constant 5.000000e-01 : f32
      %mul3A_890 = vector.broadcast %mul3A_889 : f32 to vector<16xf32>
      %mul3A_891 = arith.mulf %mul3A_890, %get3A_884 : vector<16xf32>
      %mul3A_892 = arith.constant 1.500000e+00 : f32
      %mul3A_893 = vector.broadcast %mul3A_892 : f32 to vector<16xf32>
      %mul3A_894 = arith.mulf %mul3A_893, %get3A_888 : vector<16xf32>
      %add3A_895 = arith.addf %mul3A_891, %mul3A_894 : vector<16xf32>
      %max3A_896 = arith.constant 0.000000e+00 : f32
      %max3A_897 = vector.broadcast %max3A_896 : f32 to vector<16xf32>
      %max3A_898 = arith.maximumf %add3A_895, %max3A_897 : vector<16xf32>
      %swap3A_899 = arith.index_cast %scan3A_741 : i32 to index
      %swap3A_900 = arith.constant 64 : index
      %swap3A_901 = tpu.vector_load %arg19[%swap3A_899, %swap3A_900] {strides = array<i32>} : memref<80x128xf32, #tpu.memory_space<vmem>>, vector<1x16xf32>,
      %swap3A_902 = vector.shape_cast %swap3A_901 : vector<1x16xf32> to vector<16xf32>
      %swap3A_903 = vector.shape_cast %max3A_898 : vector<16xf32> to vector<1x16xf32>
      tpu.vector_store %arg19[%swap3A_899, %swap3A_900], %swap3A_903 {strides = array<i32>} : memref<80x128xf32, #tpu.memory_space<vmem>>, vector<1x16xf32>,
      %mul3A_904 = arith.constant 5.000000e-01 : f32
      %mul3A_905 = vector.broadcast %mul3A_904 : f32 to vector<16xf32>
      %mul3A_906 = arith.mulf %mul3A_905, %get3A_884 : vector<16xf32>
      %mul3A_907 = arith.constant 5.000000e-01 : f32
      %mul3A_908 = vector.broadcast %mul3A_907 : f32 to vector<16xf32>
      %mul3A_909 = arith.mulf %mul3A_908, %get3A_888 : vector<16xf32>
      %add3A_910 = arith.addf %mul3A_906, %mul3A_909 : vector<16xf32>
      %swap3A_911 = arith.index_cast %scan3A_741 : i32 to index
      %swap3A_912 = arith.constant 64 : index
      %swap3A_913 = tpu.vector_load %arg20[%swap3A_911, %swap3A_912] {strides = array<i32>} : memref<80x128xf32, #tpu.memory_space<vmem>>, vector<1x16xf32>,
      %swap3A_914 = vector.shape_cast %swap3A_913 : vector<1x16xf32> to vector<16xf32>
      %swap3A_915 = vector.shape_cast %add3A_910 : vector<16xf32> to vector<1x16xf32>
      tpu.vector_store %arg20[%swap3A_911, %swap3A_912], %swap3A_915 {strides = array<i32>} : memref<80x128xf32, #tpu.memory_space<vmem>>, vector<1x16xf32>,
      %get3A_916 = arith.index_cast %scan3A_741 : i32 to index
      %get3A_917 = arith.constant 80 : index
      %get3A_918 = tpu.vector_load %arg19[%get3A_916, %get3A_917] {strides = array<i32>} : memref<80x128xf32, #tpu.memory_space<vmem>>, vector<1x16xf32>,
      %get3A_919 = vector.shape_cast %get3A_918 : vector<1x16xf32> to vector<16xf32>
      %get3A_920 = arith.index_cast %scan3A_741 : i32 to index
      %get3A_921 = arith.constant 80 : index
      %get3A_922 = tpu.vector_load %arg20[%get3A_920, %get3A_921] {strides = array<i32>} : memref<80x128xf32, #tpu.memory_space<vmem>>, vector<1x16xf32>,
      %get3A_923 = vector.shape_cast %get3A_922 : vector<1x16xf32> to vector<16xf32>
      %mul3A_924 = arith.constant 5.000000e-01 : f32
      %mul3A_925 = vector.broadcast %mul3A_924 : f32 to vector<16xf32>
      %mul3A_926 = arith.mulf %mul3A_925, %get3A_919 : vector<16xf32>
      %mul3A_927 = arith.constant 1.500000e+00 : f32
      %mul3A_928 = vector.broadcast %mul3A_927 : f32 to vector<16xf32>
      %mul3A_929 = arith.mulf %mul3A_928, %get3A_923 : vector<16xf32>
      %add3A_930 = arith.addf %mul3A_926, %mul3A_929 : vector<16xf32>
      %max3A_931 = arith.constant 0.000000e+00 : f32
      %max3A_932 = vector.broadcast %max3A_931 : f32 to vector<16xf32>
      %max3A_933 = arith.maximumf %add3A_930, %max3A_932 : vector<16xf32>
      %swap3A_934 = arith.index_cast %scan3A_741 : i32 to index
      %swap3A_935 = arith.constant 80 : index
      %swap3A_936 = tpu.vector_load %arg19[%swap3A_934, %swap3A_935] {strides = array<i32>} : memref<80x128xf32, #tpu.memory_space<vmem>>, vector<1x16xf32>,
      %swap3A_937 = vector.shape_cast %swap3A_936 : vector<1x16xf32> to vector<16xf32>
      %swap3A_938 = vector.shape_cast %max3A_933 : vector<16xf32> to vector<1x16xf32>
      tpu.vector_store %arg19[%swap3A_934, %swap3A_935], %swap3A_938 {strides = array<i32>} : memref<80x128xf32, #tpu.memory_space<vmem>>, vector<1x16xf32>,
      %mul3A_939 = arith.constant 5.000000e-01 : f32
      %mul3A_940 = vector.broadcast %mul3A_939 : f32 to vector<16xf32>
      %mul3A_941 = arith.mulf %mul3A_940, %get3A_919 : vector<16xf32>
      %mul3A_942 = arith.constant 5.000000e-01 : f32
      %mul3A_943 = vector.broadcast %mul3A_942 : f32 to vector<16xf32>
      %mul3A_944 = arith.mulf %mul3A_943, %get3A_923 : vector<16xf32>
      %add3A_945 = arith.addf %mul3A_941, %mul3A_944 : vector<16xf32>
      %swap3A_946 = arith.index_cast %scan3A_741 : i32 to index
      %swap3A_947 = arith.constant 80 : index
      %swap3A_948 = tpu.vector_load %arg20[%swap3A_946, %swap3A_947] {strides = array<i32>} : memref<80x128xf32, #tpu.memory_space<vmem>>, vector<1x16xf32>,
      %swap3A_949 = vector.shape_cast %swap3A_948 : vector<1x16xf32> to vector<16xf32>
      %swap3A_950 = vector.shape_cast %add3A_945 : vector<16xf32> to vector<1x16xf32>
      tpu.vector_store %arg20[%swap3A_946, %swap3A_947], %swap3A_950 {strides = array<i32>} : memref<80x128xf32, #tpu.memory_space<vmem>>, vector<1x16xf32>,
      %get3A_951 = arith.index_cast %scan3A_741 : i32 to index
      %get3A_952 = arith.constant 96 : index
      %get3A_953 = tpu.vector_load %arg19[%get3A_951, %get3A_952] {strides = array<i32>} : memref<80x128xf32, #tpu.memory_space<vmem>>, vector<1x16xf32>,
      %get3A_954 = vector.shape_cast %get3A_953 : vector<1x16xf32> to vector<16xf32>
      %get3A_955 = arith.index_cast %scan3A_741 : i32 to index
      %get3A_956 = arith.constant 96 : index
      %get3A_957 = tpu.vector_load %arg20[%get3A_955, %get3A_956] {strides = array<i32>} : memref<80x128xf32, #tpu.memory_space<vmem>>, vector<1x16xf32>,
      %get3A_958 = vector.shape_cast %get3A_957 : vector<1x16xf32> to vector<16xf32>
      %mul3A_959 = arith.constant 5.000000e-01 : f32
      %mul3A_960 = vector.broadcast %mul3A_959 : f32 to vector<16xf32>
      %mul3A_961 = arith.mulf %mul3A_960, %get3A_954 : vector<16xf32>
      %mul3A_962 = arith.constant 1.500000e+00 : f32
      %mul3A_963 = vector.broadcast %mul3A_962 : f32 to vector<16xf32>
      %mul3A_964 = arith.mulf %mul3A_963, %get3A_958 : vector<16xf32>
      %add3A_965 = arith.addf %mul3A_961, %mul3A_964 : vector<16xf32>
      %max3A_966 = arith.constant 0.000000e+00 : f32
      %max3A_967 = vector.broadcast %max3A_966 : f32 to vector<16xf32>
      %max3A_968 = arith.maximumf %add3A_965, %max3A_967 : vector<16xf32>
      %swap3A_969 = arith.index_cast %scan3A_741 : i32 to index
      %swap3A_970 = arith.constant 96 : index
      %swap3A_971 = tpu.vector_load %arg19[%swap3A_969, %swap3A_970] {strides = array<i32>} : memref<80x128xf32, #tpu.memory_space<vmem>>, vector<1x16xf32>,
      %swap3A_972 = vector.shape_cast %swap3A_971 : vector<1x16xf32> to vector<16xf32>
      %swap3A_973 = vector.shape_cast %max3A_968 : vector<16xf32> to vector<1x16xf32>
      tpu.vector_store %arg19[%swap3A_969, %swap3A_970], %swap3A_973 {strides = array<i32>} : memref<80x128xf32, #tpu.memory_space<vmem>>, vector<1x16xf32>,
      %mul3A_974 = arith.constant 5.000000e-01 : f32
      %mul3A_975 = vector.broadcast %mul3A_974 : f32 to vector<16xf32>
      %mul3A_976 = arith.mulf %mul3A_975, %get3A_954 : vector<16xf32>
      %mul3A_977 = arith.constant 5.000000e-01 : f32
      %mul3A_978 = vector.broadcast %mul3A_977 : f32 to vector<16xf32>
      %mul3A_979 = arith.mulf %mul3A_978, %get3A_958 : vector<16xf32>
      %add3A_980 = arith.addf %mul3A_976, %mul3A_979 : vector<16xf32>
      %swap3A_981 = arith.index_cast %scan3A_741 : i32 to index
      %swap3A_982 = arith.constant 96 : index
      %swap3A_983 = tpu.vector_load %arg20[%swap3A_981, %swap3A_982] {strides = array<i32>} : memref<80x128xf32, #tpu.memory_space<vmem>>, vector<1x16xf32>,
      %swap3A_984 = vector.shape_cast %swap3A_983 : vector<1x16xf32> to vector<16xf32>
      %swap3A_985 = vector.shape_cast %add3A_980 : vector<16xf32> to vector<1x16xf32>
      tpu.vector_store %arg20[%swap3A_981, %swap3A_982], %swap3A_985 {strides = array<i32>} : memref<80x128xf32, #tpu.memory_space<vmem>>, vector<1x16xf32>,
      %get3A_986 = arith.index_cast %scan3A_741 : i32 to index
      %get3A_987 = arith.constant 112 : index
      %get3A_988 = tpu.vector_load %arg19[%get3A_986, %get3A_987] {strides = array<i32>} : memref<80x128xf32, #tpu.memory_space<vmem>>, vector<1x16xf32>,
      %get3A_989 = vector.shape_cast %get3A_988 : vector<1x16xf32> to vector<16xf32>
      %get3A_990 = arith.index_cast %scan3A_741 : i32 to index
      %get3A_991 = arith.constant 112 : index
      %get3A_992 = tpu.vector_load %arg20[%get3A_990, %get3A_991] {strides = array<i32>} : memref<80x128xf32, #tpu.memory_space<vmem>>, vector<1x16xf32>,
      %get3A_993 = vector.shape_cast %get3A_992 : vector<1x16xf32> to vector<16xf32>
      %mul3A_994 = arith.constant 5.000000e-01 : f32
      %mul3A_995 = vector.broadcast %mul3A_994 : f32 to vector<16xf32>
      %mul3A_996 = arith.mulf %mul3A_995, %get3A_989 : vector<16xf32>
      %mul3A_997 = arith.constant 1.500000e+00 : f32
      %mul3A_998 = vector.broadcast %mul3A_997 : f32 to vector<16xf32>
      %mul3A_999 = arith.mulf %mul3A_998, %get3A_993 : vector<16xf32>
      %add3A_1000 = arith.addf %mul3A_996, %mul3A_999 : vector<16xf32>
      %max3A_1001 = arith.constant 0.000000e+00 : f32
      %max3A_1002 = vector.broadcast %max3A_1001 : f32 to vector<16xf32>
      %max3A_1003 = arith.maximumf %add3A_1000, %max3A_1002 : vector<16xf32>
      %swap3A_1004 = arith.index_cast %scan3A_741 : i32 to index
      %swap3A_1005 = arith.constant 112 : index
      %swap3A_1006 = tpu.vector_load %arg19[%swap3A_1004, %swap3A_1005] {strides = array<i32>} : memref<80x128xf32, #tpu.memory_space<vmem>>, vector<1x16xf32>,
      %swap3A_1007 = vector.shape_cast %swap3A_1006 : vector<1x16xf32> to vector<16xf32>
      %swap3A_1008 = vector.shape_cast %max3A_1003 : vector<16xf32> to vector<1x16xf32>
      tpu.vector_store %arg19[%swap3A_1004, %swap3A_1005], %swap3A_1008 {strides = array<i32>} : memref<80x128xf32, #tpu.memory_space<vmem>>, vector<1x16xf32>,
      %mul3A_1009 = arith.constant 5.000000e-01 : f32
      %mul3A_1010 = vector.broadcast %mul3A_1009 : f32 to vector<16xf32>
      %mul3A_1011 = arith.mulf %mul3A_1010, %get3A_989 : vector<16xf32>
      %mul3A_1012 = arith.constant 5.000000e-01 : f32
      %mul3A_1013 = vector.broadcast %mul3A_1012 : f32 to vector<16xf32>
      %mul3A_1014 = arith.mulf %mul3A_1013, %get3A_993 : vector<16xf32>
      %add3A_1015 = arith.addf %mul3A_1011, %mul3A_1014 : vector<16xf32>
      %swap3A_1016 = arith.index_cast %scan3A_741 : i32 to index
      %swap3A_1017 = arith.constant 112 : index
      %swap3A_1018 = tpu.vector_load %arg20[%swap3A_1016, %swap3A_1017] {strides = array<i32>} : memref<80x128xf32, #tpu.memory_space<vmem>>, vector<1x16xf32>,
      %swap3A_1019 = vector.shape_cast %swap3A_1018 : vector<1x16xf32> to vector<16xf32>
      %swap3A_1020 = vector.shape_cast %add3A_1015 : vector<16xf32> to vector<1x16xf32>
      tpu.vector_store %arg20[%swap3A_1016, %swap3A_1017], %swap3A_1020 {strides = array<i32>} : memref<80x128xf32, #tpu.memory_space<vmem>>, vector<1x16xf32>,
    }
    %scan3A_616 = arith.constant 80 : i32
    %dma_start3A_617 = arith.constant 2 : i32
    %dma_start3A_618 = arith.constant 0 : i32
    %dma_start3A_619 = tpu.memref_slice %arg13[%dma_start3A_617, %dma_start3A_618] : memref<4x80xi32, #tpu.memory_space<vmem>> -> memref<1x80xi32, #tpu.memory_space<vmem>>
    %dma_start3A_620 = tpu.memref_squeeze %dma_start3A_619 : memref<1x80xi32, #tpu.memory_space<vmem>> -> memref<80xi32, #tpu.memory_space<vmem>>
    %dma_start3A_621 = arith.constant 0 : i32
    %dma_start3A_622 = arith.constant 0 : i32
    %dma_start3A_623 = tpu.memref_slice %arg23[%dma_start3A_621, %dma_start3A_622] : memref<2048x128xf32, #tpu.memory_space<vmem_shared>> -> memref<2048x128xf32, #tpu.memory_space<vmem_shared>>
    tpu.enqueue_indirect_dma source(%arg19 : memref<80x128xf32, #tpu.memory_space<vmem>>) target(%dma_start3A_623 : memref<2048x128xf32, #tpu.memory_space<vmem_shared>>) offsets(%dma_start3A_620 : memref<80xi32, #tpu.memory_space<vmem>>) semaphore(%arg31 : memref<!tpu.dma_semaphore, #tpu.memory_space<semaphore_mem>>) {add = true}
    %dma_start3A_624 = arith.constant 2 : i32
    %dma_start3A_625 = arith.constant 0 : i32
    %dma_start3A_626 = tpu.memref_slice %arg14[%dma_start3A_624, %dma_start3A_625] : memref<4x80xi32, #tpu.memory_space<vmem>> -> memref<1x80xi32, #tpu.memory_space<vmem>>
    %dma_start3A_627 = tpu.memref_squeeze %dma_start3A_626 : memref<1x80xi32, #tpu.memory_space<vmem>> -> memref<80xi32, #tpu.memory_space<vmem>>
    %dma_start3A_628 = arith.constant 0 : i32
    %dma_start3A_629 = arith.constant 0 : i32
    %dma_start3A_630 = tpu.memref_slice %arg24[%dma_start3A_628, %dma_start3A_629] : memref<2048x128xf32, #tpu.memory_space<vmem_shared>> -> memref<2048x128xf32, #tpu.memory_space<vmem_shared>>
    tpu.enqueue_indirect_dma source(%arg21 : memref<80x128xf32, #tpu.memory_space<vmem>>) target(%dma_start3A_630 : memref<2048x128xf32, #tpu.memory_space<vmem_shared>>) offsets(%dma_start3A_627 : memref<80xi32, #tpu.memory_space<vmem>>) semaphore(%arg32 : memref<!tpu.dma_semaphore, #tpu.memory_space<semaphore_mem>>) {add = true}
    %dma_start3A_631 = arith.constant 0 : i32
    %dma_start3A_632 = tpu.memref_slice %arg6[%add3A_596, %dma_start3A_631] : memref<10240x128xf32, #tpu.memory_space<hbm>> -> memref<80x128xf32, #tpu.memory_space<hbm>>
    %dma_start3A_633 = arith.constant 0 : i32
    %dma_start3A_634 = tpu.memref_slice %arg6[%add3A_596, %dma_start3A_633] : memref<10240x128xf32, #tpu.memory_space<hbm>> -> memref<80x128xf32, #tpu.memory_space<hbm>>
    tpu.enqueue_dma source(%arg20 : memref<80x128xf32, #tpu.memory_space<vmem>>) target(%dma_start3A_634 : memref<80x128xf32, #tpu.memory_space<hbm>>) target_semaphore(%arg33 : memref<!tpu.dma_semaphore, #tpu.memory_space<semaphore_mem>>)
    %mul3A_635 = arith.constant 320 : i32
    %mul3A_636 = arith.muli %add3A, %mul3A_635 : i32
    %add3A_637 = arith.constant 240 : i32
    %add3A_638 = arith.addi %mul3A_636, %add3A_637 : i32
    %dma_wait3A_639 = arith.constant 3 : i32
    %dma_wait3A_640 = arith.constant 0 : i32
    %dma_wait3A_641 = tpu.memref_slice %arg11[%dma_wait3A_639, %dma_wait3A_640] : memref<4x80xi32, #tpu.memory_space<vmem>> -> memref<1x80xi32, #tpu.memory_space<vmem>>
    %dma_wait3A_642 = tpu.memref_squeeze %dma_wait3A_641 : memref<1x80xi32, #tpu.memory_space<vmem>> -> memref<80xi32, #tpu.memory_space<vmem>>
    %dma_wait3A_643 = arith.constant 0 : i32
    %dma_wait3A_644 = arith.constant 0 : i32
    %dma_wait3A_645 = tpu.memref_slice %arg5[%dma_wait3A_643, %dma_wait3A_644] : memref<2000x128xf32, #tpu.memory_space<hbm>> -> memref<2000x128xf32, #tpu.memory_space<hbm>>
    tpu.wait_indirect_dma semaphore(%arg25 : memref<!tpu.dma_semaphore, #tpu.memory_space<semaphore_mem>>) src(%dma_wait3A_645 : memref<2000x128xf32, #tpu.memory_space<hbm>>) dst(%arg15 : memref<80x128xf32, #tpu.memory_space<vmem>>)
    %dma_wait3A_646 = arith.constant 3 : i32
    %dma_wait3A_647 = arith.constant 0 : i32
    %dma_wait3A_648 = tpu.memref_slice %arg12[%dma_wait3A_646, %dma_wait3A_647] : memref<4x80xi32, #tpu.memory_space<vmem>> -> memref<1x80xi32, #tpu.memory_space<vmem>>
    %dma_wait3A_649 = tpu.memref_squeeze %dma_wait3A_648 : memref<1x80xi32, #tpu.memory_space<vmem>> -> memref<80xi32, #tpu.memory_space<vmem>>
    %dma_wait3A_650 = arith.constant 0 : i32
    %dma_wait3A_651 = arith.constant 0 : i32
    %dma_wait3A_652 = tpu.memref_slice %arg5[%dma_wait3A_650, %dma_wait3A_651] : memref<2000x128xf32, #tpu.memory_space<hbm>> -> memref<2000x128xf32, #tpu.memory_space<hbm>>
    tpu.wait_indirect_dma semaphore(%arg28 : memref<!tpu.dma_semaphore, #tpu.memory_space<semaphore_mem>>) src(%dma_wait3A_652 : memref<2000x128xf32, #tpu.memory_space<hbm>>) dst(%arg16 : memref<80x128xf32, #tpu.memory_space<vmem>>)
    %scan3A_653 = arith.constant 0 : i32
    %scan3A_654 = arith.constant 0 : i32
    %scan3A_655 = arith.constant 80 : i32
    %scan3A_656 = arith.addi %scan3A_654, %scan3A_655 : i32
    %scan3A_657 = arith.constant 1 : i32
    scf.for %scan3A_741 = %scan3A_654 to %scan3A_656 step %scan3A_657  : i32 {
      %get3A_742 = arith.index_cast %scan3A_741 : i32 to index
      %get3A_743 = arith.constant 0 : index
      %get3A_744 = tpu.vector_load %arg15[%get3A_742, %get3A_743] {strides = array<i32>} : memref<80x128xf32, #tpu.memory_space<vmem>>, vector<1x16xf32>,
      %get3A_745 = vector.shape_cast %get3A_744 : vector<1x16xf32> to vector<16xf32>
      %get3A_746 = arith.index_cast %scan3A_741 : i32 to index
      %get3A_747 = arith.constant 0 : index
      %get3A_748 = tpu.vector_load %arg16[%get3A_746, %get3A_747] {strides = array<i32>} : memref<80x128xf32, #tpu.memory_space<vmem>>, vector<1x16xf32>,
      %get3A_749 = vector.shape_cast %get3A_748 : vector<1x16xf32> to vector<16xf32>
      %mul3A_750 = arith.constant 5.000000e-01 : f32
      %mul3A_751 = vector.broadcast %mul3A_750 : f32 to vector<16xf32>
      %mul3A_752 = arith.mulf %mul3A_751, %get3A_745 : vector<16xf32>
      %mul3A_753 = arith.constant 1.500000e+00 : f32
      %mul3A_754 = vector.broadcast %mul3A_753 : f32 to vector<16xf32>
      %mul3A_755 = arith.mulf %mul3A_754, %get3A_749 : vector<16xf32>
      %add3A_756 = arith.addf %mul3A_752, %mul3A_755 : vector<16xf32>
      %max3A = arith.constant 0.000000e+00 : f32
      %max3A_757 = vector.broadcast %max3A : f32 to vector<16xf32>
      %max3A_758 = arith.maximumf %add3A_756, %max3A_757 : vector<16xf32>
      %swap3A_759 = arith.index_cast %scan3A_741 : i32 to index
      %swap3A_760 = arith.constant 0 : index
      %swap3A_761 = tpu.vector_load %arg15[%swap3A_759, %swap3A_760] {strides = array<i32>} : memref<80x128xf32, #tpu.memory_space<vmem>>, vector<1x16xf32>,
      %swap3A_762 = vector.shape_cast %swap3A_761 : vector<1x16xf32> to vector<16xf32>
      %swap3A_763 = vector.shape_cast %max3A_758 : vector<16xf32> to vector<1x16xf32>
      tpu.vector_store %arg15[%swap3A_759, %swap3A_760], %swap3A_763 {strides = array<i32>} : memref<80x128xf32, #tpu.memory_space<vmem>>, vector<1x16xf32>,
      %mul3A_764 = arith.constant 5.000000e-01 : f32
      %mul3A_765 = vector.broadcast %mul3A_764 : f32 to vector<16xf32>
      %mul3A_766 = arith.mulf %mul3A_765, %get3A_745 : vector<16xf32>
      %mul3A_767 = arith.constant 5.000000e-01 : f32
      %mul3A_768 = vector.broadcast %mul3A_767 : f32 to vector<16xf32>
      %mul3A_769 = arith.mulf %mul3A_768, %get3A_749 : vector<16xf32>
      %add3A_770 = arith.addf %mul3A_766, %mul3A_769 : vector<16xf32>
      %swap3A_771 = arith.index_cast %scan3A_741 : i32 to index
      %swap3A_772 = arith.constant 0 : index
      %swap3A_773 = tpu.vector_load %arg16[%swap3A_771, %swap3A_772] {strides = array<i32>} : memref<80x128xf32, #tpu.memory_space<vmem>>, vector<1x16xf32>,
      %swap3A_774 = vector.shape_cast %swap3A_773 : vector<1x16xf32> to vector<16xf32>
      %swap3A_775 = vector.shape_cast %add3A_770 : vector<16xf32> to vector<1x16xf32>
      tpu.vector_store %arg16[%swap3A_771, %swap3A_772], %swap3A_775 {strides = array<i32>} : memref<80x128xf32, #tpu.memory_space<vmem>>, vector<1x16xf32>,
      %get3A_776 = arith.index_cast %scan3A_741 : i32 to index
      %get3A_777 = arith.constant 16 : index
      %get3A_778 = tpu.vector_load %arg15[%get3A_776, %get3A_777] {strides = array<i32>} : memref<80x128xf32, #tpu.memory_space<vmem>>, vector<1x16xf32>,
      %get3A_779 = vector.shape_cast %get3A_778 : vector<1x16xf32> to vector<16xf32>
      %get3A_780 = arith.index_cast %scan3A_741 : i32 to index
      %get3A_781 = arith.constant 16 : index
      %get3A_782 = tpu.vector_load %arg16[%get3A_780, %get3A_781] {strides = array<i32>} : memref<80x128xf32, #tpu.memory_space<vmem>>, vector<1x16xf32>,
      %get3A_783 = vector.shape_cast %get3A_782 : vector<1x16xf32> to vector<16xf32>
      %mul3A_784 = arith.constant 5.000000e-01 : f32
      %mul3A_785 = vector.broadcast %mul3A_784 : f32 to vector<16xf32>
      %mul3A_786 = arith.mulf %mul3A_785, %get3A_779 : vector<16xf32>
      %mul3A_787 = arith.constant 1.500000e+00 : f32
      %mul3A_788 = vector.broadcast %mul3A_787 : f32 to vector<16xf32>
      %mul3A_789 = arith.mulf %mul3A_788, %get3A_783 : vector<16xf32>
      %add3A_790 = arith.addf %mul3A_786, %mul3A_789 : vector<16xf32>
      %max3A_791 = arith.constant 0.000000e+00 : f32
      %max3A_792 = vector.broadcast %max3A_791 : f32 to vector<16xf32>
      %max3A_793 = arith.maximumf %add3A_790, %max3A_792 : vector<16xf32>
      %swap3A_794 = arith.index_cast %scan3A_741 : i32 to index
      %swap3A_795 = arith.constant 16 : index
      %swap3A_796 = tpu.vector_load %arg15[%swap3A_794, %swap3A_795] {strides = array<i32>} : memref<80x128xf32, #tpu.memory_space<vmem>>, vector<1x16xf32>,
      %swap3A_797 = vector.shape_cast %swap3A_796 : vector<1x16xf32> to vector<16xf32>
      %swap3A_798 = vector.shape_cast %max3A_793 : vector<16xf32> to vector<1x16xf32>
      tpu.vector_store %arg15[%swap3A_794, %swap3A_795], %swap3A_798 {strides = array<i32>} : memref<80x128xf32, #tpu.memory_space<vmem>>, vector<1x16xf32>,
      %mul3A_799 = arith.constant 5.000000e-01 : f32
      %mul3A_800 = vector.broadcast %mul3A_799 : f32 to vector<16xf32>
      %mul3A_801 = arith.mulf %mul3A_800, %get3A_779 : vector<16xf32>
      %mul3A_802 = arith.constant 5.000000e-01 : f32
      %mul3A_803 = vector.broadcast %mul3A_802 : f32 to vector<16xf32>
      %mul3A_804 = arith.mulf %mul3A_803, %get3A_783 : vector<16xf32>
      %add3A_805 = arith.addf %mul3A_801, %mul3A_804 : vector<16xf32>
      %swap3A_806 = arith.index_cast %scan3A_741 : i32 to index
      %swap3A_807 = arith.constant 16 : index
      %swap3A_808 = tpu.vector_load %arg16[%swap3A_806, %swap3A_807] {strides = array<i32>} : memref<80x128xf32, #tpu.memory_space<vmem>>, vector<1x16xf32>,
      %swap3A_809 = vector.shape_cast %swap3A_808 : vector<1x16xf32> to vector<16xf32>
      %swap3A_810 = vector.shape_cast %add3A_805 : vector<16xf32> to vector<1x16xf32>
      tpu.vector_store %arg16[%swap3A_806, %swap3A_807], %swap3A_810 {strides = array<i32>} : memref<80x128xf32, #tpu.memory_space<vmem>>, vector<1x16xf32>,
      %get3A_811 = arith.index_cast %scan3A_741 : i32 to index
      %get3A_812 = arith.constant 32 : index
      %get3A_813 = tpu.vector_load %arg15[%get3A_811, %get3A_812] {strides = array<i32>} : memref<80x128xf32, #tpu.memory_space<vmem>>, vector<1x16xf32>,
      %get3A_814 = vector.shape_cast %get3A_813 : vector<1x16xf32> to vector<16xf32>
      %get3A_815 = arith.index_cast %scan3A_741 : i32 to index
      %get3A_816 = arith.constant 32 : index
      %get3A_817 = tpu.vector_load %arg16[%get3A_815, %get3A_816] {strides = array<i32>} : memref<80x128xf32, #tpu.memory_space<vmem>>, vector<1x16xf32>,
      %get3A_818 = vector.shape_cast %get3A_817 : vector<1x16xf32> to vector<16xf32>
      %mul3A_819 = arith.constant 5.000000e-01 : f32
      %mul3A_820 = vector.broadcast %mul3A_819 : f32 to vector<16xf32>
      %mul3A_821 = arith.mulf %mul3A_820, %get3A_814 : vector<16xf32>
      %mul3A_822 = arith.constant 1.500000e+00 : f32
      %mul3A_823 = vector.broadcast %mul3A_822 : f32 to vector<16xf32>
      %mul3A_824 = arith.mulf %mul3A_823, %get3A_818 : vector<16xf32>
      %add3A_825 = arith.addf %mul3A_821, %mul3A_824 : vector<16xf32>
      %max3A_826 = arith.constant 0.000000e+00 : f32
      %max3A_827 = vector.broadcast %max3A_826 : f32 to vector<16xf32>
      %max3A_828 = arith.maximumf %add3A_825, %max3A_827 : vector<16xf32>
      %swap3A_829 = arith.index_cast %scan3A_741 : i32 to index
      %swap3A_830 = arith.constant 32 : index
      %swap3A_831 = tpu.vector_load %arg15[%swap3A_829, %swap3A_830] {strides = array<i32>} : memref<80x128xf32, #tpu.memory_space<vmem>>, vector<1x16xf32>,
      %swap3A_832 = vector.shape_cast %swap3A_831 : vector<1x16xf32> to vector<16xf32>
      %swap3A_833 = vector.shape_cast %max3A_828 : vector<16xf32> to vector<1x16xf32>
      tpu.vector_store %arg15[%swap3A_829, %swap3A_830], %swap3A_833 {strides = array<i32>} : memref<80x128xf32, #tpu.memory_space<vmem>>, vector<1x16xf32>,
      %mul3A_834 = arith.constant 5.000000e-01 : f32
      %mul3A_835 = vector.broadcast %mul3A_834 : f32 to vector<16xf32>
      %mul3A_836 = arith.mulf %mul3A_835, %get3A_814 : vector<16xf32>
      %mul3A_837 = arith.constant 5.000000e-01 : f32
      %mul3A_838 = vector.broadcast %mul3A_837 : f32 to vector<16xf32>
      %mul3A_839 = arith.mulf %mul3A_838, %get3A_818 : vector<16xf32>
      %add3A_840 = arith.addf %mul3A_836, %mul3A_839 : vector<16xf32>
      %swap3A_841 = arith.index_cast %scan3A_741 : i32 to index
      %swap3A_842 = arith.constant 32 : index
      %swap3A_843 = tpu.vector_load %arg16[%swap3A_841, %swap3A_842] {strides = array<i32>} : memref<80x128xf32, #tpu.memory_space<vmem>>, vector<1x16xf32>,
      %swap3A_844 = vector.shape_cast %swap3A_843 : vector<1x16xf32> to vector<16xf32>
      %swap3A_845 = vector.shape_cast %add3A_840 : vector<16xf32> to vector<1x16xf32>
      tpu.vector_store %arg16[%swap3A_841, %swap3A_842], %swap3A_845 {strides = array<i32>} : memref<80x128xf32, #tpu.memory_space<vmem>>, vector<1x16xf32>,
      %get3A_846 = arith.index_cast %scan3A_741 : i32 to index
      %get3A_847 = arith.constant 48 : index
      %get3A_848 = tpu.vector_load %arg15[%get3A_846, %get3A_847] {strides = array<i32>} : memref<80x128xf32, #tpu.memory_space<vmem>>, vector<1x16xf32>,
      %get3A_849 = vector.shape_cast %get3A_848 : vector<1x16xf32> to vector<16xf32>
      %get3A_850 = arith.index_cast %scan3A_741 : i32 to index
      %get3A_851 = arith.constant 48 : index
      %get3A_852 = tpu.vector_load %arg16[%get3A_850, %get3A_851] {strides = array<i32>} : memref<80x128xf32, #tpu.memory_space<vmem>>, vector<1x16xf32>,
      %get3A_853 = vector.shape_cast %get3A_852 : vector<1x16xf32> to vector<16xf32>
      %mul3A_854 = arith.constant 5.000000e-01 : f32
      %mul3A_855 = vector.broadcast %mul3A_854 : f32 to vector<16xf32>
      %mul3A_856 = arith.mulf %mul3A_855, %get3A_849 : vector<16xf32>
      %mul3A_857 = arith.constant 1.500000e+00 : f32
      %mul3A_858 = vector.broadcast %mul3A_857 : f32 to vector<16xf32>
      %mul3A_859 = arith.mulf %mul3A_858, %get3A_853 : vector<16xf32>
      %add3A_860 = arith.addf %mul3A_856, %mul3A_859 : vector<16xf32>
      %max3A_861 = arith.constant 0.000000e+00 : f32
      %max3A_862 = vector.broadcast %max3A_861 : f32 to vector<16xf32>
      %max3A_863 = arith.maximumf %add3A_860, %max3A_862 : vector<16xf32>
      %swap3A_864 = arith.index_cast %scan3A_741 : i32 to index
      %swap3A_865 = arith.constant 48 : index
      %swap3A_866 = tpu.vector_load %arg15[%swap3A_864, %swap3A_865] {strides = array<i32>} : memref<80x128xf32, #tpu.memory_space<vmem>>, vector<1x16xf32>,
      %swap3A_867 = vector.shape_cast %swap3A_866 : vector<1x16xf32> to vector<16xf32>
      %swap3A_868 = vector.shape_cast %max3A_863 : vector<16xf32> to vector<1x16xf32>
      tpu.vector_store %arg15[%swap3A_864, %swap3A_865], %swap3A_868 {strides = array<i32>} : memref<80x128xf32, #tpu.memory_space<vmem>>, vector<1x16xf32>,
      %mul3A_869 = arith.constant 5.000000e-01 : f32
      %mul3A_870 = vector.broadcast %mul3A_869 : f32 to vector<16xf32>
      %mul3A_871 = arith.mulf %mul3A_870, %get3A_849 : vector<16xf32>
      %mul3A_872 = arith.constant 5.000000e-01 : f32
      %mul3A_873 = vector.broadcast %mul3A_872 : f32 to vector<16xf32>
      %mul3A_874 = arith.mulf %mul3A_873, %get3A_853 : vector<16xf32>
      %add3A_875 = arith.addf %mul3A_871, %mul3A_874 : vector<16xf32>
      %swap3A_876 = arith.index_cast %scan3A_741 : i32 to index
      %swap3A_877 = arith.constant 48 : index
      %swap3A_878 = tpu.vector_load %arg16[%swap3A_876, %swap3A_877] {strides = array<i32>} : memref<80x128xf32, #tpu.memory_space<vmem>>, vector<1x16xf32>,
      %swap3A_879 = vector.shape_cast %swap3A_878 : vector<1x16xf32> to vector<16xf32>
      %swap3A_880 = vector.shape_cast %add3A_875 : vector<16xf32> to vector<1x16xf32>
      tpu.vector_store %arg16[%swap3A_876, %swap3A_877], %swap3A_880 {strides = array<i32>} : memref<80x128xf32, #tpu.memory_space<vmem>>, vector<1x16xf32>,
      %get3A_881 = arith.index_cast %scan3A_741 : i32 to index
      %get3A_882 = arith.constant 64 : index
      %get3A_883 = tpu.vector_load %arg15[%get3A_881, %get3A_882] {strides = array<i32>} : memref<80x128xf32, #tpu.memory_space<vmem>>, vector<1x16xf32>,
      %get3A_884 = vector.shape_cast %get3A_883 : vector<1x16xf32> to vector<16xf32>
      %get3A_885 = arith.index_cast %scan3A_741 : i32 to index
      %get3A_886 = arith.constant 64 : index
      %get3A_887 = tpu.vector_load %arg16[%get3A_885, %get3A_886] {strides = array<i32>} : memref<80x128xf32, #tpu.memory_space<vmem>>, vector<1x16xf32>,
      %get3A_888 = vector.shape_cast %get3A_887 : vector<1x16xf32> to vector<16xf32>
      %mul3A_889 = arith.constant 5.000000e-01 : f32
      %mul3A_890 = vector.broadcast %mul3A_889 : f32 to vector<16xf32>
      %mul3A_891 = arith.mulf %mul3A_890, %get3A_884 : vector<16xf32>
      %mul3A_892 = arith.constant 1.500000e+00 : f32
      %mul3A_893 = vector.broadcast %mul3A_892 : f32 to vector<16xf32>
      %mul3A_894 = arith.mulf %mul3A_893, %get3A_888 : vector<16xf32>
      %add3A_895 = arith.addf %mul3A_891, %mul3A_894 : vector<16xf32>
      %max3A_896 = arith.constant 0.000000e+00 : f32
      %max3A_897 = vector.broadcast %max3A_896 : f32 to vector<16xf32>
      %max3A_898 = arith.maximumf %add3A_895, %max3A_897 : vector<16xf32>
      %swap3A_899 = arith.index_cast %scan3A_741 : i32 to index
      %swap3A_900 = arith.constant 64 : index
      %swap3A_901 = tpu.vector_load %arg15[%swap3A_899, %swap3A_900] {strides = array<i32>} : memref<80x128xf32, #tpu.memory_space<vmem>>, vector<1x16xf32>,
      %swap3A_902 = vector.shape_cast %swap3A_901 : vector<1x16xf32> to vector<16xf32>
      %swap3A_903 = vector.shape_cast %max3A_898 : vector<16xf32> to vector<1x16xf32>
      tpu.vector_store %arg15[%swap3A_899, %swap3A_900], %swap3A_903 {strides = array<i32>} : memref<80x128xf32, #tpu.memory_space<vmem>>, vector<1x16xf32>,
      %mul3A_904 = arith.constant 5.000000e-01 : f32
      %mul3A_905 = vector.broadcast %mul3A_904 : f32 to vector<16xf32>
      %mul3A_906 = arith.mulf %mul3A_905, %get3A_884 : vector<16xf32>
      %mul3A_907 = arith.constant 5.000000e-01 : f32
      %mul3A_908 = vector.broadcast %mul3A_907 : f32 to vector<16xf32>
      %mul3A_909 = arith.mulf %mul3A_908, %get3A_888 : vector<16xf32>
      %add3A_910 = arith.addf %mul3A_906, %mul3A_909 : vector<16xf32>
      %swap3A_911 = arith.index_cast %scan3A_741 : i32 to index
      %swap3A_912 = arith.constant 64 : index
      %swap3A_913 = tpu.vector_load %arg16[%swap3A_911, %swap3A_912] {strides = array<i32>} : memref<80x128xf32, #tpu.memory_space<vmem>>, vector<1x16xf32>,
      %swap3A_914 = vector.shape_cast %swap3A_913 : vector<1x16xf32> to vector<16xf32>
      %swap3A_915 = vector.shape_cast %add3A_910 : vector<16xf32> to vector<1x16xf32>
      tpu.vector_store %arg16[%swap3A_911, %swap3A_912], %swap3A_915 {strides = array<i32>} : memref<80x128xf32, #tpu.memory_space<vmem>>, vector<1x16xf32>,
      %get3A_916 = arith.index_cast %scan3A_741 : i32 to index
      %get3A_917 = arith.constant 80 : index
      %get3A_918 = tpu.vector_load %arg15[%get3A_916, %get3A_917] {strides = array<i32>} : memref<80x128xf32, #tpu.memory_space<vmem>>, vector<1x16xf32>,
      %get3A_919 = vector.shape_cast %get3A_918 : vector<1x16xf32> to vector<16xf32>
      %get3A_920 = arith.index_cast %scan3A_741 : i32 to index
      %get3A_921 = arith.constant 80 : index
      %get3A_922 = tpu.vector_load %arg16[%get3A_920, %get3A_921] {strides = array<i32>} : memref<80x128xf32, #tpu.memory_space<vmem>>, vector<1x16xf32>,
      %get3A_923 = vector.shape_cast %get3A_922 : vector<1x16xf32> to vector<16xf32>
      %mul3A_924 = arith.constant 5.000000e-01 : f32
      %mul3A_925 = vector.broadcast %mul3A_924 : f32 to vector<16xf32>
      %mul3A_926 = arith.mulf %mul3A_925, %get3A_919 : vector<16xf32>
      %mul3A_927 = arith.constant 1.500000e+00 : f32
      %mul3A_928 = vector.broadcast %mul3A_927 : f32 to vector<16xf32>
      %mul3A_929 = arith.mulf %mul3A_928, %get3A_923 : vector<16xf32>
      %add3A_930 = arith.addf %mul3A_926, %mul3A_929 : vector<16xf32>
      %max3A_931 = arith.constant 0.000000e+00 : f32
      %max3A_932 = vector.broadcast %max3A_931 : f32 to vector<16xf32>
      %max3A_933 = arith.maximumf %add3A_930, %max3A_932 : vector<16xf32>
      %swap3A_934 = arith.index_cast %scan3A_741 : i32 to index
      %swap3A_935 = arith.constant 80 : index
      %swap3A_936 = tpu.vector_load %arg15[%swap3A_934, %swap3A_935] {strides = array<i32>} : memref<80x128xf32, #tpu.memory_space<vmem>>, vector<1x16xf32>,
      %swap3A_937 = vector.shape_cast %swap3A_936 : vector<1x16xf32> to vector<16xf32>
      %swap3A_938 = vector.shape_cast %max3A_933 : vector<16xf32> to vector<1x16xf32>
      tpu.vector_store %arg15[%swap3A_934, %swap3A_935], %swap3A_938 {strides = array<i32>} : memref<80x128xf32, #tpu.memory_space<vmem>>, vector<1x16xf32>,
      %mul3A_939 = arith.constant 5.000000e-01 : f32
      %mul3A_940 = vector.broadcast %mul3A_939 : f32 to vector<16xf32>
      %mul3A_941 = arith.mulf %mul3A_940, %get3A_919 : vector<16xf32>
      %mul3A_942 = arith.constant 5.000000e-01 : f32
      %mul3A_943 = vector.broadcast %mul3A_942 : f32 to vector<16xf32>
      %mul3A_944 = arith.mulf %mul3A_943, %get3A_923 : vector<16xf32>
      %add3A_945 = arith.addf %mul3A_941, %mul3A_944 : vector<16xf32>
      %swap3A_946 = arith.index_cast %scan3A_741 : i32 to index
      %swap3A_947 = arith.constant 80 : index
      %swap3A_948 = tpu.vector_load %arg16[%swap3A_946, %swap3A_947] {strides = array<i32>} : memref<80x128xf32, #tpu.memory_space<vmem>>, vector<1x16xf32>,
      %swap3A_949 = vector.shape_cast %swap3A_948 : vector<1x16xf32> to vector<16xf32>
      %swap3A_950 = vector.shape_cast %add3A_945 : vector<16xf32> to vector<1x16xf32>
      tpu.vector_store %arg16[%swap3A_946, %swap3A_947], %swap3A_950 {strides = array<i32>} : memref<80x128xf32, #tpu.memory_space<vmem>>, vector<1x16xf32>,
      %get3A_951 = arith.index_cast %scan3A_741 : i32 to index
      %get3A_952 = arith.constant 96 : index
      %get3A_953 = tpu.vector_load %arg15[%get3A_951, %get3A_952] {strides = array<i32>} : memref<80x128xf32, #tpu.memory_space<vmem>>, vector<1x16xf32>,
      %get3A_954 = vector.shape_cast %get3A_953 : vector<1x16xf32> to vector<16xf32>
      %get3A_955 = arith.index_cast %scan3A_741 : i32 to index
      %get3A_956 = arith.constant 96 : index
      %get3A_957 = tpu.vector_load %arg16[%get3A_955, %get3A_956] {strides = array<i32>} : memref<80x128xf32, #tpu.memory_space<vmem>>, vector<1x16xf32>,
      %get3A_958 = vector.shape_cast %get3A_957 : vector<1x16xf32> to vector<16xf32>
      %mul3A_959 = arith.constant 5.000000e-01 : f32
      %mul3A_960 = vector.broadcast %mul3A_959 : f32 to vector<16xf32>
      %mul3A_961 = arith.mulf %mul3A_960, %get3A_954 : vector<16xf32>
      %mul3A_962 = arith.constant 1.500000e+00 : f32
      %mul3A_963 = vector.broadcast %mul3A_962 : f32 to vector<16xf32>
      %mul3A_964 = arith.mulf %mul3A_963, %get3A_958 : vector<16xf32>
      %add3A_965 = arith.addf %mul3A_961, %mul3A_964 : vector<16xf32>
      %max3A_966 = arith.constant 0.000000e+00 : f32
      %max3A_967 = vector.broadcast %max3A_966 : f32 to vector<16xf32>
      %max3A_968 = arith.maximumf %add3A_965, %max3A_967 : vector<16xf32>
      %swap3A_969 = arith.index_cast %scan3A_741 : i32 to index
      %swap3A_970 = arith.constant 96 : index
      %swap3A_971 = tpu.vector_load %arg15[%swap3A_969, %swap3A_970] {strides = array<i32>} : memref<80x128xf32, #tpu.memory_space<vmem>>, vector<1x16xf32>,
      %swap3A_972 = vector.shape_cast %swap3A_971 : vector<1x16xf32> to vector<16xf32>
      %swap3A_973 = vector.shape_cast %max3A_968 : vector<16xf32> to vector<1x16xf32>
      tpu.vector_store %arg15[%swap3A_969, %swap3A_970], %swap3A_973 {strides = array<i32>} : memref<80x128xf32, #tpu.memory_space<vmem>>, vector<1x16xf32>,
      %mul3A_974 = arith.constant 5.000000e-01 : f32
      %mul3A_975 = vector.broadcast %mul3A_974 : f32 to vector<16xf32>
      %mul3A_976 = arith.mulf %mul3A_975, %get3A_954 : vector<16xf32>
      %mul3A_977 = arith.constant 5.000000e-01 : f32
      %mul3A_978 = vector.broadcast %mul3A_977 : f32 to vector<16xf32>
      %mul3A_979 = arith.mulf %mul3A_978, %get3A_958 : vector<16xf32>
      %add3A_980 = arith.addf %mul3A_976, %mul3A_979 : vector<16xf32>
      %swap3A_981 = arith.index_cast %scan3A_741 : i32 to index
      %swap3A_982 = arith.constant 96 : index
      %swap3A_983 = tpu.vector_load %arg16[%swap3A_981, %swap3A_982] {strides = array<i32>} : memref<80x128xf32, #tpu.memory_space<vmem>>, vector<1x16xf32>,
      %swap3A_984 = vector.shape_cast %swap3A_983 : vector<1x16xf32> to vector<16xf32>
      %swap3A_985 = vector.shape_cast %add3A_980 : vector<16xf32> to vector<1x16xf32>
      tpu.vector_store %arg16[%swap3A_981, %swap3A_982], %swap3A_985 {strides = array<i32>} : memref<80x128xf32, #tpu.memory_space<vmem>>, vector<1x16xf32>,
      %get3A_986 = arith.index_cast %scan3A_741 : i32 to index
      %get3A_987 = arith.constant 112 : index
      %get3A_988 = tpu.vector_load %arg15[%get3A_986, %get3A_987] {strides = array<i32>} : memref<80x128xf32, #tpu.memory_space<vmem>>, vector<1x16xf32>,
      %get3A_989 = vector.shape_cast %get3A_988 : vector<1x16xf32> to vector<16xf32>
      %get3A_990 = arith.index_cast %scan3A_741 : i32 to index
      %get3A_991 = arith.constant 112 : index
      %get3A_992 = tpu.vector_load %arg16[%get3A_990, %get3A_991] {strides = array<i32>} : memref<80x128xf32, #tpu.memory_space<vmem>>, vector<1x16xf32>,
      %get3A_993 = vector.shape_cast %get3A_992 : vector<1x16xf32> to vector<16xf32>
      %mul3A_994 = arith.constant 5.000000e-01 : f32
      %mul3A_995 = vector.broadcast %mul3A_994 : f32 to vector<16xf32>
      %mul3A_996 = arith.mulf %mul3A_995, %get3A_989 : vector<16xf32>
      %mul3A_997 = arith.constant 1.500000e+00 : f32
      %mul3A_998 = vector.broadcast %mul3A_997 : f32 to vector<16xf32>
      %mul3A_999 = arith.mulf %mul3A_998, %get3A_993 : vector<16xf32>
      %add3A_1000 = arith.addf %mul3A_996, %mul3A_999 : vector<16xf32>
      %max3A_1001 = arith.constant 0.000000e+00 : f32
      %max3A_1002 = vector.broadcast %max3A_1001 : f32 to vector<16xf32>
      %max3A_1003 = arith.maximumf %add3A_1000, %max3A_1002 : vector<16xf32>
      %swap3A_1004 = arith.index_cast %scan3A_741 : i32 to index
      %swap3A_1005 = arith.constant 112 : index
      %swap3A_1006 = tpu.vector_load %arg15[%swap3A_1004, %swap3A_1005] {strides = array<i32>} : memref<80x128xf32, #tpu.memory_space<vmem>>, vector<1x16xf32>,
      %swap3A_1007 = vector.shape_cast %swap3A_1006 : vector<1x16xf32> to vector<16xf32>
      %swap3A_1008 = vector.shape_cast %max3A_1003 : vector<16xf32> to vector<1x16xf32>
      tpu.vector_store %arg15[%swap3A_1004, %swap3A_1005], %swap3A_1008 {strides = array<i32>} : memref<80x128xf32, #tpu.memory_space<vmem>>, vector<1x16xf32>,
      %mul3A_1009 = arith.constant 5.000000e-01 : f32
      %mul3A_1010 = vector.broadcast %mul3A_1009 : f32 to vector<16xf32>
      %mul3A_1011 = arith.mulf %mul3A_1010, %get3A_989 : vector<16xf32>
      %mul3A_1012 = arith.constant 5.000000e-01 : f32
      %mul3A_1013 = vector.broadcast %mul3A_1012 : f32 to vector<16xf32>
      %mul3A_1014 = arith.mulf %mul3A_1013, %get3A_993 : vector<16xf32>
      %add3A_1015 = arith.addf %mul3A_1011, %mul3A_1014 : vector<16xf32>
      %swap3A_1016 = arith.index_cast %scan3A_741 : i32 to index
      %swap3A_1017 = arith.constant 112 : index
      %swap3A_1018 = tpu.vector_load %arg16[%swap3A_1016, %swap3A_1017] {strides = array<i32>} : memref<80x128xf32, #tpu.memory_space<vmem>>, vector<1x16xf32>,
      %swap3A_1019 = vector.shape_cast %swap3A_1018 : vector<1x16xf32> to vector<16xf32>
      %swap3A_1020 = vector.shape_cast %add3A_1015 : vector<16xf32> to vector<1x16xf32>
      tpu.vector_store %arg16[%swap3A_1016, %swap3A_1017], %swap3A_1020 {strides = array<i32>} : memref<80x128xf32, #tpu.memory_space<vmem>>, vector<1x16xf32>,
    }
    %scan3A_658 = arith.constant 80 : i32
    %dma_start3A_659 = arith.constant 3 : i32
    %dma_start3A_660 = arith.constant 0 : i32
    %dma_start3A_661 = tpu.memref_slice %arg13[%dma_start3A_659, %dma_start3A_660] : memref<4x80xi32, #tpu.memory_space<vmem>> -> memref<1x80xi32, #tpu.memory_space<vmem>>
    %dma_start3A_662 = tpu.memref_squeeze %dma_start3A_661 : memref<1x80xi32, #tpu.memory_space<vmem>> -> memref<80xi32, #tpu.memory_space<vmem>>
    %dma_start3A_663 = arith.constant 0 : i32
    %dma_start3A_664 = arith.constant 0 : i32
    %dma_start3A_665 = tpu.memref_slice %arg23[%dma_start3A_663, %dma_start3A_664] : memref<2048x128xf32, #tpu.memory_space<vmem_shared>> -> memref<2048x128xf32, #tpu.memory_space<vmem_shared>>
    tpu.enqueue_indirect_dma source(%arg15 : memref<80x128xf32, #tpu.memory_space<vmem>>) target(%dma_start3A_665 : memref<2048x128xf32, #tpu.memory_space<vmem_shared>>) offsets(%dma_start3A_662 : memref<80xi32, #tpu.memory_space<vmem>>) semaphore(%arg31 : memref<!tpu.dma_semaphore, #tpu.memory_space<semaphore_mem>>) {add = true}
    %dma_start3A_666 = arith.constant 3 : i32
    %dma_start3A_667 = arith.constant 0 : i32
    %dma_start3A_668 = tpu.memref_slice %arg14[%dma_start3A_666, %dma_start3A_667] : memref<4x80xi32, #tpu.memory_space<vmem>> -> memref<1x80xi32, #tpu.memory_space<vmem>>
    %dma_start3A_669 = tpu.memref_squeeze %dma_start3A_668 : memref<1x80xi32, #tpu.memory_space<vmem>> -> memref<80xi32, #tpu.memory_space<vmem>>
    %dma_start3A_670 = arith.constant 0 : i32
    %dma_start3A_671 = arith.constant 0 : i32
    %dma_start3A_672 = tpu.memref_slice %arg24[%dma_start3A_670, %dma_start3A_671] : memref<2048x128xf32, #tpu.memory_space<vmem_shared>> -> memref<2048x128xf32, #tpu.memory_space<vmem_shared>>
    tpu.enqueue_indirect_dma source(%arg21 : memref<80x128xf32, #tpu.memory_space<vmem>>) target(%dma_start3A_672 : memref<2048x128xf32, #tpu.memory_space<vmem_shared>>) offsets(%dma_start3A_669 : memref<80xi32, #tpu.memory_space<vmem>>) semaphore(%arg32 : memref<!tpu.dma_semaphore, #tpu.memory_space<semaphore_mem>>) {add = true}
    %dma_start3A_673 = arith.constant 0 : i32
    %dma_start3A_674 = tpu.memref_slice %arg6[%add3A_638, %dma_start3A_673] : memref<10240x128xf32, #tpu.memory_space<hbm>> -> memref<80x128xf32, #tpu.memory_space<hbm>>
    %dma_start3A_675 = arith.constant 0 : i32
    %dma_start3A_676 = tpu.memref_slice %arg6[%add3A_638, %dma_start3A_675] : memref<10240x128xf32, #tpu.memory_space<hbm>> -> memref<80x128xf32, #tpu.memory_space<hbm>>
    tpu.enqueue_dma source(%arg16 : memref<80x128xf32, #tpu.memory_space<vmem>>) target(%dma_start3A_676 : memref<80x128xf32, #tpu.memory_space<hbm>>) target_semaphore(%arg33 : memref<!tpu.dma_semaphore, #tpu.memory_space<semaphore_mem>>)
    %dma_wait3A_677 = arith.constant 1 : i32
    %dma_wait3A_678 = arith.constant 0 : i32
    %dma_wait3A_679 = tpu.memref_slice %arg13[%dma_wait3A_677, %dma_wait3A_678] : memref<4x80xi32, #tpu.memory_space<vmem>> -> memref<1x80xi32, #tpu.memory_space<vmem>>
    %dma_wait3A_680 = tpu.memref_squeeze %dma_wait3A_679 : memref<1x80xi32, #tpu.memory_space<vmem>> -> memref<80xi32, #tpu.memory_space<vmem>>
    %dma_wait3A_681 = arith.constant 0 : i32
    %dma_wait3A_682 = arith.constant 0 : i32
    %dma_wait3A_683 = tpu.memref_slice %arg23[%dma_wait3A_681, %dma_wait3A_682] : memref<2048x128xf32, #tpu.memory_space<vmem_shared>> -> memref<2048x128xf32, #tpu.memory_space<vmem_shared>>
    tpu.wait_indirect_dma semaphore(%arg31 : memref<!tpu.dma_semaphore, #tpu.memory_space<semaphore_mem>>) src(%arg17 : memref<80x128xf32, #tpu.memory_space<vmem>>) dst(%dma_wait3A_683 : memref<2048x128xf32, #tpu.memory_space<vmem_shared>>)
    %dma_wait3A_684 = arith.constant 1 : i32
    %dma_wait3A_685 = arith.constant 0 : i32
    %dma_wait3A_686 = tpu.memref_slice %arg14[%dma_wait3A_684, %dma_wait3A_685] : memref<4x80xi32, #tpu.memory_space<vmem>> -> memref<1x80xi32, #tpu.memory_space<vmem>>
    %dma_wait3A_687 = tpu.memref_squeeze %dma_wait3A_686 : memref<1x80xi32, #tpu.memory_space<vmem>> -> memref<80xi32, #tpu.memory_space<vmem>>
    %dma_wait3A_688 = arith.constant 0 : i32
    %dma_wait3A_689 = arith.constant 0 : i32
    %dma_wait3A_690 = tpu.memref_slice %arg24[%dma_wait3A_688, %dma_wait3A_689] : memref<2048x128xf32, #tpu.memory_space<vmem_shared>> -> memref<2048x128xf32, #tpu.memory_space<vmem_shared>>
    tpu.wait_indirect_dma semaphore(%arg32 : memref<!tpu.dma_semaphore, #tpu.memory_space<semaphore_mem>>) src(%arg21 : memref<80x128xf32, #tpu.memory_space<vmem>>) dst(%dma_wait3A_690 : memref<2048x128xf32, #tpu.memory_space<vmem_shared>>)
    %dma_wait3A_691 = arith.constant 0 : i32
    %dma_wait3A_692 = tpu.memref_slice %arg6[%add3A_522, %dma_wait3A_691] : memref<10240x128xf32, #tpu.memory_space<hbm>> -> memref<80x128xf32, #tpu.memory_space<hbm>>
    %dma_wait3A_693 = arith.constant 0 : i32
    %dma_wait3A_694 = tpu.memref_slice %arg6[%add3A_522, %dma_wait3A_693] : memref<10240x128xf32, #tpu.memory_space<hbm>> -> memref<80x128xf32, #tpu.memory_space<hbm>>
    tpu.wait_dma2 semaphore(%arg33 : memref<!tpu.dma_semaphore, #tpu.memory_space<semaphore_mem>>) src(%arg18 : memref<80x128xf32, #tpu.memory_space<vmem>>) dst(%dma_wait3A_694 : memref<80x128xf32, #tpu.memory_space<hbm>>)
    %dma_wait3A_695 = arith.constant 2 : i32
    %dma_wait3A_696 = arith.constant 0 : i32
    %dma_wait3A_697 = tpu.memref_slice %arg13[%dma_wait3A_695, %dma_wait3A_696] : memref<4x80xi32, #tpu.memory_space<vmem>> -> memref<1x80xi32, #tpu.memory_space<vmem>>
    %dma_wait3A_698 = tpu.memref_squeeze %dma_wait3A_697 : memref<1x80xi32, #tpu.memory_space<vmem>> -> memref<80xi32, #tpu.memory_space<vmem>>
    %dma_wait3A_699 = arith.constant 0 : i32
    %dma_wait3A_700 = arith.constant 0 : i32
    %dma_wait3A_701 = tpu.memref_slice %arg23[%dma_wait3A_699, %dma_wait3A_700] : memref<2048x128xf32, #tpu.memory_space<vmem_shared>> -> memref<2048x128xf32, #tpu.memory_space<vmem_shared>>
    tpu.wait_indirect_dma semaphore(%arg31 : memref<!tpu.dma_semaphore, #tpu.memory_space<semaphore_mem>>) src(%arg19 : memref<80x128xf32, #tpu.memory_space<vmem>>) dst(%dma_wait3A_701 : memref<2048x128xf32, #tpu.memory_space<vmem_shared>>)
    %dma_wait3A_702 = arith.constant 2 : i32
    %dma_wait3A_703 = arith.constant 0 : i32
    %dma_wait3A_704 = tpu.memref_slice %arg14[%dma_wait3A_702, %dma_wait3A_703] : memref<4x80xi32, #tpu.memory_space<vmem>> -> memref<1x80xi32, #tpu.memory_space<vmem>>
    %dma_wait3A_705 = tpu.memref_squeeze %dma_wait3A_704 : memref<1x80xi32, #tpu.memory_space<vmem>> -> memref<80xi32, #tpu.memory_space<vmem>>
    %dma_wait3A_706 = arith.constant 0 : i32
    %dma_wait3A_707 = arith.constant 0 : i32
    %dma_wait3A_708 = tpu.memref_slice %arg24[%dma_wait3A_706, %dma_wait3A_707] : memref<2048x128xf32, #tpu.memory_space<vmem_shared>> -> memref<2048x128xf32, #tpu.memory_space<vmem_shared>>
    tpu.wait_indirect_dma semaphore(%arg32 : memref<!tpu.dma_semaphore, #tpu.memory_space<semaphore_mem>>) src(%arg21 : memref<80x128xf32, #tpu.memory_space<vmem>>) dst(%dma_wait3A_708 : memref<2048x128xf32, #tpu.memory_space<vmem_shared>>)
    %dma_wait3A_709 = arith.constant 0 : i32
    %dma_wait3A_710 = tpu.memref_slice %arg6[%add3A_596, %dma_wait3A_709] : memref<10240x128xf32, #tpu.memory_space<hbm>> -> memref<80x128xf32, #tpu.memory_space<hbm>>
    %dma_wait3A_711 = arith.constant 0 : i32
    %dma_wait3A_712 = tpu.memref_slice %arg6[%add3A_596, %dma_wait3A_711] : memref<10240x128xf32, #tpu.memory_space<hbm>> -> memref<80x128xf32, #tpu.memory_space<hbm>>
    tpu.wait_dma2 semaphore(%arg33 : memref<!tpu.dma_semaphore, #tpu.memory_space<semaphore_mem>>) src(%arg20 : memref<80x128xf32, #tpu.memory_space<vmem>>) dst(%dma_wait3A_712 : memref<80x128xf32, #tpu.memory_space<hbm>>)
    %dma_wait3A_713 = arith.constant 3 : i32
    %dma_wait3A_714 = arith.constant 0 : i32
    %dma_wait3A_715 = tpu.memref_slice %arg13[%dma_wait3A_713, %dma_wait3A_714] : memref<4x80xi32, #tpu.memory_space<vmem>> -> memref<1x80xi32, #tpu.memory_space<vmem>>
    %dma_wait3A_716 = tpu.memref_squeeze %dma_wait3A_715 : memref<1x80xi32, #tpu.memory_space<vmem>> -> memref<80xi32, #tpu.memory_space<vmem>>
    %dma_wait3A_717 = arith.constant 0 : i32
    %dma_wait3A_718 = arith.constant 0 : i32
    %dma_wait3A_719 = tpu.memref_slice %arg23[%dma_wait3A_717, %dma_wait3A_718] : memref<2048x128xf32, #tpu.memory_space<vmem_shared>> -> memref<2048x128xf32, #tpu.memory_space<vmem_shared>>
    tpu.wait_indirect_dma semaphore(%arg31 : memref<!tpu.dma_semaphore, #tpu.memory_space<semaphore_mem>>) src(%arg15 : memref<80x128xf32, #tpu.memory_space<vmem>>) dst(%dma_wait3A_719 : memref<2048x128xf32, #tpu.memory_space<vmem_shared>>)
    %dma_wait3A_720 = arith.constant 3 : i32
    %dma_wait3A_721 = arith.constant 0 : i32
    %dma_wait3A_722 = tpu.memref_slice %arg14[%dma_wait3A_720, %dma_wait3A_721] : memref<4x80xi32, #tpu.memory_space<vmem>> -> memref<1x80xi32, #tpu.memory_space<vmem>>
    %dma_wait3A_723 = tpu.memref_squeeze %dma_wait3A_722 : memref<1x80xi32, #tpu.memory_space<vmem>> -> memref<80xi32, #tpu.memory_space<vmem>>
    %dma_wait3A_724 = arith.constant 0 : i32
    %dma_wait3A_725 = arith.constant 0 : i32
    %dma_wait3A_726 = tpu.memref_slice %arg24[%dma_wait3A_724, %dma_wait3A_725] : memref<2048x128xf32, #tpu.memory_space<vmem_shared>> -> memref<2048x128xf32, #tpu.memory_space<vmem_shared>>
    tpu.wait_indirect_dma semaphore(%arg32 : memref<!tpu.dma_semaphore, #tpu.memory_space<semaphore_mem>>) src(%arg21 : memref<80x128xf32, #tpu.memory_space<vmem>>) dst(%dma_wait3A_726 : memref<2048x128xf32, #tpu.memory_space<vmem_shared>>)
    %dma_wait3A_727 = arith.constant 0 : i32
    %dma_wait3A_728 = tpu.memref_slice %arg6[%add3A_638, %dma_wait3A_727] : memref<10240x128xf32, #tpu.memory_space<hbm>> -> memref<80x128xf32, #tpu.memory_space<hbm>>
    %dma_wait3A_729 = arith.constant 0 : i32
    %dma_wait3A_730 = tpu.memref_slice %arg6[%add3A_638, %dma_wait3A_729] : memref<10240x128xf32, #tpu.memory_space<hbm>> -> memref<80x128xf32, #tpu.memory_space<hbm>>
    tpu.wait_dma2 semaphore(%arg33 : memref<!tpu.dma_semaphore, #tpu.memory_space<semaphore_mem>>) src(%arg16 : memref<80x128xf32, #tpu.memory_space<vmem>>) dst(%dma_wait3A_730 : memref<80x128xf32, #tpu.memory_space<hbm>>)
    %barrier3A_731 = arith.constant 0 : index
    tpu.barrier barrier_id(%barrier3A_731)
    %eq3A_732 = arith.constant 0 : i32
    %eq3A_733 = arith.cmpi eq, %arg0, %eq3A_732 : i32
    %convert_element_type3A_734 = arith.extui %eq3A_733 : i1 to i32
    %cond3A = arith.constant 0 : i32
    %cond3A_735 = arith.cmpi ne, %convert_element_type3A_734, %cond3A : i32
    scf.if %cond3A_735 {
      "tpu.region"() ({
        %run_scoped3A = tpu.sem_alloc : memref<!tpu.dma_semaphore, #tpu.memory_space<semaphore_mem>>
        %dma_start3A_741 = arith.constant 0 : i32
        %dma_start3A_742 = tpu.memref_slice %arg7[%mul3A_59, %dma_start3A_741] : memref<2048x128xf32, #tpu.memory_space<hbm>> -> memref<128x128xf32, #tpu.memory_space<hbm>>
        %dma_start3A_743 = arith.constant 0 : i32
        %dma_start3A_744 = tpu.memref_slice %arg23[%mul3A_59, %dma_start3A_743] : memref<2048x128xf32, #tpu.memory_space<vmem_shared>> -> memref<128x128xf32, #tpu.memory_space<vmem_shared>>
        tpu.enqueue_dma source(%dma_start3A_744 : memref<128x128xf32, #tpu.memory_space<vmem_shared>>) target(%dma_start3A_742 : memref<128x128xf32, #tpu.memory_space<hbm>>) target_semaphore(%run_scoped3A : memref<!tpu.dma_semaphore, #tpu.memory_space<semaphore_mem>>)
        %dma_wait3A_745 = arith.constant 0 : i32
        %dma_wait3A_746 = tpu.memref_slice %arg7[%mul3A_59, %dma_wait3A_745] : memref<2048x128xf32, #tpu.memory_space<hbm>> -> memref<128x128xf32, #tpu.memory_space<hbm>>
        %dma_wait3A_747 = arith.constant 0 : i32
        %dma_wait3A_748 = tpu.memref_slice %arg23[%mul3A_59, %dma_wait3A_747] : memref<2048x128xf32, #tpu.memory_space<vmem_shared>> -> memref<128x128xf32, #tpu.memory_space<vmem_shared>>
        tpu.wait_dma2 semaphore(%run_scoped3A : memref<!tpu.dma_semaphore, #tpu.memory_space<semaphore_mem>>) src(%dma_wait3A_748 : memref<128x128xf32, #tpu.memory_space<vmem_shared>>) dst(%dma_wait3A_746 : memref<128x128xf32, #tpu.memory_space<hbm>>)
        tpu.yield
      }) : () -> ()
      "tpu.region"() ({
        %run_scoped3A = tpu.sem_alloc : memref<!tpu.dma_semaphore, #tpu.memory_space<semaphore_mem>>
        %dma_start3A_741 = arith.constant 0 : i32
        %dma_start3A_742 = tpu.memref_slice %arg9[%mul3A_59, %dma_start3A_741] : memref<2048x128xf32, #tpu.memory_space<hbm>> -> memref<128x128xf32, #tpu.memory_space<hbm>>
        %dma_start3A_743 = arith.constant 0 : i32
        %dma_start3A_744 = tpu.memref_slice %arg24[%mul3A_59, %dma_start3A_743] : memref<2048x128xf32, #tpu.memory_space<vmem_shared>> -> memref<128x128xf32, #tpu.memory_space<vmem_shared>>
        tpu.enqueue_dma source(%dma_start3A_744 : memref<128x128xf32, #tpu.memory_space<vmem_shared>>) target(%dma_start3A_742 : memref<128x128xf32, #tpu.memory_space<hbm>>) target_semaphore(%run_scoped3A : memref<!tpu.dma_semaphore, #tpu.memory_space<semaphore_mem>>)
        %dma_wait3A_745 = arith.constant 0 : i32
        %dma_wait3A_746 = tpu.memref_slice %arg9[%mul3A_59, %dma_wait3A_745] : memref<2048x128xf32, #tpu.memory_space<hbm>> -> memref<128x128xf32, #tpu.memory_space<hbm>>
        %dma_wait3A_747 = arith.constant 0 : i32
        %dma_wait3A_748 = tpu.memref_slice %arg24[%mul3A_59, %dma_wait3A_747] : memref<2048x128xf32, #tpu.memory_space<vmem_shared>> -> memref<128x128xf32, #tpu.memory_space<vmem_shared>>
        tpu.wait_dma2 semaphore(%run_scoped3A : memref<!tpu.dma_semaphore, #tpu.memory_space<semaphore_mem>>) src(%dma_wait3A_748 : memref<128x128xf32, #tpu.memory_space<vmem_shared>>) dst(%dma_wait3A_746 : memref<128x128xf32, #tpu.memory_space<hbm>>)
        tpu.yield
      }) : () -> ()
    } else {
    }
    %eq3A_736 = arith.constant 1 : i32
    %eq3A_737 = arith.cmpi eq, %arg0, %eq3A_736 : i32
    %convert_element_type3A_738 = arith.extui %eq3A_737 : i1 to i32
    %cond3A_739 = arith.constant 0 : i32
    %cond3A_740 = arith.cmpi ne, %convert_element_type3A_738, %cond3A_739 : i32
    scf.if %cond3A_740 {
      "tpu.region"() ({
        %run_scoped3A = tpu.sem_alloc : memref<!tpu.dma_semaphore, #tpu.memory_space<semaphore_mem>>
        %dma_start3A_741 = arith.constant 0 : i32
        %dma_start3A_742 = tpu.memref_slice %arg8[%mul3A_59, %dma_start3A_741] : memref<2048x128xf32, #tpu.memory_space<hbm>> -> memref<128x128xf32, #tpu.memory_space<hbm>>
        %dma_start3A_743 = arith.constant 0 : i32
        %dma_start3A_744 = tpu.memref_slice %arg23[%mul3A_59, %dma_start3A_743] : memref<2048x128xf32, #tpu.memory_space<vmem_shared>> -> memref<128x128xf32, #tpu.memory_space<vmem_shared>>
        tpu.enqueue_dma source(%dma_start3A_744 : memref<128x128xf32, #tpu.memory_space<vmem_shared>>) target(%dma_start3A_742 : memref<128x128xf32, #tpu.memory_space<hbm>>) target_semaphore(%run_scoped3A : memref<!tpu.dma_semaphore, #tpu.memory_space<semaphore_mem>>)
        %dma_wait3A_745 = arith.constant 0 : i32
        %dma_wait3A_746 = tpu.memref_slice %arg8[%mul3A_59, %dma_wait3A_745] : memref<2048x128xf32, #tpu.memory_space<hbm>> -> memref<128x128xf32, #tpu.memory_space<hbm>>
        %dma_wait3A_747 = arith.constant 0 : i32
        %dma_wait3A_748 = tpu.memref_slice %arg23[%mul3A_59, %dma_wait3A_747] : memref<2048x128xf32, #tpu.memory_space<vmem_shared>> -> memref<128x128xf32, #tpu.memory_space<vmem_shared>>
        tpu.wait_dma2 semaphore(%run_scoped3A : memref<!tpu.dma_semaphore, #tpu.memory_space<semaphore_mem>>) src(%dma_wait3A_748 : memref<128x128xf32, #tpu.memory_space<vmem_shared>>) dst(%dma_wait3A_746 : memref<128x128xf32, #tpu.memory_space<hbm>>)
        tpu.yield
      }) : () -> ()
      "tpu.region"() ({
        %run_scoped3A = tpu.sem_alloc : memref<!tpu.dma_semaphore, #tpu.memory_space<semaphore_mem>>
        %dma_start3A_741 = arith.constant 0 : i32
        %dma_start3A_742 = tpu.memref_slice %arg10[%mul3A_59, %dma_start3A_741] : memref<2048x128xf32, #tpu.memory_space<hbm>> -> memref<128x128xf32, #tpu.memory_space<hbm>>
        %dma_start3A_743 = arith.constant 0 : i32
        %dma_start3A_744 = tpu.memref_slice %arg24[%mul3A_59, %dma_start3A_743] : memref<2048x128xf32, #tpu.memory_space<vmem_shared>> -> memref<128x128xf32, #tpu.memory_space<vmem_shared>>
        tpu.enqueue_dma source(%dma_start3A_744 : memref<128x128xf32, #tpu.memory_space<vmem_shared>>) target(%dma_start3A_742 : memref<128x128xf32, #tpu.memory_space<hbm>>) target_semaphore(%run_scoped3A : memref<!tpu.dma_semaphore, #tpu.memory_space<semaphore_mem>>)
        %dma_wait3A_745 = arith.constant 0 : i32
        %dma_wait3A_746 = tpu.memref_slice %arg10[%mul3A_59, %dma_wait3A_745] : memref<2048x128xf32, #tpu.memory_space<hbm>> -> memref<128x128xf32, #tpu.memory_space<hbm>>
        %dma_wait3A_747 = arith.constant 0 : i32
        %dma_wait3A_748 = tpu.memref_slice %arg24[%mul3A_59, %dma_wait3A_747] : memref<2048x128xf32, #tpu.memory_space<vmem_shared>> -> memref<128x128xf32, #tpu.memory_space<vmem_shared>>
        tpu.wait_dma2 semaphore(%run_scoped3A : memref<!tpu.dma_semaphore, #tpu.memory_space<semaphore_mem>>) src(%dma_wait3A_748 : memref<128x128xf32, #tpu.memory_space<vmem_shared>>) dst(%dma_wait3A_746 : memref<128x128xf32, #tpu.memory_space<hbm>>)
        tpu.yield
      }) : () -> ()
    } else {
    }
    return
  }
}

#map = affine_map<(d0, d1) -> (0, 0)>
module attributes {stable_mosaic.version = 14 : i64} {
  func.func @_phase_b(%arg0: i32, %arg1: i32, %arg2: memref<2048x128xf32, #tpu.memory_space<hbm>>, %arg3: memref<2048x128xf32, #tpu.memory_space<hbm>>, %arg4: memref<128x80xi32, #tpu.memory_space<hbm>>, %arg5: memref<10240x128xf32, #tpu.memory_space<hbm>>, %arg6: memref<4x80xi32, #tpu.memory_space<vmem>>, %arg7: memref<80x128xf32, #tpu.memory_space<vmem>>, %arg8: memref<80x128xf32, #tpu.memory_space<vmem>>, %arg9: memref<80x128xf32, #tpu.memory_space<vmem>>, %arg10: memref<80x128xf32, #tpu.memory_space<vmem>>, %arg11: memref<80x128xf32, #tpu.memory_space<vmem>>, %arg12: memref<80x128xf32, #tpu.memory_space<vmem>>, %arg13: memref<80x128xf32, #tpu.memory_space<vmem>>, %arg14: memref<80x128xf32, #tpu.memory_space<vmem>>, %arg15: memref<!tpu.dma_semaphore, #tpu.memory_space<semaphore_mem>>, %arg16: memref<!tpu.dma_semaphore, #tpu.memory_space<semaphore_mem>>, %arg17: memref<!tpu.dma_semaphore, #tpu.memory_space<semaphore_mem>>, %arg18: memref<!tpu.dma_semaphore, #tpu.memory_space<semaphore_mem>>, %arg19: memref<!tpu.dma_semaphore, #tpu.memory_space<semaphore_mem>>, %arg20: memref<!tpu.dma_semaphore, #tpu.memory_space<semaphore_mem>>, %arg21: memref<!tpu.dma_semaphore, #tpu.memory_space<semaphore_mem>>, %arg22: memref<!tpu.dma_semaphore, #tpu.memory_space<semaphore_mem>>, %arg23: memref<!tpu.dma_semaphore, #tpu.memory_space<semaphore_mem>>) attributes {dimension_semantics = [#tpu.dimension_semantics<core_parallel>, #tpu.dimension_semantics<subcore_parallel>], iteration_bounds = array<i64: 2, 16>, scalar_prefetch = 0 : i64, scratch_operands = 18 : i64, tpu.core_type = #tpu.core_type<sc_vector_subcore>, window_params = [{transform_indices = #map}, {transform_indices = #map}, {transform_indices = #map}, {transform_indices = #map}]} {
    %mul3A = arith.constant 16 : i32
    %mul3A_0 = arith.muli %arg0, %mul3A : i32
    %add3A = arith.addi %mul3A_0, %arg1 : i32
    %mul3A_1 = arith.constant 4 : i32
    %mul3A_2 = arith.muli %add3A, %mul3A_1 : i32
    "tpu.region"() ({
      %run_scoped3A = tpu.sem_alloc : memref<!tpu.dma_semaphore, #tpu.memory_space<semaphore_mem>>
      %dma_start3A_184 = arith.constant 0 : i32
      %dma_start3A_185 = tpu.memref_slice %arg4[%mul3A_2, %dma_start3A_184] : memref<128x80xi32, #tpu.memory_space<hbm>> -> memref<4x80xi32, #tpu.memory_space<hbm>>
      %dma_start3A_186 = arith.constant 0 : i32
      %dma_start3A_187 = tpu.memref_slice %arg4[%mul3A_2, %dma_start3A_186] : memref<128x80xi32, #tpu.memory_space<hbm>> -> memref<4x80xi32, #tpu.memory_space<hbm>>
      tpu.enqueue_dma source(%dma_start3A_187 : memref<4x80xi32, #tpu.memory_space<hbm>>) target(%arg6 : memref<4x80xi32, #tpu.memory_space<vmem>>) target_semaphore(%run_scoped3A : memref<!tpu.dma_semaphore, #tpu.memory_space<semaphore_mem>>)
      %dma_wait3A_188 = arith.constant 0 : i32
      %dma_wait3A_189 = tpu.memref_slice %arg4[%mul3A_2, %dma_wait3A_188] : memref<128x80xi32, #tpu.memory_space<hbm>> -> memref<4x80xi32, #tpu.memory_space<hbm>>
      %dma_wait3A_190 = arith.constant 0 : i32
      %dma_wait3A_191 = tpu.memref_slice %arg4[%mul3A_2, %dma_wait3A_190] : memref<128x80xi32, #tpu.memory_space<hbm>> -> memref<4x80xi32, #tpu.memory_space<hbm>>
      tpu.wait_dma2 semaphore(%run_scoped3A : memref<!tpu.dma_semaphore, #tpu.memory_space<semaphore_mem>>) src(%dma_wait3A_191 : memref<4x80xi32, #tpu.memory_space<hbm>>) dst(%arg6 : memref<4x80xi32, #tpu.memory_space<vmem>>)
      tpu.yield
    }) : () -> ()
    %dma_start3A = arith.constant 0 : i32
    %dma_start3A_3 = arith.constant 0 : i32
    %dma_start3A_4 = tpu.memref_slice %arg6[%dma_start3A, %dma_start3A_3] : memref<4x80xi32, #tpu.memory_space<vmem>> -> memref<1x80xi32, #tpu.memory_space<vmem>>
    %dma_start3A_5 = tpu.memref_squeeze %dma_start3A_4 : memref<1x80xi32, #tpu.memory_space<vmem>> -> memref<80xi32, #tpu.memory_space<vmem>>
    %dma_start3A_6 = arith.constant 0 : i32
    %dma_start3A_7 = arith.constant 0 : i32
    %dma_start3A_8 = tpu.memref_slice %arg2[%dma_start3A_6, %dma_start3A_7] : memref<2048x128xf32, #tpu.memory_space<hbm>> -> memref<2048x128xf32, #tpu.memory_space<hbm>>
    tpu.enqueue_indirect_dma source(%dma_start3A_8 : memref<2048x128xf32, #tpu.memory_space<hbm>>) target(%arg7 : memref<80x128xf32, #tpu.memory_space<vmem>>) offsets(%dma_start3A_5 : memref<80xi32, #tpu.memory_space<vmem>>) semaphore(%arg15 : memref<!tpu.dma_semaphore, #tpu.memory_space<semaphore_mem>>)
    %dma_start3A_9 = arith.constant 0 : i32
    %dma_start3A_10 = arith.constant 0 : i32
    %dma_start3A_11 = tpu.memref_slice %arg6[%dma_start3A_9, %dma_start3A_10] : memref<4x80xi32, #tpu.memory_space<vmem>> -> memref<1x80xi32, #tpu.memory_space<vmem>>
    %dma_start3A_12 = tpu.memref_squeeze %dma_start3A_11 : memref<1x80xi32, #tpu.memory_space<vmem>> -> memref<80xi32, #tpu.memory_space<vmem>>
    %dma_start3A_13 = arith.constant 0 : i32
    %dma_start3A_14 = arith.constant 0 : i32
    %dma_start3A_15 = tpu.memref_slice %arg3[%dma_start3A_13, %dma_start3A_14] : memref<2048x128xf32, #tpu.memory_space<hbm>> -> memref<2048x128xf32, #tpu.memory_space<hbm>>
    tpu.enqueue_indirect_dma source(%dma_start3A_15 : memref<2048x128xf32, #tpu.memory_space<hbm>>) target(%arg8 : memref<80x128xf32, #tpu.memory_space<vmem>>) offsets(%dma_start3A_12 : memref<80xi32, #tpu.memory_space<vmem>>) semaphore(%arg16 : memref<!tpu.dma_semaphore, #tpu.memory_space<semaphore_mem>>)
    %dma_start3A_16 = arith.constant 1 : i32
    %dma_start3A_17 = arith.constant 0 : i32
    %dma_start3A_18 = tpu.memref_slice %arg6[%dma_start3A_16, %dma_start3A_17] : memref<4x80xi32, #tpu.memory_space<vmem>> -> memref<1x80xi32, #tpu.memory_space<vmem>>
    %dma_start3A_19 = tpu.memref_squeeze %dma_start3A_18 : memref<1x80xi32, #tpu.memory_space<vmem>> -> memref<80xi32, #tpu.memory_space<vmem>>
    %dma_start3A_20 = arith.constant 0 : i32
    %dma_start3A_21 = arith.constant 0 : i32
    %dma_start3A_22 = tpu.memref_slice %arg2[%dma_start3A_20, %dma_start3A_21] : memref<2048x128xf32, #tpu.memory_space<hbm>> -> memref<2048x128xf32, #tpu.memory_space<hbm>>
    tpu.enqueue_indirect_dma source(%dma_start3A_22 : memref<2048x128xf32, #tpu.memory_space<hbm>>) target(%arg9 : memref<80x128xf32, #tpu.memory_space<vmem>>) offsets(%dma_start3A_19 : memref<80xi32, #tpu.memory_space<vmem>>) semaphore(%arg17 : memref<!tpu.dma_semaphore, #tpu.memory_space<semaphore_mem>>)
    %dma_start3A_23 = arith.constant 1 : i32
    %dma_start3A_24 = arith.constant 0 : i32
    %dma_start3A_25 = tpu.memref_slice %arg6[%dma_start3A_23, %dma_start3A_24] : memref<4x80xi32, #tpu.memory_space<vmem>> -> memref<1x80xi32, #tpu.memory_space<vmem>>
    %dma_start3A_26 = tpu.memref_squeeze %dma_start3A_25 : memref<1x80xi32, #tpu.memory_space<vmem>> -> memref<80xi32, #tpu.memory_space<vmem>>
    %dma_start3A_27 = arith.constant 0 : i32
    %dma_start3A_28 = arith.constant 0 : i32
    %dma_start3A_29 = tpu.memref_slice %arg3[%dma_start3A_27, %dma_start3A_28] : memref<2048x128xf32, #tpu.memory_space<hbm>> -> memref<2048x128xf32, #tpu.memory_space<hbm>>
    tpu.enqueue_indirect_dma source(%dma_start3A_29 : memref<2048x128xf32, #tpu.memory_space<hbm>>) target(%arg10 : memref<80x128xf32, #tpu.memory_space<vmem>>) offsets(%dma_start3A_26 : memref<80xi32, #tpu.memory_space<vmem>>) semaphore(%arg18 : memref<!tpu.dma_semaphore, #tpu.memory_space<semaphore_mem>>)
    %dma_start3A_30 = arith.constant 2 : i32
    %dma_start3A_31 = arith.constant 0 : i32
    %dma_start3A_32 = tpu.memref_slice %arg6[%dma_start3A_30, %dma_start3A_31] : memref<4x80xi32, #tpu.memory_space<vmem>> -> memref<1x80xi32, #tpu.memory_space<vmem>>
    %dma_start3A_33 = tpu.memref_squeeze %dma_start3A_32 : memref<1x80xi32, #tpu.memory_space<vmem>> -> memref<80xi32, #tpu.memory_space<vmem>>
    %dma_start3A_34 = arith.constant 0 : i32
    %dma_start3A_35 = arith.constant 0 : i32
    %dma_start3A_36 = tpu.memref_slice %arg2[%dma_start3A_34, %dma_start3A_35] : memref<2048x128xf32, #tpu.memory_space<hbm>> -> memref<2048x128xf32, #tpu.memory_space<hbm>>
    tpu.enqueue_indirect_dma source(%dma_start3A_36 : memref<2048x128xf32, #tpu.memory_space<hbm>>) target(%arg11 : memref<80x128xf32, #tpu.memory_space<vmem>>) offsets(%dma_start3A_33 : memref<80xi32, #tpu.memory_space<vmem>>) semaphore(%arg19 : memref<!tpu.dma_semaphore, #tpu.memory_space<semaphore_mem>>)
    %dma_start3A_37 = arith.constant 2 : i32
    %dma_start3A_38 = arith.constant 0 : i32
    %dma_start3A_39 = tpu.memref_slice %arg6[%dma_start3A_37, %dma_start3A_38] : memref<4x80xi32, #tpu.memory_space<vmem>> -> memref<1x80xi32, #tpu.memory_space<vmem>>
    %dma_start3A_40 = tpu.memref_squeeze %dma_start3A_39 : memref<1x80xi32, #tpu.memory_space<vmem>> -> memref<80xi32, #tpu.memory_space<vmem>>
    %dma_start3A_41 = arith.constant 0 : i32
    %dma_start3A_42 = arith.constant 0 : i32
    %dma_start3A_43 = tpu.memref_slice %arg3[%dma_start3A_41, %dma_start3A_42] : memref<2048x128xf32, #tpu.memory_space<hbm>> -> memref<2048x128xf32, #tpu.memory_space<hbm>>
    tpu.enqueue_indirect_dma source(%dma_start3A_43 : memref<2048x128xf32, #tpu.memory_space<hbm>>) target(%arg12 : memref<80x128xf32, #tpu.memory_space<vmem>>) offsets(%dma_start3A_40 : memref<80xi32, #tpu.memory_space<vmem>>) semaphore(%arg20 : memref<!tpu.dma_semaphore, #tpu.memory_space<semaphore_mem>>)
    %dma_start3A_44 = arith.constant 3 : i32
    %dma_start3A_45 = arith.constant 0 : i32
    %dma_start3A_46 = tpu.memref_slice %arg6[%dma_start3A_44, %dma_start3A_45] : memref<4x80xi32, #tpu.memory_space<vmem>> -> memref<1x80xi32, #tpu.memory_space<vmem>>
    %dma_start3A_47 = tpu.memref_squeeze %dma_start3A_46 : memref<1x80xi32, #tpu.memory_space<vmem>> -> memref<80xi32, #tpu.memory_space<vmem>>
    %dma_start3A_48 = arith.constant 0 : i32
    %dma_start3A_49 = arith.constant 0 : i32
    %dma_start3A_50 = tpu.memref_slice %arg2[%dma_start3A_48, %dma_start3A_49] : memref<2048x128xf32, #tpu.memory_space<hbm>> -> memref<2048x128xf32, #tpu.memory_space<hbm>>
    tpu.enqueue_indirect_dma source(%dma_start3A_50 : memref<2048x128xf32, #tpu.memory_space<hbm>>) target(%arg13 : memref<80x128xf32, #tpu.memory_space<vmem>>) offsets(%dma_start3A_47 : memref<80xi32, #tpu.memory_space<vmem>>) semaphore(%arg21 : memref<!tpu.dma_semaphore, #tpu.memory_space<semaphore_mem>>)
    %dma_start3A_51 = arith.constant 3 : i32
    %dma_start3A_52 = arith.constant 0 : i32
    %dma_start3A_53 = tpu.memref_slice %arg6[%dma_start3A_51, %dma_start3A_52] : memref<4x80xi32, #tpu.memory_space<vmem>> -> memref<1x80xi32, #tpu.memory_space<vmem>>
    %dma_start3A_54 = tpu.memref_squeeze %dma_start3A_53 : memref<1x80xi32, #tpu.memory_space<vmem>> -> memref<80xi32, #tpu.memory_space<vmem>>
    %dma_start3A_55 = arith.constant 0 : i32
    %dma_start3A_56 = arith.constant 0 : i32
    %dma_start3A_57 = tpu.memref_slice %arg3[%dma_start3A_55, %dma_start3A_56] : memref<2048x128xf32, #tpu.memory_space<hbm>> -> memref<2048x128xf32, #tpu.memory_space<hbm>>
    tpu.enqueue_indirect_dma source(%dma_start3A_57 : memref<2048x128xf32, #tpu.memory_space<hbm>>) target(%arg14 : memref<80x128xf32, #tpu.memory_space<vmem>>) offsets(%dma_start3A_54 : memref<80xi32, #tpu.memory_space<vmem>>) semaphore(%arg22 : memref<!tpu.dma_semaphore, #tpu.memory_space<semaphore_mem>>)
    %mul3A_58 = arith.constant 320 : i32
    %mul3A_59 = arith.muli %add3A, %mul3A_58 : i32
    %add3A_60 = arith.constant 0 : i32
    %add3A_61 = arith.addi %mul3A_59, %add3A_60 : i32
    %dma_wait3A = arith.constant 0 : i32
    %dma_wait3A_62 = arith.constant 0 : i32
    %dma_wait3A_63 = tpu.memref_slice %arg6[%dma_wait3A, %dma_wait3A_62] : memref<4x80xi32, #tpu.memory_space<vmem>> -> memref<1x80xi32, #tpu.memory_space<vmem>>
    %dma_wait3A_64 = tpu.memref_squeeze %dma_wait3A_63 : memref<1x80xi32, #tpu.memory_space<vmem>> -> memref<80xi32, #tpu.memory_space<vmem>>
    %dma_wait3A_65 = arith.constant 0 : i32
    %dma_wait3A_66 = arith.constant 0 : i32
    %dma_wait3A_67 = tpu.memref_slice %arg2[%dma_wait3A_65, %dma_wait3A_66] : memref<2048x128xf32, #tpu.memory_space<hbm>> -> memref<2048x128xf32, #tpu.memory_space<hbm>>
    tpu.wait_indirect_dma semaphore(%arg15 : memref<!tpu.dma_semaphore, #tpu.memory_space<semaphore_mem>>) src(%dma_wait3A_67 : memref<2048x128xf32, #tpu.memory_space<hbm>>) dst(%arg7 : memref<80x128xf32, #tpu.memory_space<vmem>>)
    %dma_wait3A_68 = arith.constant 0 : i32
    %dma_wait3A_69 = arith.constant 0 : i32
    %dma_wait3A_70 = tpu.memref_slice %arg6[%dma_wait3A_68, %dma_wait3A_69] : memref<4x80xi32, #tpu.memory_space<vmem>> -> memref<1x80xi32, #tpu.memory_space<vmem>>
    %dma_wait3A_71 = tpu.memref_squeeze %dma_wait3A_70 : memref<1x80xi32, #tpu.memory_space<vmem>> -> memref<80xi32, #tpu.memory_space<vmem>>
    %dma_wait3A_72 = arith.constant 0 : i32
    %dma_wait3A_73 = arith.constant 0 : i32
    %dma_wait3A_74 = tpu.memref_slice %arg3[%dma_wait3A_72, %dma_wait3A_73] : memref<2048x128xf32, #tpu.memory_space<hbm>> -> memref<2048x128xf32, #tpu.memory_space<hbm>>
    tpu.wait_indirect_dma semaphore(%arg16 : memref<!tpu.dma_semaphore, #tpu.memory_space<semaphore_mem>>) src(%dma_wait3A_74 : memref<2048x128xf32, #tpu.memory_space<hbm>>) dst(%arg8 : memref<80x128xf32, #tpu.memory_space<vmem>>)
    %scan3A = arith.constant 0 : i32
    %scan3A_75 = arith.constant 0 : i32
    %scan3A_76 = arith.constant 80 : i32
    %scan3A_77 = arith.addi %scan3A_75, %scan3A_76 : i32
    %scan3A_78 = arith.constant 1 : i32
    scf.for %scan3A_184 = %scan3A_75 to %scan3A_77 step %scan3A_78  : i32 {
      %get3A = arith.index_cast %scan3A_184 : i32 to index
      %get3A_185 = arith.constant 0 : index
      %get3A_186 = tpu.vector_load %arg7[%get3A, %get3A_185] {strides = array<i32>} : memref<80x128xf32, #tpu.memory_space<vmem>>, vector<1x16xf32>,
      %get3A_187 = vector.shape_cast %get3A_186 : vector<1x16xf32> to vector<16xf32>
      %get3A_188 = arith.index_cast %scan3A_184 : i32 to index
      %get3A_189 = arith.constant 0 : index
      %get3A_190 = tpu.vector_load %arg8[%get3A_188, %get3A_189] {strides = array<i32>} : memref<80x128xf32, #tpu.memory_space<vmem>>, vector<1x16xf32>,
      %get3A_191 = vector.shape_cast %get3A_190 : vector<1x16xf32> to vector<16xf32>
      %add3A_192 = arith.addf %get3A_187, %get3A_191 : vector<16xf32>
      %swap3A = arith.index_cast %scan3A_184 : i32 to index
      %swap3A_193 = arith.constant 0 : index
      %swap3A_194 = tpu.vector_load %arg7[%swap3A, %swap3A_193] {strides = array<i32>} : memref<80x128xf32, #tpu.memory_space<vmem>>, vector<1x16xf32>,
      %swap3A_195 = vector.shape_cast %swap3A_194 : vector<1x16xf32> to vector<16xf32>
      %swap3A_196 = vector.shape_cast %add3A_192 : vector<16xf32> to vector<1x16xf32>
      tpu.vector_store %arg7[%swap3A, %swap3A_193], %swap3A_196 {strides = array<i32>} : memref<80x128xf32, #tpu.memory_space<vmem>>, vector<1x16xf32>,
      %get3A_197 = arith.index_cast %scan3A_184 : i32 to index
      %get3A_198 = arith.constant 16 : index
      %get3A_199 = tpu.vector_load %arg7[%get3A_197, %get3A_198] {strides = array<i32>} : memref<80x128xf32, #tpu.memory_space<vmem>>, vector<1x16xf32>,
      %get3A_200 = vector.shape_cast %get3A_199 : vector<1x16xf32> to vector<16xf32>
      %get3A_201 = arith.index_cast %scan3A_184 : i32 to index
      %get3A_202 = arith.constant 16 : index
      %get3A_203 = tpu.vector_load %arg8[%get3A_201, %get3A_202] {strides = array<i32>} : memref<80x128xf32, #tpu.memory_space<vmem>>, vector<1x16xf32>,
      %get3A_204 = vector.shape_cast %get3A_203 : vector<1x16xf32> to vector<16xf32>
      %add3A_205 = arith.addf %get3A_200, %get3A_204 : vector<16xf32>
      %swap3A_206 = arith.index_cast %scan3A_184 : i32 to index
      %swap3A_207 = arith.constant 16 : index
      %swap3A_208 = tpu.vector_load %arg7[%swap3A_206, %swap3A_207] {strides = array<i32>} : memref<80x128xf32, #tpu.memory_space<vmem>>, vector<1x16xf32>,
      %swap3A_209 = vector.shape_cast %swap3A_208 : vector<1x16xf32> to vector<16xf32>
      %swap3A_210 = vector.shape_cast %add3A_205 : vector<16xf32> to vector<1x16xf32>
      tpu.vector_store %arg7[%swap3A_206, %swap3A_207], %swap3A_210 {strides = array<i32>} : memref<80x128xf32, #tpu.memory_space<vmem>>, vector<1x16xf32>,
      %get3A_211 = arith.index_cast %scan3A_184 : i32 to index
      %get3A_212 = arith.constant 32 : index
      %get3A_213 = tpu.vector_load %arg7[%get3A_211, %get3A_212] {strides = array<i32>} : memref<80x128xf32, #tpu.memory_space<vmem>>, vector<1x16xf32>,
      %get3A_214 = vector.shape_cast %get3A_213 : vector<1x16xf32> to vector<16xf32>
      %get3A_215 = arith.index_cast %scan3A_184 : i32 to index
      %get3A_216 = arith.constant 32 : index
      %get3A_217 = tpu.vector_load %arg8[%get3A_215, %get3A_216] {strides = array<i32>} : memref<80x128xf32, #tpu.memory_space<vmem>>, vector<1x16xf32>,
      %get3A_218 = vector.shape_cast %get3A_217 : vector<1x16xf32> to vector<16xf32>
      %add3A_219 = arith.addf %get3A_214, %get3A_218 : vector<16xf32>
      %swap3A_220 = arith.index_cast %scan3A_184 : i32 to index
      %swap3A_221 = arith.constant 32 : index
      %swap3A_222 = tpu.vector_load %arg7[%swap3A_220, %swap3A_221] {strides = array<i32>} : memref<80x128xf32, #tpu.memory_space<vmem>>, vector<1x16xf32>,
      %swap3A_223 = vector.shape_cast %swap3A_222 : vector<1x16xf32> to vector<16xf32>
      %swap3A_224 = vector.shape_cast %add3A_219 : vector<16xf32> to vector<1x16xf32>
      tpu.vector_store %arg7[%swap3A_220, %swap3A_221], %swap3A_224 {strides = array<i32>} : memref<80x128xf32, #tpu.memory_space<vmem>>, vector<1x16xf32>,
      %get3A_225 = arith.index_cast %scan3A_184 : i32 to index
      %get3A_226 = arith.constant 48 : index
      %get3A_227 = tpu.vector_load %arg7[%get3A_225, %get3A_226] {strides = array<i32>} : memref<80x128xf32, #tpu.memory_space<vmem>>, vector<1x16xf32>,
      %get3A_228 = vector.shape_cast %get3A_227 : vector<1x16xf32> to vector<16xf32>
      %get3A_229 = arith.index_cast %scan3A_184 : i32 to index
      %get3A_230 = arith.constant 48 : index
      %get3A_231 = tpu.vector_load %arg8[%get3A_229, %get3A_230] {strides = array<i32>} : memref<80x128xf32, #tpu.memory_space<vmem>>, vector<1x16xf32>,
      %get3A_232 = vector.shape_cast %get3A_231 : vector<1x16xf32> to vector<16xf32>
      %add3A_233 = arith.addf %get3A_228, %get3A_232 : vector<16xf32>
      %swap3A_234 = arith.index_cast %scan3A_184 : i32 to index
      %swap3A_235 = arith.constant 48 : index
      %swap3A_236 = tpu.vector_load %arg7[%swap3A_234, %swap3A_235] {strides = array<i32>} : memref<80x128xf32, #tpu.memory_space<vmem>>, vector<1x16xf32>,
      %swap3A_237 = vector.shape_cast %swap3A_236 : vector<1x16xf32> to vector<16xf32>
      %swap3A_238 = vector.shape_cast %add3A_233 : vector<16xf32> to vector<1x16xf32>
      tpu.vector_store %arg7[%swap3A_234, %swap3A_235], %swap3A_238 {strides = array<i32>} : memref<80x128xf32, #tpu.memory_space<vmem>>, vector<1x16xf32>,
      %get3A_239 = arith.index_cast %scan3A_184 : i32 to index
      %get3A_240 = arith.constant 64 : index
      %get3A_241 = tpu.vector_load %arg7[%get3A_239, %get3A_240] {strides = array<i32>} : memref<80x128xf32, #tpu.memory_space<vmem>>, vector<1x16xf32>,
      %get3A_242 = vector.shape_cast %get3A_241 : vector<1x16xf32> to vector<16xf32>
      %get3A_243 = arith.index_cast %scan3A_184 : i32 to index
      %get3A_244 = arith.constant 64 : index
      %get3A_245 = tpu.vector_load %arg8[%get3A_243, %get3A_244] {strides = array<i32>} : memref<80x128xf32, #tpu.memory_space<vmem>>, vector<1x16xf32>,
      %get3A_246 = vector.shape_cast %get3A_245 : vector<1x16xf32> to vector<16xf32>
      %add3A_247 = arith.addf %get3A_242, %get3A_246 : vector<16xf32>
      %swap3A_248 = arith.index_cast %scan3A_184 : i32 to index
      %swap3A_249 = arith.constant 64 : index
      %swap3A_250 = tpu.vector_load %arg7[%swap3A_248, %swap3A_249] {strides = array<i32>} : memref<80x128xf32, #tpu.memory_space<vmem>>, vector<1x16xf32>,
      %swap3A_251 = vector.shape_cast %swap3A_250 : vector<1x16xf32> to vector<16xf32>
      %swap3A_252 = vector.shape_cast %add3A_247 : vector<16xf32> to vector<1x16xf32>
      tpu.vector_store %arg7[%swap3A_248, %swap3A_249], %swap3A_252 {strides = array<i32>} : memref<80x128xf32, #tpu.memory_space<vmem>>, vector<1x16xf32>,
      %get3A_253 = arith.index_cast %scan3A_184 : i32 to index
      %get3A_254 = arith.constant 80 : index
      %get3A_255 = tpu.vector_load %arg7[%get3A_253, %get3A_254] {strides = array<i32>} : memref<80x128xf32, #tpu.memory_space<vmem>>, vector<1x16xf32>,
      %get3A_256 = vector.shape_cast %get3A_255 : vector<1x16xf32> to vector<16xf32>
      %get3A_257 = arith.index_cast %scan3A_184 : i32 to index
      %get3A_258 = arith.constant 80 : index
      %get3A_259 = tpu.vector_load %arg8[%get3A_257, %get3A_258] {strides = array<i32>} : memref<80x128xf32, #tpu.memory_space<vmem>>, vector<1x16xf32>,
      %get3A_260 = vector.shape_cast %get3A_259 : vector<1x16xf32> to vector<16xf32>
      %add3A_261 = arith.addf %get3A_256, %get3A_260 : vector<16xf32>
      %swap3A_262 = arith.index_cast %scan3A_184 : i32 to index
      %swap3A_263 = arith.constant 80 : index
      %swap3A_264 = tpu.vector_load %arg7[%swap3A_262, %swap3A_263] {strides = array<i32>} : memref<80x128xf32, #tpu.memory_space<vmem>>, vector<1x16xf32>,
      %swap3A_265 = vector.shape_cast %swap3A_264 : vector<1x16xf32> to vector<16xf32>
      %swap3A_266 = vector.shape_cast %add3A_261 : vector<16xf32> to vector<1x16xf32>
      tpu.vector_store %arg7[%swap3A_262, %swap3A_263], %swap3A_266 {strides = array<i32>} : memref<80x128xf32, #tpu.memory_space<vmem>>, vector<1x16xf32>,
      %get3A_267 = arith.index_cast %scan3A_184 : i32 to index
      %get3A_268 = arith.constant 96 : index
      %get3A_269 = tpu.vector_load %arg7[%get3A_267, %get3A_268] {strides = array<i32>} : memref<80x128xf32, #tpu.memory_space<vmem>>, vector<1x16xf32>,
      %get3A_270 = vector.shape_cast %get3A_269 : vector<1x16xf32> to vector<16xf32>
      %get3A_271 = arith.index_cast %scan3A_184 : i32 to index
      %get3A_272 = arith.constant 96 : index
      %get3A_273 = tpu.vector_load %arg8[%get3A_271, %get3A_272] {strides = array<i32>} : memref<80x128xf32, #tpu.memory_space<vmem>>, vector<1x16xf32>,
      %get3A_274 = vector.shape_cast %get3A_273 : vector<1x16xf32> to vector<16xf32>
      %add3A_275 = arith.addf %get3A_270, %get3A_274 : vector<16xf32>
      %swap3A_276 = arith.index_cast %scan3A_184 : i32 to index
      %swap3A_277 = arith.constant 96 : index
      %swap3A_278 = tpu.vector_load %arg7[%swap3A_276, %swap3A_277] {strides = array<i32>} : memref<80x128xf32, #tpu.memory_space<vmem>>, vector<1x16xf32>,
      %swap3A_279 = vector.shape_cast %swap3A_278 : vector<1x16xf32> to vector<16xf32>
      %swap3A_280 = vector.shape_cast %add3A_275 : vector<16xf32> to vector<1x16xf32>
      tpu.vector_store %arg7[%swap3A_276, %swap3A_277], %swap3A_280 {strides = array<i32>} : memref<80x128xf32, #tpu.memory_space<vmem>>, vector<1x16xf32>,
      %get3A_281 = arith.index_cast %scan3A_184 : i32 to index
      %get3A_282 = arith.constant 112 : index
      %get3A_283 = tpu.vector_load %arg7[%get3A_281, %get3A_282] {strides = array<i32>} : memref<80x128xf32, #tpu.memory_space<vmem>>, vector<1x16xf32>,
      %get3A_284 = vector.shape_cast %get3A_283 : vector<1x16xf32> to vector<16xf32>
      %get3A_285 = arith.index_cast %scan3A_184 : i32 to index
      %get3A_286 = arith.constant 112 : index
      %get3A_287 = tpu.vector_load %arg8[%get3A_285, %get3A_286] {strides = array<i32>} : memref<80x128xf32, #tpu.memory_space<vmem>>, vector<1x16xf32>,
      %get3A_288 = vector.shape_cast %get3A_287 : vector<1x16xf32> to vector<16xf32>
      %add3A_289 = arith.addf %get3A_284, %get3A_288 : vector<16xf32>
      %swap3A_290 = arith.index_cast %scan3A_184 : i32 to index
      %swap3A_291 = arith.constant 112 : index
      %swap3A_292 = tpu.vector_load %arg7[%swap3A_290, %swap3A_291] {strides = array<i32>} : memref<80x128xf32, #tpu.memory_space<vmem>>, vector<1x16xf32>,
      %swap3A_293 = vector.shape_cast %swap3A_292 : vector<1x16xf32> to vector<16xf32>
      %swap3A_294 = vector.shape_cast %add3A_289 : vector<16xf32> to vector<1x16xf32>
      tpu.vector_store %arg7[%swap3A_290, %swap3A_291], %swap3A_294 {strides = array<i32>} : memref<80x128xf32, #tpu.memory_space<vmem>>, vector<1x16xf32>,
    }
    %scan3A_79 = arith.constant 80 : i32
    %dma_start3A_80 = arith.constant 0 : i32
    %dma_start3A_81 = tpu.memref_slice %arg5[%add3A_61, %dma_start3A_80] : memref<10240x128xf32, #tpu.memory_space<hbm>> -> memref<80x128xf32, #tpu.memory_space<hbm>>
    %dma_start3A_82 = arith.constant 0 : i32
    %dma_start3A_83 = tpu.memref_slice %arg5[%add3A_61, %dma_start3A_82] : memref<10240x128xf32, #tpu.memory_space<hbm>> -> memref<80x128xf32, #tpu.memory_space<hbm>>
    tpu.enqueue_dma source(%arg7 : memref<80x128xf32, #tpu.memory_space<vmem>>) target(%dma_start3A_83 : memref<80x128xf32, #tpu.memory_space<hbm>>) target_semaphore(%arg23 : memref<!tpu.dma_semaphore, #tpu.memory_space<semaphore_mem>>)
    %mul3A_84 = arith.constant 320 : i32
    %mul3A_85 = arith.muli %add3A, %mul3A_84 : i32
    %add3A_86 = arith.constant 80 : i32
    %add3A_87 = arith.addi %mul3A_85, %add3A_86 : i32
    %dma_wait3A_88 = arith.constant 1 : i32
    %dma_wait3A_89 = arith.constant 0 : i32
    %dma_wait3A_90 = tpu.memref_slice %arg6[%dma_wait3A_88, %dma_wait3A_89] : memref<4x80xi32, #tpu.memory_space<vmem>> -> memref<1x80xi32, #tpu.memory_space<vmem>>
    %dma_wait3A_91 = tpu.memref_squeeze %dma_wait3A_90 : memref<1x80xi32, #tpu.memory_space<vmem>> -> memref<80xi32, #tpu.memory_space<vmem>>
    %dma_wait3A_92 = arith.constant 0 : i32
    %dma_wait3A_93 = arith.constant 0 : i32
    %dma_wait3A_94 = tpu.memref_slice %arg2[%dma_wait3A_92, %dma_wait3A_93] : memref<2048x128xf32, #tpu.memory_space<hbm>> -> memref<2048x128xf32, #tpu.memory_space<hbm>>
    tpu.wait_indirect_dma semaphore(%arg17 : memref<!tpu.dma_semaphore, #tpu.memory_space<semaphore_mem>>) src(%dma_wait3A_94 : memref<2048x128xf32, #tpu.memory_space<hbm>>) dst(%arg9 : memref<80x128xf32, #tpu.memory_space<vmem>>)
    %dma_wait3A_95 = arith.constant 1 : i32
    %dma_wait3A_96 = arith.constant 0 : i32
    %dma_wait3A_97 = tpu.memref_slice %arg6[%dma_wait3A_95, %dma_wait3A_96] : memref<4x80xi32, #tpu.memory_space<vmem>> -> memref<1x80xi32, #tpu.memory_space<vmem>>
    %dma_wait3A_98 = tpu.memref_squeeze %dma_wait3A_97 : memref<1x80xi32, #tpu.memory_space<vmem>> -> memref<80xi32, #tpu.memory_space<vmem>>
    %dma_wait3A_99 = arith.constant 0 : i32
    %dma_wait3A_100 = arith.constant 0 : i32
    %dma_wait3A_101 = tpu.memref_slice %arg3[%dma_wait3A_99, %dma_wait3A_100] : memref<2048x128xf32, #tpu.memory_space<hbm>> -> memref<2048x128xf32, #tpu.memory_space<hbm>>
    tpu.wait_indirect_dma semaphore(%arg18 : memref<!tpu.dma_semaphore, #tpu.memory_space<semaphore_mem>>) src(%dma_wait3A_101 : memref<2048x128xf32, #tpu.memory_space<hbm>>) dst(%arg10 : memref<80x128xf32, #tpu.memory_space<vmem>>)
    %scan3A_102 = arith.constant 0 : i32
    %scan3A_103 = arith.constant 0 : i32
    %scan3A_104 = arith.constant 80 : i32
    %scan3A_105 = arith.addi %scan3A_103, %scan3A_104 : i32
    %scan3A_106 = arith.constant 1 : i32
    scf.for %scan3A_184 = %scan3A_103 to %scan3A_105 step %scan3A_106  : i32 {
      %get3A = arith.index_cast %scan3A_184 : i32 to index
      %get3A_185 = arith.constant 0 : index
      %get3A_186 = tpu.vector_load %arg9[%get3A, %get3A_185] {strides = array<i32>} : memref<80x128xf32, #tpu.memory_space<vmem>>, vector<1x16xf32>,
      %get3A_187 = vector.shape_cast %get3A_186 : vector<1x16xf32> to vector<16xf32>
      %get3A_188 = arith.index_cast %scan3A_184 : i32 to index
      %get3A_189 = arith.constant 0 : index
      %get3A_190 = tpu.vector_load %arg10[%get3A_188, %get3A_189] {strides = array<i32>} : memref<80x128xf32, #tpu.memory_space<vmem>>, vector<1x16xf32>,
      %get3A_191 = vector.shape_cast %get3A_190 : vector<1x16xf32> to vector<16xf32>
      %add3A_192 = arith.addf %get3A_187, %get3A_191 : vector<16xf32>
      %swap3A = arith.index_cast %scan3A_184 : i32 to index
      %swap3A_193 = arith.constant 0 : index
      %swap3A_194 = tpu.vector_load %arg9[%swap3A, %swap3A_193] {strides = array<i32>} : memref<80x128xf32, #tpu.memory_space<vmem>>, vector<1x16xf32>,
      %swap3A_195 = vector.shape_cast %swap3A_194 : vector<1x16xf32> to vector<16xf32>
      %swap3A_196 = vector.shape_cast %add3A_192 : vector<16xf32> to vector<1x16xf32>
      tpu.vector_store %arg9[%swap3A, %swap3A_193], %swap3A_196 {strides = array<i32>} : memref<80x128xf32, #tpu.memory_space<vmem>>, vector<1x16xf32>,
      %get3A_197 = arith.index_cast %scan3A_184 : i32 to index
      %get3A_198 = arith.constant 16 : index
      %get3A_199 = tpu.vector_load %arg9[%get3A_197, %get3A_198] {strides = array<i32>} : memref<80x128xf32, #tpu.memory_space<vmem>>, vector<1x16xf32>,
      %get3A_200 = vector.shape_cast %get3A_199 : vector<1x16xf32> to vector<16xf32>
      %get3A_201 = arith.index_cast %scan3A_184 : i32 to index
      %get3A_202 = arith.constant 16 : index
      %get3A_203 = tpu.vector_load %arg10[%get3A_201, %get3A_202] {strides = array<i32>} : memref<80x128xf32, #tpu.memory_space<vmem>>, vector<1x16xf32>,
      %get3A_204 = vector.shape_cast %get3A_203 : vector<1x16xf32> to vector<16xf32>
      %add3A_205 = arith.addf %get3A_200, %get3A_204 : vector<16xf32>
      %swap3A_206 = arith.index_cast %scan3A_184 : i32 to index
      %swap3A_207 = arith.constant 16 : index
      %swap3A_208 = tpu.vector_load %arg9[%swap3A_206, %swap3A_207] {strides = array<i32>} : memref<80x128xf32, #tpu.memory_space<vmem>>, vector<1x16xf32>,
      %swap3A_209 = vector.shape_cast %swap3A_208 : vector<1x16xf32> to vector<16xf32>
      %swap3A_210 = vector.shape_cast %add3A_205 : vector<16xf32> to vector<1x16xf32>
      tpu.vector_store %arg9[%swap3A_206, %swap3A_207], %swap3A_210 {strides = array<i32>} : memref<80x128xf32, #tpu.memory_space<vmem>>, vector<1x16xf32>,
      %get3A_211 = arith.index_cast %scan3A_184 : i32 to index
      %get3A_212 = arith.constant 32 : index
      %get3A_213 = tpu.vector_load %arg9[%get3A_211, %get3A_212] {strides = array<i32>} : memref<80x128xf32, #tpu.memory_space<vmem>>, vector<1x16xf32>,
      %get3A_214 = vector.shape_cast %get3A_213 : vector<1x16xf32> to vector<16xf32>
      %get3A_215 = arith.index_cast %scan3A_184 : i32 to index
      %get3A_216 = arith.constant 32 : index
      %get3A_217 = tpu.vector_load %arg10[%get3A_215, %get3A_216] {strides = array<i32>} : memref<80x128xf32, #tpu.memory_space<vmem>>, vector<1x16xf32>,
      %get3A_218 = vector.shape_cast %get3A_217 : vector<1x16xf32> to vector<16xf32>
      %add3A_219 = arith.addf %get3A_214, %get3A_218 : vector<16xf32>
      %swap3A_220 = arith.index_cast %scan3A_184 : i32 to index
      %swap3A_221 = arith.constant 32 : index
      %swap3A_222 = tpu.vector_load %arg9[%swap3A_220, %swap3A_221] {strides = array<i32>} : memref<80x128xf32, #tpu.memory_space<vmem>>, vector<1x16xf32>,
      %swap3A_223 = vector.shape_cast %swap3A_222 : vector<1x16xf32> to vector<16xf32>
      %swap3A_224 = vector.shape_cast %add3A_219 : vector<16xf32> to vector<1x16xf32>
      tpu.vector_store %arg9[%swap3A_220, %swap3A_221], %swap3A_224 {strides = array<i32>} : memref<80x128xf32, #tpu.memory_space<vmem>>, vector<1x16xf32>,
      %get3A_225 = arith.index_cast %scan3A_184 : i32 to index
      %get3A_226 = arith.constant 48 : index
      %get3A_227 = tpu.vector_load %arg9[%get3A_225, %get3A_226] {strides = array<i32>} : memref<80x128xf32, #tpu.memory_space<vmem>>, vector<1x16xf32>,
      %get3A_228 = vector.shape_cast %get3A_227 : vector<1x16xf32> to vector<16xf32>
      %get3A_229 = arith.index_cast %scan3A_184 : i32 to index
      %get3A_230 = arith.constant 48 : index
      %get3A_231 = tpu.vector_load %arg10[%get3A_229, %get3A_230] {strides = array<i32>} : memref<80x128xf32, #tpu.memory_space<vmem>>, vector<1x16xf32>,
      %get3A_232 = vector.shape_cast %get3A_231 : vector<1x16xf32> to vector<16xf32>
      %add3A_233 = arith.addf %get3A_228, %get3A_232 : vector<16xf32>
      %swap3A_234 = arith.index_cast %scan3A_184 : i32 to index
      %swap3A_235 = arith.constant 48 : index
      %swap3A_236 = tpu.vector_load %arg9[%swap3A_234, %swap3A_235] {strides = array<i32>} : memref<80x128xf32, #tpu.memory_space<vmem>>, vector<1x16xf32>,
      %swap3A_237 = vector.shape_cast %swap3A_236 : vector<1x16xf32> to vector<16xf32>
      %swap3A_238 = vector.shape_cast %add3A_233 : vector<16xf32> to vector<1x16xf32>
      tpu.vector_store %arg9[%swap3A_234, %swap3A_235], %swap3A_238 {strides = array<i32>} : memref<80x128xf32, #tpu.memory_space<vmem>>, vector<1x16xf32>,
      %get3A_239 = arith.index_cast %scan3A_184 : i32 to index
      %get3A_240 = arith.constant 64 : index
      %get3A_241 = tpu.vector_load %arg9[%get3A_239, %get3A_240] {strides = array<i32>} : memref<80x128xf32, #tpu.memory_space<vmem>>, vector<1x16xf32>,
      %get3A_242 = vector.shape_cast %get3A_241 : vector<1x16xf32> to vector<16xf32>
      %get3A_243 = arith.index_cast %scan3A_184 : i32 to index
      %get3A_244 = arith.constant 64 : index
      %get3A_245 = tpu.vector_load %arg10[%get3A_243, %get3A_244] {strides = array<i32>} : memref<80x128xf32, #tpu.memory_space<vmem>>, vector<1x16xf32>,
      %get3A_246 = vector.shape_cast %get3A_245 : vector<1x16xf32> to vector<16xf32>
      %add3A_247 = arith.addf %get3A_242, %get3A_246 : vector<16xf32>
      %swap3A_248 = arith.index_cast %scan3A_184 : i32 to index
      %swap3A_249 = arith.constant 64 : index
      %swap3A_250 = tpu.vector_load %arg9[%swap3A_248, %swap3A_249] {strides = array<i32>} : memref<80x128xf32, #tpu.memory_space<vmem>>, vector<1x16xf32>,
      %swap3A_251 = vector.shape_cast %swap3A_250 : vector<1x16xf32> to vector<16xf32>
      %swap3A_252 = vector.shape_cast %add3A_247 : vector<16xf32> to vector<1x16xf32>
      tpu.vector_store %arg9[%swap3A_248, %swap3A_249], %swap3A_252 {strides = array<i32>} : memref<80x128xf32, #tpu.memory_space<vmem>>, vector<1x16xf32>,
      %get3A_253 = arith.index_cast %scan3A_184 : i32 to index
      %get3A_254 = arith.constant 80 : index
      %get3A_255 = tpu.vector_load %arg9[%get3A_253, %get3A_254] {strides = array<i32>} : memref<80x128xf32, #tpu.memory_space<vmem>>, vector<1x16xf32>,
      %get3A_256 = vector.shape_cast %get3A_255 : vector<1x16xf32> to vector<16xf32>
      %get3A_257 = arith.index_cast %scan3A_184 : i32 to index
      %get3A_258 = arith.constant 80 : index
      %get3A_259 = tpu.vector_load %arg10[%get3A_257, %get3A_258] {strides = array<i32>} : memref<80x128xf32, #tpu.memory_space<vmem>>, vector<1x16xf32>,
      %get3A_260 = vector.shape_cast %get3A_259 : vector<1x16xf32> to vector<16xf32>
      %add3A_261 = arith.addf %get3A_256, %get3A_260 : vector<16xf32>
      %swap3A_262 = arith.index_cast %scan3A_184 : i32 to index
      %swap3A_263 = arith.constant 80 : index
      %swap3A_264 = tpu.vector_load %arg9[%swap3A_262, %swap3A_263] {strides = array<i32>} : memref<80x128xf32, #tpu.memory_space<vmem>>, vector<1x16xf32>,
      %swap3A_265 = vector.shape_cast %swap3A_264 : vector<1x16xf32> to vector<16xf32>
      %swap3A_266 = vector.shape_cast %add3A_261 : vector<16xf32> to vector<1x16xf32>
      tpu.vector_store %arg9[%swap3A_262, %swap3A_263], %swap3A_266 {strides = array<i32>} : memref<80x128xf32, #tpu.memory_space<vmem>>, vector<1x16xf32>,
      %get3A_267 = arith.index_cast %scan3A_184 : i32 to index
      %get3A_268 = arith.constant 96 : index
      %get3A_269 = tpu.vector_load %arg9[%get3A_267, %get3A_268] {strides = array<i32>} : memref<80x128xf32, #tpu.memory_space<vmem>>, vector<1x16xf32>,
      %get3A_270 = vector.shape_cast %get3A_269 : vector<1x16xf32> to vector<16xf32>
      %get3A_271 = arith.index_cast %scan3A_184 : i32 to index
      %get3A_272 = arith.constant 96 : index
      %get3A_273 = tpu.vector_load %arg10[%get3A_271, %get3A_272] {strides = array<i32>} : memref<80x128xf32, #tpu.memory_space<vmem>>, vector<1x16xf32>,
      %get3A_274 = vector.shape_cast %get3A_273 : vector<1x16xf32> to vector<16xf32>
      %add3A_275 = arith.addf %get3A_270, %get3A_274 : vector<16xf32>
      %swap3A_276 = arith.index_cast %scan3A_184 : i32 to index
      %swap3A_277 = arith.constant 96 : index
      %swap3A_278 = tpu.vector_load %arg9[%swap3A_276, %swap3A_277] {strides = array<i32>} : memref<80x128xf32, #tpu.memory_space<vmem>>, vector<1x16xf32>,
      %swap3A_279 = vector.shape_cast %swap3A_278 : vector<1x16xf32> to vector<16xf32>
      %swap3A_280 = vector.shape_cast %add3A_275 : vector<16xf32> to vector<1x16xf32>
      tpu.vector_store %arg9[%swap3A_276, %swap3A_277], %swap3A_280 {strides = array<i32>} : memref<80x128xf32, #tpu.memory_space<vmem>>, vector<1x16xf32>,
      %get3A_281 = arith.index_cast %scan3A_184 : i32 to index
      %get3A_282 = arith.constant 112 : index
      %get3A_283 = tpu.vector_load %arg9[%get3A_281, %get3A_282] {strides = array<i32>} : memref<80x128xf32, #tpu.memory_space<vmem>>, vector<1x16xf32>,
      %get3A_284 = vector.shape_cast %get3A_283 : vector<1x16xf32> to vector<16xf32>
      %get3A_285 = arith.index_cast %scan3A_184 : i32 to index
      %get3A_286 = arith.constant 112 : index
      %get3A_287 = tpu.vector_load %arg10[%get3A_285, %get3A_286] {strides = array<i32>} : memref<80x128xf32, #tpu.memory_space<vmem>>, vector<1x16xf32>,
      %get3A_288 = vector.shape_cast %get3A_287 : vector<1x16xf32> to vector<16xf32>
      %add3A_289 = arith.addf %get3A_284, %get3A_288 : vector<16xf32>
      %swap3A_290 = arith.index_cast %scan3A_184 : i32 to index
      %swap3A_291 = arith.constant 112 : index
      %swap3A_292 = tpu.vector_load %arg9[%swap3A_290, %swap3A_291] {strides = array<i32>} : memref<80x128xf32, #tpu.memory_space<vmem>>, vector<1x16xf32>,
      %swap3A_293 = vector.shape_cast %swap3A_292 : vector<1x16xf32> to vector<16xf32>
      %swap3A_294 = vector.shape_cast %add3A_289 : vector<16xf32> to vector<1x16xf32>
      tpu.vector_store %arg9[%swap3A_290, %swap3A_291], %swap3A_294 {strides = array<i32>} : memref<80x128xf32, #tpu.memory_space<vmem>>, vector<1x16xf32>,
    }
    %scan3A_107 = arith.constant 80 : i32
    %dma_start3A_108 = arith.constant 0 : i32
    %dma_start3A_109 = tpu.memref_slice %arg5[%add3A_87, %dma_start3A_108] : memref<10240x128xf32, #tpu.memory_space<hbm>> -> memref<80x128xf32, #tpu.memory_space<hbm>>
    %dma_start3A_110 = arith.constant 0 : i32
    %dma_start3A_111 = tpu.memref_slice %arg5[%add3A_87, %dma_start3A_110] : memref<10240x128xf32, #tpu.memory_space<hbm>> -> memref<80x128xf32, #tpu.memory_space<hbm>>
    tpu.enqueue_dma source(%arg9 : memref<80x128xf32, #tpu.memory_space<vmem>>) target(%dma_start3A_111 : memref<80x128xf32, #tpu.memory_space<hbm>>) target_semaphore(%arg23 : memref<!tpu.dma_semaphore, #tpu.memory_space<semaphore_mem>>)
    %mul3A_112 = arith.constant 320 : i32
    %mul3A_113 = arith.muli %add3A, %mul3A_112 : i32
    %add3A_114 = arith.constant 160 : i32
    %add3A_115 = arith.addi %mul3A_113, %add3A_114 : i32
    %dma_wait3A_116 = arith.constant 2 : i32
    %dma_wait3A_117 = arith.constant 0 : i32
    %dma_wait3A_118 = tpu.memref_slice %arg6[%dma_wait3A_116, %dma_wait3A_117] : memref<4x80xi32, #tpu.memory_space<vmem>> -> memref<1x80xi32, #tpu.memory_space<vmem>>
    %dma_wait3A_119 = tpu.memref_squeeze %dma_wait3A_118 : memref<1x80xi32, #tpu.memory_space<vmem>> -> memref<80xi32, #tpu.memory_space<vmem>>
    %dma_wait3A_120 = arith.constant 0 : i32
    %dma_wait3A_121 = arith.constant 0 : i32
    %dma_wait3A_122 = tpu.memref_slice %arg2[%dma_wait3A_120, %dma_wait3A_121] : memref<2048x128xf32, #tpu.memory_space<hbm>> -> memref<2048x128xf32, #tpu.memory_space<hbm>>
    tpu.wait_indirect_dma semaphore(%arg19 : memref<!tpu.dma_semaphore, #tpu.memory_space<semaphore_mem>>) src(%dma_wait3A_122 : memref<2048x128xf32, #tpu.memory_space<hbm>>) dst(%arg11 : memref<80x128xf32, #tpu.memory_space<vmem>>)
    %dma_wait3A_123 = arith.constant 2 : i32
    %dma_wait3A_124 = arith.constant 0 : i32
    %dma_wait3A_125 = tpu.memref_slice %arg6[%dma_wait3A_123, %dma_wait3A_124] : memref<4x80xi32, #tpu.memory_space<vmem>> -> memref<1x80xi32, #tpu.memory_space<vmem>>
    %dma_wait3A_126 = tpu.memref_squeeze %dma_wait3A_125 : memref<1x80xi32, #tpu.memory_space<vmem>> -> memref<80xi32, #tpu.memory_space<vmem>>
    %dma_wait3A_127 = arith.constant 0 : i32
    %dma_wait3A_128 = arith.constant 0 : i32
    %dma_wait3A_129 = tpu.memref_slice %arg3[%dma_wait3A_127, %dma_wait3A_128] : memref<2048x128xf32, #tpu.memory_space<hbm>> -> memref<2048x128xf32, #tpu.memory_space<hbm>>
    tpu.wait_indirect_dma semaphore(%arg20 : memref<!tpu.dma_semaphore, #tpu.memory_space<semaphore_mem>>) src(%dma_wait3A_129 : memref<2048x128xf32, #tpu.memory_space<hbm>>) dst(%arg12 : memref<80x128xf32, #tpu.memory_space<vmem>>)
    %scan3A_130 = arith.constant 0 : i32
    %scan3A_131 = arith.constant 0 : i32
    %scan3A_132 = arith.constant 80 : i32
    %scan3A_133 = arith.addi %scan3A_131, %scan3A_132 : i32
    %scan3A_134 = arith.constant 1 : i32
    scf.for %scan3A_184 = %scan3A_131 to %scan3A_133 step %scan3A_134  : i32 {
      %get3A = arith.index_cast %scan3A_184 : i32 to index
      %get3A_185 = arith.constant 0 : index
      %get3A_186 = tpu.vector_load %arg11[%get3A, %get3A_185] {strides = array<i32>} : memref<80x128xf32, #tpu.memory_space<vmem>>, vector<1x16xf32>,
      %get3A_187 = vector.shape_cast %get3A_186 : vector<1x16xf32> to vector<16xf32>
      %get3A_188 = arith.index_cast %scan3A_184 : i32 to index
      %get3A_189 = arith.constant 0 : index
      %get3A_190 = tpu.vector_load %arg12[%get3A_188, %get3A_189] {strides = array<i32>} : memref<80x128xf32, #tpu.memory_space<vmem>>, vector<1x16xf32>,
      %get3A_191 = vector.shape_cast %get3A_190 : vector<1x16xf32> to vector<16xf32>
      %add3A_192 = arith.addf %get3A_187, %get3A_191 : vector<16xf32>
      %swap3A = arith.index_cast %scan3A_184 : i32 to index
      %swap3A_193 = arith.constant 0 : index
      %swap3A_194 = tpu.vector_load %arg11[%swap3A, %swap3A_193] {strides = array<i32>} : memref<80x128xf32, #tpu.memory_space<vmem>>, vector<1x16xf32>,
      %swap3A_195 = vector.shape_cast %swap3A_194 : vector<1x16xf32> to vector<16xf32>
      %swap3A_196 = vector.shape_cast %add3A_192 : vector<16xf32> to vector<1x16xf32>
      tpu.vector_store %arg11[%swap3A, %swap3A_193], %swap3A_196 {strides = array<i32>} : memref<80x128xf32, #tpu.memory_space<vmem>>, vector<1x16xf32>,
      %get3A_197 = arith.index_cast %scan3A_184 : i32 to index
      %get3A_198 = arith.constant 16 : index
      %get3A_199 = tpu.vector_load %arg11[%get3A_197, %get3A_198] {strides = array<i32>} : memref<80x128xf32, #tpu.memory_space<vmem>>, vector<1x16xf32>,
      %get3A_200 = vector.shape_cast %get3A_199 : vector<1x16xf32> to vector<16xf32>
      %get3A_201 = arith.index_cast %scan3A_184 : i32 to index
      %get3A_202 = arith.constant 16 : index
      %get3A_203 = tpu.vector_load %arg12[%get3A_201, %get3A_202] {strides = array<i32>} : memref<80x128xf32, #tpu.memory_space<vmem>>, vector<1x16xf32>,
      %get3A_204 = vector.shape_cast %get3A_203 : vector<1x16xf32> to vector<16xf32>
      %add3A_205 = arith.addf %get3A_200, %get3A_204 : vector<16xf32>
      %swap3A_206 = arith.index_cast %scan3A_184 : i32 to index
      %swap3A_207 = arith.constant 16 : index
      %swap3A_208 = tpu.vector_load %arg11[%swap3A_206, %swap3A_207] {strides = array<i32>} : memref<80x128xf32, #tpu.memory_space<vmem>>, vector<1x16xf32>,
      %swap3A_209 = vector.shape_cast %swap3A_208 : vector<1x16xf32> to vector<16xf32>
      %swap3A_210 = vector.shape_cast %add3A_205 : vector<16xf32> to vector<1x16xf32>
      tpu.vector_store %arg11[%swap3A_206, %swap3A_207], %swap3A_210 {strides = array<i32>} : memref<80x128xf32, #tpu.memory_space<vmem>>, vector<1x16xf32>,
      %get3A_211 = arith.index_cast %scan3A_184 : i32 to index
      %get3A_212 = arith.constant 32 : index
      %get3A_213 = tpu.vector_load %arg11[%get3A_211, %get3A_212] {strides = array<i32>} : memref<80x128xf32, #tpu.memory_space<vmem>>, vector<1x16xf32>,
      %get3A_214 = vector.shape_cast %get3A_213 : vector<1x16xf32> to vector<16xf32>
      %get3A_215 = arith.index_cast %scan3A_184 : i32 to index
      %get3A_216 = arith.constant 32 : index
      %get3A_217 = tpu.vector_load %arg12[%get3A_215, %get3A_216] {strides = array<i32>} : memref<80x128xf32, #tpu.memory_space<vmem>>, vector<1x16xf32>,
      %get3A_218 = vector.shape_cast %get3A_217 : vector<1x16xf32> to vector<16xf32>
      %add3A_219 = arith.addf %get3A_214, %get3A_218 : vector<16xf32>
      %swap3A_220 = arith.index_cast %scan3A_184 : i32 to index
      %swap3A_221 = arith.constant 32 : index
      %swap3A_222 = tpu.vector_load %arg11[%swap3A_220, %swap3A_221] {strides = array<i32>} : memref<80x128xf32, #tpu.memory_space<vmem>>, vector<1x16xf32>,
      %swap3A_223 = vector.shape_cast %swap3A_222 : vector<1x16xf32> to vector<16xf32>
      %swap3A_224 = vector.shape_cast %add3A_219 : vector<16xf32> to vector<1x16xf32>
      tpu.vector_store %arg11[%swap3A_220, %swap3A_221], %swap3A_224 {strides = array<i32>} : memref<80x128xf32, #tpu.memory_space<vmem>>, vector<1x16xf32>,
      %get3A_225 = arith.index_cast %scan3A_184 : i32 to index
      %get3A_226 = arith.constant 48 : index
      %get3A_227 = tpu.vector_load %arg11[%get3A_225, %get3A_226] {strides = array<i32>} : memref<80x128xf32, #tpu.memory_space<vmem>>, vector<1x16xf32>,
      %get3A_228 = vector.shape_cast %get3A_227 : vector<1x16xf32> to vector<16xf32>
      %get3A_229 = arith.index_cast %scan3A_184 : i32 to index
      %get3A_230 = arith.constant 48 : index
      %get3A_231 = tpu.vector_load %arg12[%get3A_229, %get3A_230] {strides = array<i32>} : memref<80x128xf32, #tpu.memory_space<vmem>>, vector<1x16xf32>,
      %get3A_232 = vector.shape_cast %get3A_231 : vector<1x16xf32> to vector<16xf32>
      %add3A_233 = arith.addf %get3A_228, %get3A_232 : vector<16xf32>
      %swap3A_234 = arith.index_cast %scan3A_184 : i32 to index
      %swap3A_235 = arith.constant 48 : index
      %swap3A_236 = tpu.vector_load %arg11[%swap3A_234, %swap3A_235] {strides = array<i32>} : memref<80x128xf32, #tpu.memory_space<vmem>>, vector<1x16xf32>,
      %swap3A_237 = vector.shape_cast %swap3A_236 : vector<1x16xf32> to vector<16xf32>
      %swap3A_238 = vector.shape_cast %add3A_233 : vector<16xf32> to vector<1x16xf32>
      tpu.vector_store %arg11[%swap3A_234, %swap3A_235], %swap3A_238 {strides = array<i32>} : memref<80x128xf32, #tpu.memory_space<vmem>>, vector<1x16xf32>,
      %get3A_239 = arith.index_cast %scan3A_184 : i32 to index
      %get3A_240 = arith.constant 64 : index
      %get3A_241 = tpu.vector_load %arg11[%get3A_239, %get3A_240] {strides = array<i32>} : memref<80x128xf32, #tpu.memory_space<vmem>>, vector<1x16xf32>,
      %get3A_242 = vector.shape_cast %get3A_241 : vector<1x16xf32> to vector<16xf32>
      %get3A_243 = arith.index_cast %scan3A_184 : i32 to index
      %get3A_244 = arith.constant 64 : index
      %get3A_245 = tpu.vector_load %arg12[%get3A_243, %get3A_244] {strides = array<i32>} : memref<80x128xf32, #tpu.memory_space<vmem>>, vector<1x16xf32>,
      %get3A_246 = vector.shape_cast %get3A_245 : vector<1x16xf32> to vector<16xf32>
      %add3A_247 = arith.addf %get3A_242, %get3A_246 : vector<16xf32>
      %swap3A_248 = arith.index_cast %scan3A_184 : i32 to index
      %swap3A_249 = arith.constant 64 : index
      %swap3A_250 = tpu.vector_load %arg11[%swap3A_248, %swap3A_249] {strides = array<i32>} : memref<80x128xf32, #tpu.memory_space<vmem>>, vector<1x16xf32>,
      %swap3A_251 = vector.shape_cast %swap3A_250 : vector<1x16xf32> to vector<16xf32>
      %swap3A_252 = vector.shape_cast %add3A_247 : vector<16xf32> to vector<1x16xf32>
      tpu.vector_store %arg11[%swap3A_248, %swap3A_249], %swap3A_252 {strides = array<i32>} : memref<80x128xf32, #tpu.memory_space<vmem>>, vector<1x16xf32>,
      %get3A_253 = arith.index_cast %scan3A_184 : i32 to index
      %get3A_254 = arith.constant 80 : index
      %get3A_255 = tpu.vector_load %arg11[%get3A_253, %get3A_254] {strides = array<i32>} : memref<80x128xf32, #tpu.memory_space<vmem>>, vector<1x16xf32>,
      %get3A_256 = vector.shape_cast %get3A_255 : vector<1x16xf32> to vector<16xf32>
      %get3A_257 = arith.index_cast %scan3A_184 : i32 to index
      %get3A_258 = arith.constant 80 : index
      %get3A_259 = tpu.vector_load %arg12[%get3A_257, %get3A_258] {strides = array<i32>} : memref<80x128xf32, #tpu.memory_space<vmem>>, vector<1x16xf32>,
      %get3A_260 = vector.shape_cast %get3A_259 : vector<1x16xf32> to vector<16xf32>
      %add3A_261 = arith.addf %get3A_256, %get3A_260 : vector<16xf32>
      %swap3A_262 = arith.index_cast %scan3A_184 : i32 to index
      %swap3A_263 = arith.constant 80 : index
      %swap3A_264 = tpu.vector_load %arg11[%swap3A_262, %swap3A_263] {strides = array<i32>} : memref<80x128xf32, #tpu.memory_space<vmem>>, vector<1x16xf32>,
      %swap3A_265 = vector.shape_cast %swap3A_264 : vector<1x16xf32> to vector<16xf32>
      %swap3A_266 = vector.shape_cast %add3A_261 : vector<16xf32> to vector<1x16xf32>
      tpu.vector_store %arg11[%swap3A_262, %swap3A_263], %swap3A_266 {strides = array<i32>} : memref<80x128xf32, #tpu.memory_space<vmem>>, vector<1x16xf32>,
      %get3A_267 = arith.index_cast %scan3A_184 : i32 to index
      %get3A_268 = arith.constant 96 : index
      %get3A_269 = tpu.vector_load %arg11[%get3A_267, %get3A_268] {strides = array<i32>} : memref<80x128xf32, #tpu.memory_space<vmem>>, vector<1x16xf32>,
      %get3A_270 = vector.shape_cast %get3A_269 : vector<1x16xf32> to vector<16xf32>
      %get3A_271 = arith.index_cast %scan3A_184 : i32 to index
      %get3A_272 = arith.constant 96 : index
      %get3A_273 = tpu.vector_load %arg12[%get3A_271, %get3A_272] {strides = array<i32>} : memref<80x128xf32, #tpu.memory_space<vmem>>, vector<1x16xf32>,
      %get3A_274 = vector.shape_cast %get3A_273 : vector<1x16xf32> to vector<16xf32>
      %add3A_275 = arith.addf %get3A_270, %get3A_274 : vector<16xf32>
      %swap3A_276 = arith.index_cast %scan3A_184 : i32 to index
      %swap3A_277 = arith.constant 96 : index
      %swap3A_278 = tpu.vector_load %arg11[%swap3A_276, %swap3A_277] {strides = array<i32>} : memref<80x128xf32, #tpu.memory_space<vmem>>, vector<1x16xf32>,
      %swap3A_279 = vector.shape_cast %swap3A_278 : vector<1x16xf32> to vector<16xf32>
      %swap3A_280 = vector.shape_cast %add3A_275 : vector<16xf32> to vector<1x16xf32>
      tpu.vector_store %arg11[%swap3A_276, %swap3A_277], %swap3A_280 {strides = array<i32>} : memref<80x128xf32, #tpu.memory_space<vmem>>, vector<1x16xf32>,
      %get3A_281 = arith.index_cast %scan3A_184 : i32 to index
      %get3A_282 = arith.constant 112 : index
      %get3A_283 = tpu.vector_load %arg11[%get3A_281, %get3A_282] {strides = array<i32>} : memref<80x128xf32, #tpu.memory_space<vmem>>, vector<1x16xf32>,
      %get3A_284 = vector.shape_cast %get3A_283 : vector<1x16xf32> to vector<16xf32>
      %get3A_285 = arith.index_cast %scan3A_184 : i32 to index
      %get3A_286 = arith.constant 112 : index
      %get3A_287 = tpu.vector_load %arg12[%get3A_285, %get3A_286] {strides = array<i32>} : memref<80x128xf32, #tpu.memory_space<vmem>>, vector<1x16xf32>,
      %get3A_288 = vector.shape_cast %get3A_287 : vector<1x16xf32> to vector<16xf32>
      %add3A_289 = arith.addf %get3A_284, %get3A_288 : vector<16xf32>
      %swap3A_290 = arith.index_cast %scan3A_184 : i32 to index
      %swap3A_291 = arith.constant 112 : index
      %swap3A_292 = tpu.vector_load %arg11[%swap3A_290, %swap3A_291] {strides = array<i32>} : memref<80x128xf32, #tpu.memory_space<vmem>>, vector<1x16xf32>,
      %swap3A_293 = vector.shape_cast %swap3A_292 : vector<1x16xf32> to vector<16xf32>
      %swap3A_294 = vector.shape_cast %add3A_289 : vector<16xf32> to vector<1x16xf32>
      tpu.vector_store %arg11[%swap3A_290, %swap3A_291], %swap3A_294 {strides = array<i32>} : memref<80x128xf32, #tpu.memory_space<vmem>>, vector<1x16xf32>,
    }
    %scan3A_135 = arith.constant 80 : i32
    %dma_start3A_136 = arith.constant 0 : i32
    %dma_start3A_137 = tpu.memref_slice %arg5[%add3A_115, %dma_start3A_136] : memref<10240x128xf32, #tpu.memory_space<hbm>> -> memref<80x128xf32, #tpu.memory_space<hbm>>
    %dma_start3A_138 = arith.constant 0 : i32
    %dma_start3A_139 = tpu.memref_slice %arg5[%add3A_115, %dma_start3A_138] : memref<10240x128xf32, #tpu.memory_space<hbm>> -> memref<80x128xf32, #tpu.memory_space<hbm>>
    tpu.enqueue_dma source(%arg11 : memref<80x128xf32, #tpu.memory_space<vmem>>) target(%dma_start3A_139 : memref<80x128xf32, #tpu.memory_space<hbm>>) target_semaphore(%arg23 : memref<!tpu.dma_semaphore, #tpu.memory_space<semaphore_mem>>)
    %mul3A_140 = arith.constant 320 : i32
    %mul3A_141 = arith.muli %add3A, %mul3A_140 : i32
    %add3A_142 = arith.constant 240 : i32
    %add3A_143 = arith.addi %mul3A_141, %add3A_142 : i32
    %dma_wait3A_144 = arith.constant 3 : i32
    %dma_wait3A_145 = arith.constant 0 : i32
    %dma_wait3A_146 = tpu.memref_slice %arg6[%dma_wait3A_144, %dma_wait3A_145] : memref<4x80xi32, #tpu.memory_space<vmem>> -> memref<1x80xi32, #tpu.memory_space<vmem>>
    %dma_wait3A_147 = tpu.memref_squeeze %dma_wait3A_146 : memref<1x80xi32, #tpu.memory_space<vmem>> -> memref<80xi32, #tpu.memory_space<vmem>>
    %dma_wait3A_148 = arith.constant 0 : i32
    %dma_wait3A_149 = arith.constant 0 : i32
    %dma_wait3A_150 = tpu.memref_slice %arg2[%dma_wait3A_148, %dma_wait3A_149] : memref<2048x128xf32, #tpu.memory_space<hbm>> -> memref<2048x128xf32, #tpu.memory_space<hbm>>
    tpu.wait_indirect_dma semaphore(%arg21 : memref<!tpu.dma_semaphore, #tpu.memory_space<semaphore_mem>>) src(%dma_wait3A_150 : memref<2048x128xf32, #tpu.memory_space<hbm>>) dst(%arg13 : memref<80x128xf32, #tpu.memory_space<vmem>>)
    %dma_wait3A_151 = arith.constant 3 : i32
    %dma_wait3A_152 = arith.constant 0 : i32
    %dma_wait3A_153 = tpu.memref_slice %arg6[%dma_wait3A_151, %dma_wait3A_152] : memref<4x80xi32, #tpu.memory_space<vmem>> -> memref<1x80xi32, #tpu.memory_space<vmem>>
    %dma_wait3A_154 = tpu.memref_squeeze %dma_wait3A_153 : memref<1x80xi32, #tpu.memory_space<vmem>> -> memref<80xi32, #tpu.memory_space<vmem>>
    %dma_wait3A_155 = arith.constant 0 : i32
    %dma_wait3A_156 = arith.constant 0 : i32
    %dma_wait3A_157 = tpu.memref_slice %arg3[%dma_wait3A_155, %dma_wait3A_156] : memref<2048x128xf32, #tpu.memory_space<hbm>> -> memref<2048x128xf32, #tpu.memory_space<hbm>>
    tpu.wait_indirect_dma semaphore(%arg22 : memref<!tpu.dma_semaphore, #tpu.memory_space<semaphore_mem>>) src(%dma_wait3A_157 : memref<2048x128xf32, #tpu.memory_space<hbm>>) dst(%arg14 : memref<80x128xf32, #tpu.memory_space<vmem>>)
    %scan3A_158 = arith.constant 0 : i32
    %scan3A_159 = arith.constant 0 : i32
    %scan3A_160 = arith.constant 80 : i32
    %scan3A_161 = arith.addi %scan3A_159, %scan3A_160 : i32
    %scan3A_162 = arith.constant 1 : i32
    scf.for %scan3A_184 = %scan3A_159 to %scan3A_161 step %scan3A_162  : i32 {
      %get3A = arith.index_cast %scan3A_184 : i32 to index
      %get3A_185 = arith.constant 0 : index
      %get3A_186 = tpu.vector_load %arg13[%get3A, %get3A_185] {strides = array<i32>} : memref<80x128xf32, #tpu.memory_space<vmem>>, vector<1x16xf32>,
      %get3A_187 = vector.shape_cast %get3A_186 : vector<1x16xf32> to vector<16xf32>
      %get3A_188 = arith.index_cast %scan3A_184 : i32 to index
      %get3A_189 = arith.constant 0 : index
      %get3A_190 = tpu.vector_load %arg14[%get3A_188, %get3A_189] {strides = array<i32>} : memref<80x128xf32, #tpu.memory_space<vmem>>, vector<1x16xf32>,
      %get3A_191 = vector.shape_cast %get3A_190 : vector<1x16xf32> to vector<16xf32>
      %add3A_192 = arith.addf %get3A_187, %get3A_191 : vector<16xf32>
      %swap3A = arith.index_cast %scan3A_184 : i32 to index
      %swap3A_193 = arith.constant 0 : index
      %swap3A_194 = tpu.vector_load %arg13[%swap3A, %swap3A_193] {strides = array<i32>} : memref<80x128xf32, #tpu.memory_space<vmem>>, vector<1x16xf32>,
      %swap3A_195 = vector.shape_cast %swap3A_194 : vector<1x16xf32> to vector<16xf32>
      %swap3A_196 = vector.shape_cast %add3A_192 : vector<16xf32> to vector<1x16xf32>
      tpu.vector_store %arg13[%swap3A, %swap3A_193], %swap3A_196 {strides = array<i32>} : memref<80x128xf32, #tpu.memory_space<vmem>>, vector<1x16xf32>,
      %get3A_197 = arith.index_cast %scan3A_184 : i32 to index
      %get3A_198 = arith.constant 16 : index
      %get3A_199 = tpu.vector_load %arg13[%get3A_197, %get3A_198] {strides = array<i32>} : memref<80x128xf32, #tpu.memory_space<vmem>>, vector<1x16xf32>,
      %get3A_200 = vector.shape_cast %get3A_199 : vector<1x16xf32> to vector<16xf32>
      %get3A_201 = arith.index_cast %scan3A_184 : i32 to index
      %get3A_202 = arith.constant 16 : index
      %get3A_203 = tpu.vector_load %arg14[%get3A_201, %get3A_202] {strides = array<i32>} : memref<80x128xf32, #tpu.memory_space<vmem>>, vector<1x16xf32>,
      %get3A_204 = vector.shape_cast %get3A_203 : vector<1x16xf32> to vector<16xf32>
      %add3A_205 = arith.addf %get3A_200, %get3A_204 : vector<16xf32>
      %swap3A_206 = arith.index_cast %scan3A_184 : i32 to index
      %swap3A_207 = arith.constant 16 : index
      %swap3A_208 = tpu.vector_load %arg13[%swap3A_206, %swap3A_207] {strides = array<i32>} : memref<80x128xf32, #tpu.memory_space<vmem>>, vector<1x16xf32>,
      %swap3A_209 = vector.shape_cast %swap3A_208 : vector<1x16xf32> to vector<16xf32>
      %swap3A_210 = vector.shape_cast %add3A_205 : vector<16xf32> to vector<1x16xf32>
      tpu.vector_store %arg13[%swap3A_206, %swap3A_207], %swap3A_210 {strides = array<i32>} : memref<80x128xf32, #tpu.memory_space<vmem>>, vector<1x16xf32>,
      %get3A_211 = arith.index_cast %scan3A_184 : i32 to index
      %get3A_212 = arith.constant 32 : index
      %get3A_213 = tpu.vector_load %arg13[%get3A_211, %get3A_212] {strides = array<i32>} : memref<80x128xf32, #tpu.memory_space<vmem>>, vector<1x16xf32>,
      %get3A_214 = vector.shape_cast %get3A_213 : vector<1x16xf32> to vector<16xf32>
      %get3A_215 = arith.index_cast %scan3A_184 : i32 to index
      %get3A_216 = arith.constant 32 : index
      %get3A_217 = tpu.vector_load %arg14[%get3A_215, %get3A_216] {strides = array<i32>} : memref<80x128xf32, #tpu.memory_space<vmem>>, vector<1x16xf32>,
      %get3A_218 = vector.shape_cast %get3A_217 : vector<1x16xf32> to vector<16xf32>
      %add3A_219 = arith.addf %get3A_214, %get3A_218 : vector<16xf32>
      %swap3A_220 = arith.index_cast %scan3A_184 : i32 to index
      %swap3A_221 = arith.constant 32 : index
      %swap3A_222 = tpu.vector_load %arg13[%swap3A_220, %swap3A_221] {strides = array<i32>} : memref<80x128xf32, #tpu.memory_space<vmem>>, vector<1x16xf32>,
      %swap3A_223 = vector.shape_cast %swap3A_222 : vector<1x16xf32> to vector<16xf32>
      %swap3A_224 = vector.shape_cast %add3A_219 : vector<16xf32> to vector<1x16xf32>
      tpu.vector_store %arg13[%swap3A_220, %swap3A_221], %swap3A_224 {strides = array<i32>} : memref<80x128xf32, #tpu.memory_space<vmem>>, vector<1x16xf32>,
      %get3A_225 = arith.index_cast %scan3A_184 : i32 to index
      %get3A_226 = arith.constant 48 : index
      %get3A_227 = tpu.vector_load %arg13[%get3A_225, %get3A_226] {strides = array<i32>} : memref<80x128xf32, #tpu.memory_space<vmem>>, vector<1x16xf32>,
      %get3A_228 = vector.shape_cast %get3A_227 : vector<1x16xf32> to vector<16xf32>
      %get3A_229 = arith.index_cast %scan3A_184 : i32 to index
      %get3A_230 = arith.constant 48 : index
      %get3A_231 = tpu.vector_load %arg14[%get3A_229, %get3A_230] {strides = array<i32>} : memref<80x128xf32, #tpu.memory_space<vmem>>, vector<1x16xf32>,
      %get3A_232 = vector.shape_cast %get3A_231 : vector<1x16xf32> to vector<16xf32>
      %add3A_233 = arith.addf %get3A_228, %get3A_232 : vector<16xf32>
      %swap3A_234 = arith.index_cast %scan3A_184 : i32 to index
      %swap3A_235 = arith.constant 48 : index
      %swap3A_236 = tpu.vector_load %arg13[%swap3A_234, %swap3A_235] {strides = array<i32>} : memref<80x128xf32, #tpu.memory_space<vmem>>, vector<1x16xf32>,
      %swap3A_237 = vector.shape_cast %swap3A_236 : vector<1x16xf32> to vector<16xf32>
      %swap3A_238 = vector.shape_cast %add3A_233 : vector<16xf32> to vector<1x16xf32>
      tpu.vector_store %arg13[%swap3A_234, %swap3A_235], %swap3A_238 {strides = array<i32>} : memref<80x128xf32, #tpu.memory_space<vmem>>, vector<1x16xf32>,
      %get3A_239 = arith.index_cast %scan3A_184 : i32 to index
      %get3A_240 = arith.constant 64 : index
      %get3A_241 = tpu.vector_load %arg13[%get3A_239, %get3A_240] {strides = array<i32>} : memref<80x128xf32, #tpu.memory_space<vmem>>, vector<1x16xf32>,
      %get3A_242 = vector.shape_cast %get3A_241 : vector<1x16xf32> to vector<16xf32>
      %get3A_243 = arith.index_cast %scan3A_184 : i32 to index
      %get3A_244 = arith.constant 64 : index
      %get3A_245 = tpu.vector_load %arg14[%get3A_243, %get3A_244] {strides = array<i32>} : memref<80x128xf32, #tpu.memory_space<vmem>>, vector<1x16xf32>,
      %get3A_246 = vector.shape_cast %get3A_245 : vector<1x16xf32> to vector<16xf32>
      %add3A_247 = arith.addf %get3A_242, %get3A_246 : vector<16xf32>
      %swap3A_248 = arith.index_cast %scan3A_184 : i32 to index
      %swap3A_249 = arith.constant 64 : index
      %swap3A_250 = tpu.vector_load %arg13[%swap3A_248, %swap3A_249] {strides = array<i32>} : memref<80x128xf32, #tpu.memory_space<vmem>>, vector<1x16xf32>,
      %swap3A_251 = vector.shape_cast %swap3A_250 : vector<1x16xf32> to vector<16xf32>
      %swap3A_252 = vector.shape_cast %add3A_247 : vector<16xf32> to vector<1x16xf32>
      tpu.vector_store %arg13[%swap3A_248, %swap3A_249], %swap3A_252 {strides = array<i32>} : memref<80x128xf32, #tpu.memory_space<vmem>>, vector<1x16xf32>,
      %get3A_253 = arith.index_cast %scan3A_184 : i32 to index
      %get3A_254 = arith.constant 80 : index
      %get3A_255 = tpu.vector_load %arg13[%get3A_253, %get3A_254] {strides = array<i32>} : memref<80x128xf32, #tpu.memory_space<vmem>>, vector<1x16xf32>,
      %get3A_256 = vector.shape_cast %get3A_255 : vector<1x16xf32> to vector<16xf32>
      %get3A_257 = arith.index_cast %scan3A_184 : i32 to index
      %get3A_258 = arith.constant 80 : index
      %get3A_259 = tpu.vector_load %arg14[%get3A_257, %get3A_258] {strides = array<i32>} : memref<80x128xf32, #tpu.memory_space<vmem>>, vector<1x16xf32>,
      %get3A_260 = vector.shape_cast %get3A_259 : vector<1x16xf32> to vector<16xf32>
      %add3A_261 = arith.addf %get3A_256, %get3A_260 : vector<16xf32>
      %swap3A_262 = arith.index_cast %scan3A_184 : i32 to index
      %swap3A_263 = arith.constant 80 : index
      %swap3A_264 = tpu.vector_load %arg13[%swap3A_262, %swap3A_263] {strides = array<i32>} : memref<80x128xf32, #tpu.memory_space<vmem>>, vector<1x16xf32>,
      %swap3A_265 = vector.shape_cast %swap3A_264 : vector<1x16xf32> to vector<16xf32>
      %swap3A_266 = vector.shape_cast %add3A_261 : vector<16xf32> to vector<1x16xf32>
      tpu.vector_store %arg13[%swap3A_262, %swap3A_263], %swap3A_266 {strides = array<i32>} : memref<80x128xf32, #tpu.memory_space<vmem>>, vector<1x16xf32>,
      %get3A_267 = arith.index_cast %scan3A_184 : i32 to index
      %get3A_268 = arith.constant 96 : index
      %get3A_269 = tpu.vector_load %arg13[%get3A_267, %get3A_268] {strides = array<i32>} : memref<80x128xf32, #tpu.memory_space<vmem>>, vector<1x16xf32>,
      %get3A_270 = vector.shape_cast %get3A_269 : vector<1x16xf32> to vector<16xf32>
      %get3A_271 = arith.index_cast %scan3A_184 : i32 to index
      %get3A_272 = arith.constant 96 : index
      %get3A_273 = tpu.vector_load %arg14[%get3A_271, %get3A_272] {strides = array<i32>} : memref<80x128xf32, #tpu.memory_space<vmem>>, vector<1x16xf32>,
      %get3A_274 = vector.shape_cast %get3A_273 : vector<1x16xf32> to vector<16xf32>
      %add3A_275 = arith.addf %get3A_270, %get3A_274 : vector<16xf32>
      %swap3A_276 = arith.index_cast %scan3A_184 : i32 to index
      %swap3A_277 = arith.constant 96 : index
      %swap3A_278 = tpu.vector_load %arg13[%swap3A_276, %swap3A_277] {strides = array<i32>} : memref<80x128xf32, #tpu.memory_space<vmem>>, vector<1x16xf32>,
      %swap3A_279 = vector.shape_cast %swap3A_278 : vector<1x16xf32> to vector<16xf32>
      %swap3A_280 = vector.shape_cast %add3A_275 : vector<16xf32> to vector<1x16xf32>
      tpu.vector_store %arg13[%swap3A_276, %swap3A_277], %swap3A_280 {strides = array<i32>} : memref<80x128xf32, #tpu.memory_space<vmem>>, vector<1x16xf32>,
      %get3A_281 = arith.index_cast %scan3A_184 : i32 to index
      %get3A_282 = arith.constant 112 : index
      %get3A_283 = tpu.vector_load %arg13[%get3A_281, %get3A_282] {strides = array<i32>} : memref<80x128xf32, #tpu.memory_space<vmem>>, vector<1x16xf32>,
      %get3A_284 = vector.shape_cast %get3A_283 : vector<1x16xf32> to vector<16xf32>
      %get3A_285 = arith.index_cast %scan3A_184 : i32 to index
      %get3A_286 = arith.constant 112 : index
      %get3A_287 = tpu.vector_load %arg14[%get3A_285, %get3A_286] {strides = array<i32>} : memref<80x128xf32, #tpu.memory_space<vmem>>, vector<1x16xf32>,
      %get3A_288 = vector.shape_cast %get3A_287 : vector<1x16xf32> to vector<16xf32>
      %add3A_289 = arith.addf %get3A_284, %get3A_288 : vector<16xf32>
      %swap3A_290 = arith.index_cast %scan3A_184 : i32 to index
      %swap3A_291 = arith.constant 112 : index
      %swap3A_292 = tpu.vector_load %arg13[%swap3A_290, %swap3A_291] {strides = array<i32>} : memref<80x128xf32, #tpu.memory_space<vmem>>, vector<1x16xf32>,
      %swap3A_293 = vector.shape_cast %swap3A_292 : vector<1x16xf32> to vector<16xf32>
      %swap3A_294 = vector.shape_cast %add3A_289 : vector<16xf32> to vector<1x16xf32>
      tpu.vector_store %arg13[%swap3A_290, %swap3A_291], %swap3A_294 {strides = array<i32>} : memref<80x128xf32, #tpu.memory_space<vmem>>, vector<1x16xf32>,
    }
    %scan3A_163 = arith.constant 80 : i32
    %dma_start3A_164 = arith.constant 0 : i32
    %dma_start3A_165 = tpu.memref_slice %arg5[%add3A_143, %dma_start3A_164] : memref<10240x128xf32, #tpu.memory_space<hbm>> -> memref<80x128xf32, #tpu.memory_space<hbm>>
    %dma_start3A_166 = arith.constant 0 : i32
    %dma_start3A_167 = tpu.memref_slice %arg5[%add3A_143, %dma_start3A_166] : memref<10240x128xf32, #tpu.memory_space<hbm>> -> memref<80x128xf32, #tpu.memory_space<hbm>>
    tpu.enqueue_dma source(%arg13 : memref<80x128xf32, #tpu.memory_space<vmem>>) target(%dma_start3A_167 : memref<80x128xf32, #tpu.memory_space<hbm>>) target_semaphore(%arg23 : memref<!tpu.dma_semaphore, #tpu.memory_space<semaphore_mem>>)
    %dma_wait3A_168 = arith.constant 0 : i32
    %dma_wait3A_169 = tpu.memref_slice %arg5[%add3A_61, %dma_wait3A_168] : memref<10240x128xf32, #tpu.memory_space<hbm>> -> memref<80x128xf32, #tpu.memory_space<hbm>>
    %dma_wait3A_170 = arith.constant 0 : i32
    %dma_wait3A_171 = tpu.memref_slice %arg5[%add3A_61, %dma_wait3A_170] : memref<10240x128xf32, #tpu.memory_space<hbm>> -> memref<80x128xf32, #tpu.memory_space<hbm>>
    tpu.wait_dma2 semaphore(%arg23 : memref<!tpu.dma_semaphore, #tpu.memory_space<semaphore_mem>>) src(%arg7 : memref<80x128xf32, #tpu.memory_space<vmem>>) dst(%dma_wait3A_171 : memref<80x128xf32, #tpu.memory_space<hbm>>)
    %dma_wait3A_172 = arith.constant 0 : i32
    %dma_wait3A_173 = tpu.memref_slice %arg5[%add3A_87, %dma_wait3A_172] : memref<10240x128xf32, #tpu.memory_space<hbm>> -> memref<80x128xf32, #tpu.memory_space<hbm>>
    %dma_wait3A_174 = arith.constant 0 : i32
    %dma_wait3A_175 = tpu.memref_slice %arg5[%add3A_87, %dma_wait3A_174] : memref<10240x128xf32, #tpu.memory_space<hbm>> -> memref<80x128xf32, #tpu.memory_space<hbm>>
    tpu.wait_dma2 semaphore(%arg23 : memref<!tpu.dma_semaphore, #tpu.memory_space<semaphore_mem>>) src(%arg9 : memref<80x128xf32, #tpu.memory_space<vmem>>) dst(%dma_wait3A_175 : memref<80x128xf32, #tpu.memory_space<hbm>>)
    %dma_wait3A_176 = arith.constant 0 : i32
    %dma_wait3A_177 = tpu.memref_slice %arg5[%add3A_115, %dma_wait3A_176] : memref<10240x128xf32, #tpu.memory_space<hbm>> -> memref<80x128xf32, #tpu.memory_space<hbm>>
    %dma_wait3A_178 = arith.constant 0 : i32
    %dma_wait3A_179 = tpu.memref_slice %arg5[%add3A_115, %dma_wait3A_178] : memref<10240x128xf32, #tpu.memory_space<hbm>> -> memref<80x128xf32, #tpu.memory_space<hbm>>
    tpu.wait_dma2 semaphore(%arg23 : memref<!tpu.dma_semaphore, #tpu.memory_space<semaphore_mem>>) src(%arg11 : memref<80x128xf32, #tpu.memory_space<vmem>>) dst(%dma_wait3A_179 : memref<80x128xf32, #tpu.memory_space<hbm>>)
    %dma_wait3A_180 = arith.constant 0 : i32
    %dma_wait3A_181 = tpu.memref_slice %arg5[%add3A_143, %dma_wait3A_180] : memref<10240x128xf32, #tpu.memory_space<hbm>> -> memref<80x128xf32, #tpu.memory_space<hbm>>
    %dma_wait3A_182 = arith.constant 0 : i32
    %dma_wait3A_183 = tpu.memref_slice %arg5[%add3A_143, %dma_wait3A_182] : memref<10240x128xf32, #tpu.memory_space<hbm>> -> memref<80x128xf32, #tpu.memory_space<hbm>>
    tpu.wait_dma2 semaphore(%arg23 : memref<!tpu.dma_semaphore, #tpu.memory_space<semaphore_mem>>) src(%arg13 : memref<80x128xf32, #tpu.memory_space<vmem>>) dst(%dma_wait3A_183 : memref<80x128xf32, #tpu.memory_space<hbm>>)
    return
  }
}

#map = affine_map<(d0, d1) -> (0, 0)>
module attributes {stable_mosaic.version = 14 : i64} {
  func.func @_phase_d(%arg0: i32, %arg1: i32, %arg2: memref<10240x128xf32, #tpu.memory_space<hbm>>, %arg3: memref<128x80xi32, #tpu.memory_space<hbm>>, %arg4: memref<2048x128xf32, #tpu.memory_space<hbm>>, %arg5: memref<2048x128xf32, #tpu.memory_space<hbm>>, %arg6: memref<4x80xi32, #tpu.memory_space<vmem>>, %arg7: memref<80x128xf32, #tpu.memory_space<vmem>>, %arg8: memref<80x128xf32, #tpu.memory_space<vmem>>, %arg9: memref<80x128xf32, #tpu.memory_space<vmem>>, %arg10: memref<80x128xf32, #tpu.memory_space<vmem>>, %arg11: memref<64x128xf32, #tpu.memory_space<vmem>>, %arg12: memref<2048x128xf32, #tpu.memory_space<vmem_shared>>, %arg13: memref<!tpu.dma_semaphore, #tpu.memory_space<semaphore_mem>>, %arg14: memref<!tpu.dma_semaphore, #tpu.memory_space<semaphore_mem>>, %arg15: memref<!tpu.dma_semaphore, #tpu.memory_space<semaphore_mem>>, %arg16: memref<!tpu.dma_semaphore, #tpu.memory_space<semaphore_mem>>, %arg17: memref<!tpu.dma_semaphore, #tpu.memory_space<semaphore_mem>>, %arg18: memref<!tpu.dma_semaphore, #tpu.memory_space<semaphore_mem>>) attributes {dimension_semantics = [#tpu.dimension_semantics<core_parallel>, #tpu.dimension_semantics<subcore_parallel>], iteration_bounds = array<i64: 2, 16>, scalar_prefetch = 0 : i64, scratch_operands = 13 : i64, tpu.core_type = #tpu.core_type<sc_vector_subcore>, window_params = [{transform_indices = #map}, {transform_indices = #map}, {transform_indices = #map}, {transform_indices = #map}]} {
    %mul3A = arith.constant 16 : i32
    %mul3A_0 = arith.muli %arg0, %mul3A : i32
    %add3A = arith.addi %mul3A_0, %arg1 : i32
    %broadcast_in_dim3A = arith.constant 0.000000e+00 : f32
    %broadcast_in_dim3A_1 = vector.broadcast %broadcast_in_dim3A : f32 to vector<16xf32>
    %scan3A = arith.constant 0 : i32
    %scan3A_2 = arith.constant 0 : i32
    %scan3A_3 = arith.constant 64 : i32
    %scan3A_4 = arith.addi %scan3A_2, %scan3A_3 : i32
    %scan3A_5 = arith.constant 1 : i32
    scf.for %scan3A_123 = %scan3A_2 to %scan3A_4 step %scan3A_5  : i32 {
      %swap3A = arith.index_cast %scan3A_123 : i32 to index
      %swap3A_124 = arith.constant 0 : index
      %swap3A_125 = tpu.vector_load %arg11[%swap3A, %swap3A_124] {strides = array<i32>} : memref<64x128xf32, #tpu.memory_space<vmem>>, vector<1x16xf32>,
      %swap3A_126 = vector.shape_cast %swap3A_125 : vector<1x16xf32> to vector<16xf32>
      %swap3A_127 = vector.shape_cast %broadcast_in_dim3A_1 : vector<16xf32> to vector<1x16xf32>
      tpu.vector_store %arg11[%swap3A, %swap3A_124], %swap3A_127 {strides = array<i32>} : memref<64x128xf32, #tpu.memory_space<vmem>>, vector<1x16xf32>,
      %swap3A_128 = arith.index_cast %scan3A_123 : i32 to index
      %swap3A_129 = arith.constant 16 : index
      %swap3A_130 = tpu.vector_load %arg11[%swap3A_128, %swap3A_129] {strides = array<i32>} : memref<64x128xf32, #tpu.memory_space<vmem>>, vector<1x16xf32>,
      %swap3A_131 = vector.shape_cast %swap3A_130 : vector<1x16xf32> to vector<16xf32>
      %swap3A_132 = vector.shape_cast %broadcast_in_dim3A_1 : vector<16xf32> to vector<1x16xf32>
      tpu.vector_store %arg11[%swap3A_128, %swap3A_129], %swap3A_132 {strides = array<i32>} : memref<64x128xf32, #tpu.memory_space<vmem>>, vector<1x16xf32>,
      %swap3A_133 = arith.index_cast %scan3A_123 : i32 to index
      %swap3A_134 = arith.constant 32 : index
      %swap3A_135 = tpu.vector_load %arg11[%swap3A_133, %swap3A_134] {strides = array<i32>} : memref<64x128xf32, #tpu.memory_space<vmem>>, vector<1x16xf32>,
      %swap3A_136 = vector.shape_cast %swap3A_135 : vector<1x16xf32> to vector<16xf32>
      %swap3A_137 = vector.shape_cast %broadcast_in_dim3A_1 : vector<16xf32> to vector<1x16xf32>
      tpu.vector_store %arg11[%swap3A_133, %swap3A_134], %swap3A_137 {strides = array<i32>} : memref<64x128xf32, #tpu.memory_space<vmem>>, vector<1x16xf32>,
      %swap3A_138 = arith.index_cast %scan3A_123 : i32 to index
      %swap3A_139 = arith.constant 48 : index
      %swap3A_140 = tpu.vector_load %arg11[%swap3A_138, %swap3A_139] {strides = array<i32>} : memref<64x128xf32, #tpu.memory_space<vmem>>, vector<1x16xf32>,
      %swap3A_141 = vector.shape_cast %swap3A_140 : vector<1x16xf32> to vector<16xf32>
      %swap3A_142 = vector.shape_cast %broadcast_in_dim3A_1 : vector<16xf32> to vector<1x16xf32>
      tpu.vector_store %arg11[%swap3A_138, %swap3A_139], %swap3A_142 {strides = array<i32>} : memref<64x128xf32, #tpu.memory_space<vmem>>, vector<1x16xf32>,
      %swap3A_143 = arith.index_cast %scan3A_123 : i32 to index
      %swap3A_144 = arith.constant 64 : index
      %swap3A_145 = tpu.vector_load %arg11[%swap3A_143, %swap3A_144] {strides = array<i32>} : memref<64x128xf32, #tpu.memory_space<vmem>>, vector<1x16xf32>,
      %swap3A_146 = vector.shape_cast %swap3A_145 : vector<1x16xf32> to vector<16xf32>
      %swap3A_147 = vector.shape_cast %broadcast_in_dim3A_1 : vector<16xf32> to vector<1x16xf32>
      tpu.vector_store %arg11[%swap3A_143, %swap3A_144], %swap3A_147 {strides = array<i32>} : memref<64x128xf32, #tpu.memory_space<vmem>>, vector<1x16xf32>,
      %swap3A_148 = arith.index_cast %scan3A_123 : i32 to index
      %swap3A_149 = arith.constant 80 : index
      %swap3A_150 = tpu.vector_load %arg11[%swap3A_148, %swap3A_149] {strides = array<i32>} : memref<64x128xf32, #tpu.memory_space<vmem>>, vector<1x16xf32>,
      %swap3A_151 = vector.shape_cast %swap3A_150 : vector<1x16xf32> to vector<16xf32>
      %swap3A_152 = vector.shape_cast %broadcast_in_dim3A_1 : vector<16xf32> to vector<1x16xf32>
      tpu.vector_store %arg11[%swap3A_148, %swap3A_149], %swap3A_152 {strides = array<i32>} : memref<64x128xf32, #tpu.memory_space<vmem>>, vector<1x16xf32>,
      %swap3A_153 = arith.index_cast %scan3A_123 : i32 to index
      %swap3A_154 = arith.constant 96 : index
      %swap3A_155 = tpu.vector_load %arg11[%swap3A_153, %swap3A_154] {strides = array<i32>} : memref<64x128xf32, #tpu.memory_space<vmem>>, vector<1x16xf32>,
      %swap3A_156 = vector.shape_cast %swap3A_155 : vector<1x16xf32> to vector<16xf32>
      %swap3A_157 = vector.shape_cast %broadcast_in_dim3A_1 : vector<16xf32> to vector<1x16xf32>
      tpu.vector_store %arg11[%swap3A_153, %swap3A_154], %swap3A_157 {strides = array<i32>} : memref<64x128xf32, #tpu.memory_space<vmem>>, vector<1x16xf32>,
      %swap3A_158 = arith.index_cast %scan3A_123 : i32 to index
      %swap3A_159 = arith.constant 112 : index
      %swap3A_160 = tpu.vector_load %arg11[%swap3A_158, %swap3A_159] {strides = array<i32>} : memref<64x128xf32, #tpu.memory_space<vmem>>, vector<1x16xf32>,
      %swap3A_161 = vector.shape_cast %swap3A_160 : vector<1x16xf32> to vector<16xf32>
      %swap3A_162 = vector.shape_cast %broadcast_in_dim3A_1 : vector<16xf32> to vector<1x16xf32>
      tpu.vector_store %arg11[%swap3A_158, %swap3A_159], %swap3A_162 {strides = array<i32>} : memref<64x128xf32, #tpu.memory_space<vmem>>, vector<1x16xf32>,
    }
    %scan3A_6 = arith.constant 64 : i32
    %mul3A_7 = arith.constant 128 : i32
    %mul3A_8 = arith.muli %arg1, %mul3A_7 : i32
    "tpu.region"() ({
      %run_scoped3A = tpu.sem_alloc : memref<!tpu.dma_semaphore, #tpu.memory_space<semaphore_mem>>
      %dma_start3A_123 = arith.constant 0 : i32
      %dma_start3A_124 = tpu.memref_slice %arg12[%mul3A_8, %dma_start3A_123] : memref<2048x128xf32, #tpu.memory_space<vmem_shared>> -> memref<64x128xf32, #tpu.memory_space<vmem_shared>>
      %dma_start3A_125 = arith.constant 0 : i32
      %dma_start3A_126 = tpu.memref_slice %arg12[%mul3A_8, %dma_start3A_125] : memref<2048x128xf32, #tpu.memory_space<vmem_shared>> -> memref<64x128xf32, #tpu.memory_space<vmem_shared>>
      tpu.enqueue_dma source(%arg11 : memref<64x128xf32, #tpu.memory_space<vmem>>) target(%dma_start3A_126 : memref<64x128xf32, #tpu.memory_space<vmem_shared>>) target_semaphore(%run_scoped3A : memref<!tpu.dma_semaphore, #tpu.memory_space<semaphore_mem>>)
      %dma_wait3A_127 = arith.constant 0 : i32
      %dma_wait3A_128 = tpu.memref_slice %arg12[%mul3A_8, %dma_wait3A_127] : memref<2048x128xf32, #tpu.memory_space<vmem_shared>> -> memref<64x128xf32, #tpu.memory_space<vmem_shared>>
      %dma_wait3A_129 = arith.constant 0 : i32
      %dma_wait3A_130 = tpu.memref_slice %arg12[%mul3A_8, %dma_wait3A_129] : memref<2048x128xf32, #tpu.memory_space<vmem_shared>> -> memref<64x128xf32, #tpu.memory_space<vmem_shared>>
      tpu.wait_dma2 semaphore(%run_scoped3A : memref<!tpu.dma_semaphore, #tpu.memory_space<semaphore_mem>>) src(%arg11 : memref<64x128xf32, #tpu.memory_space<vmem>>) dst(%dma_wait3A_130 : memref<64x128xf32, #tpu.memory_space<vmem_shared>>)
      tpu.yield
    }) : () -> ()
    %add3A_9 = arith.constant 64 : i32
    %add3A_10 = arith.addi %mul3A_8, %add3A_9 : i32
    "tpu.region"() ({
      %run_scoped3A = tpu.sem_alloc : memref<!tpu.dma_semaphore, #tpu.memory_space<semaphore_mem>>
      %dma_start3A_123 = arith.constant 0 : i32
      %dma_start3A_124 = tpu.memref_slice %arg12[%add3A_10, %dma_start3A_123] : memref<2048x128xf32, #tpu.memory_space<vmem_shared>> -> memref<64x128xf32, #tpu.memory_space<vmem_shared>>
      %dma_start3A_125 = arith.constant 0 : i32
      %dma_start3A_126 = tpu.memref_slice %arg12[%add3A_10, %dma_start3A_125] : memref<2048x128xf32, #tpu.memory_space<vmem_shared>> -> memref<64x128xf32, #tpu.memory_space<vmem_shared>>
      tpu.enqueue_dma source(%arg11 : memref<64x128xf32, #tpu.memory_space<vmem>>) target(%dma_start3A_126 : memref<64x128xf32, #tpu.memory_space<vmem_shared>>) target_semaphore(%run_scoped3A : memref<!tpu.dma_semaphore, #tpu.memory_space<semaphore_mem>>)
      %dma_wait3A_127 = arith.constant 0 : i32
      %dma_wait3A_128 = tpu.memref_slice %arg12[%add3A_10, %dma_wait3A_127] : memref<2048x128xf32, #tpu.memory_space<vmem_shared>> -> memref<64x128xf32, #tpu.memory_space<vmem_shared>>
      %dma_wait3A_129 = arith.constant 0 : i32
      %dma_wait3A_130 = tpu.memref_slice %arg12[%add3A_10, %dma_wait3A_129] : memref<2048x128xf32, #tpu.memory_space<vmem_shared>> -> memref<64x128xf32, #tpu.memory_space<vmem_shared>>
      tpu.wait_dma2 semaphore(%run_scoped3A : memref<!tpu.dma_semaphore, #tpu.memory_space<semaphore_mem>>) src(%arg11 : memref<64x128xf32, #tpu.memory_space<vmem>>) dst(%dma_wait3A_130 : memref<64x128xf32, #tpu.memory_space<vmem_shared>>)
      tpu.yield
    }) : () -> ()
    %mul3A_11 = arith.constant 4 : i32
    %mul3A_12 = arith.muli %add3A, %mul3A_11 : i32
    "tpu.region"() ({
      %run_scoped3A = tpu.sem_alloc : memref<!tpu.dma_semaphore, #tpu.memory_space<semaphore_mem>>
      %dma_start3A_123 = arith.constant 0 : i32
      %dma_start3A_124 = tpu.memref_slice %arg3[%mul3A_12, %dma_start3A_123] : memref<128x80xi32, #tpu.memory_space<hbm>> -> memref<4x80xi32, #tpu.memory_space<hbm>>
      %dma_start3A_125 = arith.constant 0 : i32
      %dma_start3A_126 = tpu.memref_slice %arg3[%mul3A_12, %dma_start3A_125] : memref<128x80xi32, #tpu.memory_space<hbm>> -> memref<4x80xi32, #tpu.memory_space<hbm>>
      tpu.enqueue_dma source(%dma_start3A_126 : memref<4x80xi32, #tpu.memory_space<hbm>>) target(%arg6 : memref<4x80xi32, #tpu.memory_space<vmem>>) target_semaphore(%run_scoped3A : memref<!tpu.dma_semaphore, #tpu.memory_space<semaphore_mem>>)
      %dma_wait3A_127 = arith.constant 0 : i32
      %dma_wait3A_128 = tpu.memref_slice %arg3[%mul3A_12, %dma_wait3A_127] : memref<128x80xi32, #tpu.memory_space<hbm>> -> memref<4x80xi32, #tpu.memory_space<hbm>>
      %dma_wait3A_129 = arith.constant 0 : i32
      %dma_wait3A_130 = tpu.memref_slice %arg3[%mul3A_12, %dma_wait3A_129] : memref<128x80xi32, #tpu.memory_space<hbm>> -> memref<4x80xi32, #tpu.memory_space<hbm>>
      tpu.wait_dma2 semaphore(%run_scoped3A : memref<!tpu.dma_semaphore, #tpu.memory_space<semaphore_mem>>) src(%dma_wait3A_130 : memref<4x80xi32, #tpu.memory_space<hbm>>) dst(%arg6 : memref<4x80xi32, #tpu.memory_space<vmem>>)
      tpu.yield
    }) : () -> ()
    %mul3A_13 = arith.constant 320 : i32
    %mul3A_14 = arith.muli %add3A, %mul3A_13 : i32
    %add3A_15 = arith.constant 0 : i32
    %add3A_16 = arith.addi %mul3A_14, %add3A_15 : i32
    %dma_start3A = arith.constant 0 : i32
    %dma_start3A_17 = tpu.memref_slice %arg2[%add3A_16, %dma_start3A] : memref<10240x128xf32, #tpu.memory_space<hbm>> -> memref<80x128xf32, #tpu.memory_space<hbm>>
    %dma_start3A_18 = arith.constant 0 : i32
    %dma_start3A_19 = tpu.memref_slice %arg2[%add3A_16, %dma_start3A_18] : memref<10240x128xf32, #tpu.memory_space<hbm>> -> memref<80x128xf32, #tpu.memory_space<hbm>>
    tpu.enqueue_dma source(%dma_start3A_19 : memref<80x128xf32, #tpu.memory_space<hbm>>) target(%arg7 : memref<80x128xf32, #tpu.memory_space<vmem>>) target_semaphore(%arg13 : memref<!tpu.dma_semaphore, #tpu.memory_space<semaphore_mem>>)
    %mul3A_20 = arith.constant 320 : i32
    %mul3A_21 = arith.muli %add3A, %mul3A_20 : i32
    %add3A_22 = arith.constant 80 : i32
    %add3A_23 = arith.addi %mul3A_21, %add3A_22 : i32
    %dma_start3A_24 = arith.constant 0 : i32
    %dma_start3A_25 = tpu.memref_slice %arg2[%add3A_23, %dma_start3A_24] : memref<10240x128xf32, #tpu.memory_space<hbm>> -> memref<80x128xf32, #tpu.memory_space<hbm>>
    %dma_start3A_26 = arith.constant 0 : i32
    %dma_start3A_27 = tpu.memref_slice %arg2[%add3A_23, %dma_start3A_26] : memref<10240x128xf32, #tpu.memory_space<hbm>> -> memref<80x128xf32, #tpu.memory_space<hbm>>
    tpu.enqueue_dma source(%dma_start3A_27 : memref<80x128xf32, #tpu.memory_space<hbm>>) target(%arg8 : memref<80x128xf32, #tpu.memory_space<vmem>>) target_semaphore(%arg14 : memref<!tpu.dma_semaphore, #tpu.memory_space<semaphore_mem>>)
    %mul3A_28 = arith.constant 320 : i32
    %mul3A_29 = arith.muli %add3A, %mul3A_28 : i32
    %add3A_30 = arith.constant 160 : i32
    %add3A_31 = arith.addi %mul3A_29, %add3A_30 : i32
    %dma_start3A_32 = arith.constant 0 : i32
    %dma_start3A_33 = tpu.memref_slice %arg2[%add3A_31, %dma_start3A_32] : memref<10240x128xf32, #tpu.memory_space<hbm>> -> memref<80x128xf32, #tpu.memory_space<hbm>>
    %dma_start3A_34 = arith.constant 0 : i32
    %dma_start3A_35 = tpu.memref_slice %arg2[%add3A_31, %dma_start3A_34] : memref<10240x128xf32, #tpu.memory_space<hbm>> -> memref<80x128xf32, #tpu.memory_space<hbm>>
    tpu.enqueue_dma source(%dma_start3A_35 : memref<80x128xf32, #tpu.memory_space<hbm>>) target(%arg9 : memref<80x128xf32, #tpu.memory_space<vmem>>) target_semaphore(%arg15 : memref<!tpu.dma_semaphore, #tpu.memory_space<semaphore_mem>>)
    %mul3A_36 = arith.constant 320 : i32
    %mul3A_37 = arith.muli %add3A, %mul3A_36 : i32
    %add3A_38 = arith.constant 240 : i32
    %add3A_39 = arith.addi %mul3A_37, %add3A_38 : i32
    %dma_start3A_40 = arith.constant 0 : i32
    %dma_start3A_41 = tpu.memref_slice %arg2[%add3A_39, %dma_start3A_40] : memref<10240x128xf32, #tpu.memory_space<hbm>> -> memref<80x128xf32, #tpu.memory_space<hbm>>
    %dma_start3A_42 = arith.constant 0 : i32
    %dma_start3A_43 = tpu.memref_slice %arg2[%add3A_39, %dma_start3A_42] : memref<10240x128xf32, #tpu.memory_space<hbm>> -> memref<80x128xf32, #tpu.memory_space<hbm>>
    tpu.enqueue_dma source(%dma_start3A_43 : memref<80x128xf32, #tpu.memory_space<hbm>>) target(%arg10 : memref<80x128xf32, #tpu.memory_space<vmem>>) target_semaphore(%arg16 : memref<!tpu.dma_semaphore, #tpu.memory_space<semaphore_mem>>)
    %barrier3A = arith.constant 0 : index
    tpu.barrier barrier_id(%barrier3A)
    %dma_wait3A = arith.constant 0 : i32
    %dma_wait3A_44 = tpu.memref_slice %arg2[%add3A_16, %dma_wait3A] : memref<10240x128xf32, #tpu.memory_space<hbm>> -> memref<80x128xf32, #tpu.memory_space<hbm>>
    %dma_wait3A_45 = arith.constant 0 : i32
    %dma_wait3A_46 = tpu.memref_slice %arg2[%add3A_16, %dma_wait3A_45] : memref<10240x128xf32, #tpu.memory_space<hbm>> -> memref<80x128xf32, #tpu.memory_space<hbm>>
    tpu.wait_dma2 semaphore(%arg13 : memref<!tpu.dma_semaphore, #tpu.memory_space<semaphore_mem>>) src(%dma_wait3A_46 : memref<80x128xf32, #tpu.memory_space<hbm>>) dst(%arg7 : memref<80x128xf32, #tpu.memory_space<vmem>>)
    %dma_start3A_47 = arith.constant 0 : i32
    %dma_start3A_48 = arith.constant 0 : i32
    %dma_start3A_49 = tpu.memref_slice %arg6[%dma_start3A_47, %dma_start3A_48] : memref<4x80xi32, #tpu.memory_space<vmem>> -> memref<1x80xi32, #tpu.memory_space<vmem>>
    %dma_start3A_50 = tpu.memref_squeeze %dma_start3A_49 : memref<1x80xi32, #tpu.memory_space<vmem>> -> memref<80xi32, #tpu.memory_space<vmem>>
    %dma_start3A_51 = arith.constant 0 : i32
    %dma_start3A_52 = arith.constant 0 : i32
    %dma_start3A_53 = tpu.memref_slice %arg12[%dma_start3A_51, %dma_start3A_52] : memref<2048x128xf32, #tpu.memory_space<vmem_shared>> -> memref<2048x128xf32, #tpu.memory_space<vmem_shared>>
    tpu.enqueue_indirect_dma source(%arg7 : memref<80x128xf32, #tpu.memory_space<vmem>>) target(%dma_start3A_53 : memref<2048x128xf32, #tpu.memory_space<vmem_shared>>) offsets(%dma_start3A_50 : memref<80xi32, #tpu.memory_space<vmem>>) semaphore(%arg17 : memref<!tpu.dma_semaphore, #tpu.memory_space<semaphore_mem>>) {add = true}
    %dma_wait3A_54 = arith.constant 0 : i32
    %dma_wait3A_55 = tpu.memref_slice %arg2[%add3A_23, %dma_wait3A_54] : memref<10240x128xf32, #tpu.memory_space<hbm>> -> memref<80x128xf32, #tpu.memory_space<hbm>>
    %dma_wait3A_56 = arith.constant 0 : i32
    %dma_wait3A_57 = tpu.memref_slice %arg2[%add3A_23, %dma_wait3A_56] : memref<10240x128xf32, #tpu.memory_space<hbm>> -> memref<80x128xf32, #tpu.memory_space<hbm>>
    tpu.wait_dma2 semaphore(%arg14 : memref<!tpu.dma_semaphore, #tpu.memory_space<semaphore_mem>>) src(%dma_wait3A_57 : memref<80x128xf32, #tpu.memory_space<hbm>>) dst(%arg8 : memref<80x128xf32, #tpu.memory_space<vmem>>)
    %dma_start3A_58 = arith.constant 1 : i32
    %dma_start3A_59 = arith.constant 0 : i32
    %dma_start3A_60 = tpu.memref_slice %arg6[%dma_start3A_58, %dma_start3A_59] : memref<4x80xi32, #tpu.memory_space<vmem>> -> memref<1x80xi32, #tpu.memory_space<vmem>>
    %dma_start3A_61 = tpu.memref_squeeze %dma_start3A_60 : memref<1x80xi32, #tpu.memory_space<vmem>> -> memref<80xi32, #tpu.memory_space<vmem>>
    %dma_start3A_62 = arith.constant 0 : i32
    %dma_start3A_63 = arith.constant 0 : i32
    %dma_start3A_64 = tpu.memref_slice %arg12[%dma_start3A_62, %dma_start3A_63] : memref<2048x128xf32, #tpu.memory_space<vmem_shared>> -> memref<2048x128xf32, #tpu.memory_space<vmem_shared>>
    tpu.enqueue_indirect_dma source(%arg8 : memref<80x128xf32, #tpu.memory_space<vmem>>) target(%dma_start3A_64 : memref<2048x128xf32, #tpu.memory_space<vmem_shared>>) offsets(%dma_start3A_61 : memref<80xi32, #tpu.memory_space<vmem>>) semaphore(%arg18 : memref<!tpu.dma_semaphore, #tpu.memory_space<semaphore_mem>>) {add = true}
    %dma_wait3A_65 = arith.constant 0 : i32
    %dma_wait3A_66 = tpu.memref_slice %arg2[%add3A_31, %dma_wait3A_65] : memref<10240x128xf32, #tpu.memory_space<hbm>> -> memref<80x128xf32, #tpu.memory_space<hbm>>
    %dma_wait3A_67 = arith.constant 0 : i32
    %dma_wait3A_68 = tpu.memref_slice %arg2[%add3A_31, %dma_wait3A_67] : memref<10240x128xf32, #tpu.memory_space<hbm>> -> memref<80x128xf32, #tpu.memory_space<hbm>>
    tpu.wait_dma2 semaphore(%arg15 : memref<!tpu.dma_semaphore, #tpu.memory_space<semaphore_mem>>) src(%dma_wait3A_68 : memref<80x128xf32, #tpu.memory_space<hbm>>) dst(%arg9 : memref<80x128xf32, #tpu.memory_space<vmem>>)
    %dma_start3A_69 = arith.constant 2 : i32
    %dma_start3A_70 = arith.constant 0 : i32
    %dma_start3A_71 = tpu.memref_slice %arg6[%dma_start3A_69, %dma_start3A_70] : memref<4x80xi32, #tpu.memory_space<vmem>> -> memref<1x80xi32, #tpu.memory_space<vmem>>
    %dma_start3A_72 = tpu.memref_squeeze %dma_start3A_71 : memref<1x80xi32, #tpu.memory_space<vmem>> -> memref<80xi32, #tpu.memory_space<vmem>>
    %dma_start3A_73 = arith.constant 0 : i32
    %dma_start3A_74 = arith.constant 0 : i32
    %dma_start3A_75 = tpu.memref_slice %arg12[%dma_start3A_73, %dma_start3A_74] : memref<2048x128xf32, #tpu.memory_space<vmem_shared>> -> memref<2048x128xf32, #tpu.memory_space<vmem_shared>>
    tpu.enqueue_indirect_dma source(%arg9 : memref<80x128xf32, #tpu.memory_space<vmem>>) target(%dma_start3A_75 : memref<2048x128xf32, #tpu.memory_space<vmem_shared>>) offsets(%dma_start3A_72 : memref<80xi32, #tpu.memory_space<vmem>>) semaphore(%arg17 : memref<!tpu.dma_semaphore, #tpu.memory_space<semaphore_mem>>) {add = true}
    %dma_wait3A_76 = arith.constant 0 : i32
    %dma_wait3A_77 = tpu.memref_slice %arg2[%add3A_39, %dma_wait3A_76] : memref<10240x128xf32, #tpu.memory_space<hbm>> -> memref<80x128xf32, #tpu.memory_space<hbm>>
    %dma_wait3A_78 = arith.constant 0 : i32
    %dma_wait3A_79 = tpu.memref_slice %arg2[%add3A_39, %dma_wait3A_78] : memref<10240x128xf32, #tpu.memory_space<hbm>> -> memref<80x128xf32, #tpu.memory_space<hbm>>
    tpu.wait_dma2 semaphore(%arg16 : memref<!tpu.dma_semaphore, #tpu.memory_space<semaphore_mem>>) src(%dma_wait3A_79 : memref<80x128xf32, #tpu.memory_space<hbm>>) dst(%arg10 : memref<80x128xf32, #tpu.memory_space<vmem>>)
    %dma_start3A_80 = arith.constant 3 : i32
    %dma_start3A_81 = arith.constant 0 : i32
    %dma_start3A_82 = tpu.memref_slice %arg6[%dma_start3A_80, %dma_start3A_81] : memref<4x80xi32, #tpu.memory_space<vmem>> -> memref<1x80xi32, #tpu.memory_space<vmem>>
    %dma_start3A_83 = tpu.memref_squeeze %dma_start3A_82 : memref<1x80xi32, #tpu.memory_space<vmem>> -> memref<80xi32, #tpu.memory_space<vmem>>
    %dma_start3A_84 = arith.constant 0 : i32
    %dma_start3A_85 = arith.constant 0 : i32
    %dma_start3A_86 = tpu.memref_slice %arg12[%dma_start3A_84, %dma_start3A_85] : memref<2048x128xf32, #tpu.memory_space<vmem_shared>> -> memref<2048x128xf32, #tpu.memory_space<vmem_shared>>
    tpu.enqueue_indirect_dma source(%arg10 : memref<80x128xf32, #tpu.memory_space<vmem>>) target(%dma_start3A_86 : memref<2048x128xf32, #tpu.memory_space<vmem_shared>>) offsets(%dma_start3A_83 : memref<80xi32, #tpu.memory_space<vmem>>) semaphore(%arg18 : memref<!tpu.dma_semaphore, #tpu.memory_space<semaphore_mem>>) {add = true}
    %dma_wait3A_87 = arith.constant 0 : i32
    %dma_wait3A_88 = arith.constant 0 : i32
    %dma_wait3A_89 = tpu.memref_slice %arg6[%dma_wait3A_87, %dma_wait3A_88] : memref<4x80xi32, #tpu.memory_space<vmem>> -> memref<1x80xi32, #tpu.memory_space<vmem>>
    %dma_wait3A_90 = tpu.memref_squeeze %dma_wait3A_89 : memref<1x80xi32, #tpu.memory_space<vmem>> -> memref<80xi32, #tpu.memory_space<vmem>>
    %dma_wait3A_91 = arith.constant 0 : i32
    %dma_wait3A_92 = arith.constant 0 : i32
    %dma_wait3A_93 = tpu.memref_slice %arg12[%dma_wait3A_91, %dma_wait3A_92] : memref<2048x128xf32, #tpu.memory_space<vmem_shared>> -> memref<2048x128xf32, #tpu.memory_space<vmem_shared>>
    tpu.wait_indirect_dma semaphore(%arg17 : memref<!tpu.dma_semaphore, #tpu.memory_space<semaphore_mem>>) src(%arg7 : memref<80x128xf32, #tpu.memory_space<vmem>>) dst(%dma_wait3A_93 : memref<2048x128xf32, #tpu.memory_space<vmem_shared>>)
    %dma_wait3A_94 = arith.constant 1 : i32
    %dma_wait3A_95 = arith.constant 0 : i32
    %dma_wait3A_96 = tpu.memref_slice %arg6[%dma_wait3A_94, %dma_wait3A_95] : memref<4x80xi32, #tpu.memory_space<vmem>> -> memref<1x80xi32, #tpu.memory_space<vmem>>
    %dma_wait3A_97 = tpu.memref_squeeze %dma_wait3A_96 : memref<1x80xi32, #tpu.memory_space<vmem>> -> memref<80xi32, #tpu.memory_space<vmem>>
    %dma_wait3A_98 = arith.constant 0 : i32
    %dma_wait3A_99 = arith.constant 0 : i32
    %dma_wait3A_100 = tpu.memref_slice %arg12[%dma_wait3A_98, %dma_wait3A_99] : memref<2048x128xf32, #tpu.memory_space<vmem_shared>> -> memref<2048x128xf32, #tpu.memory_space<vmem_shared>>
    tpu.wait_indirect_dma semaphore(%arg18 : memref<!tpu.dma_semaphore, #tpu.memory_space<semaphore_mem>>) src(%arg8 : memref<80x128xf32, #tpu.memory_space<vmem>>) dst(%dma_wait3A_100 : memref<2048x128xf32, #tpu.memory_space<vmem_shared>>)
    %dma_wait3A_101 = arith.constant 2 : i32
    %dma_wait3A_102 = arith.constant 0 : i32
    %dma_wait3A_103 = tpu.memref_slice %arg6[%dma_wait3A_101, %dma_wait3A_102] : memref<4x80xi32, #tpu.memory_space<vmem>> -> memref<1x80xi32, #tpu.memory_space<vmem>>
    %dma_wait3A_104 = tpu.memref_squeeze %dma_wait3A_103 : memref<1x80xi32, #tpu.memory_space<vmem>> -> memref<80xi32, #tpu.memory_space<vmem>>
    %dma_wait3A_105 = arith.constant 0 : i32
    %dma_wait3A_106 = arith.constant 0 : i32
    %dma_wait3A_107 = tpu.memref_slice %arg12[%dma_wait3A_105, %dma_wait3A_106] : memref<2048x128xf32, #tpu.memory_space<vmem_shared>> -> memref<2048x128xf32, #tpu.memory_space<vmem_shared>>
    tpu.wait_indirect_dma semaphore(%arg17 : memref<!tpu.dma_semaphore, #tpu.memory_space<semaphore_mem>>) src(%arg9 : memref<80x128xf32, #tpu.memory_space<vmem>>) dst(%dma_wait3A_107 : memref<2048x128xf32, #tpu.memory_space<vmem_shared>>)
    %dma_wait3A_108 = arith.constant 3 : i32
    %dma_wait3A_109 = arith.constant 0 : i32
    %dma_wait3A_110 = tpu.memref_slice %arg6[%dma_wait3A_108, %dma_wait3A_109] : memref<4x80xi32, #tpu.memory_space<vmem>> -> memref<1x80xi32, #tpu.memory_space<vmem>>
    %dma_wait3A_111 = tpu.memref_squeeze %dma_wait3A_110 : memref<1x80xi32, #tpu.memory_space<vmem>> -> memref<80xi32, #tpu.memory_space<vmem>>
    %dma_wait3A_112 = arith.constant 0 : i32
    %dma_wait3A_113 = arith.constant 0 : i32
    %dma_wait3A_114 = tpu.memref_slice %arg12[%dma_wait3A_112, %dma_wait3A_113] : memref<2048x128xf32, #tpu.memory_space<vmem_shared>> -> memref<2048x128xf32, #tpu.memory_space<vmem_shared>>
    tpu.wait_indirect_dma semaphore(%arg18 : memref<!tpu.dma_semaphore, #tpu.memory_space<semaphore_mem>>) src(%arg10 : memref<80x128xf32, #tpu.memory_space<vmem>>) dst(%dma_wait3A_114 : memref<2048x128xf32, #tpu.memory_space<vmem_shared>>)
    %barrier3A_115 = arith.constant 0 : index
    tpu.barrier barrier_id(%barrier3A_115)
    %eq3A = arith.constant 0 : i32
    %eq3A_116 = arith.cmpi eq, %arg0, %eq3A : i32
    %convert_element_type3A = arith.extui %eq3A_116 : i1 to i32
    %cond3A = arith.constant 0 : i32
    %cond3A_117 = arith.cmpi ne, %convert_element_type3A, %cond3A : i32
    scf.if %cond3A_117 {
      "tpu.region"() ({
        %run_scoped3A = tpu.sem_alloc : memref<!tpu.dma_semaphore, #tpu.memory_space<semaphore_mem>>
        %dma_start3A_123 = arith.constant 0 : i32
        %dma_start3A_124 = tpu.memref_slice %arg4[%mul3A_8, %dma_start3A_123] : memref<2048x128xf32, #tpu.memory_space<hbm>> -> memref<128x128xf32, #tpu.memory_space<hbm>>
        %dma_start3A_125 = arith.constant 0 : i32
        %dma_start3A_126 = tpu.memref_slice %arg12[%mul3A_8, %dma_start3A_125] : memref<2048x128xf32, #tpu.memory_space<vmem_shared>> -> memref<128x128xf32, #tpu.memory_space<vmem_shared>>
        tpu.enqueue_dma source(%dma_start3A_126 : memref<128x128xf32, #tpu.memory_space<vmem_shared>>) target(%dma_start3A_124 : memref<128x128xf32, #tpu.memory_space<hbm>>) target_semaphore(%run_scoped3A : memref<!tpu.dma_semaphore, #tpu.memory_space<semaphore_mem>>)
        %dma_wait3A_127 = arith.constant 0 : i32
        %dma_wait3A_128 = tpu.memref_slice %arg4[%mul3A_8, %dma_wait3A_127] : memref<2048x128xf32, #tpu.memory_space<hbm>> -> memref<128x128xf32, #tpu.memory_space<hbm>>
        %dma_wait3A_129 = arith.constant 0 : i32
        %dma_wait3A_130 = tpu.memref_slice %arg12[%mul3A_8, %dma_wait3A_129] : memref<2048x128xf32, #tpu.memory_space<vmem_shared>> -> memref<128x128xf32, #tpu.memory_space<vmem_shared>>
        tpu.wait_dma2 semaphore(%run_scoped3A : memref<!tpu.dma_semaphore, #tpu.memory_space<semaphore_mem>>) src(%dma_wait3A_130 : memref<128x128xf32, #tpu.memory_space<vmem_shared>>) dst(%dma_wait3A_128 : memref<128x128xf32, #tpu.memory_space<hbm>>)
        tpu.yield
      }) : () -> ()
    } else {
    }
    %eq3A_118 = arith.constant 1 : i32
    %eq3A_119 = arith.cmpi eq, %arg0, %eq3A_118 : i32
    %convert_element_type3A_120 = arith.extui %eq3A_119 : i1 to i32
    %cond3A_121 = arith.constant 0 : i32
    %cond3A_122 = arith.cmpi ne, %convert_element_type3A_120, %cond3A_121 : i32
    scf.if %cond3A_122 {
      "tpu.region"() ({
        %run_scoped3A = tpu.sem_alloc : memref<!tpu.dma_semaphore, #tpu.memory_space<semaphore_mem>>
        %dma_start3A_123 = arith.constant 0 : i32
        %dma_start3A_124 = tpu.memref_slice %arg5[%mul3A_8, %dma_start3A_123] : memref<2048x128xf32, #tpu.memory_space<hbm>> -> memref<128x128xf32, #tpu.memory_space<hbm>>
        %dma_start3A_125 = arith.constant 0 : i32
        %dma_start3A_126 = tpu.memref_slice %arg12[%mul3A_8, %dma_start3A_125] : memref<2048x128xf32, #tpu.memory_space<vmem_shared>> -> memref<128x128xf32, #tpu.memory_space<vmem_shared>>
        tpu.enqueue_dma source(%dma_start3A_126 : memref<128x128xf32, #tpu.memory_space<vmem_shared>>) target(%dma_start3A_124 : memref<128x128xf32, #tpu.memory_space<hbm>>) target_semaphore(%run_scoped3A : memref<!tpu.dma_semaphore, #tpu.memory_space<semaphore_mem>>)
        %dma_wait3A_127 = arith.constant 0 : i32
        %dma_wait3A_128 = tpu.memref_slice %arg5[%mul3A_8, %dma_wait3A_127] : memref<2048x128xf32, #tpu.memory_space<hbm>> -> memref<128x128xf32, #tpu.memory_space<hbm>>
        %dma_wait3A_129 = arith.constant 0 : i32
        %dma_wait3A_130 = tpu.memref_slice %arg12[%mul3A_8, %dma_wait3A_129] : memref<2048x128xf32, #tpu.memory_space<vmem_shared>> -> memref<128x128xf32, #tpu.memory_space<vmem_shared>>
        tpu.wait_dma2 semaphore(%run_scoped3A : memref<!tpu.dma_semaphore, #tpu.memory_space<semaphore_mem>>) src(%dma_wait3A_130 : memref<128x128xf32, #tpu.memory_space<vmem_shared>>) dst(%dma_wait3A_128 : memref<128x128xf32, #tpu.memory_space<hbm>>)
        tpu.yield
      }) : () -> ()
    } else {
    }
    return
  }
}

module attributes {stable_mosaic.version = 14 : i64} {
  func.func @_mlp_body(%arg0: i32, %arg1: memref<512x128xf32, #tpu.memory_space<vmem>>, %arg2: memref<512x128xf32, #tpu.memory_space<vmem>>, %arg3: memref<128x128xf32, #tpu.memory_space<vmem>>, %arg4: memref<1x128xf32, #tpu.memory_space<vmem>>, %arg5: memref<128x128xf32, #tpu.memory_space<vmem>>, %arg6: memref<1x128xf32, #tpu.memory_space<vmem>>, %arg7: memref<512x128xf32, #tpu.memory_space<vmem>>) attributes {dimension_semantics = [#tpu.dimension_semantics<arbitrary>], iteration_bounds = array<i64: 20>, scalar_prefetch = 0 : i64, scratch_operands = 0 : i64, tpu.core_type = #tpu.core_type<tc>, window_params = [{transform_indices = @transform_0, window_bounds = array<i64: 512, 128>}, {transform_indices = @transform_1, window_bounds = array<i64: 512, 128>}, {pipeline_mode = #tpu.pipeline_mode<synchronous>, transform_indices = @transform_2, window_bounds = array<i64: 128, 128>}, {pipeline_mode = #tpu.pipeline_mode<synchronous>, transform_indices = @transform_3, window_bounds = array<i64: 1, 128>}, {pipeline_mode = #tpu.pipeline_mode<synchronous>, transform_indices = @transform_4, window_bounds = array<i64: 128, 128>}, {pipeline_mode = #tpu.pipeline_mode<synchronous>, transform_indices = @transform_5, window_bounds = array<i64: 1, 128>}, {transform_indices = @transform_6, window_bounds = array<i64: 512, 128>}]} {
    %get3A = arith.constant 0 : index
    %get3A_0 = arith.constant 0 : index
    %get3A_1 = vector.load %arg1[%get3A, %get3A_0] : memref<512x128xf32, #tpu.memory_space<vmem>>, vector<512x128xf32>
    %get3A_2 = arith.constant 0 : index
    %get3A_3 = arith.constant 0 : index
    %get3A_4 = vector.load %arg2[%get3A_2, %get3A_3] : memref<512x128xf32, #tpu.memory_space<vmem>>, vector<512x128xf32>
    %add3A = arith.addf %get3A_1, %get3A_4 : vector<512x128xf32>
    %get3A_5 = arith.constant 0 : index
    %get3A_6 = arith.constant 0 : index
    %get3A_7 = vector.load %arg3[%get3A_5, %get3A_6] : memref<128x128xf32, #tpu.memory_space<vmem>>, vector<128x128xf32>
    %dot_general3A = arith.constant dense<0.000000e+00> : vector<512x128xf32>
    %dot_general3A_8 = tpu.matmul %add3A, %get3A_7, %dot_general3A {dimension_numbers = #tpu.dot_dimension_numbers<[1], [0], [0], [1], [0, 0, 1, 1], [], []>, transpose_lhs_hint = false} : vector<512x128xf32>, vector<128x128xf32>, vector<512x128xf32> -> vector<512x128xf32>
    %get3A_9 = arith.constant 0 : index
    %get3A_10 = arith.constant 0 : index
    %get3A_11 = vector.load %arg4[%get3A_9, %get3A_10] : memref<1x128xf32, #tpu.memory_space<vmem>>, vector<1x128xf32>
    %add3A_12 = vector.broadcast %get3A_11 : vector<1x128xf32> to vector<512x128xf32>
    %add3A_13 = arith.addf %dot_general3A_8, %add3A_12 : vector<512x128xf32>
    %max3A = arith.constant 0.000000e+00 : f32
    %max3A_14 = vector.broadcast %max3A : f32 to vector<512x128xf32>
    %max3A_15 = arith.maximumf %add3A_13, %max3A_14 : vector<512x128xf32>
    %get3A_16 = arith.constant 0 : index
    %get3A_17 = arith.constant 0 : index
    %get3A_18 = vector.load %arg5[%get3A_16, %get3A_17] : memref<128x128xf32, #tpu.memory_space<vmem>>, vector<128x128xf32>
    %dot_general3A_19 = arith.constant dense<0.000000e+00> : vector<512x128xf32>
    %dot_general3A_20 = tpu.matmul %max3A_15, %get3A_18, %dot_general3A_19 {dimension_numbers = #tpu.dot_dimension_numbers<[1], [0], [0], [1], [0, 0, 1, 1], [], []>, transpose_lhs_hint = false} : vector<512x128xf32>, vector<128x128xf32>, vector<512x128xf32> -> vector<512x128xf32>
    %get3A_21 = arith.constant 0 : index
    %get3A_22 = arith.constant 0 : index
    %get3A_23 = vector.load %arg6[%get3A_21, %get3A_22] : memref<1x128xf32, #tpu.memory_space<vmem>>, vector<1x128xf32>
    %add3A_24 = vector.broadcast %get3A_23 : vector<1x128xf32> to vector<512x128xf32>
    %add3A_25 = arith.addf %dot_general3A_20, %add3A_24 : vector<512x128xf32>
    %swap3A = arith.constant 0 : index
    %swap3A_26 = arith.constant 0 : index
    %swap3A_27 = vector.load %arg7[%swap3A, %swap3A_26] : memref<512x128xf32, #tpu.memory_space<vmem>>, vector<512x128xf32>
    tpu.vector_store %arg7[%swap3A, %swap3A_26], %add3A_25 {strides = array<i32>} : memref<512x128xf32, #tpu.memory_space<vmem>>, vector<512x128xf32>,
    return
  }
  func.func @transform_0(%arg0: i32) -> (i32, i32) {
    %c0_i32 = arith.constant 0 : i32
    %c0_i32_0 = arith.constant 0 : i32
    return %arg0, %c0_i32 : i32, i32
  }
  func.func @transform_1(%arg0: i32) -> (i32, i32) {
    %c0_i32 = arith.constant 0 : i32
    %c0_i32_0 = arith.constant 0 : i32
    return %arg0, %c0_i32 : i32, i32
  }
  func.func @transform_2(%arg0: i32) -> (i32, i32) {
    %c0_i32 = arith.constant 0 : i32
    %c0_i32_0 = arith.constant 0 : i32
    %c0_i32_1 = arith.constant 0 : i32
    return %c0_i32, %c0_i32_0 : i32, i32
  }
  func.func @transform_3(%arg0: i32) -> (i32, i32) {
    %c0_i32 = arith.constant 0 : i32
    %c0_i32_0 = arith.constant 0 : i32
    %c0_i32_1 = arith.constant 0 : i32
    return %c0_i32, %c0_i32_0 : i32, i32
  }
  func.func @transform_4(%arg0: i32) -> (i32, i32) {
    %c0_i32 = arith.constant 0 : i32
    %c0_i32_0 = arith.constant 0 : i32
    %c0_i32_1 = arith.constant 0 : i32
    return %c0_i32, %c0_i32_0 : i32, i32
  }
  func.func @transform_5(%arg0: i32) -> (i32, i32) {
    %c0_i32 = arith.constant 0 : i32
    %c0_i32_0 = arith.constant 0 : i32
    %c0_i32_1 = arith.constant 0 : i32
    return %c0_i32, %c0_i32_0 : i32, i32
  }
  func.func @transform_6(%arg0: i32) -> (i32, i32) {
    %c0_i32 = arith.constant 0 : i32
    %c0_i32_0 = arith.constant 0 : i32
    return %arg0, %c0_i32 : i32, i32
  }
}

module attributes {stable_mosaic.version = 14 : i64} {
  func.func @_fin_body(%arg0: i32, %arg1: memref<400x128xf32, #tpu.memory_space<vmem>>, %arg2: memref<400x128xf32, #tpu.memory_space<vmem>>, %arg3: memref<400x128xf32, #tpu.memory_space<vmem>>, %arg4: memref<400x128xf32, #tpu.memory_space<vmem>>, %arg5: memref<400x128xf32, #tpu.memory_space<vmem>>, %arg6: memref<400x128xf32, #tpu.memory_space<vmem>>) attributes {dimension_semantics = [#tpu.dimension_semantics<arbitrary>], iteration_bounds = array<i64: 5>, scalar_prefetch = 0 : i64, scratch_operands = 0 : i64, tpu.core_type = #tpu.core_type<tc>, window_params = [{transform_indices = @transform_0, window_bounds = array<i64: 400, 128>}, {transform_indices = @transform_1, window_bounds = array<i64: 400, 128>}, {transform_indices = @transform_2, window_bounds = array<i64: 400, 128>}, {transform_indices = @transform_3, window_bounds = array<i64: 400, 128>}, {transform_indices = @transform_4, window_bounds = array<i64: 400, 128>}, {transform_indices = @transform_5, window_bounds = array<i64: 400, 128>}]} {
    %get3A = arith.constant 0 : index
    %get3A_0 = arith.constant 0 : index
    %get3A_1 = vector.load %arg4[%get3A, %get3A_0] : memref<400x128xf32, #tpu.memory_space<vmem>>, vector<400x128xf32>
    %slice3A = vector.extract_strided_slice %get3A_1 {offsets = [0, 0], sizes = [400, 1], strides = [1, 1]} : vector<400x128xf32> to vector<400x1xf32>
    %get3A_2 = arith.constant 0 : index
    %get3A_3 = arith.constant 0 : index
    %get3A_4 = vector.load %arg5[%get3A_2, %get3A_3] : memref<400x128xf32, #tpu.memory_space<vmem>>, vector<400x128xf32>
    %slice3A_5 = vector.extract_strided_slice %get3A_4 {offsets = [0, 0], sizes = [400, 1], strides = [1, 1]} : vector<400x128xf32> to vector<400x1xf32>
    %add3A = arith.addf %slice3A, %slice3A_5 : vector<400x1xf32>
    %get3A_6 = arith.constant 0 : index
    %get3A_7 = arith.constant 0 : index
    %get3A_8 = vector.load %arg2[%get3A_6, %get3A_7] : memref<400x128xf32, #tpu.memory_space<vmem>>, vector<400x128xf32>
    %get3A_9 = arith.constant 0 : index
    %get3A_10 = arith.constant 0 : index
    %get3A_11 = vector.load %arg3[%get3A_9, %get3A_10] : memref<400x128xf32, #tpu.memory_space<vmem>>, vector<400x128xf32>
    %add3A_12 = arith.addf %get3A_8, %get3A_11 : vector<400x128xf32>
    %max3A = arith.constant 1.000000e+00 : f32
    %max3A_13 = vector.broadcast %max3A : f32 to vector<400x1xf32>
    %max3A_14 = arith.maximumf %add3A, %max3A_13 : vector<400x1xf32>
    %div3A = vector.broadcast %max3A_14 : vector<400x1xf32> to vector<400x128xf32>
    %div3A_15 = arith.divf %add3A_12, %div3A : vector<400x128xf32>
    %get3A_16 = arith.constant 0 : index
    %get3A_17 = arith.constant 0 : index
    %get3A_18 = vector.load %arg1[%get3A_16, %get3A_17] : memref<400x128xf32, #tpu.memory_space<vmem>>, vector<400x128xf32>
    %max3A_19 = arith.constant 0.000000e+00 : f32
    %max3A_20 = vector.broadcast %max3A_19 : f32 to vector<400x128xf32>
    %max3A_21 = arith.maximumf %div3A_15, %max3A_20 : vector<400x128xf32>
    %add3A_22 = arith.addf %get3A_18, %max3A_21 : vector<400x128xf32>
    %swap3A = arith.constant 0 : index
    %swap3A_23 = arith.constant 0 : index
    %swap3A_24 = vector.load %arg6[%swap3A, %swap3A_23] : memref<400x128xf32, #tpu.memory_space<vmem>>, vector<400x128xf32>
    tpu.vector_store %arg6[%swap3A, %swap3A_23], %add3A_22 {strides = array<i32>} : memref<400x128xf32, #tpu.memory_space<vmem>>, vector<400x128xf32>,
    return
  }
  func.func @transform_0(%arg0: i32) -> (i32, i32) {
    %c0_i32 = arith.constant 0 : i32
    %c0_i32_0 = arith.constant 0 : i32
    return %arg0, %c0_i32 : i32, i32
  }
  func.func @transform_1(%arg0: i32) -> (i32, i32) {
    %c0_i32 = arith.constant 0 : i32
    %c0_i32_0 = arith.constant 0 : i32
    return %arg0, %c0_i32 : i32, i32
  }
  func.func @transform_2(%arg0: i32) -> (i32, i32) {
    %c0_i32 = arith.constant 0 : i32
    %c0_i32_0 = arith.constant 0 : i32
    return %arg0, %c0_i32 : i32, i32
  }
  func.func @transform_3(%arg0: i32) -> (i32, i32) {
    %c0_i32 = arith.constant 0 : i32
    %c0_i32_0 = arith.constant 0 : i32
    return %arg0, %c0_i32 : i32, i32
  }
  func.func @transform_4(%arg0: i32) -> (i32, i32) {
    %c0_i32 = arith.constant 0 : i32
    %c0_i32_0 = arith.constant 0 : i32
    return %arg0, %c0_i32 : i32, i32
  }
  func.func @transform_5(%arg0: i32) -> (i32, i32) {
    %c0_i32 = arith.constant 0 : i32
    %c0_i32_0 = arith.constant 0 : i32
    return %arg0, %c0_i32 : i32, i32
  }
}

</mosaic_0001>

<sc_bundles>
// kernel: kernel.10.cloned.1.call-start
scs
__scs_entry_jumppad:
0x0: {  	(pc) =	sbr.rel $0x88, $3  }
0x1: {  	(tag) =	ssettag $0x0;
	lr =	simm.s32 $0x1  }
0x2: {  	[smem:$0x3F9B] =	sst lr;
	_ =	strace $0xD0000000  }
0x3: {  	_ = 	snop  }
0x4: {  	_ = 	snop  }
0x5: {  	_ = 	snop  }
0x6: {  	_ = 	snop  }
0x7: {  	_ = 	snop  }
__scs_overlays_trampoline_lowered:
0x8: {  	[smem:$0x3FAA] =	sst s0  }
0x9: {  	[smem:$0x3FAB] =	sst s1  }
0xa: {  	[smem:$0x3FAC] =	sst s2  }
0xb: {  	[smem:$0x3FAD] =	sst s3  }
0xc: {  	[smem:$0x3FAE] =	sst s4  }
0xd: {  	[smem:$0x3FAF] =	sst s5  }
0xe: {  	[smem:$0x3FB0] =	sst s6  }
0xf: {  	[smem:$0x3FB1] =	sst s7  }
0x10: {  	[smem:$0x3FB2] =	sst s8  }
0x11: {  	[smem:$0x3FB3] =	sst s9;
	s0 =	simm.s32 @!p0 $0x0  }
0x12: {  	s1 =	sld [smem:$0x3F99];
	s0 =	simm.s32 @p0 $0x1  }
0x13: {  	[smem:$0x3FB4] =	sst s0;
	s0 =	simm.s32 @!p1 $0x0  }
0x14: {  	s2 =	sld [smem:$0x3F98];
	s0 =	simm.s32 @p1 $0x1  }
0x15: {  	[smem:$0x3FB5] =	sst s0;
	s0 =	simm.s32 @!p2 $0x0  }
0x16: {  	s3 =	sld [smem:$0x3FDB];
	s0 =	simm.s32 @p2 $0x1  }
0x17: {  	s4 =	simm.s32 $0x1BF5;
	[smem:$0x3FB7] =	sst s0  }
0x18: {  	s0 =	sld [smem:$0x3F9A];
	_ =	swait.ge [sflag:s4], $0x0  }
0x19: {  	s7 =	sld [smem:$0x3F9B]  }
0x1a: {  	s8 =	sadd.s32 $0xFFFFE003, lr  }
0x1b: {  	s9 =	sadd.s32 $0xFFFFFEF7, lr;
	s5 =	simm.s32 $0xFFFFFFFF;
	p2 =	slt.u32 s8, $0xFFFFF086  }
0x1c: {  	p1 =	slt.u32 s9, $0xF7A;
	s5 =	simm.s32 @!p2 $0x0  }
0x1d: {  	s5 =	simm.s32 @p1 $0x1;
	p0 =	seq.s32 s7, s2  }
0x1e: {  	s7 =	smul.u32 @!p0 $0xF7A, s2;
	p2 =	seq.s32 @!p0 s5, $0x0  }
0x1f: {  	s9 =	smul.u32 $0xF7A, s1;
	s8 =	simm.s32 @!p0 $0x1BF5;
	p2 =	por !p2, p0  }
0x20: {  	[sflag:s8] =	ssyncset.s32 @!p0 $0xFFFFF086;
	s6 =	sadd.s32 @!p0 s3, s7;
	s7 =	simm.s32 @!p0 $0x108  }
0x21: {  	s3 =	sadd.s32 s3, s9;
	s6 =	sadd.s32 @!p0 $0x88, s6;
	s7 =	simm.s32 @p2 $0x1082  }
0x22: {  	[simem:s7], [sflag:s8] =	dma.local @!p0 [hbm:s6], $0xF7A  }
0x23: {  	s9 =	sor.u32 $0xD0000000, s2;
	s6 =	simm.s32 $0x108;
	_ =	swait.ge @!p0 [sflag:s8], $0x0  }
0x24: {  	s3 =	sadd.s32 $0x88, s3;
	s6 =	simm.s32 @!p1 $0x1082;
	[sflag:s4] =	ssyncset.s32 $0xFFFFF086  }
0x25: {  	[simem:s6], [sflag:s4] =	dma.local [hbm:s3], $0xF7A  }
0x26: {  	[smem:$0x3F9B] =	sst s1;
	(tag) =	ssettag s2;
	_ =	strace s9  }
0x27: {  	s1 =	sld [smem:$0x3FAB]  }
0x28: {  	s2 =	sld [smem:$0x3FAC]  }
0x29: {  	s4 =	sld [smem:$0x3FAE]  }
0x2a: {  	p0 =	seq.s32 s5, $0x0;
	s5 =	sld [smem:$0x3FAF]  }
0x2b: {  	s6 =	sld [smem:$0x3FB0]  }
0x2c: {  	s7 =	sld [smem:$0x3FB1]  }
0x2d: {  	s3 =	simm.s32 $0x108;
	s8 =	sld [smem:$0x3FB2]  }
0x2e: {  	s3 =	simm.s32 @!p0 $0x1082;
	s9 =	sld [smem:$0x3FB3]  }
0x2f: {  	lr =	sadd.s32 s0, s3;
	s0 =	sld [smem:$0x3FAA]  }
0x30: {  	s3 =	sld [smem:$0x3FAD]  }
0x31: {  	[smem:$0x3FB6] =	sst s10  }
0x32: {  	s10 =	sld [smem:$0x3FB4];
	_ =	sdelay $0x3  }
0x33: {  	p0 =	seq.s32 s10, $0x1;
	s10 =	sld [smem:$0x3FB6];
	_ =	sdelay $0x3  }
0x34: {  	[smem:$0x3FB6] =	sst s10  }
0x35: {  	s10 =	sld [smem:$0x3FB5];
	_ =	sdelay $0x3  }
0x36: {  	p1 =	seq.s32 s10, $0x1;
	s10 =	sld [smem:$0x3FB6];
	_ =	sdelay $0x3  }
0x37: {  	[smem:$0x3FB6] =	sst s10  }
0x38: {  	s10 =	sld [smem:$0x3FB7]  }
0x39: {  	_ = 	snop;
	(pc) =	sbr.ind lr, $3  }
0x3a: {  	_ = 	snop  }
0x3b: {  	_ = 	snop  }
0x3c: {  	p2 =	seq.s32 s10, $0x1;
	s10 =	sld [smem:$0x3FB6]  }
0x3d: {  	_ =	shalt  }
0x3e: {  	_ =	shalt  }
0x3f: {  	_ =	shalt  }
0x40: {  	_ =	shalt  }
0x41: {  	_ =	shalt  }
0x42: {  	_ =	shalt  }
0x43: {  	_ =	shalt  }
0x44: {  	_ =	shalt  }
0x45: {  	_ =	shalt  }
0x46: {  	_ =	shalt  }
0x47: {  	_ =	shalt  }
0x48: {  	_ =	shalt  }
0x49: {  	_ =	shalt  }
0x4a: {  	_ =	shalt  }
0x4b: {  	_ =	shalt  }
0x4c: {  	_ =	shalt  }
0x4d: {  	_ =	shalt  }
0x4e: {  	_ =	shalt  }
0x4f: {  	_ =	shalt  }
0x50: {  	_ =	shalt  }
0x51: {  	_ =	shalt  }
0x52: {  	_ =	shalt  }
0x53: {  	_ =	shalt  }
0x54: {  	_ =	shalt  }
0x55: {  	_ =	shalt  }
0x56: {  	_ =	shalt  }
0x57: {  	_ =	shalt  }
0x58: {  	_ =	shalt  }
0x59: {  	_ =	shalt  }
0x5a: {  	_ =	shalt  }
0x5b: {  	_ =	shalt  }
0x5c: {  	_ =	shalt  }
0x5d: {  	_ =	shalt  }
0x5e: {  	_ =	shalt  }
0x5f: {  	_ =	shalt  }
0x60: {  	_ =	shalt  }
0x61: {  	_ =	shalt  }
0x62: {  	_ =	shalt  }
0x63: {  	_ =	shalt  }
0x64: {  	_ =	shalt  }
0x65: {  	_ =	shalt  }
0x66: {  	_ =	shalt  }
0x67: {  	_ =	shalt  }
0x68: {  	_ =	shalt  }
0x69: {  	_ =	shalt  }
0x6a: {  	_ =	shalt  }
0x6b: {  	_ =	shalt  }
0x6c: {  	_ =	shalt  }
0x6d: {  	_ =	shalt  }
0x6e: {  	_ =	shalt  }
0x6f: {  	_ =	shalt  }
0x70: {  	_ =	shalt  }
0x71: {  	_ =	shalt  }
0x72: {  	_ =	shalt  }
0x73: {  	_ =	shalt  }
0x74: {  	_ =	shalt  }
0x75: {  	_ =	shalt  }
0x76: {  	_ =	shalt  }
0x77: {  	_ =	shalt  }
0x78: {  	_ =	shalt  }
0x79: {  	_ =	shalt  }
0x7a: {  	_ =	shalt  }
0x7b: {  	_ =	shalt  }
0x7c: {  	_ =	shalt  }
0x7d: {  	_ =	shalt  }
0x7e: {  	_ =	shalt  }
0x7f: {  	_ =	shalt  }
0x80: {  	_ =	shalt  }
0x81: {  	_ =	shalt  }
0x82: {  	_ =	shalt  }
0x83: {  	_ =	shalt  }
0x84: {  	_ =	shalt  }
0x85: {  	_ =	shalt  }
0x86: {  	_ =	shalt  }
0x87: {  	_ =	shalt  }
.Lfunc_end0:
.L_simem_size_0:
called_computation.1_lowered:
.L_overlay_start_0:
0x88: {  	s2 =	sld [smem:$0x3FD9]  }
0x89: {  	s3 =	sld [smem:$0x3FFE];
	_ =	sdelay $0x1  }
0x8a: {  	s1 =	srdreg.scid  }
0x8b: {  	s0 =	sand.u32 $0x1, s1  }
0x8c: {  	s17 =	sshll.u32 s0, $0xA;
	s2 =	sadd.s32 s3, s2  }
0x8d: {  	s2 =	sadd.s32 s2, s17  }
0x8e: {  	[smem:$0x3FC2] =	sst s2  }
0x8f: {  	_ = 	snop  }
0x90: {  	s2 =	sld [smem:$0x3FD0];
	(tm) =	ssettm $0x1  }
0x91: {  	s18 =	sld [smem:$0x3FFB];
	_ =	sdelay $0x3  }
0x92: {  	_ =	strace s18  }
0x93: {  	s3 =	sld [smem:$0x3FFC];
	_ =	sdelay $0x3  }
0x94: {  	_ =	strace s3  }
0x95: {  	s3 =	sld [smem:$0x3FFD];
	_ =	sdelay $0x3  }
0x96: {  	_ =	strace s3  }
0x97: {  	_ =	strace $0x8FFFFFFF  }
0x98: {  	s19 =	sld [smem:$0x3FDB];
	_ =	sdelay $0x1  }
0x99: {  	s4 =	simm.s32 $_scs_section_size  }
0x9a: {  	s5 =	simm.s32 $_size__tile_overlayer_lowered;
	s6 =	simm.s32 $_tile_overlayer_lowered  }
0x9b: {  	s22 =	simm.s32 $0x1BFF;
	s21 =	sshll.u32 s6, $0x1;
	s3 =	sadd.s32 s4, s19  }
0x9c: {  	s7 =	simm.s32 $0x0;
	s20 =	sshll.u32 s5, $0x1;
	s5 =	sadd.s32 s21, s3  }
0x9d: {  	[timem:s7], [sflag:s22] =	dma.local [hbm:s5], s20  }
0x9e: {  	_ =	swait.ge [sflag:s22], s20  }
0x9f: {  	s4 =	ssub.s32 $0x0, s20;
	[sflag:s22] =	ssyncset.done $0x0  }
0xa0: {  	[sflag:s22] =	ssyncadd.s32 s4;
	_ =	sdelay $0x1  }
0xa1: {  	s23 =	simm.s32 $0x1B8B  }
0xa2: {  	_ =	swait.ge [sflag:s23], $0x1  }
0xa3: {  	[sflag:s23] =	ssyncset.done $0x0  }
0xa4: {  	s25 =	simm.s32 $0x1B8E;
	s24 =	sld [smem:$0x3FFE];
	[sflag:s23] =	ssyncadd.s32 $0xFFFFFFFF  }
0xa5: {  	s26 =	simm.s32 $execute0_lowered;
	[smem:$0x3FD2] =	sst s25  }
0xa6: {  	s5 =	sshll.u32 s26, $0x1;
	_ =	strace $0x80000049;
	[dreg:$0x1] =	wrdreg $0xFFFFFFFF  }
0xa7: {  	s28 =	simm.s32 $_size_execute0_lowered;
	s3 =	sadd.s32 s3, s5;
	[dreg:$0x0] =	wrdreg $0x0  }
0xa8: {  	s5 =	sshll.u32 s28, $0x1;
	[dreg:$0x2] =	wrdreg s3  }
0xa9: {  	[dreg:$0x3] =	wrdreg s5  }
0xaa: {  	[dreg:$0x4] =	wrdreg $0xC0  }
0xab: {  	_ =	task [dreg:s7], $0x5FFFF  }
0xac: {  	[dreg:$0x1] =	wrdreg $0xFFFFFFFF  }
0xad: {  	[dreg:$0x0] =	wrdreg $0x60  }
0xae: {  	[dreg:$0x2] =	wrdreg s24  }
0xaf: {  	[dreg:$0x3] =	wrdreg s2  }
0xb0: {  	[dreg:$0x4] =	wrdreg $0x9  }
0xb1: {  	_ =	task.clear_ibuf [dreg:s7], $0x5FFFF;
	_ =	strace $0x90000049  }
0xb2: {  	s29 =	simm.s32 $0x9;
	_ =	strace $0x8000004B  }
0xb3: {  	_ =	swait.ge [sflag:s29], $0x1  }
0xb4: {  	[sflag:s29] =	ssyncadd.s32 $0xFFFFFFFF  }
0xb5: {  	_ =	strace $0x9000004B  }
0xb6: {  	_ =	sfence  }
0xb7: {  	s30 =	sld [smem:$0x0];
	_ =	sdelay $0x2  }
0xb8: {  	s31 =	sshll.u32 s1, $0xD;
	s1 =	sshrl.u32 s1, $0x2  }
0xb9: {  	s3 =	sand.u32 $0x4000, s31;
	s1 =	sadd.s32 s1, s30  }
0xba: {  	s0 =	sor.u32 s3, s0;
	s1 =	sshll.u32 s1, $0x11  }
0xbb: {  	s0 =	sor.u32 s1, s0  }
0xbc: {  	s0 =	sadd.s32 $0x8F2B, s0  }
0xbd: {  	[sflag:s0] =	ssyncadd.remote.s32 $0x1  }
0xbe: {  	_ =	sfence.sel $0xFFFF  }
0xbf: {  	[dreg:$0x0] =	wrdreg $0xFFFFFFFF;
	(pc) =	sbr.abs _section_cstart, $3  }
0xc0: {  	[dreg:$0x1] =	wrdreg $0xFFFFFFFF  }
0xc1: {  	_ =	task.clear_ibuf [dreg:s7], $0x2FFFF;
	_ =	strace $0x9FFFFFFF  }
0xc2: {  	(tm) =	ssettm $0x7FFFFFFF  }
0xc3: {  	_ =	shalt  }
tec
execute0_lowered:
.L_overlay_start_1:
0x0: {  	(tag) =	ssettag $0x1  }
0x1: {  	s0 =	rddreg [dreg:$0x0]  }
0x2: {  	s2 =	rddreg [dreg:$0x1]  }
0x3: {  	s1 =	simm.s32 $0x0;
	s5 =	srdreg.scid;
	s8 =	stileid.u32  }
0x4: {  	s11 =	simm.s32 $0xA;
	s12 =	simm.s32 $0x50;
	s13 =	simm.s32 $0x200  }
0x5: {  	s15 =	simm.s32 $0x80;
	s16 =	simm.s32 $0x5200;
	s18 =	simm.s32 $0x100  }
0x6: {  	s19 =	simm.s32 $0xA200;
	s21 =	simm.s32 $0x180;
	s22 =	simm.s32 $0xF200  }
0x7: {  	s28 =	simm.s32 $0x4;
	s29 =	simm.s32 $0x5;
	s30 =	simm.s32 $0x6  }
0x8: {  	s31 =	simm.s32 $0x7;
	s14 =	simm.s32 $0x0;
	[smem:$0x7FF] =	sst s1  }
0x9: {  	s3 =	sadd.s32 $0x3600, s0;
	s4 =	sadd.s32 $0xB600, s0;
	s5 =	sand.u32 $0x1, s5  }
0xa: {  	s0 =	sadd.s32 $0x4B600, s0;
	s6 =	ssub.s32 $0x2, s5;
	s5 =	sshll.u32 s5, $0x4  }
0xb: {  	s23 =	sshll.u32 s8, $0x6;
	s7 =	sshrl.u32 s6, $0x1;
	s5 =	sor.u32 s8, s5  }
0xc: {  	_ =	strace $0x8000004A;
	s10 =	ssub.s32 s6, s7;
	s24 =	smul.u32 $0xA000, s5  }
0xd: {  	s25 =	sshll.u32 s5, $0x6;
	s6 =	sand.u32 $0x40, s23;
	s9 =	smul.u32 $0x1400, s5  }
0xe: {  	s26 =	sand.u32 $0x780, s25;
	s2 =	sadd.s32 s2, s6;
	s10 =	smax.u32 s10, $0x1  }
0xf: {  	s25 =	simm.s32 $0x2;
	s7 =	sshrl.u32 s24, $0x3;
	s5 =	sadd.s32 s26, s2  }
0x10: {  	s6 =	sadd.s32 s0, s9;
	s24 =	simm.s32 $0x1;
	s0 =	sadd.s32 s0, s7  }
0x11: {  	s26 =	simm.s32 $0x3;
	s2 =	simm.s32 $0x9;
	s7 =	sadd.s32 $0x500, s0  }
0x12: {  	s8 =	sadd.s32 $0xA00, s0;
	s9 =	sadd.s32 $0xF00, s0;
	s0 =	simm.s32 $0x8  }
.LBB2_1:
0x13: {  	[tilespmem:s1], [sflag:$0xA] =	stream.linear.gather [hbm4b:s5+s1], $0x200, $0x38;
	[tilespmem:$0x14200] =	vst v63  }
0x14: {  	_ =	swait.ge [sflag:s11], $0x200  }
0x15: {  	[sflag:s11] =	ssyncset.done $0x0  }
0x16: {  	[sflag:s11] =	ssyncadd.s32 $0xFFFFFE00  }
0x17: {  	[tilespmem:s13], [sflag:$0x1] =	stream.indirect.gather [hbm4b:s3+s12], $0x80, s1, s12, $0xb8;
	[tilespmem:$0x14200] =	vst v63  }
0x18: {  	s17 =	simm.s32 $0x2A00  }
0x19: {  	[tilespmem:s17], [sflag:$0x2] =	stream.indirect.gather [hbm4b:s4+s12], $0x80, s1, s12, $0xb8;
	[tilespmem:$0x14200] =	vst v63  }
0x1a: {  	_ = 	snop  }
0x1b: {  	[tilespmem:s16], [sflag:$0x3] =	stream.indirect.gather [hbm4b:s3+s12], $0x80, s15, s12, $0xb8;
	[tilespmem:$0x14200] =	vst v63  }
0x1c: {  	s23 =	simm.s32 $0x7A00  }
0x1d: {  	[tilespmem:s23], [sflag:$0x4] =	stream.indirect.gather [hbm4b:s4+s12], $0x80, s15, s12, $0xb8;
	[tilespmem:$0x14200] =	vst v63  }
0x1e: {  	_ = 	snop  }
0x1f: {  	[tilespmem:s19], [sflag:$0x5] =	stream.indirect.gather [hbm4b:s3+s12], $0x80, s18, s12, $0xb8;
	[tilespmem:$0x14200] =	vst v63  }
0x20: {  	s20 =	simm.s32 $0xCA00  }
0x21: {  	[tilespmem:s20], [sflag:$0x6] =	stream.indirect.gather [hbm4b:s4+s12], $0x80, s18, s12, $0xb8;
	[tilespmem:$0x14200] =	vst v63  }
0x22: {  	_ = 	snop  }
0x23: {  	[tilespmem:s22], [sflag:$0x7] =	stream.indirect.gather [hbm4b:s3+s12], $0x80, s21, s12, $0xb8;
	[tilespmem:$0x14200] =	vst v63  }
0x24: {  	s23 =	simm.s32 $0x11A00  }
0x25: {  	[tilespmem:s23], [sflag:$0x8] =	stream.indirect.gather [hbm4b:s4+s12], $0x80, s21, s12, $0xb8;
	[tilespmem:$0x14200] =	vst v63  }
0x26: {  	_ =	swait.ge [sflag:s24], $0x2800  }
0x27: {  	[sflag:s24] =	ssyncset.done $0x0  }
0x28: {  	[sflag:s24] =	ssyncadd.s32 $0xFFFFD800  }
0x29: {  	_ =	swait.ge [sflag:s25], $0x2800  }
0x2a: {  	[sflag:s25] =	ssyncset.done $0x0  }
0x2b: {  	s17 =	simm.s32 $0x0;
	[sflag:s25] =	ssyncadd.s32 $0xFFFFD800  }
0x2c: {  	v7 =	vld [tilespmem:s17+$0x2A00]  }
0x2d: {  	v11 =	vld [tilespmem:s17+$0x2A10]  }
0x2e: {  	v5 =	vld [tilespmem:s17+$0x2A20]  }
0x2f: {  	v4 =	vld [tilespmem:s17+$0x2A30]  }
0x30: {  	v3 =	vld [tilespmem:s17+$0x2A40]  }
0x31: {  	v2 =	vld [tilespmem:s17+$0x2A50]  }
0x32: {  	v1 =	vld [tilespmem:s17+$0x2A60]  }
0x33: {  	v0 =	vld [tilespmem:s17+$0x2A70]  }
0x34: {  	v12 =	vld [tilespmem:s17+$0x200]  }
0x35: {  	v13 =	vld [tilespmem:s17+$0x210]  }
0x36: {  	v10 =	vld [tilespmem:s17+$0x220]  }
0x37: {  	v9 =	vld [tilespmem:s17+$0x230]  }
0x38: {  	v8 =	vld [tilespmem:s17+$0x240]  }
0x39: {  	v6 =	vld [tilespmem:s17+$0x250];
	v12 =	vadd.f32 v7, v12  }
0x3a: {  	s20 =	simm.s32 $0x200;
	v11 =	vadd.f32 v11, v13;
	v7 =	vld [tilespmem:s17+$0x260]  }
.LBB2_2:
0x3b: {  	s23 =	sshra.s32 s20, $0x2;
	p0 =	sne.s32 s20, $0x9E00;
	[tilespmem:s17+$0x200] =	vst v12;
	v5 =	vadd.f32 v5, v10;
	v10 =	vld [tilespmem:s17+$0x270]  }
0x3c: {  	v12 =	vld [tilespmem:s23+$0x2A00];
	[tilespmem:s17+$0x210] =	vst v11;
	v4 =	vadd.f32 v4, v9  }
0x3d: {  	v11 =	vld [tilespmem:s23+$0x2A10];
	[tilespmem:s17+$0x220] =	vst v5;
	v3 =	vadd.f32 v3, v8  }
0x3e: {  	v5 =	vld [tilespmem:s23+$0x2A20];
	[tilespmem:s17+$0x230] =	vst v4;
	v2 =	vadd.f32 v2, v6  }
0x3f: {  	v4 =	vld [tilespmem:s23+$0x2A30];
	[tilespmem:s17+$0x240] =	vst v3;
	v1 =	vadd.f32 v1, v7  }
0x40: {  	v3 =	vld [tilespmem:s23+$0x2A40];
	[tilespmem:s17+$0x250] =	vst v2;
	v0 =	vadd.f32 v0, v10  }
0x41: {  	v2 =	vld [tilespmem:s23+$0x2A50];
	[tilespmem:s17+$0x260] =	vst v1  }
0x42: {  	v1 =	vld [tilespmem:s23+$0x2A60];
	[tilespmem:s17+$0x270] =	vst v0;
	s17 =	smov.u32 s23  }
0x43: {  	v0 =	vld [tilespmem:s17+$0x2A70]  }
0x44: {  	v6 =	vld [tilespmem:s17+$0x200]  }
0x45: {  	v7 =	vld [tilespmem:s17+$0x210]  }
.Ltmp0:
0x46: {  	v10 =	vld [tilespmem:s17+$0x220];
	(pc) =	sbr.rel @p0 .LBB2_2-.Ltmp0, $4  }
0x47: {  	v9 =	vld [tilespmem:s17+$0x230]  }
0x48: {  	v8 =	vld [tilespmem:s17+$0x240]  }
0x49: {  	v12 =	vadd.f32 v12, v6;
	v6 =	vld [tilespmem:s17+$0x250]  }
0x4a: {  	s20 =	sadd.s32 $0x200, s20;
	v11 =	vadd.f32 v11, v7;
	v7 =	vld [tilespmem:s17+$0x260]  }
0x4b: {  	[tilespmem:s17+$0x200] =	vst v12;
	v5 =	vadd.f32 v5, v10;
	v10 =	vld [tilespmem:s17+$0x270]  }
0x4c: {  	[tilespmem:s17+$0x210] =	vst v11;
	v4 =	vadd.f32 v4, v9  }
0x4d: {  	[tilespmem:s17+$0x220] =	vst v5;
	v3 =	vadd.f32 v3, v8  }
0x4e: {  	[tilespmem:s17+$0x230] =	vst v4;
	v2 =	vadd.f32 v2, v6  }
0x4f: {  	[tilespmem:s17+$0x240] =	vst v3;
	v1 =	vadd.f32 v1, v7  }
0x50: {  	[tilespmem:s17+$0x250] =	vst v2;
	v0 =	vadd.f32 v0, v10  }
0x51: {  	[tilespmem:s17+$0x260] =	vst v1  }
0x52: {  	s23 =	simm.s32 $0x0;
	[tilespmem:s17+$0x270] =	vst v0  }
0x53: {  	[hbm4b:s6+s23] =	stream.linear.scatter [tilespmem:s13], [sflag:$0x9], $0x2800, $0x38;
	[tilespmem:$0x14200] =	vst v63  }
0x54: {  	_ =	swait.ge [sflag:s26], $0x2800  }
0x55: {  	[sflag:s26] =	ssyncset.done $0x0  }
0x56: {  	[sflag:s26] =	ssyncadd.s32 $0xFFFFD800  }
0x57: {  	_ =	swait.ge [sflag:s28], $0x2800  }
0x58: {  	[sflag:s28] =	ssyncset.done $0x0  }
0x59: {  	s17 =	simm.s32 $0x0;
	[sflag:s28] =	ssyncadd.s32 $0xFFFFD800  }
0x5a: {  	v7 =	vld [tilespmem:s17+$0x7A00]  }
0x5b: {  	v11 =	vld [tilespmem:s17+$0x7A10]  }
0x5c: {  	v5 =	vld [tilespmem:s17+$0x7A20]  }
0x5d: {  	v4 =	vld [tilespmem:s17+$0x7A30]  }
0x5e: {  	v3 =	vld [tilespmem:s17+$0x7A40]  }
0x5f: {  	v2 =	vld [tilespmem:s17+$0x7A50]  }
0x60: {  	v1 =	vld [tilespmem:s17+$0x7A60]  }
0x61: {  	v0 =	vld [tilespmem:s17+$0x7A70]  }
0x62: {  	v12 =	vld [tilespmem:s17+$0x5200]  }
0x63: {  	v13 =	vld [tilespmem:s17+$0x5210]  }
0x64: {  	v10 =	vld [tilespmem:s17+$0x5220]  }
0x65: {  	v9 =	vld [tilespmem:s17+$0x5230]  }
0x66: {  	v8 =	vld [tilespmem:s17+$0x5240]  }
0x67: {  	v6 =	vld [tilespmem:s17+$0x5250];
	v12 =	vadd.f32 v7, v12  }
0x68: {  	s20 =	simm.s32 $0x200;
	v11 =	vadd.f32 v11, v13;
	v7 =	vld [tilespmem:s17+$0x5260]  }
.LBB2_4:
0x69: {  	s23 =	sshra.s32 s20, $0x2;
	p0 =	sne.s32 s20, $0x9E00;
	[tilespmem:s17+$0x5200] =	vst v12;
	v5 =	vadd.f32 v5, v10;
	v10 =	vld [tilespmem:s17+$0x5270]  }
0x6a: {  	v12 =	vld [tilespmem:s23+$0x7A00];
	[tilespmem:s17+$0x5210] =	vst v11;
	v4 =	vadd.f32 v4, v9  }
0x6b: {  	v11 =	vld [tilespmem:s23+$0x7A10];
	[tilespmem:s17+$0x5220] =	vst v5;
	v3 =	vadd.f32 v3, v8  }
0x6c: {  	v5 =	vld [tilespmem:s23+$0x7A20];
	[tilespmem:s17+$0x5230] =	vst v4;
	v2 =	vadd.f32 v2, v6  }
0x6d: {  	v4 =	vld [tilespmem:s23+$0x7A30];
	[tilespmem:s17+$0x5240] =	vst v3;
	v1 =	vadd.f32 v1, v7  }
0x6e: {  	v3 =	vld [tilespmem:s23+$0x7A40];
	[tilespmem:s17+$0x5250] =	vst v2;
	v0 =	vadd.f32 v0, v10  }
0x6f: {  	v2 =	vld [tilespmem:s23+$0x7A50];
	[tilespmem:s17+$0x5260] =	vst v1  }
0x70: {  	v1 =	vld [tilespmem:s23+$0x7A60];
	[tilespmem:s17+$0x5270] =	vst v0;
	s17 =	smov.u32 s23  }
0x71: {  	v0 =	vld [tilespmem:s17+$0x7A70]  }
0x72: {  	v6 =	vld [tilespmem:s17+$0x5200]  }
0x73: {  	v7 =	vld [tilespmem:s17+$0x5210]  }
.Ltmp1:
0x74: {  	v10 =	vld [tilespmem:s17+$0x5220];
	(pc) =	sbr.rel @p0 .LBB2_4-.Ltmp1, $4  }
0x75: {  	v9 =	vld [tilespmem:s17+$0x5230]  }
0x76: {  	v8 =	vld [tilespmem:s17+$0x5240]  }
0x77: {  	v12 =	vadd.f32 v12, v6;
	v6 =	vld [tilespmem:s17+$0x5250]  }
0x78: {  	s20 =	sadd.s32 $0x200, s20;
	v11 =	vadd.f32 v11, v7;
	v7 =	vld [tilespmem:s17+$0x5260]  }
0x79: {  	[tilespmem:s17+$0x5200] =	vst v12;
	v5 =	vadd.f32 v5, v10;
	v10 =	vld [tilespmem:s17+$0x5270]  }
0x7a: {  	[tilespmem:s17+$0x5210] =	vst v11;
	v4 =	vadd.f32 v4, v9  }
0x7b: {  	[tilespmem:s17+$0x5220] =	vst v5;
	v3 =	vadd.f32 v3, v8  }
0x7c: {  	[tilespmem:s17+$0x5230] =	vst v4;
	v2 =	vadd.f32 v2, v6  }
0x7d: {  	[tilespmem:s17+$0x5240] =	vst v3;
	v1 =	vadd.f32 v1, v7  }
0x7e: {  	[tilespmem:s17+$0x5250] =	vst v2;
	v0 =	vadd.f32 v0, v10  }
0x7f: {  	[tilespmem:s17+$0x5260] =	vst v1  }
0x80: {  	s23 =	simm.s32 $0x0;
	[tilespmem:s17+$0x5270] =	vst v0  }
0x81: {  	[hbm4b:s7+s23] =	stream.linear.scatter [tilespmem:s16], [sflag:$0x9], $0x2800, $0x38;
	[tilespmem:$0x14200] =	vst v63  }
0x82: {  	_ =	swait.ge [sflag:s29], $0x2800  }
0x83: {  	[sflag:s29] =	ssyncset.done $0x0  }
0x84: {  	[sflag:s29] =	ssyncadd.s32 $0xFFFFD800  }
0x85: {  	_ =	swait.ge [sflag:s30], $0x2800  }
0x86: {  	[sflag:s30] =	ssyncset.done $0x0  }
0x87: {  	s17 =	simm.s32 $0x0;
	[sflag:s30] =	ssyncadd.s32 $0xFFFFD800  }
0x88: {  	v7 =	vld [tilespmem:s17+$0xCA00]  }
0x89: {  	v11 =	vld [tilespmem:s17+$0xCA10]  }
0x8a: {  	v5 =	vld [tilespmem:s17+$0xCA20]  }
0x8b: {  	v4 =	vld [tilespmem:s17+$0xCA30]  }
0x8c: {  	v3 =	vld [tilespmem:s17+$0xCA40]  }
0x8d: {  	v2 =	vld [tilespmem:s17+$0xCA50]  }
0x8e: {  	v1 =	vld [tilespmem:s17+$0xCA60]  }
0x8f: {  	v0 =	vld [tilespmem:s17+$0xCA70]  }
0x90: {  	v12 =	vld [tilespmem:s17+$0xA200]  }
0x91: {  	v13 =	vld [tilespmem:s17+$0xA210]  }
0x92: {  	v10 =	vld [tilespmem:s17+$0xA220]  }
0x93: {  	v9 =	vld [tilespmem:s17+$0xA230]  }
0x94: {  	v8 =	vld [tilespmem:s17+$0xA240]  }
0x95: {  	v6 =	vld [tilespmem:s17+$0xA250];
	v12 =	vadd.f32 v7, v12  }
0x96: {  	s20 =	simm.s32 $0x200;
	v11 =	vadd.f32 v11, v13;
	v7 =	vld [tilespmem:s17+$0xA260]  }
.LBB2_6:
0x97: {  	s23 =	sshra.s32 s20, $0x2;
	p0 =	sne.s32 s20, $0x9E00;
	[tilespmem:s17+$0xA200] =	vst v12;
	v5 =	vadd.f32 v5, v10;
	v10 =	vld [tilespmem:s17+$0xA270]  }
0x98: {  	v12 =	vld [tilespmem:s23+$0xCA00];
	[tilespmem:s17+$0xA210] =	vst v11;
	v4 =	vadd.f32 v4, v9  }
0x99: {  	v11 =	vld [tilespmem:s23+$0xCA10];
	[tilespmem:s17+$0xA220] =	vst v5;
	v3 =	vadd.f32 v3, v8  }
0x9a: {  	v5 =	vld [tilespmem:s23+$0xCA20];
	[tilespmem:s17+$0xA230] =	vst v4;
	v2 =	vadd.f32 v2, v6  }
0x9b: {  	v4 =	vld [tilespmem:s23+$0xCA30];
	[tilespmem:s17+$0xA240] =	vst v3;
	v1 =	vadd.f32 v1, v7  }
0x9c: {  	v3 =	vld [tilespmem:s23+$0xCA40];
	[tilespmem:s17+$0xA250] =	vst v2;
	v0 =	vadd.f32 v0, v10  }
0x9d: {  	v2 =	vld [tilespmem:s23+$0xCA50];
	[tilespmem:s17+$0xA260] =	vst v1  }
0x9e: {  	v1 =	vld [tilespmem:s23+$0xCA60];
	[tilespmem:s17+$0xA270] =	vst v0;
	s17 =	smov.u32 s23  }
0x9f: {  	v0 =	vld [tilespmem:s17+$0xCA70]  }
0xa0: {  	v6 =	vld [tilespmem:s17+$0xA200]  }
0xa1: {  	v7 =	vld [tilespmem:s17+$0xA210]  }
.Ltmp2:
0xa2: {  	v10 =	vld [tilespmem:s17+$0xA220];
	(pc) =	sbr.rel @p0 .LBB2_6-.Ltmp2, $4  }
0xa3: {  	v9 =	vld [tilespmem:s17+$0xA230]  }
0xa4: {  	v8 =	vld [tilespmem:s17+$0xA240]  }
0xa5: {  	v12 =	vadd.f32 v12, v6;
	v6 =	vld [tilespmem:s17+$0xA250]  }
0xa6: {  	s20 =	sadd.s32 $0x200, s20;
	v11 =	vadd.f32 v11, v7;
	v7 =	vld [tilespmem:s17+$0xA260]  }
0xa7: {  	[tilespmem:s17+$0xA200] =	vst v12;
	v5 =	vadd.f32 v5, v10;
	v10 =	vld [tilespmem:s17+$0xA270]  }
0xa8: {  	[tilespmem:s17+$0xA210] =	vst v11;
	v4 =	vadd.f32 v4, v9  }
0xa9: {  	[tilespmem:s17+$0xA220] =	vst v5;
	v3 =	vadd.f32 v3, v8  }
0xaa: {  	[tilespmem:s17+$0xA230] =	vst v4;
	v2 =	vadd.f32 v2, v6  }
0xab: {  	[tilespmem:s17+$0xA240] =	vst v3;
	v1 =	vadd.f32 v1, v7  }
0xac: {  	[tilespmem:s17+$0xA250] =	vst v2;
	v0 =	vadd.f32 v0, v10  }
0xad: {  	[tilespmem:s17+$0xA260] =	vst v1  }
0xae: {  	s23 =	simm.s32 $0x0;
	[tilespmem:s17+$0xA270] =	vst v0  }
0xaf: {  	[hbm4b:s8+s23] =	stream.linear.scatter [tilespmem:s19], [sflag:$0x9], $0x2800, $0x38;
	[tilespmem:$0x14200] =	vst v63  }
0xb0: {  	_ =	swait.ge [sflag:s31], $0x2800  }
0xb1: {  	[sflag:s31] =	ssyncset.done $0x0  }
0xb2: {  	[sflag:s31] =	ssyncadd.s32 $0xFFFFD800  }
0xb3: {  	_ =	swait.ge [sflag:s0], $0x2800  }
0xb4: {  	[sflag:s0] =	ssyncset.done $0x0  }
0xb5: {  	s17 =	simm.s32 $0x0;
	[sflag:s0] =	ssyncadd.s32 $0xFFFFD800  }
0xb6: {  	v7 =	vld [tilespmem:s17+$0x11A00]  }
0xb7: {  	v11 =	vld [tilespmem:s17+$0x11A10]  }
0xb8: {  	v5 =	vld [tilespmem:s17+$0x11A20]  }
0xb9: {  	v4 =	vld [tilespmem:s17+$0x11A30]  }
0xba: {  	v3 =	vld [tilespmem:s17+$0x11A40]  }
0xbb: {  	v2 =	vld [tilespmem:s17+$0x11A50]  }
0xbc: {  	v1 =	vld [tilespmem:s17+$0x11A60]  }
0xbd: {  	v0 =	vld [tilespmem:s17+$0x11A70]  }
0xbe: {  	v12 =	vld [tilespmem:s17+$0xF200]  }
0xbf: {  	v13 =	vld [tilespmem:s17+$0xF210]  }
0xc0: {  	v10 =	vld [tilespmem:s17+$0xF220]  }
0xc1: {  	v9 =	vld [tilespmem:s17+$0xF230]  }
0xc2: {  	v8 =	vld [tilespmem:s17+$0xF240]  }
0xc3: {  	v6 =	vld [tilespmem:s17+$0xF250];
	v12 =	vadd.f32 v7, v12  }
0xc4: {  	s20 =	simm.s32 $0x200;
	v11 =	vadd.f32 v11, v13;
	v7 =	vld [tilespmem:s17+$0xF260]  }
.LBB2_8:
0xc5: {  	s23 =	sshra.s32 s20, $0x2;
	p0 =	sne.s32 s20, $0x9E00;
	[tilespmem:s17+$0xF200] =	vst v12;
	v5 =	vadd.f32 v5, v10;
	v10 =	vld [tilespmem:s17+$0xF270]  }
0xc6: {  	v12 =	vld [tilespmem:s23+$0x11A00];
	[tilespmem:s17+$0xF210] =	vst v11;
	v4 =	vadd.f32 v4, v9  }
0xc7: {  	v11 =	vld [tilespmem:s23+$0x11A10];
	[tilespmem:s17+$0xF220] =	vst v5;
	v3 =	vadd.f32 v3, v8  }
0xc8: {  	v5 =	vld [tilespmem:s23+$0x11A20];
	[tilespmem:s17+$0xF230] =	vst v4;
	v2 =	vadd.f32 v2, v6  }
0xc9: {  	v4 =	vld [tilespmem:s23+$0x11A30];
	[tilespmem:s17+$0xF240] =	vst v3;
	v1 =	vadd.f32 v1, v7  }
0xca: {  	v3 =	vld [tilespmem:s23+$0x11A40];
	[tilespmem:s17+$0xF250] =	vst v2;
	v0 =	vadd.f32 v0, v10  }
0xcb: {  	v2 =	vld [tilespmem:s23+$0x11A50];
	[tilespmem:s17+$0xF260] =	vst v1  }
0xcc: {  	v1 =	vld [tilespmem:s23+$0x11A60];
	[tilespmem:s17+$0xF270] =	vst v0;
	s17 =	smov.u32 s23  }
0xcd: {  	v0 =	vld [tilespmem:s17+$0x11A70]  }
0xce: {  	v6 =	vld [tilespmem:s17+$0xF200]  }
0xcf: {  	v7 =	vld [tilespmem:s17+$0xF210]  }
.Ltmp3:
0xd0: {  	v10 =	vld [tilespmem:s17+$0xF220];
	(pc) =	sbr.rel @p0 .LBB2_8-.Ltmp3, $4  }
0xd1: {  	v9 =	vld [tilespmem:s17+$0xF230]  }
0xd2: {  	v8 =	vld [tilespmem:s17+$0xF240]  }
0xd3: {  	v12 =	vadd.f32 v12, v6;
	v6 =	vld [tilespmem:s17+$0xF250]  }
0xd4: {  	s20 =	sadd.s32 $0x200, s20;
	v11 =	vadd.f32 v11, v7;
	v7 =	vld [tilespmem:s17+$0xF260]  }
0xd5: {  	[tilespmem:s17+$0xF200] =	vst v12;
	v5 =	vadd.f32 v5, v10;
	v63 =	vld [tilespmem:s17+$0xF270]  }
0xd6: {  	[tilespmem:s17+$0xF210] =	vst v11;
	v4 =	vadd.f32 v4, v9  }
0xd7: {  	[tilespmem:s17+$0xF220] =	vst v5;
	v3 =	vadd.f32 v3, v8  }
0xd8: {  	[tilespmem:s17+$0xF230] =	vst v4;
	v2 =	vadd.f32 v2, v6  }
0xd9: {  	[tilespmem:s17+$0xF240] =	vst v3;
	v1 =	vadd.f32 v1, v7  }
0xda: {  	[tilespmem:s17+$0xF250] =	vst v2;
	v0 =	vadd.f32 v0, v63  }
0xdb: {  	[tilespmem:s17+$0xF260] =	vst v1  }
0xdc: {  	[tilespmem:s17+$0xF270] =	vst v0  }
0xdd: {  	[hbm4b:s9+s1] =	stream.linear.scatter [tilespmem:s22], [sflag:$0x9], $0x2800, $0x38;
	[tilespmem:$0x14200] =	vst v63  }
0xde: {  	_ =	swait.ge [sflag:s2], $0x2800  }
0xdf: {  	[sflag:s2] =	ssyncset.done $0x0  }
0xe0: {  	[sflag:s2] =	ssyncadd.s32 $0xFFFFD800  }
0xe1: {  	_ =	swait.ge [sflag:s2], $0x2800  }
0xe2: {  	[sflag:s2] =	ssyncset.done $0x0  }
0xe3: {  	s14 =	sadd.s32 $0x1, s14;
	[sflag:s2] =	ssyncadd.s32 $0xFFFFD800  }
0xe4: {  	p0 =	sne.s32 s14, s10;
	_ =	swait.ge [sflag:s2], $0x2800  }
.Ltmp4:
0xe5: {  	[sflag:s2] =	ssyncset.done $0x0;
	(pc) =	sbr.rel @p0 .LBB2_1-.Ltmp4, $4  }
0xe6: {  	[sflag:s2] =	ssyncadd.s32 $0xFFFFD800  }
0xe7: {  	_ =	swait.ge [sflag:s2], $0x2800  }
0xe8: {  	[sflag:s2] =	ssyncset.done $0x0  }
0xe9: {  	[sflag:s2] =	ssyncadd.s32 $0xFFFFD800  }
0xea: {  	_ =	sfence.sel $0x180000  }
0xeb: {  	[bflag:$0x0] =	sbarrier.arrive $0xFFFF  }
0xec: {  	_ =	strace $0x9000004A  }
0xed: {  	s0 =	stileid.u32;
	[bflag:$0x2] =	sbarrier.arrive $0xFFFF  }
0xee: {  	p0 =	sne.s32 s0, $0x0;
	s0 =	rddreg [dreg:$0x2]  }
0xef: {  	s0 =	sadd.s32 @!p0 $0x100000, s0  }
0xf0: {  	[sflag:s0] =	ssyncadd.tile.s32 @!p0 $0x1;
	_ =	shalt  }
.Lfunc_end2:
_tile_overlayer_lowered:
.L_overlay_start_2:
0xf1: {  	(tag) =	ssettag $0x2  }
0xf2: {  	s0 =	rddreg [dreg:$0x0];
	s2 =	stileid.u32  }
0xf3: {  	s1 =	rddreg [dreg:$0x1];
	p0 =	sne.s32 s2, $0x0  }
0xf4: {  	s3 =	rddreg [dreg:$0x2];
	[bflag:$0x3] =	sbarrier.arrive $0xFFFF;
	s2 =	simm.s32 @!p0 $0x1C0A  }
0xf5: {  	[timem:s3], [sflag:s2] =	dma.local @!p0 [hbm:s0], s1  }
0xf6: {  	s0 =	simm.s32 @!p0 $0xA  }
0xf7: {  	_ =	swait.ge @!p0 [sflag:s0], s1  }
0xf8: {  	s1 =	ssub.s32 @!p0 $0x0, s1;
	[sflag:s0] =	ssyncset.done @!p0 $0x0  }
0xf9: {  	[sflag:s0] =	ssyncadd.s32 @!p0 s1  }
0xfa: {  	[bflag:$0x3] =	sbarrier.arrive $0xFFFF  }
0xfb: {  	_ =	shalt  }

// kernel: kernel.13.cloned.1.call-start
scs
__scs_entry_jumppad:
0x0: {  	(pc) =	sbr.rel $0x88, $3  }
0x1: {  	(tag) =	ssettag $0x0;
	lr =	simm.s32 $0x1  }
0x2: {  	[smem:$0x3F9B] =	sst lr;
	_ =	strace $0xD0000000  }
0x3: {  	_ = 	snop  }
0x4: {  	_ = 	snop  }
0x5: {  	_ = 	snop  }
0x6: {  	_ = 	snop  }
0x7: {  	_ = 	snop  }
__scs_overlays_trampoline_lowered:
0x8: {  	[smem:$0x3FAA] =	sst s0  }
0x9: {  	[smem:$0x3FAB] =	sst s1  }
0xa: {  	[smem:$0x3FAC] =	sst s2  }
0xb: {  	[smem:$0x3FAD] =	sst s3  }
0xc: {  	[smem:$0x3FAE] =	sst s4  }
0xd: {  	[smem:$0x3FAF] =	sst s5  }
0xe: {  	[smem:$0x3FB0] =	sst s6  }
0xf: {  	[smem:$0x3FB1] =	sst s7  }
0x10: {  	[smem:$0x3FB2] =	sst s8  }
0x11: {  	[smem:$0x3FB3] =	sst s9;
	s0 =	simm.s32 @!p0 $0x0  }
0x12: {  	s1 =	sld [smem:$0x3F99];
	s0 =	simm.s32 @p0 $0x1  }
0x13: {  	[smem:$0x3FB4] =	sst s0;
	s0 =	simm.s32 @!p1 $0x0  }
0x14: {  	s2 =	sld [smem:$0x3F98];
	s0 =	simm.s32 @p1 $0x1  }
0x15: {  	[smem:$0x3FB5] =	sst s0;
	s0 =	simm.s32 @!p2 $0x0  }
0x16: {  	s3 =	sld [smem:$0x3FDB];
	s0 =	simm.s32 @p2 $0x1  }
0x17: {  	s4 =	simm.s32 $0x1BF5;
	[smem:$0x3FB7] =	sst s0  }
0x18: {  	s0 =	sld [smem:$0x3F9A];
	_ =	swait.ge [sflag:s4], $0x0  }
0x19: {  	s7 =	sld [smem:$0x3F9B]  }
0x1a: {  	s8 =	sadd.s32 $0xFFFFE003, lr  }
0x1b: {  	s9 =	sadd.s32 $0xFFFFFEF7, lr;
	s5 =	simm.s32 $0xFFFFFFFF;
	p2 =	slt.u32 s8, $0xFFFFF086  }
0x1c: {  	p1 =	slt.u32 s9, $0xF7A;
	s5 =	simm.s32 @!p2 $0x0  }
0x1d: {  	s5 =	simm.s32 @p1 $0x1;
	p0 =	seq.s32 s7, s2  }
0x1e: {  	s7 =	smul.u32 @!p0 $0xF7A, s2;
	p2 =	seq.s32 @!p0 s5, $0x0  }
0x1f: {  	s9 =	smul.u32 $0xF7A, s1;
	s8 =	simm.s32 @!p0 $0x1BF5;
	p2 =	por !p2, p0  }
0x20: {  	[sflag:s8] =	ssyncset.s32 @!p0 $0xFFFFF086;
	s6 =	sadd.s32 @!p0 s3, s7;
	s7 =	simm.s32 @!p0 $0x108  }
0x21: {  	s3 =	sadd.s32 s3, s9;
	s6 =	sadd.s32 @!p0 $0x88, s6;
	s7 =	simm.s32 @p2 $0x1082  }
0x22: {  	[simem:s7], [sflag:s8] =	dma.local @!p0 [hbm:s6], $0xF7A  }
0x23: {  	s9 =	sor.u32 $0xD0000000, s2;
	s6 =	simm.s32 $0x108;
	_ =	swait.ge @!p0 [sflag:s8], $0x0  }
0x24: {  	s3 =	sadd.s32 $0x88, s3;
	s6 =	simm.s32 @!p1 $0x1082;
	[sflag:s4] =	ssyncset.s32 $0xFFFFF086  }
0x25: {  	[simem:s6], [sflag:s4] =	dma.local [hbm:s3], $0xF7A  }
0x26: {  	[smem:$0x3F9B] =	sst s1;
	(tag) =	ssettag s2;
	_ =	strace s9  }
0x27: {  	s1 =	sld [smem:$0x3FAB]  }
0x28: {  	s2 =	sld [smem:$0x3FAC]  }
0x29: {  	s4 =	sld [smem:$0x3FAE]  }
0x2a: {  	p0 =	seq.s32 s5, $0x0;
	s5 =	sld [smem:$0x3FAF]  }
0x2b: {  	s6 =	sld [smem:$0x3FB0]  }
0x2c: {  	s7 =	sld [smem:$0x3FB1]  }
0x2d: {  	s3 =	simm.s32 $0x108;
	s8 =	sld [smem:$0x3FB2]  }
0x2e: {  	s3 =	simm.s32 @!p0 $0x1082;
	s9 =	sld [smem:$0x3FB3]  }
0x2f: {  	lr =	sadd.s32 s0, s3;
	s0 =	sld [smem:$0x3FAA]  }
0x30: {  	s3 =	sld [smem:$0x3FAD]  }
0x31: {  	[smem:$0x3FB6] =	sst s10  }
0x32: {  	s10 =	sld [smem:$0x3FB4];
	_ =	sdelay $0x3  }
0x33: {  	p0 =	seq.s32 s10, $0x1;
	s10 =	sld [smem:$0x3FB6];
	_ =	sdelay $0x3  }
0x34: {  	[smem:$0x3FB6] =	sst s10  }
0x35: {  	s10 =	sld [smem:$0x3FB5];
	_ =	sdelay $0x3  }
0x36: {  	p1 =	seq.s32 s10, $0x1;
	s10 =	sld [smem:$0x3FB6];
	_ =	sdelay $0x3  }
0x37: {  	[smem:$0x3FB6] =	sst s10  }
0x38: {  	s10 =	sld [smem:$0x3FB7]  }
0x39: {  	_ = 	snop;
	(pc) =	sbr.ind lr, $3  }
0x3a: {  	_ = 	snop  }
0x3b: {  	_ = 	snop  }
0x3c: {  	p2 =	seq.s32 s10, $0x1;
	s10 =	sld [smem:$0x3FB6]  }
0x3d: {  	_ =	shalt  }
0x3e: {  	_ =	shalt  }
0x3f: {  	_ =	shalt  }
0x40: {  	_ =	shalt  }
0x41: {  	_ =	shalt  }
0x42: {  	_ =	shalt  }
0x43: {  	_ =	shalt  }
0x44: {  	_ =	shalt  }
0x45: {  	_ =	shalt  }
0x46: {  	_ =	shalt  }
0x47: {  	_ =	shalt  }
0x48: {  	_ =	shalt  }
0x49: {  	_ =	shalt  }
0x4a: {  	_ =	shalt  }
0x4b: {  	_ =	shalt  }
0x4c: {  	_ =	shalt  }
0x4d: {  	_ =	shalt  }
0x4e: {  	_ =	shalt  }
0x4f: {  	_ =	shalt  }
0x50: {  	_ =	shalt  }
0x51: {  	_ =	shalt  }
0x52: {  	_ =	shalt  }
0x53: {  	_ =	shalt  }
0x54: {  	_ =	shalt  }
0x55: {  	_ =	shalt  }
0x56: {  	_ =	shalt  }
0x57: {  	_ =	shalt  }
0x58: {  	_ =	shalt  }
0x59: {  	_ =	shalt  }
0x5a: {  	_ =	shalt  }
0x5b: {  	_ =	shalt  }
0x5c: {  	_ =	shalt  }
0x5d: {  	_ =	shalt  }
0x5e: {  	_ =	shalt  }
0x5f: {  	_ =	shalt  }
0x60: {  	_ =	shalt  }
0x61: {  	_ =	shalt  }
0x62: {  	_ =	shalt  }
0x63: {  	_ =	shalt  }
0x64: {  	_ =	shalt  }
0x65: {  	_ =	shalt  }
0x66: {  	_ =	shalt  }
0x67: {  	_ =	shalt  }
0x68: {  	_ =	shalt  }
0x69: {  	_ =	shalt  }
0x6a: {  	_ =	shalt  }
0x6b: {  	_ =	shalt  }
0x6c: {  	_ =	shalt  }
0x6d: {  	_ =	shalt  }
0x6e: {  	_ =	shalt  }
0x6f: {  	_ =	shalt  }
0x70: {  	_ =	shalt  }
0x71: {  	_ =	shalt  }
0x72: {  	_ =	shalt  }
0x73: {  	_ =	shalt  }
0x74: {  	_ =	shalt  }
0x75: {  	_ =	shalt  }
0x76: {  	_ =	shalt  }
0x77: {  	_ =	shalt  }
0x78: {  	_ =	shalt  }
0x79: {  	_ =	shalt  }
0x7a: {  	_ =	shalt  }
0x7b: {  	_ =	shalt  }
0x7c: {  	_ =	shalt  }
0x7d: {  	_ =	shalt  }
0x7e: {  	_ =	shalt  }
0x7f: {  	_ =	shalt  }
0x80: {  	_ =	shalt  }
0x81: {  	_ =	shalt  }
0x82: {  	_ =	shalt  }
0x83: {  	_ =	shalt  }
0x84: {  	_ =	shalt  }
0x85: {  	_ =	shalt  }
0x86: {  	_ =	shalt  }
0x87: {  	_ =	shalt  }
.Lfunc_end0:
.L_simem_size_0:
called_computation.2_lowered:
.L_overlay_start_0:
0x88: {  	s2 =	sld [smem:$0x3FD9]  }
0x89: {  	s3 =	sld [smem:$0x3FFE];
	_ =	sdelay $0x1  }
0x8a: {  	s1 =	srdreg.scid  }
0x8b: {  	s0 =	sand.u32 $0x1, s1  }
0x8c: {  	s16 =	sshll.u32 s0, $0xA;
	s2 =	sadd.s32 s3, s2  }
0x8d: {  	s2 =	sadd.s32 s2, s16  }
0x8e: {  	[smem:$0x3FC2] =	sst s2  }
0x8f: {  	_ = 	snop  }
0x90: {  	(tm) =	ssettm $0x1  }
0x91: {  	s17 =	sld [smem:$0x3FFB];
	_ =	sdelay $0x3  }
0x92: {  	_ =	strace s17  }
0x93: {  	s2 =	sld [smem:$0x3FFC];
	_ =	sdelay $0x3  }
0x94: {  	_ =	strace s2  }
0x95: {  	s2 =	sld [smem:$0x3FFD];
	_ =	sdelay $0x3  }
0x96: {  	_ =	strace s2  }
0x97: {  	_ =	strace $0x8FFFFFFF  }
0x98: {  	s18 =	sld [smem:$0x3FDB];
	_ =	sdelay $0x1  }
0x99: {  	s19 =	simm.s32 $_scs_section_size  }
0x9a: {  	s4 =	simm.s32 $_size__tile_overlayer_lowered;
	s5 =	simm.s32 $_tile_overlayer_lowered  }
0x9b: {  	s22 =	simm.s32 $0x1BFF;
	s21 =	sshll.u32 s5, $0x1;
	s2 =	sadd.s32 s19, s18  }
0x9c: {  	s6 =	simm.s32 $0x0;
	s20 =	sshll.u32 s4, $0x1;
	s4 =	sadd.s32 s21, s2  }
0x9d: {  	[timem:s6], [sflag:s22] =	dma.local [hbm:s4], s20  }
0x9e: {  	_ =	swait.ge [sflag:s22], s20  }
0x9f: {  	s3 =	ssub.s32 $0x0, s20;
	[sflag:s22] =	ssyncset.done $0x0  }
0xa0: {  	[sflag:s22] =	ssyncadd.s32 s3;
	_ =	sdelay $0x1  }
0xa1: {  	s23 =	simm.s32 $0x1B8B  }
0xa2: {  	_ =	swait.ge [sflag:s23], $0x1  }
0xa3: {  	[sflag:s23] =	ssyncset.done $0x0  }
0xa4: {  	s25 =	simm.s32 $0x1B8E;
	s24 =	sld [smem:$0x3FFE];
	[sflag:s23] =	ssyncadd.s32 $0xFFFFFFFF  }
0xa5: {  	s26 =	simm.s32 $execute0_lowered;
	[smem:$0x3FD2] =	sst s25  }
0xa6: {  	s4 =	sshll.u32 s26, $0x1;
	_ =	strace $0x8000004C;
	[dreg:$0x1] =	wrdreg $0xFFFFFFFF  }
0xa7: {  	s28 =	simm.s32 $_size_execute0_lowered;
	s2 =	sadd.s32 s2, s4;
	[dreg:$0x0] =	wrdreg $0x0  }
0xa8: {  	s4 =	sshll.u32 s28, $0x1;
	[dreg:$0x2] =	wrdreg s2  }
0xa9: {  	[dreg:$0x3] =	wrdreg s4  }
0xaa: {  	[dreg:$0x4] =	wrdreg $0xC0  }
0xab: {  	_ =	task [dreg:s6], $0x5FFFF  }
0xac: {  	[dreg:$0x1] =	wrdreg $0xFFFFFFFF  }
0xad: {  	[dreg:$0x0] =	wrdreg $0x60  }
0xae: {  	[dreg:$0x2] =	wrdreg s24  }
0xaf: {  	[dreg:$0x3] =	wrdreg $0xC2000  }
0xb0: {  	[dreg:$0x4] =	wrdreg $0x9  }
0xb1: {  	_ =	task.clear_ibuf [dreg:s6], $0x5FFFF;
	_ =	strace $0x9000004C  }
0xb2: {  	s29 =	simm.s32 $0x9;
	_ =	strace $0x8000004E  }
0xb3: {  	_ =	swait.ge [sflag:s29], $0x1  }
0xb4: {  	[sflag:s29] =	ssyncadd.s32 $0xFFFFFFFF  }
0xb5: {  	_ =	strace $0x9000004E  }
0xb6: {  	_ =	sfence  }
0xb7: {  	s30 =	sld [smem:$0x0];
	_ =	sdelay $0x2  }
0xb8: {  	s31 =	sshll.u32 s1, $0xD;
	s1 =	sshrl.u32 s1, $0x2  }
0xb9: {  	s3 =	sand.u32 $0x4000, s31;
	s1 =	sadd.s32 s1, s30  }
0xba: {  	s0 =	sor.u32 s3, s0;
	s1 =	sshll.u32 s1, $0x11  }
0xbb: {  	s0 =	sor.u32 s1, s0  }
0xbc: {  	s0 =	sadd.s32 $0x8F2B, s0  }
0xbd: {  	[sflag:s0] =	ssyncadd.remote.s32 $0x1  }
0xbe: {  	_ =	sfence.sel $0xFFFF  }
0xbf: {  	[dreg:$0x0] =	wrdreg $0xFFFFFFFF;
	(pc) =	sbr.abs _section_cstart, $3  }
0xc0: {  	[dreg:$0x1] =	wrdreg $0xFFFFFFFF  }
0xc1: {  	_ =	task.clear_ibuf [dreg:s6], $0x2FFFF;
	_ =	strace $0x9FFFFFFF  }
0xc2: {  	(tm) =	ssettm $0x7FFFFFFF  }
0xc3: {  	_ =	shalt  }
tec
execute0_lowered:
.L_overlay_start_1:
0x0: {  	(tag) =	ssettag $0x1  }
0x1: {  	s0 =	rddreg [dreg:$0x0]  }
0x2: {  	s1 =	rddreg [dreg:$0x1]  }
0x3: {  	s3 =	simm.s32 $0x0;
	s2 =	srdreg.scid;
	s13 =	stileid.u32  }
0x4: {  	s14 =	simm.s32 $0xA200;
	s15 =	simm.s32 $0x7;
	s16 =	simm.s32 $0x200  }
0x5: {  	s17 =	simm.s32 $0x2A00;
	s18 =	simm.s32 $0x5200;
	s19 =	simm.s32 $0x7A00  }
0x6: {  	s20 =	simm.s32 $0x1;
	s21 =	simm.s32 $0x50;
	s28 =	simm.s32 $0x180  }
0x7: {  	s29 =	simm.s32 $0x5;
	s30 =	simm.s32 $0x6;
	s31 =	simm.s32 $0x0  }
0x8: {  	[smem:$0x7FF] =	sst s3;
	s2 =	sand.u32 $0x1, s2;
	s9 =	sadd.s32 $0x2E00, s0  }
0x9: {  	s4 =	sshll.u32 s13, $0x6;
	s23 =	sshll.u32 s13, $0xE;
	_ =	strace $0x8000004D  }
0xa: {  	s5 =	ssub.s32 $0x2, s2;
	s6 =	sand.u32 $0x40, s4;
	s8 =	sshll.u32 s2, $0x4  }
0xb: {  	p0 =	seq.s32 s2, $0x1;
	s2 =	simm.s32 $0x32E00;
	s7 =	sshrl.u32 s5, $0x1  }
0xc: {  	s10 =	sadd.s32 s6, s0;
	s22 =	sor.u32 s13, s8;
	s2 =	simm.s32 @!p0 $0x2AE00  }
0xd: {  	s13 =	sshll.u32 s13, $0xB;
	s12 =	ssub.s32 s5, s7;
	s8 =	smul.u32 $0xA000, s22  }
0xe: {  	s24 =	sshll.u32 s22, $0x6;
	s5 =	sadd.s32 s23, s1;
	s11 =	smul.u32 $0x1400, s22  }
0xf: {  	s0 =	sadd.s32 s2, s0;
	s22 =	simm.s32 $0x2;
	s23 =	simm.s32 $0x80  }
0x10: {  	s7 =	sand.u32 $0x780, s24;
	s6 =	sadd.s32 $0x2000, s5;
	s12 =	smax.u32 s12, $0x1  }
0x11: {  	s13 =	sadd.s32 s0, s13;
	s24 =	simm.s32 $0x3;
	s25 =	sshrl.u32 s8, $0x3  }
0x12: {  	s7 =	sadd.s32 s7, s10;
	s8 =	sadd.s32 s9, s11;
	s26 =	sadd.s32 s9, s25  }
0x13: {  	s7 =	sadd.s32 $0x2600, s7;
	s25 =	simm.s32 $0x100;
	s9 =	sadd.s32 $0x500, s26  }
0x14: {  	v0 =	vimm.f32 $0.0e+00;
	s10 =	sadd.s32 $0xA00, s26;
	s11 =	sadd.s32 $0xF00, s26;
	s26 =	simm.s32 $0x4  }
.LBB2_1:
0x15: {  	s0 =	simm.s32 $0x0;
	s2 =	simm.s32 $0x200  }
.LBB2_2:
0x16: {  	p0 =	sne.s32 s2, $0x7E00;
	[tilespmem:s0+$0xA270] =	vst v0  }
0x17: {  	[tilespmem:s0+$0xA200] =	vst v0  }
0x18: {  	[tilespmem:s0+$0xA210] =	vst v0  }
.Ltmp0:
0x19: {  	[tilespmem:s0+$0xA220] =	vst v0;
	(pc) =	sbr.rel @p0 .LBB2_2-.Ltmp0, $4  }
0x1a: {  	[tilespmem:s0+$0xA230] =	vst v0  }
0x1b: {  	[tilespmem:s0+$0xA240] =	vst v0  }
0x1c: {  	[tilespmem:s0+$0xA250] =	vst v0  }
0x1d: {  	[tilespmem:s0+$0xA260] =	vst v0;
	s0 =	sshra.s32 s2, $0x2;
	s2 =	sadd.s32 $0x200, s2  }
0x1e: {  	[tilespmem:s0+$0xA270] =	vst v0  }
0x1f: {  	[tilespmem:s0+$0xA200] =	vst v0  }
0x20: {  	[tilespmem:s0+$0xA210] =	vst v0  }
0x21: {  	[tilespmem:s0+$0xA220] =	vst v0  }
0x22: {  	[tilespmem:s0+$0xA230] =	vst v0  }
0x23: {  	[tilespmem:s0+$0xA240] =	vst v0  }
0x24: {  	[tilespmem:s0+$0xA250] =	vst v0  }
0x25: {  	[tilespmem:s0+$0xA260] =	vst v0  }
0x26: {  	[spmem:s5] =	stream.linear.scatter [tilespmem:s14], [sflag:$0x7], $0x2000, $0x38;
	[tilespmem:$0x10200] =	vst v63  }
0x27: {  	_ =	swait.ge [sflag:s15], $0x2000  }
0x28: {  	[sflag:s15] =	ssyncset.done $0x0  }
0x29: {  	[sflag:s15] =	ssyncadd.s32 $0xFFFFE000  }
0x2a: {  	[spmem:s6] =	stream.linear.scatter [tilespmem:s14], [sflag:$0x7], $0x2000, $0x38;
	[tilespmem:$0x10200] =	vst v63  }
0x2b: {  	_ =	swait.ge [sflag:s15], $0x2000  }
0x2c: {  	[sflag:s15] =	ssyncset.done $0x0  }
0x2d: {  	[sflag:s15] =	ssyncadd.s32 $0xFFFFE000  }
0x2e: {  	[tilespmem:s3], [sflag:$0x7] =	stream.linear.gather [hbm4b:s7+s3], $0x200, $0x38;
	[tilespmem:$0x10200] =	vst v63  }
0x2f: {  	_ =	swait.ge [sflag:s15], $0x200  }
0x30: {  	[sflag:s15] =	ssyncset.done $0x0  }
0x31: {  	[sflag:s15] =	ssyncadd.s32 $0xFFFFFE00  }
0x32: {  	[tilespmem:s16], [sflag:$0x1] =	stream.linear.gather [hbm4b:s8+s3], $0x2800, $0x38;
	[tilespmem:$0x10200] =	vst v63  }
0x33: {  	_ = 	snop  }
0x34: {  	[tilespmem:s17], [sflag:$0x2] =	stream.linear.gather [hbm4b:s9+s3], $0x2800, $0x38;
	[tilespmem:$0x10200] =	vst v63  }
0x35: {  	_ = 	snop  }
0x36: {  	[tilespmem:s18], [sflag:$0x3] =	stream.linear.gather [hbm4b:s10+s3], $0x2800, $0x38;
	[tilespmem:$0x10200] =	vst v63  }
0x37: {  	_ = 	snop  }
0x38: {  	[tilespmem:s19], [sflag:$0x4] =	stream.linear.gather [hbm4b:s11+s3], $0x2800, $0x38;
	[tilespmem:$0x10200] =	vst v63  }
0x39: {  	[bflag:$0x0] =	sbarrier.arrive $0xFFFF  }
0x3a: {  	_ =	swait.ge [sflag:s20], $0x2800  }
0x3b: {  	[sflag:s20] =	ssyncset.done $0x0  }
0x3c: {  	[sflag:s20] =	ssyncadd.s32 $0xFFFFD800  }
0x3d: {  	[spmem:s1] =	stream.indirect.scatter.add.f32 [tilespmem:s16], [sflag:$0x5], $0x80, s3, s21, $0xb8;
	[tilespmem:$0x10200] =	vst v63  }
0x3e: {  	_ =	swait.ge [sflag:s22], $0x2800  }
0x3f: {  	[sflag:s22] =	ssyncset.done $0x0  }
0x40: {  	[sflag:s22] =	ssyncadd.s32 $0xFFFFD800  }
0x41: {  	[spmem:s1] =	stream.indirect.scatter.add.f32 [tilespmem:s17], [sflag:$0x6], $0x80, s23, s21, $0xb8;
	[tilespmem:$0x10200] =	vst v63  }
0x42: {  	_ =	swait.ge [sflag:s24], $0x2800  }
0x43: {  	[sflag:s24] =	ssyncset.done $0x0  }
0x44: {  	[sflag:s24] =	ssyncadd.s32 $0xFFFFD800  }
0x45: {  	[spmem:s1] =	stream.indirect.scatter.add.f32 [tilespmem:s18], [sflag:$0x5], $0x80, s25, s21, $0xb8;
	[tilespmem:$0x10200] =	vst v63  }
0x46: {  	_ =	swait.ge [sflag:s26], $0x2800  }
0x47: {  	[sflag:s26] =	ssyncset.done $0x0  }
0x48: {  	[sflag:s26] =	ssyncadd.s32 $0xFFFFD800  }
0x49: {  	[spmem:s1] =	stream.indirect.scatter.add.f32 [tilespmem:s19], [sflag:$0x6], $0x80, s28, s21, $0xb8;
	[tilespmem:$0x10200] =	vst v63  }
0x4a: {  	_ =	swait.ge [sflag:s29], $0x2800  }
0x4b: {  	[sflag:s29] =	ssyncset.done $0x0  }
0x4c: {  	[sflag:s29] =	ssyncadd.s32 $0xFFFFD800  }
0x4d: {  	_ =	swait.ge [sflag:s30], $0x2800  }
0x4e: {  	[sflag:s30] =	ssyncset.done $0x0  }
0x4f: {  	[sflag:s30] =	ssyncadd.s32 $0xFFFFD800  }
0x50: {  	_ =	swait.ge [sflag:s29], $0x2800  }
0x51: {  	[sflag:s29] =	ssyncset.done $0x0  }
0x52: {  	[sflag:s29] =	ssyncadd.s32 $0xFFFFD800  }
0x53: {  	_ =	swait.ge [sflag:s30], $0x2800  }
0x54: {  	s31 =	sadd.s32 $0x1, s31;
	[sflag:s30] =	ssyncset.done $0x0  }
0x55: {  	s0 =	sor.u32 $0x1C07, s4;
	p0 =	sne.s32 s31, s12;
	[sflag:s30] =	ssyncadd.s32 $0xFFFFD800  }
.Ltmp1:
0x56: {  	s2 =	sshrl.u32 s5, $0x3;
	[bflag:$0x0] =	sbarrier.arrive $0xFFFF;
	(pc) =	sbr.rel @p0 .LBB2_1-.Ltmp1, $4  }
0x57: {  	[hbm:s13], [sflag:s0] =	dma.local [spmem:s2], $0x800  }
0x58: {  	_ =	swait.ge [sflag:s15], $0x800  }
0x59: {  	[sflag:s15] =	ssyncset.done $0x0  }
0x5a: {  	[sflag:s15] =	ssyncadd.s32 $0xFFFFF800  }
0x5b: {  	_ =	sfence.sel $0x180000  }
0x5c: {  	[bflag:$0x0] =	sbarrier.arrive $0xFFFF  }
0x5d: {  	_ =	strace $0x9000004D  }
0x5e: {  	s0 =	stileid.u32;
	[bflag:$0x2] =	sbarrier.arrive $0xFFFF  }
0x5f: {  	p0 =	sne.s32 s0, $0x0;
	s0 =	rddreg [dreg:$0x2]  }
0x60: {  	s0 =	sadd.s32 @!p0 $0x100000, s0  }
0x61: {  	[sflag:s0] =	ssyncadd.tile.s32 @!p0 $0x1;
	_ =	shalt  }
.Lfunc_end2:
_tile_overlayer_lowered:
.L_overlay_start_2:
0x62: {  	(tag) =	ssettag $0x2  }
0x63: {  	s0 =	rddreg [dreg:$0x0];
	s2 =	stileid.u32  }
0x64: {  	s1 =	rddreg [dreg:$0x1];
	p0 =	sne.s32 s2, $0x0  }
0x65: {  	s3 =	rddreg [dreg:$0x2];
	[bflag:$0x3] =	sbarrier.arrive $0xFFFF;
	s2 =	simm.s32 @!p0 $0x1C07  }
0x66: {  	[timem:s3], [sflag:s2] =	dma.local @!p0 [hbm:s0], s1  }
0x67: {  	s0 =	simm.s32 @!p0 $0x7  }
0x68: {  	_ =	swait.ge @!p0 [sflag:s0], s1  }
0x69: {  	s1 =	ssub.s32 @!p0 $0x0, s1;
	[sflag:s0] =	ssyncset.done @!p0 $0x0  }
0x6a: {  	[sflag:s0] =	ssyncadd.s32 @!p0 s1  }
0x6b: {  	[bflag:$0x3] =	sbarrier.arrive $0xFFFF  }
0x6c: {  	_ =	shalt  }

// kernel: kernel.7.cloned.1.call-start
scs
__scs_entry_jumppad:
0x0: {  	(pc) =	sbr.rel $0x88, $3  }
0x1: {  	(tag) =	ssettag $0x0;
	lr =	simm.s32 $0x1  }
0x2: {  	[smem:$0x3F9B] =	sst lr;
	_ =	strace $0xD0000000  }
0x3: {  	_ = 	snop  }
0x4: {  	_ = 	snop  }
0x5: {  	_ = 	snop  }
0x6: {  	_ = 	snop  }
0x7: {  	_ = 	snop  }
__scs_overlays_trampoline_lowered:
0x8: {  	[smem:$0x3FAA] =	sst s0  }
0x9: {  	[smem:$0x3FAB] =	sst s1  }
0xa: {  	[smem:$0x3FAC] =	sst s2  }
0xb: {  	[smem:$0x3FAD] =	sst s3  }
0xc: {  	[smem:$0x3FAE] =	sst s4  }
0xd: {  	[smem:$0x3FAF] =	sst s5  }
0xe: {  	[smem:$0x3FB0] =	sst s6  }
0xf: {  	[smem:$0x3FB1] =	sst s7  }
0x10: {  	[smem:$0x3FB2] =	sst s8  }
0x11: {  	[smem:$0x3FB3] =	sst s9;
	s0 =	simm.s32 @!p0 $0x0  }
0x12: {  	s1 =	sld [smem:$0x3F99];
	s0 =	simm.s32 @p0 $0x1  }
0x13: {  	[smem:$0x3FB4] =	sst s0;
	s0 =	simm.s32 @!p1 $0x0  }
0x14: {  	s2 =	sld [smem:$0x3F98];
	s0 =	simm.s32 @p1 $0x1  }
0x15: {  	[smem:$0x3FB5] =	sst s0;
	s0 =	simm.s32 @!p2 $0x0  }
0x16: {  	s3 =	sld [smem:$0x3FDB];
	s0 =	simm.s32 @p2 $0x1  }
0x17: {  	s4 =	simm.s32 $0x1BF5;
	[smem:$0x3FB7] =	sst s0  }
0x18: {  	s0 =	sld [smem:$0x3F9A];
	_ =	swait.ge [sflag:s4], $0x0  }
0x19: {  	s7 =	sld [smem:$0x3F9B]  }
0x1a: {  	s8 =	sadd.s32 $0xFFFFE003, lr  }
0x1b: {  	s9 =	sadd.s32 $0xFFFFFEF7, lr;
	s5 =	simm.s32 $0xFFFFFFFF;
	p2 =	slt.u32 s8, $0xFFFFF086  }
0x1c: {  	p1 =	slt.u32 s9, $0xF7A;
	s5 =	simm.s32 @!p2 $0x0  }
0x1d: {  	s5 =	simm.s32 @p1 $0x1;
	p0 =	seq.s32 s7, s2  }
0x1e: {  	s7 =	smul.u32 @!p0 $0xF7A, s2;
	p2 =	seq.s32 @!p0 s5, $0x0  }
0x1f: {  	s9 =	smul.u32 $0xF7A, s1;
	s8 =	simm.s32 @!p0 $0x1BF5;
	p2 =	por !p2, p0  }
0x20: {  	[sflag:s8] =	ssyncset.s32 @!p0 $0xFFFFF086;
	s6 =	sadd.s32 @!p0 s3, s7;
	s7 =	simm.s32 @!p0 $0x108  }
0x21: {  	s3 =	sadd.s32 s3, s9;
	s6 =	sadd.s32 @!p0 $0x88, s6;
	s7 =	simm.s32 @p2 $0x1082  }
0x22: {  	[simem:s7], [sflag:s8] =	dma.local @!p0 [hbm:s6], $0xF7A  }
0x23: {  	s9 =	sor.u32 $0xD0000000, s2;
	s6 =	simm.s32 $0x108;
	_ =	swait.ge @!p0 [sflag:s8], $0x0  }
0x24: {  	s3 =	sadd.s32 $0x88, s3;
	s6 =	simm.s32 @!p1 $0x1082;
	[sflag:s4] =	ssyncset.s32 $0xFFFFF086  }
0x25: {  	[simem:s6], [sflag:s4] =	dma.local [hbm:s3], $0xF7A  }
0x26: {  	[smem:$0x3F9B] =	sst s1;
	(tag) =	ssettag s2;
	_ =	strace s9  }
0x27: {  	s1 =	sld [smem:$0x3FAB]  }
0x28: {  	s2 =	sld [smem:$0x3FAC]  }
0x29: {  	s4 =	sld [smem:$0x3FAE]  }
0x2a: {  	p0 =	seq.s32 s5, $0x0;
	s5 =	sld [smem:$0x3FAF]  }
0x2b: {  	s6 =	sld [smem:$0x3FB0]  }
0x2c: {  	s7 =	sld [smem:$0x3FB1]  }
0x2d: {  	s3 =	simm.s32 $0x108;
	s8 =	sld [smem:$0x3FB2]  }
0x2e: {  	s3 =	simm.s32 @!p0 $0x1082;
	s9 =	sld [smem:$0x3FB3]  }
0x2f: {  	lr =	sadd.s32 s0, s3;
	s0 =	sld [smem:$0x3FAA]  }
0x30: {  	s3 =	sld [smem:$0x3FAD]  }
0x31: {  	[smem:$0x3FB6] =	sst s10  }
0x32: {  	s10 =	sld [smem:$0x3FB4];
	_ =	sdelay $0x3  }
0x33: {  	p0 =	seq.s32 s10, $0x1;
	s10 =	sld [smem:$0x3FB6];
	_ =	sdelay $0x3  }
0x34: {  	[smem:$0x3FB6] =	sst s10  }
0x35: {  	s10 =	sld [smem:$0x3FB5];
	_ =	sdelay $0x3  }
0x36: {  	p1 =	seq.s32 s10, $0x1;
	s10 =	sld [smem:$0x3FB6];
	_ =	sdelay $0x3  }
0x37: {  	[smem:$0x3FB6] =	sst s10  }
0x38: {  	s10 =	sld [smem:$0x3FB7]  }
0x39: {  	_ = 	snop;
	(pc) =	sbr.ind lr, $3  }
0x3a: {  	_ = 	snop  }
0x3b: {  	_ = 	snop  }
0x3c: {  	p2 =	seq.s32 s10, $0x1;
	s10 =	sld [smem:$0x3FB6]  }
0x3d: {  	_ =	shalt  }
0x3e: {  	_ =	shalt  }
0x3f: {  	_ =	shalt  }
0x40: {  	_ =	shalt  }
0x41: {  	_ =	shalt  }
0x42: {  	_ =	shalt  }
0x43: {  	_ =	shalt  }
0x44: {  	_ =	shalt  }
0x45: {  	_ =	shalt  }
0x46: {  	_ =	shalt  }
0x47: {  	_ =	shalt  }
0x48: {  	_ =	shalt  }
0x49: {  	_ =	shalt  }
0x4a: {  	_ =	shalt  }
0x4b: {  	_ =	shalt  }
0x4c: {  	_ =	shalt  }
0x4d: {  	_ =	shalt  }
0x4e: {  	_ =	shalt  }
0x4f: {  	_ =	shalt  }
0x50: {  	_ =	shalt  }
0x51: {  	_ =	shalt  }
0x52: {  	_ =	shalt  }
0x53: {  	_ =	shalt  }
0x54: {  	_ =	shalt  }
0x55: {  	_ =	shalt  }
0x56: {  	_ =	shalt  }
0x57: {  	_ =	shalt  }
0x58: {  	_ =	shalt  }
0x59: {  	_ =	shalt  }
0x5a: {  	_ =	shalt  }
0x5b: {  	_ =	shalt  }
0x5c: {  	_ =	shalt  }
0x5d: {  	_ =	shalt  }
0x5e: {  	_ =	shalt  }
0x5f: {  	_ =	shalt  }
0x60: {  	_ =	shalt  }
0x61: {  	_ =	shalt  }
0x62: {  	_ =	shalt  }
0x63: {  	_ =	shalt  }
0x64: {  	_ =	shalt  }
0x65: {  	_ =	shalt  }
0x66: {  	_ =	shalt  }
0x67: {  	_ =	shalt  }
0x68: {  	_ =	shalt  }
0x69: {  	_ =	shalt  }
0x6a: {  	_ =	shalt  }
0x6b: {  	_ =	shalt  }
0x6c: {  	_ =	shalt  }
0x6d: {  	_ =	shalt  }
0x6e: {  	_ =	shalt  }
0x6f: {  	_ =	shalt  }
0x70: {  	_ =	shalt  }
0x71: {  	_ =	shalt  }
0x72: {  	_ =	shalt  }
0x73: {  	_ =	shalt  }
0x74: {  	_ =	shalt  }
0x75: {  	_ =	shalt  }
0x76: {  	_ =	shalt  }
0x77: {  	_ =	shalt  }
0x78: {  	_ =	shalt  }
0x79: {  	_ =	shalt  }
0x7a: {  	_ =	shalt  }
0x7b: {  	_ =	shalt  }
0x7c: {  	_ =	shalt  }
0x7d: {  	_ =	shalt  }
0x7e: {  	_ =	shalt  }
0x7f: {  	_ =	shalt  }
0x80: {  	_ =	shalt  }
0x81: {  	_ =	shalt  }
0x82: {  	_ =	shalt  }
0x83: {  	_ =	shalt  }
0x84: {  	_ =	shalt  }
0x85: {  	_ =	shalt  }
0x86: {  	_ =	shalt  }
0x87: {  	_ =	shalt  }
.Lfunc_end0:
.L_simem_size_0:
called_computation_lowered:
.L_overlay_start_0:
0x88: {  	s2 =	sld [smem:$0x3FD9]  }
0x89: {  	s3 =	sld [smem:$0x3FFE];
	_ =	sdelay $0x1  }
0x8a: {  	s1 =	srdreg.scid  }
0x8b: {  	s0 =	sand.u32 $0x1, s1  }
0x8c: {  	s17 =	sshll.u32 s0, $0xA;
	s2 =	sadd.s32 s3, s2  }
0x8d: {  	s2 =	sadd.s32 s2, s17  }
0x8e: {  	[smem:$0x3FC2] =	sst s2  }
0x8f: {  	_ = 	snop  }
0x90: {  	s2 =	sld [smem:$0x3FC9]  }
0x91: {  	s18 =	sld [smem:$0x3FD0];
	(tm) =	ssettm $0x1  }
0x92: {  	s4 =	sld [smem:$0x3FFB];
	_ =	sdelay $0x3  }
0x93: {  	_ =	strace s4  }
0x94: {  	s4 =	sld [smem:$0x3FFC];
	_ =	sdelay $0x3  }
0x95: {  	_ =	strace s4  }
0x96: {  	s4 =	sld [smem:$0x3FFD];
	_ =	sdelay $0x3  }
0x97: {  	_ =	strace s4  }
0x98: {  	_ =	strace $0x8FFFFFFF  }
0x99: {  	s19 =	sld [smem:$0x3FDB];
	_ =	sdelay $0x1  }
0x9a: {  	s5 =	simm.s32 $_scs_section_size  }
0x9b: {  	s6 =	simm.s32 $_size__tile_overlayer_lowered;
	s7 =	simm.s32 $_tile_overlayer_lowered  }
0x9c: {  	s22 =	simm.s32 $0x1BFF;
	s21 =	sshll.u32 s7, $0x1;
	s4 =	sadd.s32 s5, s19  }
0x9d: {  	s8 =	simm.s32 $0x0;
	s20 =	sshll.u32 s6, $0x1;
	s6 =	sadd.s32 s21, s4  }
0x9e: {  	[timem:s8], [sflag:s22] =	dma.local [hbm:s6], s20  }
0x9f: {  	_ =	swait.ge [sflag:s22], s20  }
0xa0: {  	s5 =	ssub.s32 $0x0, s20;
	[sflag:s22] =	ssyncset.done $0x0  }
0xa1: {  	[sflag:s22] =	ssyncadd.s32 s5;
	_ =	sdelay $0x1  }
0xa2: {  	s23 =	simm.s32 $0x1B8B  }
0xa3: {  	_ =	swait.ge [sflag:s23], $0x1  }
0xa4: {  	[sflag:s23] =	ssyncset.done $0x0  }
0xa5: {  	s25 =	simm.s32 $0x1B8E;
	s24 =	sld [smem:$0x3FFE];
	[sflag:s23] =	ssyncadd.s32 $0xFFFFFFFF  }
0xa6: {  	s26 =	simm.s32 $execute0_lowered;
	[smem:$0x3FD2] =	sst s25  }
0xa7: {  	s6 =	sshll.u32 s26, $0x1;
	_ =	strace $0x80000046;
	[dreg:$0x1] =	wrdreg $0xFFFFFFFF  }
0xa8: {  	s28 =	simm.s32 $_size_execute0_lowered;
	s4 =	sadd.s32 s4, s6;
	[dreg:$0x0] =	wrdreg $0x0  }
0xa9: {  	s6 =	sshll.u32 s28, $0x1;
	[dreg:$0x2] =	wrdreg s4  }
0xaa: {  	[dreg:$0x3] =	wrdreg s6  }
0xab: {  	[dreg:$0x4] =	wrdreg $0xC0  }
0xac: {  	_ =	task [dreg:s8], $0x5FFFF  }
0xad: {  	[dreg:$0x1] =	wrdreg $0xFFFFFFFF  }
0xae: {  	[dreg:$0x0] =	wrdreg $0x60  }
0xaf: {  	[dreg:$0x2] =	wrdreg s18  }
0xb0: {  	[dreg:$0x3] =	wrdreg s24  }
0xb1: {  	[dreg:$0x4] =	wrdreg s2  }
0xb2: {  	[dreg:$0x5] =	wrdreg $0x140000  }
0xb3: {  	[dreg:$0x6] =	wrdreg $0x180000  }
0xb4: {  	[dreg:$0x7] =	wrdreg $0x9  }
0xb5: {  	_ =	task.clear_ibuf [dreg:s8], $0x8FFFF;
	_ =	strace $0x90000046  }
0xb6: {  	s29 =	simm.s32 $0x9;
	_ =	strace $0x80000048  }
0xb7: {  	_ =	swait.ge [sflag:s29], $0x1  }
0xb8: {  	[sflag:s29] =	ssyncadd.s32 $0xFFFFFFFF  }
0xb9: {  	_ =	strace $0x90000048  }
0xba: {  	_ =	sfence  }
0xbb: {  	s30 =	sld [smem:$0x0];
	_ =	sdelay $0x2  }
0xbc: {  	s31 =	sshll.u32 s1, $0xD;
	s1 =	sshrl.u32 s1, $0x2  }
0xbd: {  	s3 =	sand.u32 $0x4000, s31;
	s1 =	sadd.s32 s1, s30  }
0xbe: {  	s0 =	sor.u32 s3, s0;
	s1 =	sshll.u32 s1, $0x11  }
0xbf: {  	s0 =	sor.u32 s1, s0  }
0xc0: {  	s0 =	sadd.s32 $0x8F2B, s0  }
0xc1: {  	[sflag:s0] =	ssyncadd.remote.s32 $0x1  }
0xc2: {  	_ =	sfence.sel $0xFFFF  }
0xc3: {  	[dreg:$0x0] =	wrdreg $0xFFFFFFFF;
	(pc) =	sbr.abs _section_cstart, $3  }
0xc4: {  	[dreg:$0x1] =	wrdreg $0xFFFFFFFF  }
0xc5: {  	_ =	task.clear_ibuf [dreg:s8], $0x2FFFF;
	_ =	strace $0x9FFFFFFF  }
0xc6: {  	(tm) =	ssettm $0x7FFFFFFF  }
0xc7: {  	_ =	shalt  }
tec
execute0_lowered:
.L_overlay_start_1:
0x0: {  	(tag) =	ssettag $0x1  }
0x1: {  	s0 =	rddreg [dreg:$0x0]  }
0x2: {  	s2 =	rddreg [dreg:$0x1]  }
0x3: {  	s3 =	srdreg.scid;
	s1 =	rddreg [dreg:$0x2]  }
0x4: {  	s18 =	stileid.u32;
	s4 =	rddreg [dreg:$0x4]  }
0x5: {  	s6 =	simm.s32 $0x0;
	s28 =	simm.s32 $0x1;
	s29 =	simm.s32 $0x5  }
0x6: {  	s31 =	simm.s32 $0x6;
	s7 =	sand.u32 $0x1, s3;
	s3 =	rddreg [dreg:$0x3]  }
0x7: {  	[smem:$0x7FF] =	sst s6;
	s11 =	sadd.s32 $0x13600, s2;
	s13 =	sadd.s32 $0x3600, s2  }
0x8: {  	s14 =	sadd.s32 $0xB600, s2;
	s15 =	sadd.s32 $0x3B600, s2;
	s20 =	sshll.u32 s18, $0xE  }
0x9: {  	s30 =	sshll.u32 s18, $0xB;
	s5 =	sshll.u32 s7, $0x4;
	_ =	strace $0x80000047  }
0xa: {  	s12 =	ssub.s32 $0x2, s7;
	p0 =	seq.s32 s7, $0x1;
	s7 =	simm.s32 $0x4  }
0xb: {  	s8 =	sor.u32 s18, s5;
	s5 =	sshll.u32 s18, $0x6;
	s16 =	sshrl.u32 s12, $0x1  }
0xc: {  	s13 =	smov.u32 @p0 s14;
	s14 =	simm.s32 $0x0;
	s9 =	sshll.u32 s8, $0x6  }
0xd: {  	s10 =	sand.u32 $0x40, s5;
	s16 =	ssub.s32 s12, s16;
	s21 =	smul.u32 $0xA000, s8  }
0xe: {  	s8 =	smul.u32 $0x1400, s8;
	s12 =	sadd.s32 s20, s4;
	s9 =	sand.u32 $0x780, s9  }
0xf: {  	s18 =	smax.u32 s16, $0x1;
	s9 =	sor.u32 s10, s9;
	s23 =	sshrl.u32 s21, $0x3  }
0x10: {  	s8 =	sadd.s32 s11, s8;
	s21 =	simm.s32 $0xA;
	s10 =	sadd.s32 s9, s2  }
0x11: {  	s2 =	sadd.s32 $0x43600, s2;
	s0 =	sadd.s32 s0, s9;
	[dreg:$0xb] =	wrdreg s8  }
0x12: {  	s8 =	simm.s32 $0xF800;
	s9 =	simm.s32 $0x7;
	[dreg:$0x6] =	wrdreg s0  }
0x13: {  	s17 =	sadd.s32 $0x2E00, s10;
	s19 =	sadd.s32 $0x2600, s10;
	s10 =	sadd.s32 s20, s3  }
0x14: {  	s0 =	sadd.s32 s11, s23;
	s15 =	smov.u32 @p0 s2;
	s2 =	simm.s32 $0x12000  }
0x15: {  	s23 =	simm.s32 $0x9;
	s11 =	simm.s32 $0x2;
	[dreg:$0x7] =	wrdreg s17  }
0x16: {  	[dreg:$0x8] =	wrdreg s19;
	s17 =	sor.u32 $0x2000, s20;
	s25 =	sadd.s32 $0x500, s0  }
0x17: {  	s26 =	sadd.s32 $0xA00, s0;
	s19 =	sadd.s32 s13, s30;
	s20 =	sadd.s32 s15, s30  }
0x18: {  	s13 =	simm.s32 $0x3;
	s22 =	sadd.s32 s17, s3;
	[dreg:$0xc] =	wrdreg s25  }
0x19: {  	s24 =	sadd.s32 s17, s4;
	[dreg:$0xd] =	wrdreg s26;
	s17 =	sadd.s32 $0xF00, s0  }
0x1a: {  	s25 =	simm.s32 $0x800;
	s26 =	simm.s32 $0x3000;
	[dreg:$0x9] =	wrdreg s22  }
0x1b: {  	v0 =	vimm.f32 $0.0e+00;
	v1 =	vimm.f32 $1.000000000e+00;
	[dreg:$0xa] =	wrdreg s24;
	s24 =	simm.s32 $0x50;
	s22 =	simm.s32 $0x8  }
.LBB2_1:
0x1c: {  	s0 =	rddreg [dreg:$0x6]  }
0x1d: {  	[tilespmem:s6], [sflag:$0xA] =	stream.linear.gather [hbm4b:s0+s6], $0x200, $0x38;
	[tilespmem:$0x1C000] =	vst v63  }
0x1e: {  	_ =	swait.ge [sflag:s21], $0x200  }
0x1f: {  	[sflag:s21] =	ssyncset.done $0x0  }
0x20: {  	s15 =	simm.s32 $0x200;
	s16 =	rddreg [dreg:$0x7];
	[sflag:s21] =	ssyncadd.s32 $0xFFFFFE00  }
0x21: {  	[tilespmem:s15], [sflag:$0xA] =	stream.linear.gather [hbm4b:s16+s6], $0x200, $0x38;
	[tilespmem:$0x1C000] =	vst v63  }
0x22: {  	_ =	swait.ge [sflag:s21], $0x200  }
0x23: {  	[sflag:s21] =	ssyncset.done $0x0  }
0x24: {  	s16 =	simm.s32 $0x600;
	s30 =	rddreg [dreg:$0x8];
	[sflag:s21] =	ssyncadd.s32 $0xFFFFFE00  }
0x25: {  	[tilespmem:s16], [sflag:$0xA] =	stream.linear.gather [hbm4b:s30+s6], $0x200, $0x38;
	[tilespmem:$0x1C000] =	vst v63  }
0x26: {  	_ =	swait.ge [sflag:s21], $0x200  }
0x27: {  	[sflag:s21] =	ssyncset.done $0x0  }
0x28: {  	[sflag:s21] =	ssyncadd.s32 $0xFFFFFE00  }
0x29: {  	[tilespmem:s25], [sflag:$0x1] =	stream.indirect.gather [hbm4b:s1+s24], $0x80, s6, s24, $0xb8;
	[tilespmem:$0x1C000] =	vst v63  }
0x2a: {  	_ = 	snop  }
0x2b: {  	[tilespmem:s26], [sflag:$0x4] =	stream.indirect.gather [hbm4b:s1+s24], $0x80, s15, s24, $0xb8;
	[tilespmem:$0x1C000] =	vst v63  }
0x2c: {  	s16 =	simm.s32 $0x80;
	s30 =	simm.s32 $0x5800  }
0x2d: {  	[tilespmem:s30], [sflag:$0x2] =	stream.indirect.gather [hbm4b:s1+s24], $0x80, s16, s24, $0xb8;
	[tilespmem:$0x1C000] =	vst v63  }
0x2e: {  	s16 =	simm.s32 $0x280;
	s30 =	simm.s32 $0x8000  }
0x2f: {  	[tilespmem:s30], [sflag:$0x5] =	stream.indirect.gather [hbm4b:s1+s24], $0x80, s16, s24, $0xb8;
	[tilespmem:$0x1C000] =	vst v63  }
0x30: {  	s0 =	simm.s32 $0x0;
	s16 =	simm.s32 $0x100;
	s30 =	simm.s32 $0xA800  }
0x31: {  	[tilespmem:s30], [sflag:$0x3] =	stream.indirect.gather [hbm4b:s1+s24], $0x80, s16, s24, $0xb8;
	[tilespmem:$0x1C000] =	vst v63  }
0x32: {  	s15 =	simm.s32 $0x200;
	s16 =	simm.s32 $0x300;
	s30 =	simm.s32 $0xD000  }
0x33: {  	[tilespmem:s30], [sflag:$0x6] =	stream.indirect.gather [hbm4b:s1+s24], $0x80, s16, s24, $0xb8;
	[tilespmem:$0x1C000] =	vst v63  }
.LBB2_2:
0x34: {  	p0 =	sne.s32 s15, $0x7E00;
	[tilespmem:s0+$0x12070] =	vst v0  }
0x35: {  	[tilespmem:s0+$0x12000] =	vst v0  }
0x36: {  	[tilespmem:s0+$0x12010] =	vst v0  }
.Ltmp0:
0x37: {  	[tilespmem:s0+$0x12020] =	vst v0;
	(pc) =	sbr.rel @p0 .LBB2_2-.Ltmp0, $4  }
0x38: {  	[tilespmem:s0+$0x12030] =	vst v0  }
0x39: {  	[tilespmem:s0+$0x12040] =	vst v0  }
0x3a: {  	[tilespmem:s0+$0x12050] =	vst v0  }
0x3b: {  	[tilespmem:s0+$0x12060] =	vst v0;
	s0 =	sshra.s32 s15, $0x2;
	s15 =	sadd.s32 $0x200, s15  }
0x3c: {  	[tilespmem:s0+$0x12070] =	vst v0  }
0x3d: {  	[tilespmem:s0+$0x12000] =	vst v0  }
0x3e: {  	[tilespmem:s0+$0x12010] =	vst v0  }
0x3f: {  	[tilespmem:s0+$0x12020] =	vst v0  }
0x40: {  	[tilespmem:s0+$0x12030] =	vst v0  }
0x41: {  	[tilespmem:s0+$0x12040] =	vst v0  }
0x42: {  	[tilespmem:s0+$0x12050] =	vst v0  }
0x43: {  	[tilespmem:s0+$0x12060] =	vst v0;
	s0 =	simm.s32 $0x0;
	s15 =	simm.s32 $0x200  }
.LBB2_4:
0x44: {  	p0 =	sne.s32 s15, $0x9E00;
	[tilespmem:s0+$0xF870] =	vst v1  }
0x45: {  	[tilespmem:s0+$0xF800] =	vst v1  }
0x46: {  	[tilespmem:s0+$0xF810] =	vst v1  }
.Ltmp1:
0x47: {  	[tilespmem:s0+$0xF820] =	vst v1;
	(pc) =	sbr.rel @p0 .LBB2_4-.Ltmp1, $4  }
0x48: {  	[tilespmem:s0+$0xF830] =	vst v1  }
0x49: {  	[tilespmem:s0+$0xF840] =	vst v1  }
0x4a: {  	[tilespmem:s0+$0xF850] =	vst v1  }
0x4b: {  	[tilespmem:s0+$0xF860] =	vst v1;
	s0 =	sshra.s32 s15, $0x2;
	s15 =	sadd.s32 $0x200, s15  }
0x4c: {  	[tilespmem:s0+$0xF870] =	vst v1  }
0x4d: {  	[tilespmem:s0+$0xF800] =	vst v1  }
0x4e: {  	[tilespmem:s0+$0xF810] =	vst v1  }
0x4f: {  	[tilespmem:s0+$0xF820] =	vst v1  }
0x50: {  	[tilespmem:s0+$0xF830] =	vst v1  }
0x51: {  	[tilespmem:s0+$0xF840] =	vst v1  }
0x52: {  	[tilespmem:s0+$0xF850] =	vst v1  }
0x53: {  	[tilespmem:s0+$0xF860] =	vst v1  }
0x54: {  	[spmem:s10] =	stream.linear.scatter [tilespmem:s2], [sflag:$0xA], $0x2000, $0x38;
	[tilespmem:$0x1C000] =	vst v63  }
0x55: {  	_ =	swait.ge [sflag:s21], $0x2000  }
0x56: {  	[sflag:s21] =	ssyncset.done $0x0  }
0x57: {  	s16 =	rddreg [dreg:$0x9];
	[sflag:s21] =	ssyncadd.s32 $0xFFFFE000  }
0x58: {  	[spmem:s16] =	stream.linear.scatter [tilespmem:s2], [sflag:$0xA], $0x2000, $0x38;
	[tilespmem:$0x1C000] =	vst v63  }
0x59: {  	_ =	swait.ge [sflag:s21], $0x2000  }
0x5a: {  	[sflag:s21] =	ssyncset.done $0x0  }
0x5b: {  	[sflag:s21] =	ssyncadd.s32 $0xFFFFE000  }
0x5c: {  	[spmem:s12] =	stream.linear.scatter [tilespmem:s2], [sflag:$0xA], $0x2000, $0x38;
	[tilespmem:$0x1C000] =	vst v63  }
0x5d: {  	_ =	swait.ge [sflag:s21], $0x2000  }
0x5e: {  	[sflag:s21] =	ssyncset.done $0x0  }
0x5f: {  	s30 =	rddreg [dreg:$0xa];
	[sflag:s21] =	ssyncadd.s32 $0xFFFFE000  }
0x60: {  	[spmem:s30] =	stream.linear.scatter [tilespmem:s2], [sflag:$0xA], $0x2000, $0x38;
	[tilespmem:$0x1C000] =	vst v63  }
0x61: {  	_ =	swait.ge [sflag:s21], $0x2000  }
0x62: {  	[sflag:s21] =	ssyncset.done $0x0  }
0x63: {  	[sflag:s21] =	ssyncadd.s32 $0xFFFFE000  }
0x64: {  	v2 =	vld [tilespmem:$0x0]  }
0x65: {  	v3 =	vld [tilespmem:$0x200]  }
0x66: {  	v4 =	vld [tilespmem:$0x10]  }
0x67: {  	v5 =	vld [tilespmem:$0x210]  }
0x68: {  	v6 =	vld [tilespmem:$0x20]  }
0x69: {  	v7 =	vld [tilespmem:$0x220]  }
0x6a: {  	v8 =	vld [tilespmem:$0x30]  }
0x6b: {  	v9 =	vld [tilespmem:$0x230]  }
0x6c: {  	v10 =	vld [tilespmem:$0x40]  }
0x6d: {  	v11 =	vld [tilespmem:$0x240]  }
0x6e: {  	v12 =	vld [tilespmem:$0x80]  }
0x6f: {  	v13 =	vld [tilespmem:$0x280]  }
0x70: {  	v14 =	vld [tilespmem:$0x90]  }
0x71: {  	v15 =	vld [tilespmem:$0x290]  }
0x72: {  	v16 =	vld [tilespmem:$0xA0]  }
0x73: {  	v17 =	vld [tilespmem:$0x2A0]  }
0x74: {  	v18 =	vld [tilespmem:$0xB0]  }
0x75: {  	v19 =	vld [tilespmem:$0x2B0]  }
0x76: {  	v20 =	vld [tilespmem:$0xC0]  }
0x77: {  	v21 =	vld [tilespmem:$0x2C0]  }
0x78: {  	v22 =	vld [tilespmem:$0x100]  }
0x79: {  	v23 =	vld [tilespmem:$0x300]  }
0x7a: {  	v24 =	vld [tilespmem:$0x110]  }
0x7b: {  	v25 =	vld [tilespmem:$0x310]  }
0x7c: {  	v26 =	vld [tilespmem:$0x120]  }
0x7d: {  	vm0 =	veq.s32 v2, v3;
	v2 =	vld [tilespmem:$0x320]  }
0x7e: {  	vm9 =	veq.s32 v4, v5;
	v4 =	vld [tilespmem:$0x130];
	v3 =	vsel vm0, $0x7F8, v3  }
0x7f: {  	vm10 =	veq.s32 v6, v7;
	v6 =	vld [tilespmem:$0x140];
	[tilespmem:$0x400] =	vst v3;
	v3 =	vsel vm9, $0x7F8, v5  }
0x80: {  	vm11 =	veq.s32 v8, v9;
	v8 =	vld [tilespmem:$0x180];
	[tilespmem:$0x410] =	vst v3;
	v3 =	vsel vm10, $0x7F8, v7  }
0x81: {  	vm12 =	veq.s32 v10, v11;
	v10 =	vld [tilespmem:$0x190];
	[tilespmem:$0x420] =	vst v3;
	v3 =	vsel vm11, $0x7F8, v9  }
0x82: {  	vm13 =	veq.s32 v12, v13;
	v12 =	vld [tilespmem:$0x1A0];
	[tilespmem:$0x430] =	vst v3;
	v3 =	vsel vm12, $0x7F8, v11  }
0x83: {  	vm14 =	veq.s32 v14, v15;
	v14 =	vld [tilespmem:$0x1B0];
	vm8 =	veq.s32 v26, v2;
	[tilespmem:$0x440] =	vst v3;
	v3 =	vsel vm13, $0x7F8, v13  }
0x84: {  	v5 =	vld [tilespmem:$0x330];
	v2 =	vsel vm8, $0x7F8, v2;
	[tilespmem:$0x480] =	vst v3  }
0x85: {  	vm15 =	veq.s32 v16, v17;
	v7 =	vld [tilespmem:$0x340];
	v3 =	vsel vm14, $0x7F8, v15;
	[tilespmem:$0x520] =	vst v2  }
0x86: {  	vm4 =	veq.s32 v18, v19;
	v9 =	vld [tilespmem:$0x380];
	[tilespmem:$0x490] =	vst v3;
	v3 =	vsel vm15, $0x7F8, v17  }
0x87: {  	vm5 =	veq.s32 v20, v21;
	v11 =	vld [tilespmem:$0x390];
	[tilespmem:$0x4A0] =	vst v3;
	v3 =	vsel vm4, $0x7F8, v19  }
0x88: {  	vm6 =	veq.s32 v22, v23;
	v13 =	vld [tilespmem:$0x3A0];
	[tilespmem:$0x4B0] =	vst v3;
	v3 =	vsel vm5, $0x7F8, v21  }
0x89: {  	vm7 =	veq.s32 v24, v25;
	v15 =	vld [tilespmem:$0x3B0];
	[tilespmem:$0x4C0] =	vst v3;
	v3 =	vsel vm6, $0x7F8, v23  }
0x8a: {  	vm9 =	veq.s32 v4, v5;
	v4 =	vld [tilespmem:$0x3C0];
	[tilespmem:$0x500] =	vst v3;
	v3 =	vsel vm7, $0x7F8, v25  }
0x8b: {  	v2 =	vsel vm9, $0x7F8, v5;
	vm10 =	veq.s32 v6, v7;
	[tilespmem:$0x510] =	vst v3;
	v3 =	vld [tilespmem:$0x1C0]  }
0x8c: {  	[tilespmem:$0x530] =	vst v2;
	v2 =	vsel vm10, $0x7F8, v7;
	vm11 =	veq.s32 v8, v9  }
0x8d: {  	[tilespmem:$0x540] =	vst v2;
	v2 =	vsel vm11, $0x7F8, v9;
	vm12 =	veq.s32 v10, v11  }
0x8e: {  	[tilespmem:$0x580] =	vst v2;
	v2 =	vsel vm12, $0x7F8, v11;
	vm13 =	veq.s32 v12, v13  }
0x8f: {  	[tilespmem:$0x590] =	vst v2;
	v2 =	vsel vm13, $0x7F8, v13;
	vm14 =	veq.s32 v14, v15  }
0x90: {  	[tilespmem:$0x5A0] =	vst v2;
	v2 =	vsel vm14, $0x7F8, v15;
	vm15 =	veq.s32 v3, v4  }
0x91: {  	[tilespmem:$0x5B0] =	vst v2;
	v2 =	vsel vm15, $0x7F8, v4  }
0x92: {  	[tilespmem:$0x5C0] =	vst v2  }
0x93: {  	[bflag:$0x0] =	sbarrier.arrive $0xFFFF  }
0x94: {  	_ =	swait.ge [sflag:s28], $0x2800  }
0x95: {  	[sflag:s28] =	ssyncset.done $0x0  }
0x96: {  	[sflag:s28] =	ssyncadd.s32 $0xFFFFD800  }
0x97: {  	_ =	swait.ge [sflag:s7], $0x2800  }
0x98: {  	[sflag:s7] =	ssyncset.done $0x0  }
0x99: {  	s15 =	simm.s32 $0x0;
	[sflag:s7] =	ssyncadd.s32 $0xFFFFD800  }
0x9a: {  	v2 =	vld [tilespmem:s15+$0x3050]  }
0x9b: {  	v4 =	vld [tilespmem:s15+$0x3000]  }
0x9c: {  	v5 =	vld [tilespmem:s15+$0x3020]  }
0x9d: {  	v3 =	vld [tilespmem:s15+$0x800]  }
0x9e: {  	v7 =	vld [tilespmem:s15+$0x850]  }
0x9f: {  	v6 =	vld [tilespmem:s15+$0x820]  }
0xa0: {  	v8 =	vld [tilespmem:s15+$0x3060]  }
0xa1: {  	v9 =	vld [tilespmem:s15+$0x860]  }
0xa2: {  	v13 =	vld [tilespmem:s15+$0x3010];
	v10 =	vmul.f32 $5.000000000e-01, v4  }
0xa3: {  	v15 =	vld [tilespmem:s15+$0x3030];
	v11 =	vmul.f32 $5.000000000e-01, v3;
	v7 =	vmul.f32 $5.000000000e-01, v7  }
0xa4: {  	v17 =	vld [tilespmem:s15+$0x810];
	v12 =	vmul.f32 $1.500000000e+00, v5;
	v6 =	vmul.f32 $5.000000000e-01, v6  }
0xa5: {  	v19 =	vld [tilespmem:s15+$0x870];
	v5 =	vmul.f32 $5.000000000e-01, v5;
	v3 =	vadd.f32 v10, v11;
	v10 =	vmul.f32 $5.000000000e-01, v2  }
0xa6: {  	v18 =	vmul.f32 $1.500000000e+00, v2;
	v20 =	vmul.f32 $5.000000000e-01, v8  }
0xa7: {  	v14 =	vld [tilespmem:s15+$0x3070];
	v8 =	vmul.f32 $1.500000000e+00, v8;
	v61 =	vmul.f32 $5.000000000e-01, v9;
	v10 =	vadd.f32 v10, v7  }
0xa8: {  	v62 =	vmul.f32 $1.500000000e+00, v13;
	v9 =	vmul.f32 $5.000000000e-01, v15  }
0xa9: {  	v16 =	vld [tilespmem:s15+$0x830];
	v63 =	vmul.f32 $5.000000000e-01, v17;
	v12 =	vadd.f32 v12, v6;
	[tilespmem:s15+$0x3050] =	vst v10;
	v10 =	vmul.f32 $1.500000000e+00, v4  }
0xaa: {  	s0 =	simm.s32 $0x80;
	v17 =	vmul.f32 $5.000000000e-01, v19;
	v5 =	vadd.f32 v5, v6;
	v18 =	vadd.f32 v18, v7;
	[tilespmem:s15+$0x3000] =	vst v3;
	v3 =	vld [tilespmem:s15+$0x3040]  }
0xab: {  	v8 =	vadd.f32 v8, v61;
	v6 =	vmax.f32 v12, $0.0e+00;
	v2 =	vld [tilespmem:s0+$0x3050];
	v11 =	vadd.f32 v10, v11  }
0xac: {  	v12 =	vadd.f32 v20, v61;
	v20 =	vmax.f32 v18, $0.0e+00;
	v4 =	vld [tilespmem:s0+$0x3000];
	[tilespmem:s15+$0x820] =	vst v6;
	v6 =	vmul.f32 $1.500000000e+00, v14  }
0xad: {  	v7 =	vld [tilespmem:s15+$0x840];
	[tilespmem:s15+$0x3020] =	vst v5;
	v10 =	vmul.f32 $5.000000000e-01, v14;
	v14 =	vmul.f32 $5.000000000e-01, v13;
	v11 =	vmax.f32 v11, $0.0e+00  }
0xae: {  	v18 =	vmax.f32 v8, $0.0e+00;
	v5 =	vld [tilespmem:s0+$0x3020];
	v13 =	vmul.f32 $5.000000000e-01, v16;
	v16 =	vmul.f32 $1.500000000e+00, v15;
	[tilespmem:s15+$0x800] =	vst v11  }
0xaf: {  	s16 =	simm.s32 $0x400;
	v15 =	vadd.f32 v62, v63;
	v8 =	vmul.f32 $1.500000000e+00, v3;
	v14 =	vadd.f32 v14, v63;
	v11 =	vld [tilespmem:s0+$0x800];
	[tilespmem:s15+$0x850] =	vst v20  }
.LBB2_6:
0xb0: {  	s30 =	sshra.s32 s16, $0x2;
	p0 =	sne.s32 s16, $0x9E00;
	s16 =	sadd.s32 $0x200, s16;
	v19 =	vld [tilespmem:s0+$0x820];
	v20 =	vmul.f32 $5.000000000e-01, v2;
	[tilespmem:s15+$0x3060] =	vst v12;
	v6 =	vadd.f32 v6, v17;
	v10 =	vadd.f32 v10, v17  }
0xb1: {  	v16 =	vadd.f32 v16, v13;
	v12 =	vmul.f32 $5.000000000e-01, v4;
	v17 =	vld [tilespmem:s0+$0x850];
	v15 =	vmax.f32 v15, $0.0e+00;
	[tilespmem:s15+$0x860] =	vst v18  }
0xb2: {  	v9 =	vadd.f32 v9, v13;
	v18 =	vld [tilespmem:s0+$0x3060];
	v7 =	vmul.f32 $5.000000000e-01, v7;
	v6 =	vmax.f32 v6, $0.0e+00;
	[tilespmem:s15+$0x3070] =	vst v10  }
0xb3: {  	v3 =	vmul.f32 $5.000000000e-01, v3;
	v10 =	vmul.f32 $5.000000000e-01, v5;
	v13 =	vld [tilespmem:s0+$0x860];
	[tilespmem:s15+$0x3010] =	vst v14;
	v14 =	vmax.f32 v16, $0.0e+00  }
0xb4: {  	v5 =	vmul.f32 $1.500000000e+00, v5;
	v11 =	vmul.f32 $5.000000000e-01, v11;
	v16 =	vld [tilespmem:s0+$0x3010];
	[tilespmem:s15+$0x830] =	vst v14;
	v8 =	vadd.f32 v8, v7  }
0xb5: {  	v2 =	vmul.f32 $1.500000000e+00, v2;
	v4 =	vmul.f32 $1.500000000e+00, v4;
	v3 =	vadd.f32 v3, v7;
	v14 =	vld [tilespmem:s0+$0x3070];
	[tilespmem:s15+$0x3030] =	vst v9  }
0xb6: {  	v9 =	vmul.f32 $5.000000000e-01, v19;
	v7 =	vadd.f32 v12, v11;
	v19 =	vld [tilespmem:s0+$0x3030];
	v12 =	vmul.f32 $5.000000000e-01, v17;
	[tilespmem:s15+$0x810] =	vst v15  }
0xb7: {  	v11 =	vadd.f32 v4, v11;
	v8 =	vmax.f32 v8, $0.0e+00;
	v15 =	vld [tilespmem:s0+$0x830];
	v4 =	vmul.f32 $5.000000000e-01, v18;
	[tilespmem:s15+$0x870] =	vst v6  }
0xb8: {  	v5 =	vadd.f32 v5, v9;
	v17 =	vmul.f32 $1.500000000e+00, v18;
	[tilespmem:s0+$0x3000] =	vst v7;
	v7 =	vld [tilespmem:s0+$0x810];
	v6 =	vadd.f32 v20, v12  }
0xb9: {  	v18 =	vadd.f32 v10, v9;
	v9 =	vadd.f32 v2, v12;
	v13 =	vmul.f32 $5.000000000e-01, v13;
	v20 =	vld [tilespmem:s0+$0x870];
	[tilespmem:s15+$0x3040] =	vst v3  }
0xba: {  	v21 =	vmul.f32 $1.500000000e+00, v16;
	v5 =	vmax.f32 v5, $0.0e+00;
	v3 =	vld [tilespmem:s0+$0x3040];
	[tilespmem:s0+$0x3050] =	vst v6;
	v6 =	vmul.f32 $1.500000000e+00, v14  }
.Ltmp2:
0xbb: {  	v22 =	vmax.f32 v9, $0.0e+00;
	v12 =	vadd.f32 v4, v13;
	v10 =	vmul.f32 $5.000000000e-01, v14;
	v2 =	vld [tilespmem:s30+$0x3050];
	[tilespmem:s15+$0x840] =	vst v8;
	s15 =	smov.u32 s0;
	s0 =	smov.u32 s30;
	(pc) =	sbr.rel @p0 .LBB2_6-.Ltmp2, $4  }
0xbc: {  	v14 =	vadd.f32 v17, v13;
	v8 =	vmul.f32 $5.000000000e-01, v16;
	v9 =	vmul.f32 $5.000000000e-01, v19;
	v4 =	vld [tilespmem:s0+$0x3000];
	[tilespmem:s15+$0x820] =	vst v5  }
0xbd: {  	v11 =	vmax.f32 v11, $0.0e+00;
	v13 =	vmul.f32 $5.000000000e-01, v15;
	v23 =	vmul.f32 $5.000000000e-01, v7;
	[tilespmem:s15+$0x3020] =	vst v18;
	v7 =	vld [tilespmem:s15+$0x840]  }
0xbe: {  	v16 =	vmul.f32 $1.500000000e+00, v19;
	v18 =	vmax.f32 v14, $0.0e+00;
	v5 =	vld [tilespmem:s0+$0x3020];
	[tilespmem:s15+$0x800] =	vst v11;
	v17 =	vmul.f32 $5.000000000e-01, v20  }
0xbf: {  	v11 =	vld [tilespmem:s0+$0x800];
	v15 =	vadd.f32 v21, v23;
	v14 =	vadd.f32 v8, v23;
	v8 =	vmul.f32 $1.500000000e+00, v3;
	[tilespmem:s15+$0x850] =	vst v22  }
0xc0: {  	v19 =	vld [tilespmem:s0+$0x820];
	[tilespmem:s15+$0x3060] =	vst v12;
	v10 =	vadd.f32 v10, v17  }
0xc1: {  	v12 =	vld [tilespmem:s0+$0x850];
	[tilespmem:s15+$0x860] =	vst v18  }
0xc2: {  	v18 =	vld [tilespmem:s0+$0x3060];
	[tilespmem:s15+$0x3070] =	vst v10;
	v10 =	vadd.f32 v16, v13;
	_ =	sdelay $0x1  }
0xc3: {  	v9 =	vadd.f32 v9, v13;
	v16 =	vld [tilespmem:s0+$0x860];
	[tilespmem:s15+$0x3010] =	vst v14;
	v10 =	vmax.f32 v10, $0.0e+00  }
0xc4: {  	v14 =	vld [tilespmem:s0+$0x3010];
	[tilespmem:s15+$0x830] =	vst v10  }
0xc5: {  	v6 =	vadd.f32 v6, v17;
	v11 =	vmul.f32 $5.000000000e-01, v11;
	v10 =	vld [tilespmem:s0+$0x3070];
	[tilespmem:s15+$0x3030] =	vst v9;
	v9 =	vmul.f32 $5.000000000e-01, v4  }
0xc6: {  	v13 =	vmax.f32 v15, $0.0e+00  }
0xc7: {  	v6 =	vmax.f32 v6, $0.0e+00;
	v15 =	vld [tilespmem:s0+$0x3030];
	[tilespmem:s15+$0x810] =	vst v13;
	v9 =	vadd.f32 v9, v11  }
0xc8: {  	v3 =	vmul.f32 $5.000000000e-01, v3;
	v7 =	vmul.f32 $5.000000000e-01, v7;
	v13 =	vld [tilespmem:s0+$0x830];
	[tilespmem:s15+$0x870] =	vst v6  }
0xc9: {  	v6 =	vmul.f32 $5.000000000e-01, v2;
	[tilespmem:s0+$0x3000] =	vst v9;
	v9 =	vmul.f32 $5.000000000e-01, v12  }
0xca: {  	v17 =	vmul.f32 $1.500000000e+00, v5;
	v3 =	vadd.f32 v3, v7;
	v19 =	vmul.f32 $5.000000000e-01, v19  }
0xcb: {  	v7 =	vadd.f32 v8, v7;
	v20 =	vld [tilespmem:s0+$0x870];
	v6 =	vadd.f32 v6, v9  }
0xcc: {  	v5 =	vmul.f32 $5.000000000e-01, v5;
	v12 =	vld [tilespmem:s0+$0x810];
	[tilespmem:s15+$0x3040] =	vst v3;
	v3 =	vmul.f32 $1.500000000e+00, v4;
	v4 =	vadd.f32 v17, v19  }
0xcd: {  	v7 =	vmax.f32 v7, $0.0e+00;
	v2 =	vmul.f32 $1.500000000e+00, v2;
	[tilespmem:s0+$0x3050] =	vst v6  }
0xce: {  	v5 =	vadd.f32 v5, v19;
	v8 =	vld [tilespmem:s0+$0x3040];
	v4 =	vmax.f32 v4, $0.0e+00;
	v3 =	vadd.f32 v3, v11;
	[tilespmem:s15+$0x840] =	vst v7  }
0xcf: {  	v17 =	vmul.f32 $5.000000000e-01, v18;
	v2 =	vadd.f32 v2, v9;
	v9 =	vmul.f32 $5.000000000e-01, v14;
	[tilespmem:s0+$0x820] =	vst v4  }
0xd0: {  	v6 =	vmul.f32 $5.000000000e-01, v16;
	v3 =	vmax.f32 v3, $0.0e+00;
	v4 =	vmul.f32 $1.500000000e+00, v18;
	[tilespmem:s0+$0x3020] =	vst v5  }
0xd1: {  	v2 =	vmax.f32 v2, $0.0e+00;
	v5 =	vmul.f32 $5.000000000e-01, v10;
	[tilespmem:s0+$0x800] =	vst v3;
	v3 =	vmul.f32 $5.000000000e-01, v20  }
0xd2: {  	v7 =	vadd.f32 v17, v6;
	v4 =	vadd.f32 v4, v6;
	v6 =	vmul.f32 $5.000000000e-01, v12  }
0xd3: {  	v11 =	vld [tilespmem:s0+$0x840];
	[tilespmem:s0+$0x850] =	vst v2;
	v12 =	vmul.f32 $5.000000000e-01, v13;
	v13 =	vmul.f32 $1.500000000e+00, v15;
	v5 =	vadd.f32 v5, v3  }
0xd4: {  	v2 =	vmul.f32 $1.500000000e+00, v14;
	[tilespmem:s0+$0x3060] =	vst v7;
	v7 =	vmul.f32 $5.000000000e-01, v15  }
0xd5: {  	v4 =	vmax.f32 v4, $0.0e+00;
	v9 =	vadd.f32 v9, v6;
	v13 =	vadd.f32 v13, v12;
	[tilespmem:s0+$0x3070] =	vst v5  }
0xd6: {  	v2 =	vadd.f32 v2, v6;
	v6 =	vadd.f32 v7, v12;
	[tilespmem:s0+$0x860] =	vst v4;
	v4 =	vmul.f32 $1.500000000e+00, v10  }
0xd7: {  	v5 =	vmul.f32 $1.500000000e+00, v8;
	v8 =	vmul.f32 $5.000000000e-01, v8;
	[tilespmem:s0+$0x3010] =	vst v9  }
0xd8: {  	v7 =	vmax.f32 v13, $0.0e+00;
	[tilespmem:s0+$0x3030] =	vst v6;
	v3 =	vadd.f32 v4, v3;
	v4 =	vmul.f32 $5.000000000e-01, v11  }
0xd9: {  	v2 =	vmax.f32 v2, $0.0e+00;
	[tilespmem:s0+$0x830] =	vst v7  }
0xda: {  	[tilespmem:s0+$0x810] =	vst v2;
	v3 =	vmax.f32 v3, $0.0e+00;
	v5 =	vadd.f32 v5, v4;
	v4 =	vadd.f32 v8, v4  }
0xdb: {  	[tilespmem:s0+$0x870] =	vst v3  }
0xdc: {  	v2 =	vmax.f32 v5, $0.0e+00;
	[tilespmem:s0+$0x3040] =	vst v4  }
0xdd: {  	s30 =	simm.s32 $0x400;
	[tilespmem:s0+$0x840] =	vst v2  }
0xde: {  	[spmem:s3] =	stream.indirect.scatter.add.f32 [tilespmem:s25], [sflag:$0x7], $0x80, s30, s24, $0xb8;
	[tilespmem:$0x1C000] =	vst v63  }
0xdf: {  	s15 =	simm.s32 $0x600  }
0xe0: {  	[spmem:s4] =	stream.indirect.scatter.add.f32 [tilespmem:s8], [sflag:$0x8], $0x80, s15, s24, $0xb8;
	[tilespmem:$0x1C000] =	vst v63  }
0xe1: {  	s16 =	simm.s32 $0x0;
	s30 =	rddreg [dreg:$0xb]  }
0xe2: {  	[hbm4b:s30+s16] =	stream.linear.scatter [tilespmem:s26], [sflag:$0x9], $0x2800, $0x38;
	[tilespmem:$0x1C000] =	vst v63  }
0xe3: {  	_ =	swait.ge [sflag:s9], $0x2800  }
0xe4: {  	[sflag:s9] =	ssyncset.done $0x0  }
0xe5: {  	[sflag:s9] =	ssyncadd.s32 $0xFFFFD800  }
0xe6: {  	_ =	swait.ge [sflag:s22], $0x2800  }
0xe7: {  	[sflag:s22] =	ssyncset.done $0x0  }
0xe8: {  	[sflag:s22] =	ssyncadd.s32 $0xFFFFD800  }
0xe9: {  	_ =	swait.ge [sflag:s23], $0x2800  }
0xea: {  	[sflag:s23] =	ssyncset.done $0x0  }
0xeb: {  	s16 =	simm.s32 $0x180;
	[sflag:s23] =	ssyncadd.s32 $0xFFFFD800  }
0xec: {  	[tilespmem:s25], [sflag:$0x1] =	stream.indirect.gather [hbm4b:s1+s24], $0x80, s16, s24, $0xb8;
	[tilespmem:$0x1C000] =	vst v63  }
0xed: {  	s30 =	simm.s32 $0x380  }
0xee: {  	[tilespmem:s26], [sflag:$0x4] =	stream.indirect.gather [hbm4b:s1+s24], $0x80, s30, s24, $0xb8;
	[tilespmem:$0x1C000] =	vst v63  }
0xef: {  	_ =	swait.ge [sflag:s11], $0x2800  }
0xf0: {  	[sflag:s11] =	ssyncset.done $0x0  }
0xf1: {  	[sflag:s11] =	ssyncadd.s32 $0xFFFFD800  }
0xf2: {  	_ =	swait.ge [sflag:s29], $0x2800  }
0xf3: {  	[sflag:s29] =	ssyncset.done $0x0  }
0xf4: {  	s15 =	simm.s32 $0x0;
	[sflag:s29] =	ssyncadd.s32 $0xFFFFD800  }
0xf5: {  	v2 =	vld [tilespmem:s15+$0x8050]  }
0xf6: {  	v4 =	vld [tilespmem:s15+$0x8000]  }
0xf7: {  	v5 =	vld [tilespmem:s15+$0x8020]  }
0xf8: {  	v3 =	vld [tilespmem:s15+$0x5800]  }
0xf9: {  	v7 =	vld [tilespmem:s15+$0x5850]  }
0xfa: {  	v6 =	vld [tilespmem:s15+$0x5820];
	_ =	sdelay $0x1  }
0xfb: {  	v8 =	vld [tilespmem:s15+$0x8060]  }
0xfc: {  	v12 =	vld [tilespmem:s15+$0x8010];
	v10 =	vmul.f32 $5.000000000e-01, v4;
	v11 =	vmul.f32 $5.000000000e-01, v3  }
0xfd: {  	v15 =	vld [tilespmem:s15+$0x5830];
	v7 =	vmul.f32 $5.000000000e-01, v7;
	v17 =	vmul.f32 $1.500000000e+00, v5  }
0xfe: {  	v9 =	vld [tilespmem:s15+$0x5860];
	v6 =	vmul.f32 $5.000000000e-01, v6;
	v3 =	vadd.f32 v10, v11;
	v10 =	vmul.f32 $5.000000000e-01, v2  }
0xff: {  	v14 =	vld [tilespmem:s15+$0x8030];
	v5 =	vmul.f32 $5.000000000e-01, v5;
	v18 =	vmul.f32 $1.500000000e+00, v2  }
0x100: {  	v13 =	vld [tilespmem:s15+$0x8070];
	v20 =	vmul.f32 $5.000000000e-01, v8;
	v8 =	vmul.f32 $1.500000000e+00, v8;
	v10 =	vadd.f32 v10, v7  }
0x101: {  	v16 =	vld [tilespmem:s15+$0x5810];
	v21 =	vmul.f32 $1.500000000e+00, v12;
	v23 =	vmul.f32 $5.000000000e-01, v12;
	v17 =	vadd.f32 v17, v6  }
0x102: {  	v19 =	vld [tilespmem:s15+$0x5870];
	v12 =	vmul.f32 $5.000000000e-01, v15;
	v7 =	vadd.f32 v18, v7;
	[tilespmem:s15+$0x8050] =	vst v10;
	v10 =	vmul.f32 $1.500000000e+00, v4  }
0x103: {  	s0 =	simm.s32 $0x80;
	v5 =	vadd.f32 v5, v6;
	[tilespmem:s15+$0x8000] =	vst v3;
	v3 =	vld [tilespmem:s15+$0x8040];
	v6 =	vmax.f32 v17, $0.0e+00;
	v17 =	vmul.f32 $5.000000000e-01, v9  }
0x104: {  	v9 =	vmul.f32 $5.000000000e-01, v14;
	v22 =	vmax.f32 v7, $0.0e+00;
	v2 =	vld [tilespmem:s0+$0x8050];
	v11 =	vadd.f32 v10, v11  }
0x105: {  	v8 =	vadd.f32 v8, v17;
	v4 =	vld [tilespmem:s0+$0x8000];
	[tilespmem:s15+$0x5820] =	vst v6;
	v6 =	vmul.f32 $1.500000000e+00, v13;
	v10 =	vmul.f32 $5.000000000e-01, v13  }
0x106: {  	v7 =	vld [tilespmem:s15+$0x5840];
	[tilespmem:s15+$0x8020] =	vst v5;
	v13 =	vadd.f32 v20, v17;
	v20 =	vmul.f32 $5.000000000e-01, v16;
	v11 =	vmax.f32 v11, $0.0e+00  }
0x107: {  	v5 =	vld [tilespmem:s0+$0x8020];
	v16 =	vmul.f32 $1.500000000e+00, v14;
	v18 =	vmax.f32 v8, $0.0e+00;
	v17 =	vmul.f32 $5.000000000e-01, v19;
	[tilespmem:s15+$0x5800] =	vst v11  }
0x108: {  	s16 =	simm.s32 $0x400;
	v8 =	vmul.f32 $1.500000000e+00, v3;
	v15 =	vadd.f32 v21, v20;
	v14 =	vadd.f32 v23, v20;
	v11 =	vld [tilespmem:s0+$0x5800];
	[tilespmem:s15+$0x5850] =	vst v22  }
.LBB2_8:
0x109: {  	s30 =	sshra.s32 s16, $0x2;
	p0 =	sne.s32 s16, $0x9E00;
	s16 =	sadd.s32 $0x200, s16;
	v19 =	vld [tilespmem:s0+$0x5820];
	v20 =	vmul.f32 $5.000000000e-01, v2;
	[tilespmem:s15+$0x8060] =	vst v13;
	v6 =	vadd.f32 v6, v17;
	v10 =	vadd.f32 v10, v17  }
0x10a: {  	v16 =	vadd.f32 v16, v12;
	v13 =	vmul.f32 $5.000000000e-01, v4;
	v17 =	vld [tilespmem:s0+$0x5850];
	v15 =	vmax.f32 v15, $0.0e+00;
	[tilespmem:s15+$0x5860] =	vst v18  }
0x10b: {  	v9 =	vadd.f32 v9, v12;
	v18 =	vld [tilespmem:s0+$0x8060];
	v7 =	vmul.f32 $5.000000000e-01, v7;
	v6 =	vmax.f32 v6, $0.0e+00;
	[tilespmem:s15+$0x8070] =	vst v10  }
0x10c: {  	v3 =	vmul.f32 $5.000000000e-01, v3;
	v10 =	vmul.f32 $5.000000000e-01, v5;
	v12 =	vld [tilespmem:s0+$0x5860];
	[tilespmem:s15+$0x8010] =	vst v14;
	v14 =	vmax.f32 v16, $0.0e+00  }
0x10d: {  	v5 =	vmul.f32 $1.500000000e+00, v5;
	v11 =	vmul.f32 $5.000000000e-01, v11;
	v16 =	vld [tilespmem:s0+$0x8010];
	[tilespmem:s15+$0x5830] =	vst v14;
	v8 =	vadd.f32 v8, v7  }
0x10e: {  	v2 =	vmul.f32 $1.500000000e+00, v2;
	v4 =	vmul.f32 $1.500000000e+00, v4;
	v3 =	vadd.f32 v3, v7;
	v14 =	vld [tilespmem:s0+$0x8070];
	[tilespmem:s15+$0x8030] =	vst v9  }
0x10f: {  	v9 =	vmul.f32 $5.000000000e-01, v19;
	v7 =	vadd.f32 v13, v11;
	v19 =	vld [tilespmem:s0+$0x8030];
	v13 =	vmul.f32 $5.000000000e-01, v17;
	[tilespmem:s15+$0x5810] =	vst v15  }
0x110: {  	v11 =	vadd.f32 v4, v11;
	v8 =	vmax.f32 v8, $0.0e+00;
	v15 =	vld [tilespmem:s0+$0x5830];
	v4 =	vmul.f32 $5.000000000e-01, v18;
	[tilespmem:s15+$0x5870] =	vst v6  }
0x111: {  	v5 =	vadd.f32 v5, v9;
	v17 =	vmul.f32 $1.500000000e+00, v18;
	[tilespmem:s0+$0x8000] =	vst v7;
	v7 =	vld [tilespmem:s0+$0x5810];
	v6 =	vadd.f32 v20, v13  }
0x112: {  	v18 =	vadd.f32 v10, v9;
	v9 =	vadd.f32 v2, v13;
	v12 =	vmul.f32 $5.000000000e-01, v12;
	v20 =	vld [tilespmem:s0+$0x5870];
	[tilespmem:s15+$0x8040] =	vst v3  }
0x113: {  	v21 =	vmul.f32 $1.500000000e+00, v16;
	v5 =	vmax.f32 v5, $0.0e+00;
	v3 =	vld [tilespmem:s0+$0x8040];
	[tilespmem:s0+$0x8050] =	vst v6;
	v6 =	vmul.f32 $1.500000000e+00, v14  }
.Ltmp3:
0x114: {  	v22 =	vmax.f32 v9, $0.0e+00;
	v13 =	vadd.f32 v4, v12;
	v10 =	vmul.f32 $5.000000000e-01, v14;
	v2 =	vld [tilespmem:s30+$0x8050];
	[tilespmem:s15+$0x5840] =	vst v8;
	s15 =	smov.u32 s0;
	s0 =	smov.u32 s30;
	(pc) =	sbr.rel @p0 .LBB2_8-.Ltmp3, $4  }
0x115: {  	v14 =	vadd.f32 v17, v12;
	v8 =	vmul.f32 $5.000000000e-01, v16;
	v9 =	vmul.f32 $5.000000000e-01, v19;
	v4 =	vld [tilespmem:s0+$0x8000];
	[tilespmem:s15+$0x5820] =	vst v5  }
0x116: {  	v11 =	vmax.f32 v11, $0.0e+00;
	v12 =	vmul.f32 $5.000000000e-01, v15;
	v23 =	vmul.f32 $5.000000000e-01, v7;
	[tilespmem:s15+$0x8020] =	vst v18;
	v7 =	vld [tilespmem:s15+$0x5840]  }
0x117: {  	v16 =	vmul.f32 $1.500000000e+00, v19;
	v18 =	vmax.f32 v14, $0.0e+00;
	v5 =	vld [tilespmem:s0+$0x8020];
	[tilespmem:s15+$0x5800] =	vst v11;
	v17 =	vmul.f32 $5.000000000e-01, v20  }
0x118: {  	v11 =	vld [tilespmem:s0+$0x5800];
	v15 =	vadd.f32 v21, v23;
	v14 =	vadd.f32 v8, v23;
	v8 =	vmul.f32 $1.500000000e+00, v3;
	[tilespmem:s15+$0x5850] =	vst v22  }
0x119: {  	v19 =	vld [tilespmem:s0+$0x5820];
	[tilespmem:s15+$0x8060] =	vst v13;
	v10 =	vadd.f32 v10, v17  }
0x11a: {  	v13 =	vld [tilespmem:s0+$0x5850];
	[tilespmem:s15+$0x5860] =	vst v18  }
0x11b: {  	v18 =	vld [tilespmem:s0+$0x8060];
	[tilespmem:s15+$0x8070] =	vst v10;
	v10 =	vadd.f32 v16, v12;
	_ =	sdelay $0x1  }
0x11c: {  	v9 =	vadd.f32 v9, v12;
	v16 =	vld [tilespmem:s0+$0x5860];
	[tilespmem:s15+$0x8010] =	vst v14;
	v10 =	vmax.f32 v10, $0.0e+00  }
0x11d: {  	v14 =	vld [tilespmem:s0+$0x8010];
	[tilespmem:s15+$0x5830] =	vst v10  }
0x11e: {  	v6 =	vadd.f32 v6, v17;
	v11 =	vmul.f32 $5.000000000e-01, v11;
	v10 =	vld [tilespmem:s0+$0x8070];
	[tilespmem:s15+$0x8030] =	vst v9;
	v9 =	vmul.f32 $5.000000000e-01, v4  }
0x11f: {  	v12 =	vmax.f32 v15, $0.0e+00  }
0x120: {  	v6 =	vmax.f32 v6, $0.0e+00;
	v15 =	vld [tilespmem:s0+$0x8030];
	[tilespmem:s15+$0x5810] =	vst v12;
	v9 =	vadd.f32 v9, v11  }
0x121: {  	v3 =	vmul.f32 $5.000000000e-01, v3;
	v7 =	vmul.f32 $5.000000000e-01, v7;
	v12 =	vld [tilespmem:s0+$0x5830];
	[tilespmem:s15+$0x5870] =	vst v6  }
0x122: {  	v6 =	vmul.f32 $5.000000000e-01, v2;
	[tilespmem:s0+$0x8000] =	vst v9;
	v9 =	vmul.f32 $5.000000000e-01, v13  }
0x123: {  	v17 =	vmul.f32 $1.500000000e+00, v5;
	v3 =	vadd.f32 v3, v7;
	v19 =	vmul.f32 $5.000000000e-01, v19  }
0x124: {  	v5 =	vmul.f32 $5.000000000e-01, v5;
	v7 =	vadd.f32 v8, v7;
	v20 =	vld [tilespmem:s0+$0x5870];
	v6 =	vadd.f32 v6, v9  }
0x125: {  	v13 =	vld [tilespmem:s0+$0x5810];
	[tilespmem:s15+$0x8040] =	vst v3;
	v3 =	vmul.f32 $1.500000000e+00, v4;
	v4 =	vadd.f32 v17, v19  }
0x126: {  	v7 =	vmax.f32 v7, $0.0e+00;
	v5 =	vadd.f32 v5, v19;
	v2 =	vmul.f32 $1.500000000e+00, v2;
	[tilespmem:s0+$0x8050] =	vst v6  }
0x127: {  	v17 =	vmul.f32 $5.000000000e-01, v18;
	v8 =	vld [tilespmem:s0+$0x8040];
	v4 =	vmax.f32 v4, $0.0e+00;
	v3 =	vadd.f32 v3, v11;
	[tilespmem:s15+$0x5840] =	vst v7  }
0x128: {  	v2 =	vadd.f32 v2, v9;
	v9 =	vmul.f32 $5.000000000e-01, v14;
	v12 =	vmul.f32 $5.000000000e-01, v12;
	[tilespmem:s0+$0x5820] =	vst v4  }
0x129: {  	v6 =	vmul.f32 $5.000000000e-01, v16;
	v3 =	vmax.f32 v3, $0.0e+00;
	v4 =	vmul.f32 $1.500000000e+00, v18;
	[tilespmem:s0+$0x8020] =	vst v5  }
0x12a: {  	v5 =	vmul.f32 $5.000000000e-01, v10;
	[tilespmem:s0+$0x5800] =	vst v3;
	v3 =	vmul.f32 $5.000000000e-01, v20  }
0x12b: {  	v2 =	vmax.f32 v2, $0.0e+00;
	v7 =	vadd.f32 v17, v6;
	v4 =	vadd.f32 v4, v6  }
0x12c: {  	v11 =	vld [tilespmem:s0+$0x5840];
	[tilespmem:s0+$0x5850] =	vst v2;
	v6 =	vmul.f32 $5.000000000e-01, v13;
	v13 =	vmul.f32 $1.500000000e+00, v15;
	v5 =	vadd.f32 v5, v3  }
0x12d: {  	v2 =	vmul.f32 $1.500000000e+00, v14;
	[tilespmem:s0+$0x8060] =	vst v7;
	v7 =	vmul.f32 $5.000000000e-01, v15  }
0x12e: {  	v4 =	vmax.f32 v4, $0.0e+00;
	v9 =	vadd.f32 v9, v6;
	v13 =	vadd.f32 v13, v12;
	[tilespmem:s0+$0x8070] =	vst v5  }
0x12f: {  	v2 =	vadd.f32 v2, v6;
	v6 =	vadd.f32 v7, v12;
	[tilespmem:s0+$0x5860] =	vst v4;
	v4 =	vmul.f32 $1.500000000e+00, v10  }
0x130: {  	v5 =	vmul.f32 $1.500000000e+00, v8;
	v8 =	vmul.f32 $5.000000000e-01, v8;
	[tilespmem:s0+$0x8010] =	vst v9  }
0x131: {  	v7 =	vmax.f32 v13, $0.0e+00;
	[tilespmem:s0+$0x8030] =	vst v6;
	v3 =	vadd.f32 v4, v3;
	v4 =	vmul.f32 $5.000000000e-01, v11  }
0x132: {  	v2 =	vmax.f32 v2, $0.0e+00;
	[tilespmem:s0+$0x5830] =	vst v7  }
0x133: {  	[tilespmem:s0+$0x5810] =	vst v2;
	v3 =	vmax.f32 v3, $0.0e+00;
	v5 =	vadd.f32 v5, v4;
	v4 =	vadd.f32 v8, v4  }
0x134: {  	[tilespmem:s0+$0x5870] =	vst v3  }
0x135: {  	v2 =	vmax.f32 v5, $0.0e+00;
	[tilespmem:s0+$0x8040] =	vst v4  }
0x136: {  	s16 =	simm.s32 $0x480;
	s15 =	simm.s32 $0x5800;
	[tilespmem:s0+$0x5840] =	vst v2  }
0x137: {  	[spmem:s3] =	stream.indirect.scatter.add.f32 [tilespmem:s15], [sflag:$0x7], $0x80, s16, s24, $0xb8;
	[tilespmem:$0x1C000] =	vst v63  }
0x138: {  	s30 =	simm.s32 $0x680  }
0x139: {  	[spmem:s4] =	stream.indirect.scatter.add.f32 [tilespmem:s8], [sflag:$0x8], $0x80, s30, s24, $0xb8;
	[tilespmem:$0x1C000] =	vst v63  }
0x13a: {  	s15 =	simm.s32 $0x0;
	s16 =	simm.s32 $0x8000;
	s30 =	rddreg [dreg:$0xc]  }
0x13b: {  	[hbm4b:s30+s15] =	stream.linear.scatter [tilespmem:s16], [sflag:$0x9], $0x2800, $0x38;
	[tilespmem:$0x1C000] =	vst v63  }
0x13c: {  	_ =	swait.ge [sflag:s13], $0x2800  }
0x13d: {  	[sflag:s13] =	ssyncset.done $0x0  }
0x13e: {  	[sflag:s13] =	ssyncadd.s32 $0xFFFFD800  }
0x13f: {  	_ =	swait.ge [sflag:s31], $0x2800  }
0x140: {  	[sflag:s31] =	ssyncset.done $0x0  }
0x141: {  	s15 =	simm.s32 $0x0;
	[sflag:s31] =	ssyncadd.s32 $0xFFFFD800  }
0x142: {  	v2 =	vld [tilespmem:s15+$0xD050]  }
0x143: {  	v4 =	vld [tilespmem:s15+$0xD000]  }
0x144: {  	v5 =	vld [tilespmem:s15+$0xD020]  }
0x145: {  	v3 =	vld [tilespmem:s15+$0xA800]  }
0x146: {  	v7 =	vld [tilespmem:s15+$0xA850]  }
0x147: {  	v6 =	vld [tilespmem:s15+$0xA820];
	_ =	sdelay $0x1  }
0x148: {  	v8 =	vld [tilespmem:s15+$0xD060]  }
0x149: {  	v12 =	vld [tilespmem:s15+$0xD010];
	v10 =	vmul.f32 $5.000000000e-01, v4;
	v11 =	vmul.f32 $5.000000000e-01, v3  }
0x14a: {  	v15 =	vld [tilespmem:s15+$0xA830];
	v7 =	vmul.f32 $5.000000000e-01, v7;
	v17 =	vmul.f32 $1.500000000e+00, v5  }
0x14b: {  	v9 =	vld [tilespmem:s15+$0xA860];
	v6 =	vmul.f32 $5.000000000e-01, v6;
	v3 =	vadd.f32 v10, v11;
	v10 =	vmul.f32 $5.000000000e-01, v2  }
0x14c: {  	v14 =	vld [tilespmem:s15+$0xD030];
	v5 =	vmul.f32 $5.000000000e-01, v5;
	v18 =	vmul.f32 $1.500000000e+00, v2  }
0x14d: {  	v13 =	vld [tilespmem:s15+$0xD070];
	v20 =	vmul.f32 $5.000000000e-01, v8;
	v8 =	vmul.f32 $1.500000000e+00, v8;
	v10 =	vadd.f32 v10, v7  }
0x14e: {  	v16 =	vld [tilespmem:s15+$0xA810];
	v21 =	vmul.f32 $1.500000000e+00, v12;
	v23 =	vmul.f32 $5.000000000e-01, v12;
	v17 =	vadd.f32 v17, v6  }
0x14f: {  	v19 =	vld [tilespmem:s15+$0xA870];
	v12 =	vmul.f32 $5.000000000e-01, v15;
	v7 =	vadd.f32 v18, v7;
	[tilespmem:s15+$0xD050] =	vst v10;
	v10 =	vmul.f32 $1.500000000e+00, v4  }
0x150: {  	s0 =	simm.s32 $0x80;
	v5 =	vadd.f32 v5, v6;
	[tilespmem:s15+$0xD000] =	vst v3;
	v3 =	vld [tilespmem:s15+$0xD040];
	v6 =	vmax.f32 v17, $0.0e+00;
	v17 =	vmul.f32 $5.000000000e-01, v9  }
0x151: {  	v9 =	vmul.f32 $5.000000000e-01, v14;
	v22 =	vmax.f32 v7, $0.0e+00;
	v2 =	vld [tilespmem:s0+$0xD050];
	v11 =	vadd.f32 v10, v11  }
0x152: {  	v8 =	vadd.f32 v8, v17;
	v4 =	vld [tilespmem:s0+$0xD000];
	[tilespmem:s15+$0xA820] =	vst v6;
	v6 =	vmul.f32 $1.500000000e+00, v13;
	v10 =	vmul.f32 $5.000000000e-01, v13  }
0x153: {  	v7 =	vld [tilespmem:s15+$0xA840];
	[tilespmem:s15+$0xD020] =	vst v5;
	v13 =	vadd.f32 v20, v17;
	v20 =	vmul.f32 $5.000000000e-01, v16;
	v11 =	vmax.f32 v11, $0.0e+00  }
0x154: {  	v5 =	vld [tilespmem:s0+$0xD020];
	v16 =	vmul.f32 $1.500000000e+00, v14;
	v18 =	vmax.f32 v8, $0.0e+00;
	v17 =	vmul.f32 $5.000000000e-01, v19;
	[tilespmem:s15+$0xA800] =	vst v11  }
0x155: {  	s16 =	simm.s32 $0x400;
	v8 =	vmul.f32 $1.500000000e+00, v3;
	v15 =	vadd.f32 v21, v20;
	v14 =	vadd.f32 v23, v20;
	v11 =	vld [tilespmem:s0+$0xA800];
	[tilespmem:s15+$0xA850] =	vst v22  }
.LBB2_10:
0x156: {  	s30 =	sshra.s32 s16, $0x2;
	p0 =	sne.s32 s16, $0x9E00;
	s16 =	sadd.s32 $0x200, s16;
	v19 =	vld [tilespmem:s0+$0xA820];
	v20 =	vmul.f32 $5.000000000e-01, v2;
	[tilespmem:s15+$0xD060] =	vst v13;
	v6 =	vadd.f32 v6, v17;
	v10 =	vadd.f32 v10, v17  }
0x157: {  	v16 =	vadd.f32 v16, v12;
	v13 =	vmul.f32 $5.000000000e-01, v4;
	v17 =	vld [tilespmem:s0+$0xA850];
	v15 =	vmax.f32 v15, $0.0e+00;
	[tilespmem:s15+$0xA860] =	vst v18  }
0x158: {  	v9 =	vadd.f32 v9, v12;
	v18 =	vld [tilespmem:s0+$0xD060];
	v7 =	vmul.f32 $5.000000000e-01, v7;
	v6 =	vmax.f32 v6, $0.0e+00;
	[tilespmem:s15+$0xD070] =	vst v10  }
0x159: {  	v3 =	vmul.f32 $5.000000000e-01, v3;
	v10 =	vmul.f32 $5.000000000e-01, v5;
	v12 =	vld [tilespmem:s0+$0xA860];
	[tilespmem:s15+$0xD010] =	vst v14;
	v14 =	vmax.f32 v16, $0.0e+00  }
0x15a: {  	v5 =	vmul.f32 $1.500000000e+00, v5;
	v11 =	vmul.f32 $5.000000000e-01, v11;
	v16 =	vld [tilespmem:s0+$0xD010];
	[tilespmem:s15+$0xA830] =	vst v14;
	v8 =	vadd.f32 v8, v7  }
0x15b: {  	v2 =	vmul.f32 $1.500000000e+00, v2;
	v4 =	vmul.f32 $1.500000000e+00, v4;
	v3 =	vadd.f32 v3, v7;
	v14 =	vld [tilespmem:s0+$0xD070];
	[tilespmem:s15+$0xD030] =	vst v9  }
0x15c: {  	v9 =	vmul.f32 $5.000000000e-01, v19;
	v7 =	vadd.f32 v13, v11;
	v19 =	vld [tilespmem:s0+$0xD030];
	v13 =	vmul.f32 $5.000000000e-01, v17;
	[tilespmem:s15+$0xA810] =	vst v15  }
0x15d: {  	v11 =	vadd.f32 v4, v11;
	v8 =	vmax.f32 v8, $0.0e+00;
	v15 =	vld [tilespmem:s0+$0xA830];
	v4 =	vmul.f32 $5.000000000e-01, v18;
	[tilespmem:s15+$0xA870] =	vst v6  }
0x15e: {  	v5 =	vadd.f32 v5, v9;
	v17 =	vmul.f32 $1.500000000e+00, v18;
	[tilespmem:s0+$0xD000] =	vst v7;
	v7 =	vld [tilespmem:s0+$0xA810];
	v6 =	vadd.f32 v20, v13  }
0x15f: {  	v18 =	vadd.f32 v10, v9;
	v9 =	vadd.f32 v2, v13;
	v12 =	vmul.f32 $5.000000000e-01, v12;
	v20 =	vld [tilespmem:s0+$0xA870];
	[tilespmem:s15+$0xD040] =	vst v3  }
0x160: {  	v21 =	vmul.f32 $1.500000000e+00, v16;
	v5 =	vmax.f32 v5, $0.0e+00;
	v3 =	vld [tilespmem:s0+$0xD040];
	[tilespmem:s0+$0xD050] =	vst v6;
	v6 =	vmul.f32 $1.500000000e+00, v14  }
.Ltmp4:
0x161: {  	v22 =	vmax.f32 v9, $0.0e+00;
	v13 =	vadd.f32 v4, v12;
	v10 =	vmul.f32 $5.000000000e-01, v14;
	v2 =	vld [tilespmem:s30+$0xD050];
	[tilespmem:s15+$0xA840] =	vst v8;
	s15 =	smov.u32 s0;
	s0 =	smov.u32 s30;
	(pc) =	sbr.rel @p0 .LBB2_10-.Ltmp4, $4  }
0x162: {  	v14 =	vadd.f32 v17, v12;
	v8 =	vmul.f32 $5.000000000e-01, v16;
	v9 =	vmul.f32 $5.000000000e-01, v19;
	v4 =	vld [tilespmem:s0+$0xD000];
	[tilespmem:s15+$0xA820] =	vst v5  }
0x163: {  	v11 =	vmax.f32 v11, $0.0e+00;
	v12 =	vmul.f32 $5.000000000e-01, v15;
	v23 =	vmul.f32 $5.000000000e-01, v7;
	[tilespmem:s15+$0xD020] =	vst v18;
	v7 =	vld [tilespmem:s15+$0xA840]  }
0x164: {  	v16 =	vmul.f32 $1.500000000e+00, v19;
	v18 =	vmax.f32 v14, $0.0e+00;
	v5 =	vld [tilespmem:s0+$0xD020];
	[tilespmem:s15+$0xA800] =	vst v11;
	v17 =	vmul.f32 $5.000000000e-01, v20  }
0x165: {  	v11 =	vld [tilespmem:s0+$0xA800];
	v15 =	vadd.f32 v21, v23;
	v14 =	vadd.f32 v8, v23;
	v8 =	vmul.f32 $1.500000000e+00, v3;
	[tilespmem:s15+$0xA850] =	vst v22  }
0x166: {  	v19 =	vld [tilespmem:s0+$0xA820];
	[tilespmem:s15+$0xD060] =	vst v13;
	v10 =	vadd.f32 v10, v17  }
0x167: {  	v13 =	vld [tilespmem:s0+$0xA850];
	[tilespmem:s15+$0xA860] =	vst v18  }
0x168: {  	v18 =	vld [tilespmem:s0+$0xD060];
	[tilespmem:s15+$0xD070] =	vst v10;
	v10 =	vadd.f32 v16, v12;
	_ =	sdelay $0x1  }
0x169: {  	v9 =	vadd.f32 v9, v12;
	v16 =	vld [tilespmem:s0+$0xA860];
	[tilespmem:s15+$0xD010] =	vst v14;
	v10 =	vmax.f32 v10, $0.0e+00  }
0x16a: {  	v14 =	vld [tilespmem:s0+$0xD010];
	[tilespmem:s15+$0xA830] =	vst v10  }
0x16b: {  	v6 =	vadd.f32 v6, v17;
	v11 =	vmul.f32 $5.000000000e-01, v11;
	v10 =	vld [tilespmem:s0+$0xD070];
	[tilespmem:s15+$0xD030] =	vst v9;
	v9 =	vmul.f32 $5.000000000e-01, v4  }
0x16c: {  	v12 =	vmax.f32 v15, $0.0e+00  }
0x16d: {  	v6 =	vmax.f32 v6, $0.0e+00;
	v15 =	vld [tilespmem:s0+$0xD030];
	[tilespmem:s15+$0xA810] =	vst v12;
	v9 =	vadd.f32 v9, v11  }
0x16e: {  	v3 =	vmul.f32 $5.000000000e-01, v3;
	v7 =	vmul.f32 $5.000000000e-01, v7;
	v12 =	vld [tilespmem:s0+$0xA830];
	[tilespmem:s15+$0xA870] =	vst v6  }
0x16f: {  	v6 =	vmul.f32 $5.000000000e-01, v2;
	[tilespmem:s0+$0xD000] =	vst v9;
	v9 =	vmul.f32 $5.000000000e-01, v13  }
0x170: {  	v17 =	vmul.f32 $1.500000000e+00, v5;
	v3 =	vadd.f32 v3, v7;
	v19 =	vmul.f32 $5.000000000e-01, v19  }
0x171: {  	v5 =	vmul.f32 $5.000000000e-01, v5;
	v7 =	vadd.f32 v8, v7;
	v20 =	vld [tilespmem:s0+$0xA870];
	v6 =	vadd.f32 v6, v9  }
0x172: {  	v13 =	vld [tilespmem:s0+$0xA810];
	[tilespmem:s15+$0xD040] =	vst v3;
	v3 =	vmul.f32 $1.500000000e+00, v4;
	v4 =	vadd.f32 v17, v19  }
0x173: {  	v7 =	vmax.f32 v7, $0.0e+00;
	v5 =	vadd.f32 v5, v19;
	v2 =	vmul.f32 $1.500000000e+00, v2;
	[tilespmem:s0+$0xD050] =	vst v6  }
0x174: {  	v17 =	vmul.f32 $5.000000000e-01, v18;
	v8 =	vld [tilespmem:s0+$0xD040];
	v4 =	vmax.f32 v4, $0.0e+00;
	v3 =	vadd.f32 v3, v11;
	[tilespmem:s15+$0xA840] =	vst v7  }
0x175: {  	v2 =	vadd.f32 v2, v9;
	v9 =	vmul.f32 $5.000000000e-01, v14;
	v12 =	vmul.f32 $5.000000000e-01, v12;
	[tilespmem:s0+$0xA820] =	vst v4  }
0x176: {  	v6 =	vmul.f32 $5.000000000e-01, v16;
	v3 =	vmax.f32 v3, $0.0e+00;
	v4 =	vmul.f32 $1.500000000e+00, v18;
	[tilespmem:s0+$0xD020] =	vst v5  }
0x177: {  	v5 =	vmul.f32 $5.000000000e-01, v10;
	[tilespmem:s0+$0xA800] =	vst v3;
	v3 =	vmul.f32 $5.000000000e-01, v20  }
0x178: {  	v2 =	vmax.f32 v2, $0.0e+00;
	v7 =	vadd.f32 v17, v6;
	v4 =	vadd.f32 v4, v6  }
0x179: {  	v11 =	vld [tilespmem:s0+$0xA840];
	[tilespmem:s0+$0xA850] =	vst v2;
	v6 =	vmul.f32 $5.000000000e-01, v13;
	v13 =	vmul.f32 $1.500000000e+00, v15;
	v5 =	vadd.f32 v5, v3  }
0x17a: {  	v2 =	vmul.f32 $1.500000000e+00, v14;
	[tilespmem:s0+$0xD060] =	vst v7;
	v7 =	vmul.f32 $5.000000000e-01, v15  }
0x17b: {  	v4 =	vmax.f32 v4, $0.0e+00;
	v9 =	vadd.f32 v9, v6;
	v13 =	vadd.f32 v13, v12;
	[tilespmem:s0+$0xD070] =	vst v5  }
0x17c: {  	v2 =	vadd.f32 v2, v6;
	v6 =	vadd.f32 v7, v12;
	[tilespmem:s0+$0xA860] =	vst v4;
	v4 =	vmul.f32 $1.500000000e+00, v10  }
0x17d: {  	v5 =	vmul.f32 $1.500000000e+00, v8;
	v8 =	vmul.f32 $5.000000000e-01, v8;
	[tilespmem:s0+$0xD010] =	vst v9  }
0x17e: {  	v7 =	vmax.f32 v13, $0.0e+00;
	[tilespmem:s0+$0xD030] =	vst v6;
	v3 =	vadd.f32 v4, v3;
	v4 =	vmul.f32 $5.000000000e-01, v11  }
0x17f: {  	v2 =	vmax.f32 v2, $0.0e+00;
	[tilespmem:s0+$0xA830] =	vst v7  }
0x180: {  	[tilespmem:s0+$0xA810] =	vst v2;
	v3 =	vmax.f32 v3, $0.0e+00;
	v5 =	vadd.f32 v5, v4;
	v4 =	vadd.f32 v8, v4  }
0x181: {  	[tilespmem:s0+$0xA870] =	vst v3  }
0x182: {  	v2 =	vmax.f32 v5, $0.0e+00;
	[tilespmem:s0+$0xD040] =	vst v4  }
0x183: {  	s16 =	simm.s32 $0x500;
	s15 =	simm.s32 $0xA800;
	[tilespmem:s0+$0xA840] =	vst v2  }
0x184: {  	[spmem:s3] =	stream.indirect.scatter.add.f32 [tilespmem:s15], [sflag:$0x7], $0x80, s16, s24, $0xb8;
	[tilespmem:$0x1C000] =	vst v63  }
0x185: {  	s30 =	simm.s32 $0x700  }
0x186: {  	[spmem:s4] =	stream.indirect.scatter.add.f32 [tilespmem:s8], [sflag:$0x8], $0x80, s30, s24, $0xb8;
	[tilespmem:$0x1C000] =	vst v63  }
0x187: {  	s15 =	simm.s32 $0x0;
	s16 =	simm.s32 $0xD000;
	s30 =	rddreg [dreg:$0xd]  }
0x188: {  	[hbm4b:s30+s15] =	stream.linear.scatter [tilespmem:s16], [sflag:$0x9], $0x2800, $0x38;
	[tilespmem:$0x1C000] =	vst v63  }
0x189: {  	_ =	swait.ge [sflag:s28], $0x2800  }
0x18a: {  	[sflag:s28] =	ssyncset.done $0x0  }
0x18b: {  	[sflag:s28] =	ssyncadd.s32 $0xFFFFD800  }
0x18c: {  	_ =	swait.ge [sflag:s7], $0x2800  }
0x18d: {  	[sflag:s7] =	ssyncset.done $0x0  }
0x18e: {  	s15 =	simm.s32 $0x0;
	[sflag:s7] =	ssyncadd.s32 $0xFFFFD800  }
0x18f: {  	v2 =	vld [tilespmem:s15+$0x3050]  }
0x190: {  	v4 =	vld [tilespmem:s15+$0x3000]  }
0x191: {  	v5 =	vld [tilespmem:s15+$0x3020]  }
0x192: {  	v3 =	vld [tilespmem:s15+$0x800]  }
0x193: {  	v7 =	vld [tilespmem:s15+$0x850]  }
0x194: {  	v6 =	vld [tilespmem:s15+$0x820];
	_ =	sdelay $0x1  }
0x195: {  	v8 =	vld [tilespmem:s15+$0x3060]  }
0x196: {  	v12 =	vld [tilespmem:s15+$0x3010];
	v10 =	vmul.f32 $5.000000000e-01, v4;
	v11 =	vmul.f32 $5.000000000e-01, v3  }
0x197: {  	v15 =	vld [tilespmem:s15+$0x830];
	v7 =	vmul.f32 $5.000000000e-01, v7;
	v17 =	vmul.f32 $1.500000000e+00, v5  }
0x198: {  	v9 =	vld [tilespmem:s15+$0x860];
	v6 =	vmul.f32 $5.000000000e-01, v6;
	v3 =	vadd.f32 v10, v11;
	v10 =	vmul.f32 $5.000000000e-01, v2  }
0x199: {  	v14 =	vld [tilespmem:s15+$0x3030];
	v5 =	vmul.f32 $5.000000000e-01, v5;
	v18 =	vmul.f32 $1.500000000e+00, v2  }
0x19a: {  	v13 =	vld [tilespmem:s15+$0x3070];
	v20 =	vmul.f32 $5.000000000e-01, v8;
	v8 =	vmul.f32 $1.500000000e+00, v8;
	v10 =	vadd.f32 v10, v7  }
0x19b: {  	v16 =	vld [tilespmem:s15+$0x810];
	v21 =	vmul.f32 $1.500000000e+00, v12;
	v23 =	vmul.f32 $5.000000000e-01, v12;
	v17 =	vadd.f32 v17, v6  }
0x19c: {  	v19 =	vld [tilespmem:s15+$0x870];
	v12 =	vmul.f32 $5.000000000e-01, v15;
	v7 =	vadd.f32 v18, v7;
	[tilespmem:s15+$0x3050] =	vst v10;
	v10 =	vmul.f32 $1.500000000e+00, v4  }
0x19d: {  	s0 =	simm.s32 $0x80;
	v5 =	vadd.f32 v5, v6;
	[tilespmem:s15+$0x3000] =	vst v3;
	v3 =	vld [tilespmem:s15+$0x3040];
	v6 =	vmax.f32 v17, $0.0e+00;
	v17 =	vmul.f32 $5.000000000e-01, v9  }
0x19e: {  	v9 =	vmul.f32 $5.000000000e-01, v14;
	v22 =	vmax.f32 v7, $0.0e+00;
	v2 =	vld [tilespmem:s0+$0x3050];
	v11 =	vadd.f32 v10, v11  }
0x19f: {  	v8 =	vadd.f32 v8, v17;
	v4 =	vld [tilespmem:s0+$0x3000];
	[tilespmem:s15+$0x820] =	vst v6;
	v6 =	vmul.f32 $1.500000000e+00, v13;
	v10 =	vmul.f32 $5.000000000e-01, v13  }
0x1a0: {  	v7 =	vld [tilespmem:s15+$0x840];
	[tilespmem:s15+$0x3020] =	vst v5;
	v13 =	vadd.f32 v20, v17;
	v20 =	vmul.f32 $5.000000000e-01, v16;
	v11 =	vmax.f32 v11, $0.0e+00  }
0x1a1: {  	v5 =	vld [tilespmem:s0+$0x3020];
	v16 =	vmul.f32 $1.500000000e+00, v14;
	v18 =	vmax.f32 v8, $0.0e+00;
	v17 =	vmul.f32 $5.000000000e-01, v19;
	[tilespmem:s15+$0x800] =	vst v11  }
0x1a2: {  	s16 =	simm.s32 $0x400;
	v8 =	vmul.f32 $1.500000000e+00, v3;
	v15 =	vadd.f32 v21, v20;
	v14 =	vadd.f32 v23, v20;
	v11 =	vld [tilespmem:s0+$0x800];
	[tilespmem:s15+$0x850] =	vst v22  }
.LBB2_12:
0x1a3: {  	s30 =	sshra.s32 s16, $0x2;
	p0 =	sne.s32 s16, $0x9E00;
	s16 =	sadd.s32 $0x200, s16;
	v19 =	vld [tilespmem:s0+$0x820];
	v20 =	vmul.f32 $5.000000000e-01, v2;
	[tilespmem:s15+$0x3060] =	vst v13;
	v6 =	vadd.f32 v6, v17;
	v10 =	vadd.f32 v10, v17  }
0x1a4: {  	v16 =	vadd.f32 v16, v12;
	v13 =	vmul.f32 $5.000000000e-01, v4;
	v17 =	vld [tilespmem:s0+$0x850];
	v15 =	vmax.f32 v15, $0.0e+00;
	[tilespmem:s15+$0x860] =	vst v18  }
0x1a5: {  	v9 =	vadd.f32 v9, v12;
	v18 =	vld [tilespmem:s0+$0x3060];
	v7 =	vmul.f32 $5.000000000e-01, v7;
	v6 =	vmax.f32 v6, $0.0e+00;
	[tilespmem:s15+$0x3070] =	vst v10  }
0x1a6: {  	v3 =	vmul.f32 $5.000000000e-01, v3;
	v10 =	vmul.f32 $5.000000000e-01, v5;
	v12 =	vld [tilespmem:s0+$0x860];
	[tilespmem:s15+$0x3010] =	vst v14;
	v14 =	vmax.f32 v16, $0.0e+00  }
0x1a7: {  	v5 =	vmul.f32 $1.500000000e+00, v5;
	v11 =	vmul.f32 $5.000000000e-01, v11;
	v16 =	vld [tilespmem:s0+$0x3010];
	[tilespmem:s15+$0x830] =	vst v14;
	v8 =	vadd.f32 v8, v7  }
0x1a8: {  	v2 =	vmul.f32 $1.500000000e+00, v2;
	v4 =	vmul.f32 $1.500000000e+00, v4;
	v3 =	vadd.f32 v3, v7;
	v14 =	vld [tilespmem:s0+$0x3070];
	[tilespmem:s15+$0x3030] =	vst v9  }
0x1a9: {  	v9 =	vmul.f32 $5.000000000e-01, v19;
	v7 =	vadd.f32 v13, v11;
	v19 =	vld [tilespmem:s0+$0x3030];
	v13 =	vmul.f32 $5.000000000e-01, v17;
	[tilespmem:s15+$0x810] =	vst v15  }
0x1aa: {  	v11 =	vadd.f32 v4, v11;
	v8 =	vmax.f32 v8, $0.0e+00;
	v15 =	vld [tilespmem:s0+$0x830];
	v4 =	vmul.f32 $5.000000000e-01, v18;
	[tilespmem:s15+$0x870] =	vst v6  }
0x1ab: {  	v5 =	vadd.f32 v5, v9;
	v17 =	vmul.f32 $1.500000000e+00, v18;
	[tilespmem:s0+$0x3000] =	vst v7;
	v7 =	vld [tilespmem:s0+$0x810];
	v6 =	vadd.f32 v20, v13  }
0x1ac: {  	v18 =	vadd.f32 v10, v9;
	v9 =	vadd.f32 v2, v13;
	v12 =	vmul.f32 $5.000000000e-01, v12;
	v20 =	vld [tilespmem:s0+$0x870];
	[tilespmem:s15+$0x3040] =	vst v3  }
0x1ad: {  	v21 =	vmul.f32 $1.500000000e+00, v16;
	v5 =	vmax.f32 v5, $0.0e+00;
	v3 =	vld [tilespmem:s0+$0x3040];
	[tilespmem:s0+$0x3050] =	vst v6;
	v6 =	vmul.f32 $1.500000000e+00, v14  }
.Ltmp5:
0x1ae: {  	v22 =	vmax.f32 v9, $0.0e+00;
	v13 =	vadd.f32 v4, v12;
	v10 =	vmul.f32 $5.000000000e-01, v14;
	v2 =	vld [tilespmem:s30+$0x3050];
	[tilespmem:s15+$0x840] =	vst v8;
	s15 =	smov.u32 s0;
	s0 =	smov.u32 s30;
	(pc) =	sbr.rel @p0 .LBB2_12-.Ltmp5, $4  }
0x1af: {  	v14 =	vadd.f32 v17, v12;
	v8 =	vmul.f32 $5.000000000e-01, v16;
	v9 =	vmul.f32 $5.000000000e-01, v19;
	v4 =	vld [tilespmem:s0+$0x3000];
	[tilespmem:s15+$0x820] =	vst v5  }
0x1b0: {  	v11 =	vmax.f32 v11, $0.0e+00;
	v12 =	vmul.f32 $5.000000000e-01, v15;
	v23 =	vmul.f32 $5.000000000e-01, v7;
	[tilespmem:s15+$0x3020] =	vst v18;
	v7 =	vld [tilespmem:s15+$0x840]  }
0x1b1: {  	v16 =	vmul.f32 $1.500000000e+00, v19;
	v18 =	vmax.f32 v14, $0.0e+00;
	v5 =	vld [tilespmem:s0+$0x3020];
	[tilespmem:s15+$0x800] =	vst v11;
	v17 =	vmul.f32 $5.000000000e-01, v20  }
0x1b2: {  	v11 =	vld [tilespmem:s0+$0x800];
	v15 =	vadd.f32 v21, v23;
	v14 =	vadd.f32 v8, v23;
	v8 =	vmul.f32 $1.500000000e+00, v3;
	[tilespmem:s15+$0x850] =	vst v22  }
0x1b3: {  	v19 =	vld [tilespmem:s0+$0x820];
	[tilespmem:s15+$0x3060] =	vst v13;
	v10 =	vadd.f32 v10, v17  }
0x1b4: {  	v37 =	vadd.f32 v16, v12;
	v13 =	vld [tilespmem:s0+$0x850];
	[tilespmem:s15+$0x860] =	vst v18  }
0x1b5: {  	v9 =	vadd.f32 v9, v12;
	v6 =	vadd.f32 v6, v17;
	v18 =	vld [tilespmem:s0+$0x3060];
	[tilespmem:s15+$0x3070] =	vst v10  }
0x1b6: {  	v3 =	vmul.f32 $5.000000000e-01, v3;
	v42 =	vmul.f32 $5.000000000e-01, v2;
	v10 =	vmax.f32 v37, $0.0e+00;
	v38 =	vld [tilespmem:s0+$0x860];
	[tilespmem:s15+$0x3010] =	vst v14  }
0x1b7: {  	v39 =	vmul.f32 $5.000000000e-01, v4;
	v14 =	vld [tilespmem:s0+$0x3010];
	[tilespmem:s15+$0x830] =	vst v10;
	v11 =	vmul.f32 $5.000000000e-01, v11  }
0x1b8: {  	v40 =	vmax.f32 v15, $0.0e+00;
	v6 =	vmax.f32 v6, $0.0e+00;
	v7 =	vmul.f32 $5.000000000e-01, v7;
	v10 =	vld [tilespmem:s0+$0x3070];
	[tilespmem:s15+$0x3030] =	vst v9  }
0x1b9: {  	v45 =	vmul.f32 $1.500000000e+00, v5;
	v41 =	vld [tilespmem:s0+$0x3030];
	[tilespmem:s15+$0x810] =	vst v40;
	v9 =	vadd.f32 v39, v11;
	v43 =	vmul.f32 $5.000000000e-01, v13  }
0x1ba: {  	v3 =	vadd.f32 v3, v7;
	v7 =	vadd.f32 v8, v7;
	v19 =	vmul.f32 $5.000000000e-01, v19;
	v12 =	vld [tilespmem:s0+$0x830];
	[tilespmem:s15+$0x870] =	vst v6  }
0x1bb: {  	v2 =	vmul.f32 $1.500000000e+00, v2;
	v46 =	vmul.f32 $5.000000000e-01, v5;
	[tilespmem:s0+$0x3000] =	vst v9;
	v44 =	vld [tilespmem:s0+$0x810];
	v6 =	vadd.f32 v42, v43  }
0x1bc: {  	v7 =	vmax.f32 v7, $0.0e+00;
	v47 =	vadd.f32 v45, v19;
	v20 =	vld [tilespmem:s0+$0x870];
	[tilespmem:s15+$0x3040] =	vst v3  }
0x1bd: {  	v49 =	vmul.f32 $5.000000000e-01, v18;
	v5 =	vadd.f32 v46, v19;
	v2 =	vadd.f32 v2, v43;
	[tilespmem:s0+$0x3050] =	vst v6  }
0x1be: {  	v50 =	vmul.f32 $5.000000000e-01, v38;
	v3 =	vmul.f32 $1.500000000e+00, v4;
	v4 =	vmax.f32 v47, $0.0e+00;
	v48 =	vld [tilespmem:s0+$0x3040];
	[tilespmem:s15+$0x840] =	vst v7  }
0x1bf: {  	v51 =	vmul.f32 $1.500000000e+00, v18;
	v54 =	vmul.f32 $5.000000000e-01, v14;
	v2 =	vmax.f32 v2, $0.0e+00;
	[tilespmem:s0+$0x820] =	vst v4  }
0x1c0: {  	v52 =	vadd.f32 v49, v50;
	v53 =	vmul.f32 $5.000000000e-01, v10;
	v3 =	vadd.f32 v3, v11;
	[tilespmem:s0+$0x3020] =	vst v5  }
0x1c1: {  	v58 =	vmul.f32 $5.000000000e-01, v41;
	v4 =	vadd.f32 v51, v50;
	v12 =	vmul.f32 $5.000000000e-01, v12;
	[tilespmem:s0+$0x850] =	vst v2  }
0x1c2: {  	v57 =	vmul.f32 $1.500000000e+00, v41;
	v55 =	vld [tilespmem:s0+$0x840];
	[tilespmem:s0+$0x3060] =	vst v52;
	v3 =	vmax.f32 v3, $0.0e+00;
	v56 =	vmul.f32 $5.000000000e-01, v44  }
0x1c3: {  	v2 =	vmul.f32 $1.500000000e+00, v14;
	[tilespmem:s0+$0x800] =	vst v3;
	v4 =	vmax.f32 v4, $0.0e+00;
	v61 =	vadd.f32 v58, v12  }
0x1c4: {  	v3 =	vmul.f32 $5.000000000e-01, v20;
	v13 =	vadd.f32 v57, v12;
	v9 =	vadd.f32 v54, v56;
	[tilespmem:s0+$0x860] =	vst v4  }
0x1c5: {  	v59 =	vmul.f32 $1.500000000e+00, v10;
	v2 =	vadd.f32 v2, v56;
	[tilespmem:s0+$0x3030] =	vst v61  }
0x1c6: {  	v60 =	vmul.f32 $1.500000000e+00, v48;
	v5 =	vadd.f32 v53, v3;
	v62 =	vmax.f32 v13, $0.0e+00;
	[tilespmem:s0+$0x3010] =	vst v9  }
0x1c7: {  	v8 =	vmul.f32 $5.000000000e-01, v48;
	v3 =	vadd.f32 v59, v3;
	v63 =	vmul.f32 $5.000000000e-01, v55;
	[tilespmem:s0+$0x830] =	vst v62  }
0x1c8: {  	v2 =	vmax.f32 v2, $0.0e+00;
	[tilespmem:s0+$0x3070] =	vst v5  }
0x1c9: {  	v3 =	vmax.f32 v3, $0.0e+00;
	[tilespmem:s0+$0x810] =	vst v2;
	v5 =	vadd.f32 v60, v63;
	v4 =	vadd.f32 v8, v63  }
0x1ca: {  	[tilespmem:s0+$0x870] =	vst v3  }
0x1cb: {  	v2 =	vmax.f32 v5, $0.0e+00;
	[tilespmem:s0+$0x3040] =	vst v4  }
0x1cc: {  	s30 =	simm.s32 $0x580;
	[tilespmem:s0+$0x840] =	vst v2  }
0x1cd: {  	[spmem:s3] =	stream.indirect.scatter.add.f32 [tilespmem:s25], [sflag:$0x7], $0x80, s30, s24, $0xb8;
	[tilespmem:$0x1C000] =	vst v63  }
0x1ce: {  	s15 =	simm.s32 $0x780  }
0x1cf: {  	[spmem:s4] =	stream.indirect.scatter.add.f32 [tilespmem:s8], [sflag:$0x8], $0x80, s15, s24, $0xb8;
	[tilespmem:$0x1C000] =	vst v63  }
0x1d0: {  	_ = 	snop  }
0x1d1: {  	[hbm4b:s17+s6] =	stream.linear.scatter [tilespmem:s26], [sflag:$0x9], $0x2800, $0x38;
	[tilespmem:$0x1C000] =	vst v63  }
0x1d2: {  	_ =	swait.ge [sflag:s9], $0x2800  }
0x1d3: {  	[sflag:s9] =	ssyncset.done $0x0  }
0x1d4: {  	[sflag:s9] =	ssyncadd.s32 $0xFFFFD800  }
0x1d5: {  	_ =	swait.ge [sflag:s22], $0x2800  }
0x1d6: {  	[sflag:s22] =	ssyncset.done $0x0  }
0x1d7: {  	[sflag:s22] =	ssyncadd.s32 $0xFFFFD800  }
0x1d8: {  	_ =	swait.ge [sflag:s23], $0x2800  }
0x1d9: {  	[sflag:s23] =	ssyncset.done $0x0  }
0x1da: {  	[sflag:s23] =	ssyncadd.s32 $0xFFFFD800  }
0x1db: {  	_ =	swait.ge [sflag:s9], $0x2800  }
0x1dc: {  	[sflag:s9] =	ssyncset.done $0x0  }
0x1dd: {  	[sflag:s9] =	ssyncadd.s32 $0xFFFFD800  }
0x1de: {  	_ =	swait.ge [sflag:s22], $0x2800  }
0x1df: {  	[sflag:s22] =	ssyncset.done $0x0  }
0x1e0: {  	[sflag:s22] =	ssyncadd.s32 $0xFFFFD800  }
0x1e1: {  	_ =	swait.ge [sflag:s23], $0x2800  }
0x1e2: {  	[sflag:s23] =	ssyncset.done $0x0  }
0x1e3: {  	[sflag:s23] =	ssyncadd.s32 $0xFFFFD800  }
0x1e4: {  	_ =	swait.ge [sflag:s9], $0x2800  }
0x1e5: {  	[sflag:s9] =	ssyncset.done $0x0  }
0x1e6: {  	[sflag:s9] =	ssyncadd.s32 $0xFFFFD800  }
0x1e7: {  	_ =	swait.ge [sflag:s22], $0x2800  }
0x1e8: {  	[sflag:s22] =	ssyncset.done $0x0  }
0x1e9: {  	[sflag:s22] =	ssyncadd.s32 $0xFFFFD800  }
0x1ea: {  	_ =	swait.ge [sflag:s23], $0x2800  }
0x1eb: {  	[sflag:s23] =	ssyncset.done $0x0  }
0x1ec: {  	[sflag:s23] =	ssyncadd.s32 $0xFFFFD800  }
0x1ed: {  	s16 =	sshrl.u32 s10, $0x3;
	s0 =	sor.u32 $0x1C0A, s5;
	[bflag:$0x0] =	sbarrier.arrive $0xFFFF  }
0x1ee: {  	[hbm:s19], [sflag:s0] =	dma.local [spmem:s16], $0x800  }
0x1ef: {  	s14 =	sadd.s32 $0x1, s14;
	_ =	swait.ge [sflag:s21], $0x800  }
0x1f0: {  	p0 =	sne.s32 s14, s18;
	[sflag:s21] =	ssyncset.done $0x0  }
.Ltmp6:
0x1f1: {  	s30 =	sshrl.u32 s12, $0x3;
	[sflag:s21] =	ssyncadd.s32 $0xFFFFF800;
	(pc) =	sbr.rel @p0 .LBB2_1-.Ltmp6, $4  }
0x1f2: {  	[hbm:s20], [sflag:s0] =	dma.local [spmem:s30], $0x800  }
0x1f3: {  	_ =	swait.ge [sflag:s21], $0x800  }
0x1f4: {  	[sflag:s21] =	ssyncset.done $0x0  }
0x1f5: {  	[sflag:s21] =	ssyncadd.s32 $0xFFFFF800  }
0x1f6: {  	_ =	sfence.sel $0x180000  }
0x1f7: {  	[bflag:$0x0] =	sbarrier.arrive $0xFFFF  }
0x1f8: {  	_ =	strace $0x90000047  }
0x1f9: {  	s0 =	stileid.u32;
	[bflag:$0x2] =	sbarrier.arrive $0xFFFF  }
0x1fa: {  	p0 =	sne.s32 s0, $0x0;
	s0 =	rddreg [dreg:$0x5]  }
0x1fb: {  	s0 =	sadd.s32 @!p0 $0x100000, s0  }
0x1fc: {  	[sflag:s0] =	ssyncadd.tile.s32 @!p0 $0x1;
	_ =	shalt  }
.Lfunc_end2:
_tile_overlayer_lowered:
.L_overlay_start_2:
0x1fd: {  	(tag) =	ssettag $0x2  }
0x1fe: {  	s0 =	rddreg [dreg:$0x0];
	s2 =	stileid.u32  }
0x1ff: {  	s1 =	rddreg [dreg:$0x1];
	p0 =	sne.s32 s2, $0x0  }
0x200: {  	s3 =	rddreg [dreg:$0x2];
	[bflag:$0x3] =	sbarrier.arrive $0xFFFF;
	s2 =	simm.s32 @!p0 $0x1C0A  }
0x201: {  	[timem:s3], [sflag:s2] =	dma.local @!p0 [hbm:s0], s1  }
0x202: {  	s0 =	simm.s32 @!p0 $0xA  }
0x203: {  	_ =	swait.ge @!p0 [sflag:s0], s1  }
0x204: {  	s1 =	ssub.s32 @!p0 $0x0, s1;
	[sflag:s0] =	ssyncset.done @!p0 $0x0  }
0x205: {  	[sflag:s0] =	ssyncadd.s32 @!p0 s1  }
0x206: {  	[bflag:$0x3] =	sbarrier.arrive $0xFFFF  }
0x207: {  	_ =	shalt  }

</sc_bundles>
